<compile_context>
chip_gen: v7x
topology: tpu7x:2x2x1
jax: 0.10.2.dev20260603
libtpu: 0.0.44.dev20260713+nightly
codegen_flags: <defaults>
</compile_context>

<pallas_src>
import jax
import jax.numpy as jnp
from jax import lax
from jax.experimental import pallas as pl
from jax.experimental.pallas import tpu as pltpu
from jax.experimental.pallas import tpu_sc as plsc

N = 10000
D = 128
E = 320000
NC = 2
NS = 16
NW = NC * NS
NP = 10240
EPW = E // NW
C = 80
NCHUNK = EPW // C
CW = 128
SB = 80
RPT = NP // NS


def _sc_agg_body(x_hbm, src_hbm, dst_hbm, zrow_hbm, out0, out1,
                 sidx, didx, rows, agg_sh, semA, semB):
    cid = lax.axis_index("c")
    sid = lax.axis_index("s")
    wid = sid * NC + cid

    row0 = sid * RPT
    isem = pltpu.async_copy(src_hbm.at[wid], sidx, semA)
    pltpu.sync_copy(dst_hbm.at[wid], didx)
    isem.wait()
    pltpu.sync_copy(zrow_hbm, rows.at[0])
    for part in range(RPT // SB):
        pltpu.sync_copy(rows.at[0], agg_sh.at[pl.ds(row0 + part * SB, SB)])
    plsc.subcore_barrier()

    pltpu.async_copy(x_hbm.at[sidx.at[pl.ds(0, C)]], rows.at[0], semA)

    @pl.loop(0, NCHUNK // 2)
    def _(k):
        j0 = 2 * k
        pltpu.make_async_copy(x_hbm.at[sidx.at[pl.ds(j0 * C, C)]],
                              rows.at[0], semA).wait()
        pltpu.async_copy(x_hbm.at[sidx.at[pl.ds((j0 + 1) * C, C)]],
                         rows.at[1], semB)
        pltpu.sync_copy(rows.at[0], agg_sh.at[didx.at[j0]], add=True)
        pltpu.make_async_copy(x_hbm.at[sidx.at[pl.ds((j0 + 1) * C, C)]],
                              rows.at[1], semB).wait()
        pltpu.async_copy(x_hbm.at[sidx.at[pl.ds((j0 + 2) * C, C)]],
                         rows.at[0], semA)
        pltpu.sync_copy(rows.at[1], agg_sh.at[didx.at[j0 + 1]], add=True)

    pltpu.make_async_copy(x_hbm.at[sidx.at[pl.ds((NCHUNK - 1) * C, C)]],
                          rows.at[0], semA).wait()
    pltpu.sync_copy(rows.at[0], agg_sh.at[didx.at[NCHUNK - 1]], add=True)

    plsc.subcore_barrier()

    @pl.when(cid == 0)
    def _():
        for part in range(RPT // SB):
            r = row0 + part * SB
            pltpu.sync_copy(agg_sh.at[pl.ds(r, SB)], rows.at[0])
            pltpu.sync_copy(rows.at[0], out0.at[pl.ds(r, SB)])

    @pl.when(cid == 1)
    def _():
        for part in range(RPT // SB):
            r = row0 + part * SB
            pltpu.sync_copy(agg_sh.at[pl.ds(r, SB)], rows.at[0])
            pltpu.sync_copy(rows.at[0], out1.at[pl.ds(r, SB)])


def _make_sc_agg():
    mesh = plsc.VectorSubcoreMesh(core_axis_name="c", subcore_axis_name="s")
    return pl.kernel(
        _sc_agg_body,
        out_type=(jax.ShapeDtypeStruct((NP, D), jnp.float32),
                  jax.ShapeDtypeStruct((NP, D), jnp.float32)),
        mesh=mesh,
        scratch_types=(
            pltpu.VMEM((EPW,), jnp.int32),
            pltpu.VMEM((NCHUNK, C), jnp.int32),
            pltpu.VMEM((2, C, D), jnp.float32),
            pltpu.VMEM_SHARED((NP, D), jnp.float32),
            pltpu.SemaphoreType.DMA,
            pltpu.SemaphoreType.DMA,
        ),
    )


def _sc_cnt_body(dst_hbm, zcnt_hbm, ones_hbm, cnt0, cnt1,
                 didx, ones_v, cstage, cnt_sh, csem):
    cid = lax.axis_index("c")
    sid = lax.axis_index("s")
    wid = sid * NC + cid

    row0 = sid * RPT
    pltpu.sync_copy(dst_hbm.at[wid], didx)
    pltpu.sync_copy(zcnt_hbm, cstage)
    pltpu.sync_copy(ones_hbm, ones_v)
    for part in range(RPT // SB):
        pltpu.sync_copy(cstage, cnt_sh.at[pl.ds(row0 + part * SB, SB)])
    plsc.subcore_barrier()

    @pl.loop(0, NCHUNK)
    def _(j):
        pltpu.async_copy(ones_v, cnt_sh.at[didx.at[j]], csem, add=True)

    @pl.loop(0, NCHUNK)
    def _(j):
        pltpu.make_async_copy(ones_v, cnt_sh.at[didx.at[0]], csem).wait()

    plsc.subcore_barrier()

    @pl.when(cid == 0)
    def _():
        for part in range(RPT // SB):
            r = row0 + part * SB
            pltpu.sync_copy(cnt_sh.at[pl.ds(r, SB)], cstage)
            pltpu.sync_copy(cstage, cnt0.at[pl.ds(r, SB)])

    @pl.when(cid == 1)
    def _():
        for part in range(RPT // SB):
            r = row0 + part * SB
            pltpu.sync_copy(cnt_sh.at[pl.ds(r, SB)], cstage)
            pltpu.sync_copy(cstage, cnt1.at[pl.ds(r, SB)])


def _make_sc_cnt():
    mesh = plsc.VectorSubcoreMesh(core_axis_name="c", subcore_axis_name="s")
    return pl.kernel(
        _sc_cnt_body,
        out_type=(jax.ShapeDtypeStruct((NP, CW), jnp.float32),
                  jax.ShapeDtypeStruct((NP, CW), jnp.float32)),
        mesh=mesh,
        scratch_types=(
            pltpu.VMEM((NCHUNK, C), jnp.int32),
            pltpu.VMEM((C, CW), jnp.float32),
            pltpu.VMEM((SB, CW), jnp.float32),
            pltpu.VMEM_SHARED((NP, CW), jnp.float32),
            pltpu.SemaphoreType.DMA,
        ),
    )


def _dense_block(p0, p1, c0, c1, x, W, b, Ws, bs, g, be, o_ref):
    agg = p0[...] + p1[...]
    cnt = c0[:, 0:1] + c1[:, 0:1]
    mean = agg / jnp.maximum(cnt, 1.0)
    dn = (((1,), (1,)), ((), ()))
    h = lax.dot_general(mean, W[...], dn, preferred_element_type=jnp.float32)
    h = h + b[...] * jnp.where(cnt > 0.0, 1.0, 0.0)
    h = jnp.maximum(h, 0.0)
    o = h + lax.dot_general(x[...], Ws[...], dn,
                            preferred_element_type=jnp.float32) + bs[...]
    m = jnp.mean(o, axis=-1, keepdims=True)
    v = jnp.mean((o - m) * (o - m), axis=-1, keepdims=True)
    o_ref[...] = (o - m) * lax.rsqrt(v + 1e-5) * g[...] + be[...]


BR = 1024


def _dense(p0, p1, c0, c1, x, W, b, Ws, bs, g, be):
    row_spec = pl.BlockSpec((BR, D), lambda i: (i, 0))
    cnt_spec = pl.BlockSpec((BR, CW), lambda i: (i, 0))
    mat_spec = pl.BlockSpec((D, D), lambda i: (0, 0))
    vec_spec = pl.BlockSpec((1, D), lambda i: (0, 0))
    return pl.pallas_call(
        _dense_block,
        grid=(NP // BR,),
        in_specs=[row_spec, row_spec, cnt_spec, cnt_spec, row_spec,
                  mat_spec, vec_spec, mat_spec, vec_spec, vec_spec, vec_spec],
        out_specs=row_spec,
        out_shape=jax.ShapeDtypeStruct((NP, D), jnp.float32),
    )(p0, p1, c0, c1, x, W, b.reshape(1, D), Ws, bs.reshape(1, D),
      g.reshape(1, D), be.reshape(1, D))


def kernel(edges, node_emb, rel_emb, W1, b1, W2, b2, Ws1, bs1, Ws2, bs2,
           g1, be1, g2, be2):
    src = edges[:, 0].reshape(NW, EPW)
    dst = edges[:, 2].reshape(NW, NCHUNK, C)
    x = jnp.pad(node_emb, ((0, NP - N), (0, 0)))
    zrow = jnp.zeros((SB, D), jnp.float32)
    zcnt = jnp.zeros((SB, CW), jnp.float32)
    ones = jnp.ones((C, CW), jnp.float32)

    sc_agg = _make_sc_agg()
    c0, c1 = _make_sc_cnt()(dst, zcnt, ones)
    a0, a1 = sc_agg(x, src, dst, zrow)
    x1 = _dense(a0, a1, c0, c1, x, W1, b1, Ws1, bs1, g1, be1)
    b0, b1_ = sc_agg(x1, src, dst, zrow)
    x2 = _dense(b0, b1_, c0, c1, x1, W2, b2, Ws2, bs2, g2, be2)
    return x2[:N]

# --- scband reference (transcript-rebuilt; emitter-appended) ---
"""Pipeline reference for scband-gcn-37503654428950 (READ-ONLY COPY).

The authoritative reference and input builder live on the scoring server;
editing this copy changes nothing except your own understanding.
"""

import jax, jax.numpy as jnp
import numpy as np

N = 10000
R = 10000
D_IN = 128
D_HID = 128
D_OUT = 128
E = 320000

def setup_inputs(seed: int = 0) -> dict:
    key = jax.random.key(seed)
    ks = jax.random.split(key, 16)
    edges = jax.random.randint(ks[0], (E, 3), 0, N, dtype=jnp.int32)
    node_emb = jax.random.normal(ks[1], (N, D_IN), dtype=jnp.float32) * 0.02
    rel_emb = jax.random.normal(ks[2], (R, D_IN), dtype=jnp.float32) * 0.02
    W1 = jax.random.normal(ks[3], (D_HID, D_IN), dtype=jnp.float32) * 0.05
    b1 = jnp.zeros((D_HID,), dtype=jnp.float32)
    W2 = jax.random.normal(ks[4], (D_OUT, D_HID), dtype=jnp.float32) * 0.05
    b2 = jnp.zeros((D_OUT,), dtype=jnp.float32)
    Ws1 = jax.random.normal(ks[5], (D_HID, D_IN), dtype=jnp.float32) * 0.05
    bs1 = jnp.zeros((D_HID,), dtype=jnp.float32)
    Ws2 = jax.random.normal(ks[6], (D_OUT, D_HID), dtype=jnp.float32) * 0.05
    bs2 = jnp.zeros((D_OUT,), dtype=jnp.float32)
    g1 = jnp.ones((D_HID,), dtype=jnp.float32)
    be1 = jnp.zeros((D_HID,), dtype=jnp.float32)
    g2 = jnp.ones((D_OUT,), dtype=jnp.float32)
    be2 = jnp.zeros((D_OUT,), dtype=jnp.float32)
    return {"edges": edges, "node_emb": node_emb, "rel_emb": rel_emb,
            "W1": W1, "b1": b1, "W2": W2, "b2": b2,
            "Ws1": Ws1, "bs1": bs1, "Ws2": Ws2, "bs2": bs2,
            "g1": g1, "be1": be1, "g2": g2, "be2": be2}

def _gcn_layer(x, src, dst, W, b):
    src_feat = jnp.take(x, src, axis=0)
    messages = src_feat @ W.T + b
    out = jax.ops.segment_sum(messages, dst, num_segments=x.shape[0])
    counts = jax.ops.segment_sum(jnp.ones((dst.shape[0],), dtype=messages.dtype), dst, num_segments=x.shape[0])
    counts = jnp.clip(counts, 1.0, None)
    out = out / counts[:, None]
    return jax.nn.relu(out)

def _layer_norm(x, g, b):
    m = jnp.mean(x, axis=-1, keepdims=True)
    v = jnp.var(x, axis=-1, keepdims=True)
    return (x - m) / jnp.sqrt(v + 1e-5) * g + b

def reference(edges, node_emb, rel_emb, W1, b1, W2, b2, Ws1, bs1, Ws2, bs2, g1, be1, g2, be2):
    src = edges[:, 0]
    dst = edges[:, 2]
    edge_features = jnp.take(rel_emb, edges[:, 1], axis=0)  # computed but unused by GCNLayer, faithful to original
    x = node_emb
    x1 = _gcn_layer(x, src, dst, W1, b1) + (x @ Ws1.T + bs1)
    x1 = _layer_norm(x1, g1, be1)
    # dropout p=0.0 / eval mode -> identity
    x2 = _gcn_layer(x1, src, dst, W2, b2) + (x1 @ Ws2.T + bs2)
    x2 = _layer_norm(x2, g2, be2)
    return x2

if __name__ == "__main__":
    import jax
    _d = setup_inputs()
    print(jax.jit(kernel)(*tuple(_d.values())))

</pallas_src>

<mosaic_0001>
#map = affine_map<(d0, d1) -> (0, 0)>
#map1 = affine_map<(d0, d1) -> (0, 0, 0)>
module attributes {stable_mosaic.version = 14 : i64} {
  func.func @_sc_agg_body(%arg0: i32, %arg1: i32, %arg2: memref<10240x128xf32, #tpu.memory_space<hbm>>, %arg3: memref<32x10000xi32, #tpu.memory_space<hbm>>, %arg4: memref<32x125x80xi32, #tpu.memory_space<hbm>>, %arg5: memref<80x128xf32, #tpu.memory_space<hbm>>, %arg6: memref<10240x128xf32, #tpu.memory_space<hbm>>, %arg7: memref<10240x128xf32, #tpu.memory_space<hbm>>, %arg8: memref<10000xi32, #tpu.memory_space<vmem>>, %arg9: memref<125x80xi32, #tpu.memory_space<vmem>>, %arg10: memref<2x80x128xf32, #tpu.memory_space<vmem>>, %arg11: memref<10240x128xf32, #tpu.memory_space<vmem_shared>>, %arg12: memref<!tpu.dma_semaphore, #tpu.memory_space<semaphore_mem>>, %arg13: memref<!tpu.dma_semaphore, #tpu.memory_space<semaphore_mem>>) attributes {dimension_semantics = [#tpu.dimension_semantics<core_parallel>, #tpu.dimension_semantics<subcore_parallel>], iteration_bounds = array<i64: 2, 16>, scalar_prefetch = 0 : i64, scratch_operands = 6 : i64, tpu.core_type = #tpu.core_type<sc_vector_subcore>, window_params = [{transform_indices = #map}, {transform_indices = #map}, {transform_indices = #map1}, {transform_indices = #map}, {transform_indices = #map}, {transform_indices = #map}]} {
    %mul3A = arith.constant 2 : i32
    %mul3A_0 = arith.muli %arg1, %mul3A : i32
    %add3A = arith.addi %mul3A_0, %arg0 : i32
    %mul3A_1 = arith.constant 640 : i32
    %mul3A_2 = arith.muli %arg1, %mul3A_1 : i32
    %dma_start3A = arith.constant 0 : i32
    %dma_start3A_3 = tpu.memref_slice %arg3[%add3A, %dma_start3A] : memref<32x10000xi32, #tpu.memory_space<hbm>> -> memref<1x10000xi32, #tpu.memory_space<hbm>>
    %dma_start3A_4 = tpu.memref_squeeze %dma_start3A_3 : memref<1x10000xi32, #tpu.memory_space<hbm>> -> memref<10000xi32, #tpu.memory_space<hbm>>
    %dma_start3A_5 = arith.constant 0 : i32
    %dma_start3A_6 = tpu.memref_slice %arg3[%add3A, %dma_start3A_5] : memref<32x10000xi32, #tpu.memory_space<hbm>> -> memref<1x10000xi32, #tpu.memory_space<hbm>>
    %dma_start3A_7 = tpu.memref_squeeze %dma_start3A_6 : memref<1x10000xi32, #tpu.memory_space<hbm>> -> memref<10000xi32, #tpu.memory_space<hbm>>
    tpu.enqueue_dma source(%dma_start3A_7 : memref<10000xi32, #tpu.memory_space<hbm>>) target(%arg8 : memref<10000xi32, #tpu.memory_space<vmem>>) target_semaphore(%arg12 : memref<!tpu.dma_semaphore, #tpu.memory_space<semaphore_mem>>)
    "tpu.region"() ({
      %run_scoped3A_71 = tpu.sem_alloc : memref<!tpu.dma_semaphore, #tpu.memory_space<semaphore_mem>>
      %dma_start3A_72 = arith.constant 0 : i32
      %dma_start3A_73 = arith.constant 0 : i32
      %dma_start3A_74 = tpu.memref_slice %arg4[%add3A, %dma_start3A_72, %dma_start3A_73] : memref<32x125x80xi32, #tpu.memory_space<hbm>> -> memref<1x125x80xi32, #tpu.memory_space<hbm>>
      %dma_start3A_75 = tpu.memref_squeeze %dma_start3A_74 : memref<1x125x80xi32, #tpu.memory_space<hbm>> -> memref<125x80xi32, #tpu.memory_space<hbm>>
      %dma_start3A_76 = arith.constant 0 : i32
      %dma_start3A_77 = arith.constant 0 : i32
      %dma_start3A_78 = tpu.memref_slice %arg4[%add3A, %dma_start3A_76, %dma_start3A_77] : memref<32x125x80xi32, #tpu.memory_space<hbm>> -> memref<1x125x80xi32, #tpu.memory_space<hbm>>
      %dma_start3A_79 = tpu.memref_squeeze %dma_start3A_78 : memref<1x125x80xi32, #tpu.memory_space<hbm>> -> memref<125x80xi32, #tpu.memory_space<hbm>>
      tpu.enqueue_dma source(%dma_start3A_79 : memref<125x80xi32, #tpu.memory_space<hbm>>) target(%arg9 : memref<125x80xi32, #tpu.memory_space<vmem>>) target_semaphore(%run_scoped3A_71 : memref<!tpu.dma_semaphore, #tpu.memory_space<semaphore_mem>>)
      %dma_wait3A_80 = arith.constant 0 : i32
      %dma_wait3A_81 = arith.constant 0 : i32
      %dma_wait3A_82 = tpu.memref_slice %arg4[%add3A, %dma_wait3A_80, %dma_wait3A_81] : memref<32x125x80xi32, #tpu.memory_space<hbm>> -> memref<1x125x80xi32, #tpu.memory_space<hbm>>
      %dma_wait3A_83 = tpu.memref_squeeze %dma_wait3A_82 : memref<1x125x80xi32, #tpu.memory_space<hbm>> -> memref<125x80xi32, #tpu.memory_space<hbm>>
      %dma_wait3A_84 = arith.constant 0 : i32
      %dma_wait3A_85 = arith.constant 0 : i32
      %dma_wait3A_86 = tpu.memref_slice %arg4[%add3A, %dma_wait3A_84, %dma_wait3A_85] : memref<32x125x80xi32, #tpu.memory_space<hbm>> -> memref<1x125x80xi32, #tpu.memory_space<hbm>>
      %dma_wait3A_87 = tpu.memref_squeeze %dma_wait3A_86 : memref<1x125x80xi32, #tpu.memory_space<hbm>> -> memref<125x80xi32, #tpu.memory_space<hbm>>
      tpu.wait_dma2 semaphore(%run_scoped3A_71 : memref<!tpu.dma_semaphore, #tpu.memory_space<semaphore_mem>>) src(%dma_wait3A_87 : memref<125x80xi32, #tpu.memory_space<hbm>>) dst(%arg9 : memref<125x80xi32, #tpu.memory_space<vmem>>)
      tpu.yield
    }) : () -> ()
    %dma_wait3A = arith.constant 0 : i32
    %dma_wait3A_8 = tpu.memref_slice %arg3[%add3A, %dma_wait3A] : memref<32x10000xi32, #tpu.memory_space<hbm>> -> memref<1x10000xi32, #tpu.memory_space<hbm>>
    %dma_wait3A_9 = tpu.memref_squeeze %dma_wait3A_8 : memref<1x10000xi32, #tpu.memory_space<hbm>> -> memref<10000xi32, #tpu.memory_space<hbm>>
    %dma_wait3A_10 = arith.constant 0 : i32
    %dma_wait3A_11 = tpu.memref_slice %arg3[%add3A, %dma_wait3A_10] : memref<32x10000xi32, #tpu.memory_space<hbm>> -> memref<1x10000xi32, #tpu.memory_space<hbm>>
    %dma_wait3A_12 = tpu.memref_squeeze %dma_wait3A_11 : memref<1x10000xi32, #tpu.memory_space<hbm>> -> memref<10000xi32, #tpu.memory_space<hbm>>
    tpu.wait_dma2 semaphore(%arg12 : memref<!tpu.dma_semaphore, #tpu.memory_space<semaphore_mem>>) src(%dma_wait3A_12 : memref<10000xi32, #tpu.memory_space<hbm>>) dst(%arg8 : memref<10000xi32, #tpu.memory_space<vmem>>)
    %run_scoped3A = arith.constant 0 : i32
    "tpu.region"() ({
      %run_scoped3A_71 = tpu.sem_alloc : memref<!tpu.dma_semaphore, #tpu.memory_space<semaphore_mem>>
      %dma_start3A_72 = arith.constant 0 : i32
      %dma_start3A_73 = arith.constant 0 : i32
      %dma_start3A_74 = tpu.memref_slice %arg10[%run_scoped3A, %dma_start3A_72, %dma_start3A_73] : memref<2x80x128xf32, #tpu.memory_space<vmem>> -> memref<1x80x128xf32, #tpu.memory_space<vmem>>
      %dma_start3A_75 = tpu.memref_squeeze %dma_start3A_74 : memref<1x80x128xf32, #tpu.memory_space<vmem>> -> memref<80x128xf32, #tpu.memory_space<vmem>>
      %dma_start3A_76 = arith.constant 0 : i32
      %dma_start3A_77 = arith.constant 0 : i32
      %dma_start3A_78 = tpu.memref_slice %arg10[%run_scoped3A, %dma_start3A_76, %dma_start3A_77] : memref<2x80x128xf32, #tpu.memory_space<vmem>> -> memref<1x80x128xf32, #tpu.memory_space<vmem>>
      %dma_start3A_79 = tpu.memref_squeeze %dma_start3A_78 : memref<1x80x128xf32, #tpu.memory_space<vmem>> -> memref<80x128xf32, #tpu.memory_space<vmem>>
      tpu.enqueue_dma source(%arg5 : memref<80x128xf32, #tpu.memory_space<hbm>>) target(%dma_start3A_79 : memref<80x128xf32, #tpu.memory_space<vmem>>) target_semaphore(%run_scoped3A_71 : memref<!tpu.dma_semaphore, #tpu.memory_space<semaphore_mem>>)
      %dma_wait3A_80 = arith.constant 0 : i32
      %dma_wait3A_81 = arith.constant 0 : i32
      %dma_wait3A_82 = tpu.memref_slice %arg10[%run_scoped3A, %dma_wait3A_80, %dma_wait3A_81] : memref<2x80x128xf32, #tpu.memory_space<vmem>> -> memref<1x80x128xf32, #tpu.memory_space<vmem>>
      %dma_wait3A_83 = tpu.memref_squeeze %dma_wait3A_82 : memref<1x80x128xf32, #tpu.memory_space<vmem>> -> memref<80x128xf32, #tpu.memory_space<vmem>>
      %dma_wait3A_84 = arith.constant 0 : i32
      %dma_wait3A_85 = arith.constant 0 : i32
      %dma_wait3A_86 = tpu.memref_slice %arg10[%run_scoped3A, %dma_wait3A_84, %dma_wait3A_85] : memref<2x80x128xf32, #tpu.memory_space<vmem>> -> memref<1x80x128xf32, #tpu.memory_space<vmem>>
      %dma_wait3A_87 = tpu.memref_squeeze %dma_wait3A_86 : memref<1x80x128xf32, #tpu.memory_space<vmem>> -> memref<80x128xf32, #tpu.memory_space<vmem>>
      tpu.wait_dma2 semaphore(%run_scoped3A_71 : memref<!tpu.dma_semaphore, #tpu.memory_space<semaphore_mem>>) src(%arg5 : memref<80x128xf32, #tpu.memory_space<hbm>>) dst(%dma_wait3A_87 : memref<80x128xf32, #tpu.memory_space<vmem>>)
      tpu.yield
    }) : () -> ()
    %add3A_13 = arith.constant 0 : i32
    %add3A_14 = arith.addi %mul3A_2, %add3A_13 : i32
    %run_scoped3A_15 = arith.constant 0 : i32
    "tpu.region"() ({
      %run_scoped3A_71 = tpu.sem_alloc : memref<!tpu.dma_semaphore, #tpu.memory_space<semaphore_mem>>
      %dma_start3A_72 = arith.constant 0 : i32
      %dma_start3A_73 = arith.constant 0 : i32
      %dma_start3A_74 = tpu.memref_slice %arg10[%run_scoped3A_15, %dma_start3A_72, %dma_start3A_73] : memref<2x80x128xf32, #tpu.memory_space<vmem>> -> memref<1x80x128xf32, #tpu.memory_space<vmem>>
      %dma_start3A_75 = tpu.memref_squeeze %dma_start3A_74 : memref<1x80x128xf32, #tpu.memory_space<vmem>> -> memref<80x128xf32, #tpu.memory_space<vmem>>
      %dma_start3A_76 = arith.constant 0 : i32
      %dma_start3A_77 = tpu.memref_slice %arg11[%add3A_14, %dma_start3A_76] : memref<10240x128xf32, #tpu.memory_space<vmem_shared>> -> memref<80x128xf32, #tpu.memory_space<vmem_shared>>
      %dma_start3A_78 = arith.constant 0 : i32
      %dma_start3A_79 = tpu.memref_slice %arg11[%add3A_14, %dma_start3A_78] : memref<10240x128xf32, #tpu.memory_space<vmem_shared>> -> memref<80x128xf32, #tpu.memory_space<vmem_shared>>
      %dma_start3A_80 = arith.constant 0 : i32
      %dma_start3A_81 = arith.constant 0 : i32
      %dma_start3A_82 = tpu.memref_slice %arg10[%run_scoped3A_15, %dma_start3A_80, %dma_start3A_81] : memref<2x80x128xf32, #tpu.memory_space<vmem>> -> memref<1x80x128xf32, #tpu.memory_space<vmem>>
      %dma_start3A_83 = tpu.memref_squeeze %dma_start3A_82 : memref<1x80x128xf32, #tpu.memory_space<vmem>> -> memref<80x128xf32, #tpu.memory_space<vmem>>
      tpu.enqueue_dma source(%dma_start3A_83 : memref<80x128xf32, #tpu.memory_space<vmem>>) target(%dma_start3A_79 : memref<80x128xf32, #tpu.memory_space<vmem_shared>>) target_semaphore(%run_scoped3A_71 : memref<!tpu.dma_semaphore, #tpu.memory_space<semaphore_mem>>)
      %dma_wait3A_84 = arith.constant 0 : i32
      %dma_wait3A_85 = arith.constant 0 : i32
      %dma_wait3A_86 = tpu.memref_slice %arg10[%run_scoped3A_15, %dma_wait3A_84, %dma_wait3A_85] : memref<2x80x128xf32, #tpu.memory_space<vmem>> -> memref<1x80x128xf32, #tpu.memory_space<vmem>>
      %dma_wait3A_87 = tpu.memref_squeeze %dma_wait3A_86 : memref<1x80x128xf32, #tpu.memory_space<vmem>> -> memref<80x128xf32, #tpu.memory_space<vmem>>
      %dma_wait3A_88 = arith.constant 0 : i32
      %dma_wait3A_89 = tpu.memref_slice %arg11[%add3A_14, %dma_wait3A_88] : memref<10240x128xf32, #tpu.memory_space<vmem_shared>> -> memref<80x128xf32, #tpu.memory_space<vmem_shared>>
      %dma_wait3A_90 = arith.constant 0 : i32
      %dma_wait3A_91 = tpu.memref_slice %arg11[%add3A_14, %dma_wait3A_90] : memref<10240x128xf32, #tpu.memory_space<vmem_shared>> -> memref<80x128xf32, #tpu.memory_space<vmem_shared>>
      %dma_wait3A_92 = arith.constant 0 : i32
      %dma_wait3A_93 = arith.constant 0 : i32
      %dma_wait3A_94 = tpu.memref_slice %arg10[%run_scoped3A_15, %dma_wait3A_92, %dma_wait3A_93] : memref<2x80x128xf32, #tpu.memory_space<vmem>> -> memref<1x80x128xf32, #tpu.memory_space<vmem>>
      %dma_wait3A_95 = tpu.memref_squeeze %dma_wait3A_94 : memref<1x80x128xf32, #tpu.memory_space<vmem>> -> memref<80x128xf32, #tpu.memory_space<vmem>>
      tpu.wait_dma2 semaphore(%run_scoped3A_71 : memref<!tpu.dma_semaphore, #tpu.memory_space<semaphore_mem>>) src(%dma_wait3A_95 : memref<80x128xf32, #tpu.memory_space<vmem>>) dst(%dma_wait3A_91 : memref<80x128xf32, #tpu.memory_space<vmem_shared>>)
      tpu.yield
    }) : () -> ()
    %add3A_16 = arith.constant 80 : i32
    %add3A_17 = arith.addi %mul3A_2, %add3A_16 : i32
    %run_scoped3A_18 = arith.constant 0 : i32
    "tpu.region"() ({
      %run_scoped3A_71 = tpu.sem_alloc : memref<!tpu.dma_semaphore, #tpu.memory_space<semaphore_mem>>
      %dma_start3A_72 = arith.constant 0 : i32
      %dma_start3A_73 = arith.constant 0 : i32
      %dma_start3A_74 = tpu.memref_slice %arg10[%run_scoped3A_18, %dma_start3A_72, %dma_start3A_73] : memref<2x80x128xf32, #tpu.memory_space<vmem>> -> memref<1x80x128xf32, #tpu.memory_space<vmem>>
      %dma_start3A_75 = tpu.memref_squeeze %dma_start3A_74 : memref<1x80x128xf32, #tpu.memory_space<vmem>> -> memref<80x128xf32, #tpu.memory_space<vmem>>
      %dma_start3A_76 = arith.constant 0 : i32
      %dma_start3A_77 = tpu.memref_slice %arg11[%add3A_17, %dma_start3A_76] : memref<10240x128xf32, #tpu.memory_space<vmem_shared>> -> memref<80x128xf32, #tpu.memory_space<vmem_shared>>
      %dma_start3A_78 = arith.constant 0 : i32
      %dma_start3A_79 = tpu.memref_slice %arg11[%add3A_17, %dma_start3A_78] : memref<10240x128xf32, #tpu.memory_space<vmem_shared>> -> memref<80x128xf32, #tpu.memory_space<vmem_shared>>
      %dma_start3A_80 = arith.constant 0 : i32
      %dma_start3A_81 = arith.constant 0 : i32
      %dma_start3A_82 = tpu.memref_slice %arg10[%run_scoped3A_18, %dma_start3A_80, %dma_start3A_81] : memref<2x80x128xf32, #tpu.memory_space<vmem>> -> memref<1x80x128xf32, #tpu.memory_space<vmem>>
      %dma_start3A_83 = tpu.memref_squeeze %dma_start3A_82 : memref<1x80x128xf32, #tpu.memory_space<vmem>> -> memref<80x128xf32, #tpu.memory_space<vmem>>
      tpu.enqueue_dma source(%dma_start3A_83 : memref<80x128xf32, #tpu.memory_space<vmem>>) target(%dma_start3A_79 : memref<80x128xf32, #tpu.memory_space<vmem_shared>>) target_semaphore(%run_scoped3A_71 : memref<!tpu.dma_semaphore, #tpu.memory_space<semaphore_mem>>)
      %dma_wait3A_84 = arith.constant 0 : i32
      %dma_wait3A_85 = arith.constant 0 : i32
      %dma_wait3A_86 = tpu.memref_slice %arg10[%run_scoped3A_18, %dma_wait3A_84, %dma_wait3A_85] : memref<2x80x128xf32, #tpu.memory_space<vmem>> -> memref<1x80x128xf32, #tpu.memory_space<vmem>>
      %dma_wait3A_87 = tpu.memref_squeeze %dma_wait3A_86 : memref<1x80x128xf32, #tpu.memory_space<vmem>> -> memref<80x128xf32, #tpu.memory_space<vmem>>
      %dma_wait3A_88 = arith.constant 0 : i32
      %dma_wait3A_89 = tpu.memref_slice %arg11[%add3A_17, %dma_wait3A_88] : memref<10240x128xf32, #tpu.memory_space<vmem_shared>> -> memref<80x128xf32, #tpu.memory_space<vmem_shared>>
      %dma_wait3A_90 = arith.constant 0 : i32
      %dma_wait3A_91 = tpu.memref_slice %arg11[%add3A_17, %dma_wait3A_90] : memref<10240x128xf32, #tpu.memory_space<vmem_shared>> -> memref<80x128xf32, #tpu.memory_space<vmem_shared>>
      %dma_wait3A_92 = arith.constant 0 : i32
      %dma_wait3A_93 = arith.constant 0 : i32
      %dma_wait3A_94 = tpu.memref_slice %arg10[%run_scoped3A_18, %dma_wait3A_92, %dma_wait3A_93] : memref<2x80x128xf32, #tpu.memory_space<vmem>> -> memref<1x80x128xf32, #tpu.memory_space<vmem>>
      %dma_wait3A_95 = tpu.memref_squeeze %dma_wait3A_94 : memref<1x80x128xf32, #tpu.memory_space<vmem>> -> memref<80x128xf32, #tpu.memory_space<vmem>>
      tpu.wait_dma2 semaphore(%run_scoped3A_71 : memref<!tpu.dma_semaphore, #tpu.memory_space<semaphore_mem>>) src(%dma_wait3A_95 : memref<80x128xf32, #tpu.memory_space<vmem>>) dst(%dma_wait3A_91 : memref<80x128xf32, #tpu.memory_space<vmem_shared>>)
      tpu.yield
    }) : () -> ()
    %add3A_19 = arith.constant 160 : i32
    %add3A_20 = arith.addi %mul3A_2, %add3A_19 : i32
    %run_scoped3A_21 = arith.constant 0 : i32
    "tpu.region"() ({
      %run_scoped3A_71 = tpu.sem_alloc : memref<!tpu.dma_semaphore, #tpu.memory_space<semaphore_mem>>
      %dma_start3A_72 = arith.constant 0 : i32
      %dma_start3A_73 = arith.constant 0 : i32
      %dma_start3A_74 = tpu.memref_slice %arg10[%run_scoped3A_21, %dma_start3A_72, %dma_start3A_73] : memref<2x80x128xf32, #tpu.memory_space<vmem>> -> memref<1x80x128xf32, #tpu.memory_space<vmem>>
      %dma_start3A_75 = tpu.memref_squeeze %dma_start3A_74 : memref<1x80x128xf32, #tpu.memory_space<vmem>> -> memref<80x128xf32, #tpu.memory_space<vmem>>
      %dma_start3A_76 = arith.constant 0 : i32
      %dma_start3A_77 = tpu.memref_slice %arg11[%add3A_20, %dma_start3A_76] : memref<10240x128xf32, #tpu.memory_space<vmem_shared>> -> memref<80x128xf32, #tpu.memory_space<vmem_shared>>
      %dma_start3A_78 = arith.constant 0 : i32
      %dma_start3A_79 = tpu.memref_slice %arg11[%add3A_20, %dma_start3A_78] : memref<10240x128xf32, #tpu.memory_space<vmem_shared>> -> memref<80x128xf32, #tpu.memory_space<vmem_shared>>
      %dma_start3A_80 = arith.constant 0 : i32
      %dma_start3A_81 = arith.constant 0 : i32
      %dma_start3A_82 = tpu.memref_slice %arg10[%run_scoped3A_21, %dma_start3A_80, %dma_start3A_81] : memref<2x80x128xf32, #tpu.memory_space<vmem>> -> memref<1x80x128xf32, #tpu.memory_space<vmem>>
      %dma_start3A_83 = tpu.memref_squeeze %dma_start3A_82 : memref<1x80x128xf32, #tpu.memory_space<vmem>> -> memref<80x128xf32, #tpu.memory_space<vmem>>
      tpu.enqueue_dma source(%dma_start3A_83 : memref<80x128xf32, #tpu.memory_space<vmem>>) target(%dma_start3A_79 : memref<80x128xf32, #tpu.memory_space<vmem_shared>>) target_semaphore(%run_scoped3A_71 : memref<!tpu.dma_semaphore, #tpu.memory_space<semaphore_mem>>)
      %dma_wait3A_84 = arith.constant 0 : i32
      %dma_wait3A_85 = arith.constant 0 : i32
      %dma_wait3A_86 = tpu.memref_slice %arg10[%run_scoped3A_21, %dma_wait3A_84, %dma_wait3A_85] : memref<2x80x128xf32, #tpu.memory_space<vmem>> -> memref<1x80x128xf32, #tpu.memory_space<vmem>>
      %dma_wait3A_87 = tpu.memref_squeeze %dma_wait3A_86 : memref<1x80x128xf32, #tpu.memory_space<vmem>> -> memref<80x128xf32, #tpu.memory_space<vmem>>
      %dma_wait3A_88 = arith.constant 0 : i32
      %dma_wait3A_89 = tpu.memref_slice %arg11[%add3A_20, %dma_wait3A_88] : memref<10240x128xf32, #tpu.memory_space<vmem_shared>> -> memref<80x128xf32, #tpu.memory_space<vmem_shared>>
      %dma_wait3A_90 = arith.constant 0 : i32
      %dma_wait3A_91 = tpu.memref_slice %arg11[%add3A_20, %dma_wait3A_90] : memref<10240x128xf32, #tpu.memory_space<vmem_shared>> -> memref<80x128xf32, #tpu.memory_space<vmem_shared>>
      %dma_wait3A_92 = arith.constant 0 : i32
      %dma_wait3A_93 = arith.constant 0 : i32
      %dma_wait3A_94 = tpu.memref_slice %arg10[%run_scoped3A_21, %dma_wait3A_92, %dma_wait3A_93] : memref<2x80x128xf32, #tpu.memory_space<vmem>> -> memref<1x80x128xf32, #tpu.memory_space<vmem>>
      %dma_wait3A_95 = tpu.memref_squeeze %dma_wait3A_94 : memref<1x80x128xf32, #tpu.memory_space<vmem>> -> memref<80x128xf32, #tpu.memory_space<vmem>>
      tpu.wait_dma2 semaphore(%run_scoped3A_71 : memref<!tpu.dma_semaphore, #tpu.memory_space<semaphore_mem>>) src(%dma_wait3A_95 : memref<80x128xf32, #tpu.memory_space<vmem>>) dst(%dma_wait3A_91 : memref<80x128xf32, #tpu.memory_space<vmem_shared>>)
      tpu.yield
    }) : () -> ()
    %add3A_22 = arith.constant 240 : i32
    %add3A_23 = arith.addi %mul3A_2, %add3A_22 : i32
    %run_scoped3A_24 = arith.constant 0 : i32
    "tpu.region"() ({
      %run_scoped3A_71 = tpu.sem_alloc : memref<!tpu.dma_semaphore, #tpu.memory_space<semaphore_mem>>
      %dma_start3A_72 = arith.constant 0 : i32
      %dma_start3A_73 = arith.constant 0 : i32
      %dma_start3A_74 = tpu.memref_slice %arg10[%run_scoped3A_24, %dma_start3A_72, %dma_start3A_73] : memref<2x80x128xf32, #tpu.memory_space<vmem>> -> memref<1x80x128xf32, #tpu.memory_space<vmem>>
      %dma_start3A_75 = tpu.memref_squeeze %dma_start3A_74 : memref<1x80x128xf32, #tpu.memory_space<vmem>> -> memref<80x128xf32, #tpu.memory_space<vmem>>
      %dma_start3A_76 = arith.constant 0 : i32
      %dma_start3A_77 = tpu.memref_slice %arg11[%add3A_23, %dma_start3A_76] : memref<10240x128xf32, #tpu.memory_space<vmem_shared>> -> memref<80x128xf32, #tpu.memory_space<vmem_shared>>
      %dma_start3A_78 = arith.constant 0 : i32
      %dma_start3A_79 = tpu.memref_slice %arg11[%add3A_23, %dma_start3A_78] : memref<10240x128xf32, #tpu.memory_space<vmem_shared>> -> memref<80x128xf32, #tpu.memory_space<vmem_shared>>
      %dma_start3A_80 = arith.constant 0 : i32
      %dma_start3A_81 = arith.constant 0 : i32
      %dma_start3A_82 = tpu.memref_slice %arg10[%run_scoped3A_24, %dma_start3A_80, %dma_start3A_81] : memref<2x80x128xf32, #tpu.memory_space<vmem>> -> memref<1x80x128xf32, #tpu.memory_space<vmem>>
      %dma_start3A_83 = tpu.memref_squeeze %dma_start3A_82 : memref<1x80x128xf32, #tpu.memory_space<vmem>> -> memref<80x128xf32, #tpu.memory_space<vmem>>
      tpu.enqueue_dma source(%dma_start3A_83 : memref<80x128xf32, #tpu.memory_space<vmem>>) target(%dma_start3A_79 : memref<80x128xf32, #tpu.memory_space<vmem_shared>>) target_semaphore(%run_scoped3A_71 : memref<!tpu.dma_semaphore, #tpu.memory_space<semaphore_mem>>)
      %dma_wait3A_84 = arith.constant 0 : i32
      %dma_wait3A_85 = arith.constant 0 : i32
      %dma_wait3A_86 = tpu.memref_slice %arg10[%run_scoped3A_24, %dma_wait3A_84, %dma_wait3A_85] : memref<2x80x128xf32, #tpu.memory_space<vmem>> -> memref<1x80x128xf32, #tpu.memory_space<vmem>>
      %dma_wait3A_87 = tpu.memref_squeeze %dma_wait3A_86 : memref<1x80x128xf32, #tpu.memory_space<vmem>> -> memref<80x128xf32, #tpu.memory_space<vmem>>
      %dma_wait3A_88 = arith.constant 0 : i32
      %dma_wait3A_89 = tpu.memref_slice %arg11[%add3A_23, %dma_wait3A_88] : memref<10240x128xf32, #tpu.memory_space<vmem_shared>> -> memref<80x128xf32, #tpu.memory_space<vmem_shared>>
      %dma_wait3A_90 = arith.constant 0 : i32
      %dma_wait3A_91 = tpu.memref_slice %arg11[%add3A_23, %dma_wait3A_90] : memref<10240x128xf32, #tpu.memory_space<vmem_shared>> -> memref<80x128xf32, #tpu.memory_space<vmem_shared>>
      %dma_wait3A_92 = arith.constant 0 : i32
      %dma_wait3A_93 = arith.constant 0 : i32
      %dma_wait3A_94 = tpu.memref_slice %arg10[%run_scoped3A_24, %dma_wait3A_92, %dma_wait3A_93] : memref<2x80x128xf32, #tpu.memory_space<vmem>> -> memref<1x80x128xf32, #tpu.memory_space<vmem>>
      %dma_wait3A_95 = tpu.memref_squeeze %dma_wait3A_94 : memref<1x80x128xf32, #tpu.memory_space<vmem>> -> memref<80x128xf32, #tpu.memory_space<vmem>>
      tpu.wait_dma2 semaphore(%run_scoped3A_71 : memref<!tpu.dma_semaphore, #tpu.memory_space<semaphore_mem>>) src(%dma_wait3A_95 : memref<80x128xf32, #tpu.memory_space<vmem>>) dst(%dma_wait3A_91 : memref<80x128xf32, #tpu.memory_space<vmem_shared>>)
      tpu.yield
    }) : () -> ()
    %add3A_25 = arith.constant 320 : i32
    %add3A_26 = arith.addi %mul3A_2, %add3A_25 : i32
    %run_scoped3A_27 = arith.constant 0 : i32
    "tpu.region"() ({
      %run_scoped3A_71 = tpu.sem_alloc : memref<!tpu.dma_semaphore, #tpu.memory_space<semaphore_mem>>
      %dma_start3A_72 = arith.constant 0 : i32
      %dma_start3A_73 = arith.constant 0 : i32
      %dma_start3A_74 = tpu.memref_slice %arg10[%run_scoped3A_27, %dma_start3A_72, %dma_start3A_73] : memref<2x80x128xf32, #tpu.memory_space<vmem>> -> memref<1x80x128xf32, #tpu.memory_space<vmem>>
      %dma_start3A_75 = tpu.memref_squeeze %dma_start3A_74 : memref<1x80x128xf32, #tpu.memory_space<vmem>> -> memref<80x128xf32, #tpu.memory_space<vmem>>
      %dma_start3A_76 = arith.constant 0 : i32
      %dma_start3A_77 = tpu.memref_slice %arg11[%add3A_26, %dma_start3A_76] : memref<10240x128xf32, #tpu.memory_space<vmem_shared>> -> memref<80x128xf32, #tpu.memory_space<vmem_shared>>
      %dma_start3A_78 = arith.constant 0 : i32
      %dma_start3A_79 = tpu.memref_slice %arg11[%add3A_26, %dma_start3A_78] : memref<10240x128xf32, #tpu.memory_space<vmem_shared>> -> memref<80x128xf32, #tpu.memory_space<vmem_shared>>
      %dma_start3A_80 = arith.constant 0 : i32
      %dma_start3A_81 = arith.constant 0 : i32
      %dma_start3A_82 = tpu.memref_slice %arg10[%run_scoped3A_27, %dma_start3A_80, %dma_start3A_81] : memref<2x80x128xf32, #tpu.memory_space<vmem>> -> memref<1x80x128xf32, #tpu.memory_space<vmem>>
      %dma_start3A_83 = tpu.memref_squeeze %dma_start3A_82 : memref<1x80x128xf32, #tpu.memory_space<vmem>> -> memref<80x128xf32, #tpu.memory_space<vmem>>
      tpu.enqueue_dma source(%dma_start3A_83 : memref<80x128xf32, #tpu.memory_space<vmem>>) target(%dma_start3A_79 : memref<80x128xf32, #tpu.memory_space<vmem_shared>>) target_semaphore(%run_scoped3A_71 : memref<!tpu.dma_semaphore, #tpu.memory_space<semaphore_mem>>)
      %dma_wait3A_84 = arith.constant 0 : i32
      %dma_wait3A_85 = arith.constant 0 : i32
      %dma_wait3A_86 = tpu.memref_slice %arg10[%run_scoped3A_27, %dma_wait3A_84, %dma_wait3A_85] : memref<2x80x128xf32, #tpu.memory_space<vmem>> -> memref<1x80x128xf32, #tpu.memory_space<vmem>>
      %dma_wait3A_87 = tpu.memref_squeeze %dma_wait3A_86 : memref<1x80x128xf32, #tpu.memory_space<vmem>> -> memref<80x128xf32, #tpu.memory_space<vmem>>
      %dma_wait3A_88 = arith.constant 0 : i32
      %dma_wait3A_89 = tpu.memref_slice %arg11[%add3A_26, %dma_wait3A_88] : memref<10240x128xf32, #tpu.memory_space<vmem_shared>> -> memref<80x128xf32, #tpu.memory_space<vmem_shared>>
      %dma_wait3A_90 = arith.constant 0 : i32
      %dma_wait3A_91 = tpu.memref_slice %arg11[%add3A_26, %dma_wait3A_90] : memref<10240x128xf32, #tpu.memory_space<vmem_shared>> -> memref<80x128xf32, #tpu.memory_space<vmem_shared>>
      %dma_wait3A_92 = arith.constant 0 : i32
      %dma_wait3A_93 = arith.constant 0 : i32
      %dma_wait3A_94 = tpu.memref_slice %arg10[%run_scoped3A_27, %dma_wait3A_92, %dma_wait3A_93] : memref<2x80x128xf32, #tpu.memory_space<vmem>> -> memref<1x80x128xf32, #tpu.memory_space<vmem>>
      %dma_wait3A_95 = tpu.memref_squeeze %dma_wait3A_94 : memref<1x80x128xf32, #tpu.memory_space<vmem>> -> memref<80x128xf32, #tpu.memory_space<vmem>>
      tpu.wait_dma2 semaphore(%run_scoped3A_71 : memref<!tpu.dma_semaphore, #tpu.memory_space<semaphore_mem>>) src(%dma_wait3A_95 : memref<80x128xf32, #tpu.memory_space<vmem>>) dst(%dma_wait3A_91 : memref<80x128xf32, #tpu.memory_space<vmem_shared>>)
      tpu.yield
    }) : () -> ()
    %add3A_28 = arith.constant 400 : i32
    %add3A_29 = arith.addi %mul3A_2, %add3A_28 : i32
    %run_scoped3A_30 = arith.constant 0 : i32
    "tpu.region"() ({
      %run_scoped3A_71 = tpu.sem_alloc : memref<!tpu.dma_semaphore, #tpu.memory_space<semaphore_mem>>
      %dma_start3A_72 = arith.constant 0 : i32
      %dma_start3A_73 = arith.constant 0 : i32
      %dma_start3A_74 = tpu.memref_slice %arg10[%run_scoped3A_30, %dma_start3A_72, %dma_start3A_73] : memref<2x80x128xf32, #tpu.memory_space<vmem>> -> memref<1x80x128xf32, #tpu.memory_space<vmem>>
      %dma_start3A_75 = tpu.memref_squeeze %dma_start3A_74 : memref<1x80x128xf32, #tpu.memory_space<vmem>> -> memref<80x128xf32, #tpu.memory_space<vmem>>
      %dma_start3A_76 = arith.constant 0 : i32
      %dma_start3A_77 = tpu.memref_slice %arg11[%add3A_29, %dma_start3A_76] : memref<10240x128xf32, #tpu.memory_space<vmem_shared>> -> memref<80x128xf32, #tpu.memory_space<vmem_shared>>
      %dma_start3A_78 = arith.constant 0 : i32
      %dma_start3A_79 = tpu.memref_slice %arg11[%add3A_29, %dma_start3A_78] : memref<10240x128xf32, #tpu.memory_space<vmem_shared>> -> memref<80x128xf32, #tpu.memory_space<vmem_shared>>
      %dma_start3A_80 = arith.constant 0 : i32
      %dma_start3A_81 = arith.constant 0 : i32
      %dma_start3A_82 = tpu.memref_slice %arg10[%run_scoped3A_30, %dma_start3A_80, %dma_start3A_81] : memref<2x80x128xf32, #tpu.memory_space<vmem>> -> memref<1x80x128xf32, #tpu.memory_space<vmem>>
      %dma_start3A_83 = tpu.memref_squeeze %dma_start3A_82 : memref<1x80x128xf32, #tpu.memory_space<vmem>> -> memref<80x128xf32, #tpu.memory_space<vmem>>
      tpu.enqueue_dma source(%dma_start3A_83 : memref<80x128xf32, #tpu.memory_space<vmem>>) target(%dma_start3A_79 : memref<80x128xf32, #tpu.memory_space<vmem_shared>>) target_semaphore(%run_scoped3A_71 : memref<!tpu.dma_semaphore, #tpu.memory_space<semaphore_mem>>)
      %dma_wait3A_84 = arith.constant 0 : i32
      %dma_wait3A_85 = arith.constant 0 : i32
      %dma_wait3A_86 = tpu.memref_slice %arg10[%run_scoped3A_30, %dma_wait3A_84, %dma_wait3A_85] : memref<2x80x128xf32, #tpu.memory_space<vmem>> -> memref<1x80x128xf32, #tpu.memory_space<vmem>>
      %dma_wait3A_87 = tpu.memref_squeeze %dma_wait3A_86 : memref<1x80x128xf32, #tpu.memory_space<vmem>> -> memref<80x128xf32, #tpu.memory_space<vmem>>
      %dma_wait3A_88 = arith.constant 0 : i32
      %dma_wait3A_89 = tpu.memref_slice %arg11[%add3A_29, %dma_wait3A_88] : memref<10240x128xf32, #tpu.memory_space<vmem_shared>> -> memref<80x128xf32, #tpu.memory_space<vmem_shared>>
      %dma_wait3A_90 = arith.constant 0 : i32
      %dma_wait3A_91 = tpu.memref_slice %arg11[%add3A_29, %dma_wait3A_90] : memref<10240x128xf32, #tpu.memory_space<vmem_shared>> -> memref<80x128xf32, #tpu.memory_space<vmem_shared>>
      %dma_wait3A_92 = arith.constant 0 : i32
      %dma_wait3A_93 = arith.constant 0 : i32
      %dma_wait3A_94 = tpu.memref_slice %arg10[%run_scoped3A_30, %dma_wait3A_92, %dma_wait3A_93] : memref<2x80x128xf32, #tpu.memory_space<vmem>> -> memref<1x80x128xf32, #tpu.memory_space<vmem>>
      %dma_wait3A_95 = tpu.memref_squeeze %dma_wait3A_94 : memref<1x80x128xf32, #tpu.memory_space<vmem>> -> memref<80x128xf32, #tpu.memory_space<vmem>>
      tpu.wait_dma2 semaphore(%run_scoped3A_71 : memref<!tpu.dma_semaphore, #tpu.memory_space<semaphore_mem>>) src(%dma_wait3A_95 : memref<80x128xf32, #tpu.memory_space<vmem>>) dst(%dma_wait3A_91 : memref<80x128xf32, #tpu.memory_space<vmem_shared>>)
      tpu.yield
    }) : () -> ()
    %add3A_31 = arith.constant 480 : i32
    %add3A_32 = arith.addi %mul3A_2, %add3A_31 : i32
    %run_scoped3A_33 = arith.constant 0 : i32
    "tpu.region"() ({
      %run_scoped3A_71 = tpu.sem_alloc : memref<!tpu.dma_semaphore, #tpu.memory_space<semaphore_mem>>
      %dma_start3A_72 = arith.constant 0 : i32
      %dma_start3A_73 = arith.constant 0 : i32
      %dma_start3A_74 = tpu.memref_slice %arg10[%run_scoped3A_33, %dma_start3A_72, %dma_start3A_73] : memref<2x80x128xf32, #tpu.memory_space<vmem>> -> memref<1x80x128xf32, #tpu.memory_space<vmem>>
      %dma_start3A_75 = tpu.memref_squeeze %dma_start3A_74 : memref<1x80x128xf32, #tpu.memory_space<vmem>> -> memref<80x128xf32, #tpu.memory_space<vmem>>
      %dma_start3A_76 = arith.constant 0 : i32
      %dma_start3A_77 = tpu.memref_slice %arg11[%add3A_32, %dma_start3A_76] : memref<10240x128xf32, #tpu.memory_space<vmem_shared>> -> memref<80x128xf32, #tpu.memory_space<vmem_shared>>
      %dma_start3A_78 = arith.constant 0 : i32
      %dma_start3A_79 = tpu.memref_slice %arg11[%add3A_32, %dma_start3A_78] : memref<10240x128xf32, #tpu.memory_space<vmem_shared>> -> memref<80x128xf32, #tpu.memory_space<vmem_shared>>
      %dma_start3A_80 = arith.constant 0 : i32
      %dma_start3A_81 = arith.constant 0 : i32
      %dma_start3A_82 = tpu.memref_slice %arg10[%run_scoped3A_33, %dma_start3A_80, %dma_start3A_81] : memref<2x80x128xf32, #tpu.memory_space<vmem>> -> memref<1x80x128xf32, #tpu.memory_space<vmem>>
      %dma_start3A_83 = tpu.memref_squeeze %dma_start3A_82 : memref<1x80x128xf32, #tpu.memory_space<vmem>> -> memref<80x128xf32, #tpu.memory_space<vmem>>
      tpu.enqueue_dma source(%dma_start3A_83 : memref<80x128xf32, #tpu.memory_space<vmem>>) target(%dma_start3A_79 : memref<80x128xf32, #tpu.memory_space<vmem_shared>>) target_semaphore(%run_scoped3A_71 : memref<!tpu.dma_semaphore, #tpu.memory_space<semaphore_mem>>)
      %dma_wait3A_84 = arith.constant 0 : i32
      %dma_wait3A_85 = arith.constant 0 : i32
      %dma_wait3A_86 = tpu.memref_slice %arg10[%run_scoped3A_33, %dma_wait3A_84, %dma_wait3A_85] : memref<2x80x128xf32, #tpu.memory_space<vmem>> -> memref<1x80x128xf32, #tpu.memory_space<vmem>>
      %dma_wait3A_87 = tpu.memref_squeeze %dma_wait3A_86 : memref<1x80x128xf32, #tpu.memory_space<vmem>> -> memref<80x128xf32, #tpu.memory_space<vmem>>
      %dma_wait3A_88 = arith.constant 0 : i32
      %dma_wait3A_89 = tpu.memref_slice %arg11[%add3A_32, %dma_wait3A_88] : memref<10240x128xf32, #tpu.memory_space<vmem_shared>> -> memref<80x128xf32, #tpu.memory_space<vmem_shared>>
      %dma_wait3A_90 = arith.constant 0 : i32
      %dma_wait3A_91 = tpu.memref_slice %arg11[%add3A_32, %dma_wait3A_90] : memref<10240x128xf32, #tpu.memory_space<vmem_shared>> -> memref<80x128xf32, #tpu.memory_space<vmem_shared>>
      %dma_wait3A_92 = arith.constant 0 : i32
      %dma_wait3A_93 = arith.constant 0 : i32
      %dma_wait3A_94 = tpu.memref_slice %arg10[%run_scoped3A_33, %dma_wait3A_92, %dma_wait3A_93] : memref<2x80x128xf32, #tpu.memory_space<vmem>> -> memref<1x80x128xf32, #tpu.memory_space<vmem>>
      %dma_wait3A_95 = tpu.memref_squeeze %dma_wait3A_94 : memref<1x80x128xf32, #tpu.memory_space<vmem>> -> memref<80x128xf32, #tpu.memory_space<vmem>>
      tpu.wait_dma2 semaphore(%run_scoped3A_71 : memref<!tpu.dma_semaphore, #tpu.memory_space<semaphore_mem>>) src(%dma_wait3A_95 : memref<80x128xf32, #tpu.memory_space<vmem>>) dst(%dma_wait3A_91 : memref<80x128xf32, #tpu.memory_space<vmem_shared>>)
      tpu.yield
    }) : () -> ()
    %add3A_34 = arith.constant 560 : i32
    %add3A_35 = arith.addi %mul3A_2, %add3A_34 : i32
    %run_scoped3A_36 = arith.constant 0 : i32
    "tpu.region"() ({
      %run_scoped3A_71 = tpu.sem_alloc : memref<!tpu.dma_semaphore, #tpu.memory_space<semaphore_mem>>
      %dma_start3A_72 = arith.constant 0 : i32
      %dma_start3A_73 = arith.constant 0 : i32
      %dma_start3A_74 = tpu.memref_slice %arg10[%run_scoped3A_36, %dma_start3A_72, %dma_start3A_73] : memref<2x80x128xf32, #tpu.memory_space<vmem>> -> memref<1x80x128xf32, #tpu.memory_space<vmem>>
      %dma_start3A_75 = tpu.memref_squeeze %dma_start3A_74 : memref<1x80x128xf32, #tpu.memory_space<vmem>> -> memref<80x128xf32, #tpu.memory_space<vmem>>
      %dma_start3A_76 = arith.constant 0 : i32
      %dma_start3A_77 = tpu.memref_slice %arg11[%add3A_35, %dma_start3A_76] : memref<10240x128xf32, #tpu.memory_space<vmem_shared>> -> memref<80x128xf32, #tpu.memory_space<vmem_shared>>
      %dma_start3A_78 = arith.constant 0 : i32
      %dma_start3A_79 = tpu.memref_slice %arg11[%add3A_35, %dma_start3A_78] : memref<10240x128xf32, #tpu.memory_space<vmem_shared>> -> memref<80x128xf32, #tpu.memory_space<vmem_shared>>
      %dma_start3A_80 = arith.constant 0 : i32
      %dma_start3A_81 = arith.constant 0 : i32
      %dma_start3A_82 = tpu.memref_slice %arg10[%run_scoped3A_36, %dma_start3A_80, %dma_start3A_81] : memref<2x80x128xf32, #tpu.memory_space<vmem>> -> memref<1x80x128xf32, #tpu.memory_space<vmem>>
      %dma_start3A_83 = tpu.memref_squeeze %dma_start3A_82 : memref<1x80x128xf32, #tpu.memory_space<vmem>> -> memref<80x128xf32, #tpu.memory_space<vmem>>
      tpu.enqueue_dma source(%dma_start3A_83 : memref<80x128xf32, #tpu.memory_space<vmem>>) target(%dma_start3A_79 : memref<80x128xf32, #tpu.memory_space<vmem_shared>>) target_semaphore(%run_scoped3A_71 : memref<!tpu.dma_semaphore, #tpu.memory_space<semaphore_mem>>)
      %dma_wait3A_84 = arith.constant 0 : i32
      %dma_wait3A_85 = arith.constant 0 : i32
      %dma_wait3A_86 = tpu.memref_slice %arg10[%run_scoped3A_36, %dma_wait3A_84, %dma_wait3A_85] : memref<2x80x128xf32, #tpu.memory_space<vmem>> -> memref<1x80x128xf32, #tpu.memory_space<vmem>>
      %dma_wait3A_87 = tpu.memref_squeeze %dma_wait3A_86 : memref<1x80x128xf32, #tpu.memory_space<vmem>> -> memref<80x128xf32, #tpu.memory_space<vmem>>
      %dma_wait3A_88 = arith.constant 0 : i32
      %dma_wait3A_89 = tpu.memref_slice %arg11[%add3A_35, %dma_wait3A_88] : memref<10240x128xf32, #tpu.memory_space<vmem_shared>> -> memref<80x128xf32, #tpu.memory_space<vmem_shared>>
      %dma_wait3A_90 = arith.constant 0 : i32
      %dma_wait3A_91 = tpu.memref_slice %arg11[%add3A_35, %dma_wait3A_90] : memref<10240x128xf32, #tpu.memory_space<vmem_shared>> -> memref<80x128xf32, #tpu.memory_space<vmem_shared>>
      %dma_wait3A_92 = arith.constant 0 : i32
      %dma_wait3A_93 = arith.constant 0 : i32
      %dma_wait3A_94 = tpu.memref_slice %arg10[%run_scoped3A_36, %dma_wait3A_92, %dma_wait3A_93] : memref<2x80x128xf32, #tpu.memory_space<vmem>> -> memref<1x80x128xf32, #tpu.memory_space<vmem>>
      %dma_wait3A_95 = tpu.memref_squeeze %dma_wait3A_94 : memref<1x80x128xf32, #tpu.memory_space<vmem>> -> memref<80x128xf32, #tpu.memory_space<vmem>>
      tpu.wait_dma2 semaphore(%run_scoped3A_71 : memref<!tpu.dma_semaphore, #tpu.memory_space<semaphore_mem>>) src(%dma_wait3A_95 : memref<80x128xf32, #tpu.memory_space<vmem>>) dst(%dma_wait3A_91 : memref<80x128xf32, #tpu.memory_space<vmem_shared>>)
      tpu.yield
    }) : () -> ()
    %barrier3A = arith.constant 0 : index
    tpu.barrier barrier_id(%barrier3A)
    %dma_start3A_37 = arith.constant 0 : i32
    %dma_start3A_38 = arith.constant 0 : i32
    %dma_start3A_39 = arith.constant 0 : i32
    %dma_start3A_40 = tpu.memref_slice %arg10[%dma_start3A_37, %dma_start3A_38, %dma_start3A_39] : memref<2x80x128xf32, #tpu.memory_space<vmem>> -> memref<1x80x128xf32, #tpu.memory_space<vmem>>
    %dma_start3A_41 = tpu.memref_squeeze %dma_start3A_40 : memref<1x80x128xf32, #tpu.memory_space<vmem>> -> memref<80x128xf32, #tpu.memory_space<vmem>>
    %dma_start3A_42 = arith.constant 0 : i32
    %dma_start3A_43 = tpu.memref_slice %arg8[%dma_start3A_42] : memref<10000xi32, #tpu.memory_space<vmem>> -> memref<80xi32, #tpu.memory_space<vmem>>
    %dma_start3A_44 = arith.constant 0 : i32
    %dma_start3A_45 = arith.constant 0 : i32
    %dma_start3A_46 = tpu.memref_slice %arg2[%dma_start3A_44, %dma_start3A_45] : memref<10240x128xf32, #tpu.memory_space<hbm>> -> memref<10240x128xf32, #tpu.memory_space<hbm>>
    tpu.enqueue_indirect_dma source(%dma_start3A_46 : memref<10240x128xf32, #tpu.memory_space<hbm>>) target(%dma_start3A_41 : memref<80x128xf32, #tpu.memory_space<vmem>>) offsets(%dma_start3A_43 : memref<80xi32, #tpu.memory_space<vmem>>) semaphore(%arg12 : memref<!tpu.dma_semaphore, #tpu.memory_space<semaphore_mem>>)
    %scan3A = arith.constant 0 : i32
    %scan3A_47 = arith.constant 62 : i32
    %scan3A_48 = arith.addi %scan3A, %scan3A_47 : i32
    %scan3A_49 = arith.constant 1 : i32
    scf.for %scan3A_71 = %scan3A to %scan3A_48 step %scan3A_49  : i32 {
      %mul3A_72 = arith.constant 1 : i32
      %mul3A_73 = arith.muli %scan3A_71, %mul3A_72 : i32
      %add3A_74 = arith.constant 0 : i32
      %add3A_75 = arith.addi %add3A_74, %mul3A_73 : i32
      %mul3A_76 = arith.constant 2 : i32
      %mul3A_77 = arith.muli %mul3A_76, %add3A_75 : i32
      %mul3A_78 = arith.constant 80 : i32
      %mul3A_79 = arith.muli %mul3A_77, %mul3A_78 : i32
      %dma_wait3A_80 = arith.constant 0 : i32
      %dma_wait3A_81 = arith.constant 0 : i32
      %dma_wait3A_82 = arith.constant 0 : i32
      %dma_wait3A_83 = tpu.memref_slice %arg10[%dma_wait3A_80, %dma_wait3A_81, %dma_wait3A_82] : memref<2x80x128xf32, #tpu.memory_space<vmem>> -> memref<1x80x128xf32, #tpu.memory_space<vmem>>
      %dma_wait3A_84 = tpu.memref_squeeze %dma_wait3A_83 : memref<1x80x128xf32, #tpu.memory_space<vmem>> -> memref<80x128xf32, #tpu.memory_space<vmem>>
      %dma_wait3A_85 = tpu.memref_slice %arg8[%mul3A_79] : memref<10000xi32, #tpu.memory_space<vmem>> -> memref<80xi32, #tpu.memory_space<vmem>>
      %dma_wait3A_86 = arith.constant 0 : i32
      %dma_wait3A_87 = arith.constant 0 : i32
      %dma_wait3A_88 = tpu.memref_slice %arg2[%dma_wait3A_86, %dma_wait3A_87] : memref<10240x128xf32, #tpu.memory_space<hbm>> -> memref<10240x128xf32, #tpu.memory_space<hbm>>
      tpu.wait_indirect_dma semaphore(%arg12 : memref<!tpu.dma_semaphore, #tpu.memory_space<semaphore_mem>>) src(%dma_wait3A_88 : memref<10240x128xf32, #tpu.memory_space<hbm>>) dst(%dma_wait3A_84 : memref<80x128xf32, #tpu.memory_space<vmem>>)
      %add3A_89 = arith.constant 1 : i32
      %add3A_90 = arith.addi %mul3A_77, %add3A_89 : i32
      %mul3A_91 = arith.constant 80 : i32
      %mul3A_92 = arith.muli %add3A_90, %mul3A_91 : i32
      %dma_start3A_93 = arith.constant 1 : i32
      %dma_start3A_94 = arith.constant 0 : i32
      %dma_start3A_95 = arith.constant 0 : i32
      %dma_start3A_96 = tpu.memref_slice %arg10[%dma_start3A_93, %dma_start3A_94, %dma_start3A_95] : memref<2x80x128xf32, #tpu.memory_space<vmem>> -> memref<1x80x128xf32, #tpu.memory_space<vmem>>
      %dma_start3A_97 = tpu.memref_squeeze %dma_start3A_96 : memref<1x80x128xf32, #tpu.memory_space<vmem>> -> memref<80x128xf32, #tpu.memory_space<vmem>>
      %dma_start3A_98 = tpu.memref_slice %arg8[%mul3A_92] : memref<10000xi32, #tpu.memory_space<vmem>> -> memref<80xi32, #tpu.memory_space<vmem>>
      %dma_start3A_99 = arith.constant 0 : i32
      %dma_start3A_100 = arith.constant 0 : i32
      %dma_start3A_101 = tpu.memref_slice %arg2[%dma_start3A_99, %dma_start3A_100] : memref<10240x128xf32, #tpu.memory_space<hbm>> -> memref<10240x128xf32, #tpu.memory_space<hbm>>
      tpu.enqueue_indirect_dma source(%dma_start3A_101 : memref<10240x128xf32, #tpu.memory_space<hbm>>) target(%dma_start3A_97 : memref<80x128xf32, #tpu.memory_space<vmem>>) offsets(%dma_start3A_98 : memref<80xi32, #tpu.memory_space<vmem>>) semaphore(%arg13 : memref<!tpu.dma_semaphore, #tpu.memory_space<semaphore_mem>>)
      %run_scoped3A_102 = arith.constant 0 : i32
      "tpu.region"() ({
        %run_scoped3A_132 = tpu.sem_alloc : memref<!tpu.dma_semaphore, #tpu.memory_space<semaphore_mem>>
        %dma_start3A_133 = arith.constant 0 : i32
        %dma_start3A_134 = arith.constant 0 : i32
        %dma_start3A_135 = tpu.memref_slice %arg10[%run_scoped3A_102, %dma_start3A_133, %dma_start3A_134] : memref<2x80x128xf32, #tpu.memory_space<vmem>> -> memref<1x80x128xf32, #tpu.memory_space<vmem>>
        %dma_start3A_136 = tpu.memref_squeeze %dma_start3A_135 : memref<1x80x128xf32, #tpu.memory_space<vmem>> -> memref<80x128xf32, #tpu.memory_space<vmem>>
        %dma_start3A_137 = arith.constant 0 : i32
        %dma_start3A_138 = tpu.memref_slice %arg9[%mul3A_77, %dma_start3A_137] : memref<125x80xi32, #tpu.memory_space<vmem>> -> memref<1x80xi32, #tpu.memory_space<vmem>>
        %dma_start3A_139 = tpu.memref_squeeze %dma_start3A_138 : memref<1x80xi32, #tpu.memory_space<vmem>> -> memref<80xi32, #tpu.memory_space<vmem>>
        %dma_start3A_140 = arith.constant 0 : i32
        %dma_start3A_141 = arith.constant 0 : i32
        %dma_start3A_142 = tpu.memref_slice %arg11[%dma_start3A_140, %dma_start3A_141] : memref<10240x128xf32, #tpu.memory_space<vmem_shared>> -> memref<10240x128xf32, #tpu.memory_space<vmem_shared>>
        tpu.enqueue_indirect_dma source(%dma_start3A_136 : memref<80x128xf32, #tpu.memory_space<vmem>>) target(%dma_start3A_142 : memref<10240x128xf32, #tpu.memory_space<vmem_shared>>) offsets(%dma_start3A_139 : memref<80xi32, #tpu.memory_space<vmem>>) semaphore(%run_scoped3A_132 : memref<!tpu.dma_semaphore, #tpu.memory_space<semaphore_mem>>) {add = true}
        %dma_wait3A_143 = arith.constant 0 : i32
        %dma_wait3A_144 = arith.constant 0 : i32
        %dma_wait3A_145 = tpu.memref_slice %arg10[%run_scoped3A_102, %dma_wait3A_143, %dma_wait3A_144] : memref<2x80x128xf32, #tpu.memory_space<vmem>> -> memref<1x80x128xf32, #tpu.memory_space<vmem>>
        %dma_wait3A_146 = tpu.memref_squeeze %dma_wait3A_145 : memref<1x80x128xf32, #tpu.memory_space<vmem>> -> memref<80x128xf32, #tpu.memory_space<vmem>>
        %dma_wait3A_147 = arith.constant 0 : i32
        %dma_wait3A_148 = tpu.memref_slice %arg9[%mul3A_77, %dma_wait3A_147] : memref<125x80xi32, #tpu.memory_space<vmem>> -> memref<1x80xi32, #tpu.memory_space<vmem>>
        %dma_wait3A_149 = tpu.memref_squeeze %dma_wait3A_148 : memref<1x80xi32, #tpu.memory_space<vmem>> -> memref<80xi32, #tpu.memory_space<vmem>>
        %dma_wait3A_150 = arith.constant 0 : i32
        %dma_wait3A_151 = arith.constant 0 : i32
        %dma_wait3A_152 = tpu.memref_slice %arg11[%dma_wait3A_150, %dma_wait3A_151] : memref<10240x128xf32, #tpu.memory_space<vmem_shared>> -> memref<10240x128xf32, #tpu.memory_space<vmem_shared>>
        tpu.wait_indirect_dma semaphore(%run_scoped3A_132 : memref<!tpu.dma_semaphore, #tpu.memory_space<semaphore_mem>>) src(%dma_wait3A_146 : memref<80x128xf32, #tpu.memory_space<vmem>>) dst(%dma_wait3A_152 : memref<10240x128xf32, #tpu.memory_space<vmem_shared>>)
        tpu.yield
      }) : () -> ()
      %add3A_103 = arith.constant 1 : i32
      %add3A_104 = arith.addi %mul3A_77, %add3A_103 : i32
      %mul3A_105 = arith.constant 80 : i32
      %mul3A_106 = arith.muli %add3A_104, %mul3A_105 : i32
      %dma_wait3A_107 = arith.constant 1 : i32
      %dma_wait3A_108 = arith.constant 0 : i32
      %dma_wait3A_109 = arith.constant 0 : i32
      %dma_wait3A_110 = tpu.memref_slice %arg10[%dma_wait3A_107, %dma_wait3A_108, %dma_wait3A_109] : memref<2x80x128xf32, #tpu.memory_space<vmem>> -> memref<1x80x128xf32, #tpu.memory_space<vmem>>
      %dma_wait3A_111 = tpu.memref_squeeze %dma_wait3A_110 : memref<1x80x128xf32, #tpu.memory_space<vmem>> -> memref<80x128xf32, #tpu.memory_space<vmem>>
      %dma_wait3A_112 = tpu.memref_slice %arg8[%mul3A_106] : memref<10000xi32, #tpu.memory_space<vmem>> -> memref<80xi32, #tpu.memory_space<vmem>>
      %dma_wait3A_113 = arith.constant 0 : i32
      %dma_wait3A_114 = arith.constant 0 : i32
      %dma_wait3A_115 = tpu.memref_slice %arg2[%dma_wait3A_113, %dma_wait3A_114] : memref<10240x128xf32, #tpu.memory_space<hbm>> -> memref<10240x128xf32, #tpu.memory_space<hbm>>
      tpu.wait_indirect_dma semaphore(%arg13 : memref<!tpu.dma_semaphore, #tpu.memory_space<semaphore_mem>>) src(%dma_wait3A_115 : memref<10240x128xf32, #tpu.memory_space<hbm>>) dst(%dma_wait3A_111 : memref<80x128xf32, #tpu.memory_space<vmem>>)
      %add3A_116 = arith.constant 2 : i32
      %add3A_117 = arith.addi %mul3A_77, %add3A_116 : i32
      %mul3A_118 = arith.constant 80 : i32
      %mul3A_119 = arith.muli %add3A_117, %mul3A_118 : i32
      %dma_start3A_120 = arith.constant 0 : i32
      %dma_start3A_121 = arith.constant 0 : i32
      %dma_start3A_122 = arith.constant 0 : i32
      %dma_start3A_123 = tpu.memref_slice %arg10[%dma_start3A_120, %dma_start3A_121, %dma_start3A_122] : memref<2x80x128xf32, #tpu.memory_space<vmem>> -> memref<1x80x128xf32, #tpu.memory_space<vmem>>
      %dma_start3A_124 = tpu.memref_squeeze %dma_start3A_123 : memref<1x80x128xf32, #tpu.memory_space<vmem>> -> memref<80x128xf32, #tpu.memory_space<vmem>>
      %dma_start3A_125 = tpu.memref_slice %arg8[%mul3A_119] : memref<10000xi32, #tpu.memory_space<vmem>> -> memref<80xi32, #tpu.memory_space<vmem>>
      %dma_start3A_126 = arith.constant 0 : i32
      %dma_start3A_127 = arith.constant 0 : i32
      %dma_start3A_128 = tpu.memref_slice %arg2[%dma_start3A_126, %dma_start3A_127] : memref<10240x128xf32, #tpu.memory_space<hbm>> -> memref<10240x128xf32, #tpu.memory_space<hbm>>
      tpu.enqueue_indirect_dma source(%dma_start3A_128 : memref<10240x128xf32, #tpu.memory_space<hbm>>) target(%dma_start3A_124 : memref<80x128xf32, #tpu.memory_space<vmem>>) offsets(%dma_start3A_125 : memref<80xi32, #tpu.memory_space<vmem>>) semaphore(%arg12 : memref<!tpu.dma_semaphore, #tpu.memory_space<semaphore_mem>>)
      %add3A_129 = arith.constant 1 : i32
      %add3A_130 = arith.addi %mul3A_77, %add3A_129 : i32
      %run_scoped3A_131 = arith.constant 1 : i32
      "tpu.region"() ({
        %run_scoped3A_132 = tpu.sem_alloc : memref<!tpu.dma_semaphore, #tpu.memory_space<semaphore_mem>>
        %dma_start3A_133 = arith.constant 0 : i32
        %dma_start3A_134 = arith.constant 0 : i32
        %dma_start3A_135 = tpu.memref_slice %arg10[%run_scoped3A_131, %dma_start3A_133, %dma_start3A_134] : memref<2x80x128xf32, #tpu.memory_space<vmem>> -> memref<1x80x128xf32, #tpu.memory_space<vmem>>
        %dma_start3A_136 = tpu.memref_squeeze %dma_start3A_135 : memref<1x80x128xf32, #tpu.memory_space<vmem>> -> memref<80x128xf32, #tpu.memory_space<vmem>>
        %dma_start3A_137 = arith.constant 0 : i32
        %dma_start3A_138 = tpu.memref_slice %arg9[%add3A_130, %dma_start3A_137] : memref<125x80xi32, #tpu.memory_space<vmem>> -> memref<1x80xi32, #tpu.memory_space<vmem>>
        %dma_start3A_139 = tpu.memref_squeeze %dma_start3A_138 : memref<1x80xi32, #tpu.memory_space<vmem>> -> memref<80xi32, #tpu.memory_space<vmem>>
        %dma_start3A_140 = arith.constant 0 : i32
        %dma_start3A_141 = arith.constant 0 : i32
        %dma_start3A_142 = tpu.memref_slice %arg11[%dma_start3A_140, %dma_start3A_141] : memref<10240x128xf32, #tpu.memory_space<vmem_shared>> -> memref<10240x128xf32, #tpu.memory_space<vmem_shared>>
        tpu.enqueue_indirect_dma source(%dma_start3A_136 : memref<80x128xf32, #tpu.memory_space<vmem>>) target(%dma_start3A_142 : memref<10240x128xf32, #tpu.memory_space<vmem_shared>>) offsets(%dma_start3A_139 : memref<80xi32, #tpu.memory_space<vmem>>) semaphore(%run_scoped3A_132 : memref<!tpu.dma_semaphore, #tpu.memory_space<semaphore_mem>>) {add = true}
        %dma_wait3A_143 = arith.constant 0 : i32
        %dma_wait3A_144 = arith.constant 0 : i32
        %dma_wait3A_145 = tpu.memref_slice %arg10[%run_scoped3A_131, %dma_wait3A_143, %dma_wait3A_144] : memref<2x80x128xf32, #tpu.memory_space<vmem>> -> memref<1x80x128xf32, #tpu.memory_space<vmem>>
        %dma_wait3A_146 = tpu.memref_squeeze %dma_wait3A_145 : memref<1x80x128xf32, #tpu.memory_space<vmem>> -> memref<80x128xf32, #tpu.memory_space<vmem>>
        %dma_wait3A_147 = arith.constant 0 : i32
        %dma_wait3A_148 = tpu.memref_slice %arg9[%add3A_130, %dma_wait3A_147] : memref<125x80xi32, #tpu.memory_space<vmem>> -> memref<1x80xi32, #tpu.memory_space<vmem>>
        %dma_wait3A_149 = tpu.memref_squeeze %dma_wait3A_148 : memref<1x80xi32, #tpu.memory_space<vmem>> -> memref<80xi32, #tpu.memory_space<vmem>>
        %dma_wait3A_150 = arith.constant 0 : i32
        %dma_wait3A_151 = arith.constant 0 : i32
        %dma_wait3A_152 = tpu.memref_slice %arg11[%dma_wait3A_150, %dma_wait3A_151] : memref<10240x128xf32, #tpu.memory_space<vmem_shared>> -> memref<10240x128xf32, #tpu.memory_space<vmem_shared>>
        tpu.wait_indirect_dma semaphore(%run_scoped3A_132 : memref<!tpu.dma_semaphore, #tpu.memory_space<semaphore_mem>>) src(%dma_wait3A_146 : memref<80x128xf32, #tpu.memory_space<vmem>>) dst(%dma_wait3A_152 : memref<10240x128xf32, #tpu.memory_space<vmem_shared>>)
        tpu.yield
      }) : () -> ()
    }
    %scan3A_50 = arith.constant 62 : i32
    %dma_wait3A_51 = arith.constant 0 : i32
    %dma_wait3A_52 = arith.constant 0 : i32
    %dma_wait3A_53 = arith.constant 0 : i32
    %dma_wait3A_54 = tpu.memref_slice %arg10[%dma_wait3A_51, %dma_wait3A_52, %dma_wait3A_53] : memref<2x80x128xf32, #tpu.memory_space<vmem>> -> memref<1x80x128xf32, #tpu.memory_space<vmem>>
    %dma_wait3A_55 = tpu.memref_squeeze %dma_wait3A_54 : memref<1x80x128xf32, #tpu.memory_space<vmem>> -> memref<80x128xf32, #tpu.memory_space<vmem>>
    %dma_wait3A_56 = arith.constant 9920 : i32
    %dma_wait3A_57 = tpu.memref_slice %arg8[%dma_wait3A_56] : memref<10000xi32, #tpu.memory_space<vmem>> -> memref<80xi32, #tpu.memory_space<vmem>>
    %dma_wait3A_58 = arith.constant 0 : i32
    %dma_wait3A_59 = arith.constant 0 : i32
    %dma_wait3A_60 = tpu.memref_slice %arg2[%dma_wait3A_58, %dma_wait3A_59] : memref<10240x128xf32, #tpu.memory_space<hbm>> -> memref<10240x128xf32, #tpu.memory_space<hbm>>
    tpu.wait_indirect_dma semaphore(%arg12 : memref<!tpu.dma_semaphore, #tpu.memory_space<semaphore_mem>>) src(%dma_wait3A_60 : memref<10240x128xf32, #tpu.memory_space<hbm>>) dst(%dma_wait3A_55 : memref<80x128xf32, #tpu.memory_space<vmem>>)
    %run_scoped3A_61 = arith.constant 0 : i32
    %run_scoped3A_62 = arith.constant 124 : i32
    "tpu.region"() ({
      %run_scoped3A_71 = tpu.sem_alloc : memref<!tpu.dma_semaphore, #tpu.memory_space<semaphore_mem>>
      %dma_start3A_72 = arith.constant 0 : i32
      %dma_start3A_73 = arith.constant 0 : i32
      %dma_start3A_74 = tpu.memref_slice %arg10[%run_scoped3A_61, %dma_start3A_72, %dma_start3A_73] : memref<2x80x128xf32, #tpu.memory_space<vmem>> -> memref<1x80x128xf32, #tpu.memory_space<vmem>>
      %dma_start3A_75 = tpu.memref_squeeze %dma_start3A_74 : memref<1x80x128xf32, #tpu.memory_space<vmem>> -> memref<80x128xf32, #tpu.memory_space<vmem>>
      %dma_start3A_76 = arith.constant 0 : i32
      %dma_start3A_77 = tpu.memref_slice %arg9[%run_scoped3A_62, %dma_start3A_76] : memref<125x80xi32, #tpu.memory_space<vmem>> -> memref<1x80xi32, #tpu.memory_space<vmem>>
      %dma_start3A_78 = tpu.memref_squeeze %dma_start3A_77 : memref<1x80xi32, #tpu.memory_space<vmem>> -> memref<80xi32, #tpu.memory_space<vmem>>
      %dma_start3A_79 = arith.constant 0 : i32
      %dma_start3A_80 = arith.constant 0 : i32
      %dma_start3A_81 = tpu.memref_slice %arg11[%dma_start3A_79, %dma_start3A_80] : memref<10240x128xf32, #tpu.memory_space<vmem_shared>> -> memref<10240x128xf32, #tpu.memory_space<vmem_shared>>
      tpu.enqueue_indirect_dma source(%dma_start3A_75 : memref<80x128xf32, #tpu.memory_space<vmem>>) target(%dma_start3A_81 : memref<10240x128xf32, #tpu.memory_space<vmem_shared>>) offsets(%dma_start3A_78 : memref<80xi32, #tpu.memory_space<vmem>>) semaphore(%run_scoped3A_71 : memref<!tpu.dma_semaphore, #tpu.memory_space<semaphore_mem>>) {add = true}
      %dma_wait3A_82 = arith.constant 0 : i32
      %dma_wait3A_83 = arith.constant 0 : i32
      %dma_wait3A_84 = tpu.memref_slice %arg10[%run_scoped3A_61, %dma_wait3A_82, %dma_wait3A_83] : memref<2x80x128xf32, #tpu.memory_space<vmem>> -> memref<1x80x128xf32, #tpu.memory_space<vmem>>
      %dma_wait3A_85 = tpu.memref_squeeze %dma_wait3A_84 : memref<1x80x128xf32, #tpu.memory_space<vmem>> -> memref<80x128xf32, #tpu.memory_space<vmem>>
      %dma_wait3A_86 = arith.constant 0 : i32
      %dma_wait3A_87 = tpu.memref_slice %arg9[%run_scoped3A_62, %dma_wait3A_86] : memref<125x80xi32, #tpu.memory_space<vmem>> -> memref<1x80xi32, #tpu.memory_space<vmem>>
      %dma_wait3A_88 = tpu.memref_squeeze %dma_wait3A_87 : memref<1x80xi32, #tpu.memory_space<vmem>> -> memref<80xi32, #tpu.memory_space<vmem>>
      %dma_wait3A_89 = arith.constant 0 : i32
      %dma_wait3A_90 = arith.constant 0 : i32
      %dma_wait3A_91 = tpu.memref_slice %arg11[%dma_wait3A_89, %dma_wait3A_90] : memref<10240x128xf32, #tpu.memory_space<vmem_shared>> -> memref<10240x128xf32, #tpu.memory_space<vmem_shared>>
      tpu.wait_indirect_dma semaphore(%run_scoped3A_71 : memref<!tpu.dma_semaphore, #tpu.memory_space<semaphore_mem>>) src(%dma_wait3A_85 : memref<80x128xf32, #tpu.memory_space<vmem>>) dst(%dma_wait3A_91 : memref<10240x128xf32, #tpu.memory_space<vmem_shared>>)
      tpu.yield
    }) : () -> ()
    %barrier3A_63 = arith.constant 0 : index
    tpu.barrier barrier_id(%barrier3A_63)
    %eq3A = arith.constant 0 : i32
    %eq3A_64 = arith.cmpi eq, %arg0, %eq3A : i32
    %convert_element_type3A = arith.extui %eq3A_64 : i1 to i32
    %cond3A = arith.constant 0 : i32
    %cond3A_65 = arith.cmpi ne, %convert_element_type3A, %cond3A : i32
    scf.if %cond3A_65 {
      %add3A_71 = arith.constant 0 : i32
      %add3A_72 = arith.addi %mul3A_2, %add3A_71 : i32
      %run_scoped3A_73 = arith.constant 0 : i32
      "tpu.region"() ({
        %run_scoped3A_103 = tpu.sem_alloc : memref<!tpu.dma_semaphore, #tpu.memory_space<semaphore_mem>>
        %dma_start3A_104 = arith.constant 0 : i32
        %dma_start3A_105 = arith.constant 0 : i32
        %dma_start3A_106 = tpu.memref_slice %arg10[%run_scoped3A_73, %dma_start3A_104, %dma_start3A_105] : memref<2x80x128xf32, #tpu.memory_space<vmem>> -> memref<1x80x128xf32, #tpu.memory_space<vmem>>
        %dma_start3A_107 = tpu.memref_squeeze %dma_start3A_106 : memref<1x80x128xf32, #tpu.memory_space<vmem>> -> memref<80x128xf32, #tpu.memory_space<vmem>>
        %dma_start3A_108 = arith.constant 0 : i32
        %dma_start3A_109 = tpu.memref_slice %arg11[%add3A_72, %dma_start3A_108] : memref<10240x128xf32, #tpu.memory_space<vmem_shared>> -> memref<80x128xf32, #tpu.memory_space<vmem_shared>>
        %dma_start3A_110 = arith.constant 0 : i32
        %dma_start3A_111 = arith.constant 0 : i32
        %dma_start3A_112 = tpu.memref_slice %arg10[%run_scoped3A_73, %dma_start3A_110, %dma_start3A_111] : memref<2x80x128xf32, #tpu.memory_space<vmem>> -> memref<1x80x128xf32, #tpu.memory_space<vmem>>
        %dma_start3A_113 = tpu.memref_squeeze %dma_start3A_112 : memref<1x80x128xf32, #tpu.memory_space<vmem>> -> memref<80x128xf32, #tpu.memory_space<vmem>>
        %dma_start3A_114 = arith.constant 0 : i32
        %dma_start3A_115 = tpu.memref_slice %arg11[%add3A_72, %dma_start3A_114] : memref<10240x128xf32, #tpu.memory_space<vmem_shared>> -> memref<80x128xf32, #tpu.memory_space<vmem_shared>>
        tpu.enqueue_dma source(%dma_start3A_115 : memref<80x128xf32, #tpu.memory_space<vmem_shared>>) target(%dma_start3A_113 : memref<80x128xf32, #tpu.memory_space<vmem>>) target_semaphore(%run_scoped3A_103 : memref<!tpu.dma_semaphore, #tpu.memory_space<semaphore_mem>>)
        %dma_wait3A_116 = arith.constant 0 : i32
        %dma_wait3A_117 = arith.constant 0 : i32
        %dma_wait3A_118 = tpu.memref_slice %arg10[%run_scoped3A_73, %dma_wait3A_116, %dma_wait3A_117] : memref<2x80x128xf32, #tpu.memory_space<vmem>> -> memref<1x80x128xf32, #tpu.memory_space<vmem>>
        %dma_wait3A_119 = tpu.memref_squeeze %dma_wait3A_118 : memref<1x80x128xf32, #tpu.memory_space<vmem>> -> memref<80x128xf32, #tpu.memory_space<vmem>>
        %dma_wait3A_120 = arith.constant 0 : i32
        %dma_wait3A_121 = tpu.memref_slice %arg11[%add3A_72, %dma_wait3A_120] : memref<10240x128xf32, #tpu.memory_space<vmem_shared>> -> memref<80x128xf32, #tpu.memory_space<vmem_shared>>
        %dma_wait3A_122 = arith.constant 0 : i32
        %dma_wait3A_123 = arith.constant 0 : i32
        %dma_wait3A_124 = tpu.memref_slice %arg10[%run_scoped3A_73, %dma_wait3A_122, %dma_wait3A_123] : memref<2x80x128xf32, #tpu.memory_space<vmem>> -> memref<1x80x128xf32, #tpu.memory_space<vmem>>
        %dma_wait3A_125 = tpu.memref_squeeze %dma_wait3A_124 : memref<1x80x128xf32, #tpu.memory_space<vmem>> -> memref<80x128xf32, #tpu.memory_space<vmem>>
        %dma_wait3A_126 = arith.constant 0 : i32
        %dma_wait3A_127 = tpu.memref_slice %arg11[%add3A_72, %dma_wait3A_126] : memref<10240x128xf32, #tpu.memory_space<vmem_shared>> -> memref<80x128xf32, #tpu.memory_space<vmem_shared>>
        tpu.wait_dma2 semaphore(%run_scoped3A_103 : memref<!tpu.dma_semaphore, #tpu.memory_space<semaphore_mem>>) src(%dma_wait3A_127 : memref<80x128xf32, #tpu.memory_space<vmem_shared>>) dst(%dma_wait3A_125 : memref<80x128xf32, #tpu.memory_space<vmem>>)
        tpu.yield
      }) : () -> ()
      %run_scoped3A_74 = arith.constant 0 : i32
      "tpu.region"() ({
        %run_scoped3A_103 = tpu.sem_alloc : memref<!tpu.dma_semaphore, #tpu.memory_space<semaphore_mem>>
        %dma_start3A_104 = arith.constant 0 : i32
        %dma_start3A_105 = arith.constant 0 : i32
        %dma_start3A_106 = tpu.memref_slice %arg10[%run_scoped3A_74, %dma_start3A_104, %dma_start3A_105] : memref<2x80x128xf32, #tpu.memory_space<vmem>> -> memref<1x80x128xf32, #tpu.memory_space<vmem>>
        %dma_start3A_107 = tpu.memref_squeeze %dma_start3A_106 : memref<1x80x128xf32, #tpu.memory_space<vmem>> -> memref<80x128xf32, #tpu.memory_space<vmem>>
        %dma_start3A_108 = arith.constant 0 : i32
        %dma_start3A_109 = tpu.memref_slice %arg6[%add3A_72, %dma_start3A_108] : memref<10240x128xf32, #tpu.memory_space<hbm>> -> memref<80x128xf32, #tpu.memory_space<hbm>>
        %dma_start3A_110 = arith.constant 0 : i32
        %dma_start3A_111 = tpu.memref_slice %arg6[%add3A_72, %dma_start3A_110] : memref<10240x128xf32, #tpu.memory_space<hbm>> -> memref<80x128xf32, #tpu.memory_space<hbm>>
        %dma_start3A_112 = arith.constant 0 : i32
        %dma_start3A_113 = arith.constant 0 : i32
        %dma_start3A_114 = tpu.memref_slice %arg10[%run_scoped3A_74, %dma_start3A_112, %dma_start3A_113] : memref<2x80x128xf32, #tpu.memory_space<vmem>> -> memref<1x80x128xf32, #tpu.memory_space<vmem>>
        %dma_start3A_115 = tpu.memref_squeeze %dma_start3A_114 : memref<1x80x128xf32, #tpu.memory_space<vmem>> -> memref<80x128xf32, #tpu.memory_space<vmem>>
        tpu.enqueue_dma source(%dma_start3A_115 : memref<80x128xf32, #tpu.memory_space<vmem>>) target(%dma_start3A_111 : memref<80x128xf32, #tpu.memory_space<hbm>>) target_semaphore(%run_scoped3A_103 : memref<!tpu.dma_semaphore, #tpu.memory_space<semaphore_mem>>)
        %dma_wait3A_116 = arith.constant 0 : i32
        %dma_wait3A_117 = arith.constant 0 : i32
        %dma_wait3A_118 = tpu.memref_slice %arg10[%run_scoped3A_74, %dma_wait3A_116, %dma_wait3A_117] : memref<2x80x128xf32, #tpu.memory_space<vmem>> -> memref<1x80x128xf32, #tpu.memory_space<vmem>>
        %dma_wait3A_119 = tpu.memref_squeeze %dma_wait3A_118 : memref<1x80x128xf32, #tpu.memory_space<vmem>> -> memref<80x128xf32, #tpu.memory_space<vmem>>
        %dma_wait3A_120 = arith.constant 0 : i32
        %dma_wait3A_121 = tpu.memref_slice %arg6[%add3A_72, %dma_wait3A_120] : memref<10240x128xf32, #tpu.memory_space<hbm>> -> memref<80x128xf32, #tpu.memory_space<hbm>>
        %dma_wait3A_122 = arith.constant 0 : i32
        %dma_wait3A_123 = tpu.memref_slice %arg6[%add3A_72, %dma_wait3A_122] : memref<10240x128xf32, #tpu.memory_space<hbm>> -> memref<80x128xf32, #tpu.memory_space<hbm>>
        %dma_wait3A_124 = arith.constant 0 : i32
        %dma_wait3A_125 = arith.constant 0 : i32
        %dma_wait3A_126 = tpu.memref_slice %arg10[%run_scoped3A_74, %dma_wait3A_124, %dma_wait3A_125] : memref<2x80x128xf32, #tpu.memory_space<vmem>> -> memref<1x80x128xf32, #tpu.memory_space<vmem>>
        %dma_wait3A_127 = tpu.memref_squeeze %dma_wait3A_126 : memref<1x80x128xf32, #tpu.memory_space<vmem>> -> memref<80x128xf32, #tpu.memory_space<vmem>>
        tpu.wait_dma2 semaphore(%run_scoped3A_103 : memref<!tpu.dma_semaphore, #tpu.memory_space<semaphore_mem>>) src(%dma_wait3A_127 : memref<80x128xf32, #tpu.memory_space<vmem>>) dst(%dma_wait3A_123 : memref<80x128xf32, #tpu.memory_space<hbm>>)
        tpu.yield
      }) : () -> ()
      %add3A_75 = arith.constant 80 : i32
      %add3A_76 = arith.addi %mul3A_2, %add3A_75 : i32
      %run_scoped3A_77 = arith.constant 0 : i32
      "tpu.region"() ({
        %run_scoped3A_103 = tpu.sem_alloc : memref<!tpu.dma_semaphore, #tpu.memory_space<semaphore_mem>>
        %dma_start3A_104 = arith.constant 0 : i32
        %dma_start3A_105 = arith.constant 0 : i32
        %dma_start3A_106 = tpu.memref_slice %arg10[%run_scoped3A_77, %dma_start3A_104, %dma_start3A_105] : memref<2x80x128xf32, #tpu.memory_space<vmem>> -> memref<1x80x128xf32, #tpu.memory_space<vmem>>
        %dma_start3A_107 = tpu.memref_squeeze %dma_start3A_106 : memref<1x80x128xf32, #tpu.memory_space<vmem>> -> memref<80x128xf32, #tpu.memory_space<vmem>>
        %dma_start3A_108 = arith.constant 0 : i32
        %dma_start3A_109 = tpu.memref_slice %arg11[%add3A_76, %dma_start3A_108] : memref<10240x128xf32, #tpu.memory_space<vmem_shared>> -> memref<80x128xf32, #tpu.memory_space<vmem_shared>>
        %dma_start3A_110 = arith.constant 0 : i32
        %dma_start3A_111 = arith.constant 0 : i32
        %dma_start3A_112 = tpu.memref_slice %arg10[%run_scoped3A_77, %dma_start3A_110, %dma_start3A_111] : memref<2x80x128xf32, #tpu.memory_space<vmem>> -> memref<1x80x128xf32, #tpu.memory_space<vmem>>
        %dma_start3A_113 = tpu.memref_squeeze %dma_start3A_112 : memref<1x80x128xf32, #tpu.memory_space<vmem>> -> memref<80x128xf32, #tpu.memory_space<vmem>>
        %dma_start3A_114 = arith.constant 0 : i32
        %dma_start3A_115 = tpu.memref_slice %arg11[%add3A_76, %dma_start3A_114] : memref<10240x128xf32, #tpu.memory_space<vmem_shared>> -> memref<80x128xf32, #tpu.memory_space<vmem_shared>>
        tpu.enqueue_dma source(%dma_start3A_115 : memref<80x128xf32, #tpu.memory_space<vmem_shared>>) target(%dma_start3A_113 : memref<80x128xf32, #tpu.memory_space<vmem>>) target_semaphore(%run_scoped3A_103 : memref<!tpu.dma_semaphore, #tpu.memory_space<semaphore_mem>>)
        %dma_wait3A_116 = arith.constant 0 : i32
        %dma_wait3A_117 = arith.constant 0 : i32
        %dma_wait3A_118 = tpu.memref_slice %arg10[%run_scoped3A_77, %dma_wait3A_116, %dma_wait3A_117] : memref<2x80x128xf32, #tpu.memory_space<vmem>> -> memref<1x80x128xf32, #tpu.memory_space<vmem>>
        %dma_wait3A_119 = tpu.memref_squeeze %dma_wait3A_118 : memref<1x80x128xf32, #tpu.memory_space<vmem>> -> memref<80x128xf32, #tpu.memory_space<vmem>>
        %dma_wait3A_120 = arith.constant 0 : i32
        %dma_wait3A_121 = tpu.memref_slice %arg11[%add3A_76, %dma_wait3A_120] : memref<10240x128xf32, #tpu.memory_space<vmem_shared>> -> memref<80x128xf32, #tpu.memory_space<vmem_shared>>
        %dma_wait3A_122 = arith.constant 0 : i32
        %dma_wait3A_123 = arith.constant 0 : i32
        %dma_wait3A_124 = tpu.memref_slice %arg10[%run_scoped3A_77, %dma_wait3A_122, %dma_wait3A_123] : memref<2x80x128xf32, #tpu.memory_space<vmem>> -> memref<1x80x128xf32, #tpu.memory_space<vmem>>
        %dma_wait3A_125 = tpu.memref_squeeze %dma_wait3A_124 : memref<1x80x128xf32, #tpu.memory_space<vmem>> -> memref<80x128xf32, #tpu.memory_space<vmem>>
        %dma_wait3A_126 = arith.constant 0 : i32
        %dma_wait3A_127 = tpu.memref_slice %arg11[%add3A_76, %dma_wait3A_126] : memref<10240x128xf32, #tpu.memory_space<vmem_shared>> -> memref<80x128xf32, #tpu.memory_space<vmem_shared>>
        tpu.wait_dma2 semaphore(%run_scoped3A_103 : memref<!tpu.dma_semaphore, #tpu.memory_space<semaphore_mem>>) src(%dma_wait3A_127 : memref<80x128xf32, #tpu.memory_space<vmem_shared>>) dst(%dma_wait3A_125 : memref<80x128xf32, #tpu.memory_space<vmem>>)
        tpu.yield
      }) : () -> ()
      %run_scoped3A_78 = arith.constant 0 : i32
      "tpu.region"() ({
        %run_scoped3A_103 = tpu.sem_alloc : memref<!tpu.dma_semaphore, #tpu.memory_space<semaphore_mem>>
        %dma_start3A_104 = arith.constant 0 : i32
        %dma_start3A_105 = arith.constant 0 : i32
        %dma_start3A_106 = tpu.memref_slice %arg10[%run_scoped3A_78, %dma_start3A_104, %dma_start3A_105] : memref<2x80x128xf32, #tpu.memory_space<vmem>> -> memref<1x80x128xf32, #tpu.memory_space<vmem>>
        %dma_start3A_107 = tpu.memref_squeeze %dma_start3A_106 : memref<1x80x128xf32, #tpu.memory_space<vmem>> -> memref<80x128xf32, #tpu.memory_space<vmem>>
        %dma_start3A_108 = arith.constant 0 : i32
        %dma_start3A_109 = tpu.memref_slice %arg6[%add3A_76, %dma_start3A_108] : memref<10240x128xf32, #tpu.memory_space<hbm>> -> memref<80x128xf32, #tpu.memory_space<hbm>>
        %dma_start3A_110 = arith.constant 0 : i32
        %dma_start3A_111 = tpu.memref_slice %arg6[%add3A_76, %dma_start3A_110] : memref<10240x128xf32, #tpu.memory_space<hbm>> -> memref<80x128xf32, #tpu.memory_space<hbm>>
        %dma_start3A_112 = arith.constant 0 : i32
        %dma_start3A_113 = arith.constant 0 : i32
        %dma_start3A_114 = tpu.memref_slice %arg10[%run_scoped3A_78, %dma_start3A_112, %dma_start3A_113] : memref<2x80x128xf32, #tpu.memory_space<vmem>> -> memref<1x80x128xf32, #tpu.memory_space<vmem>>
        %dma_start3A_115 = tpu.memref_squeeze %dma_start3A_114 : memref<1x80x128xf32, #tpu.memory_space<vmem>> -> memref<80x128xf32, #tpu.memory_space<vmem>>
        tpu.enqueue_dma source(%dma_start3A_115 : memref<80x128xf32, #tpu.memory_space<vmem>>) target(%dma_start3A_111 : memref<80x128xf32, #tpu.memory_space<hbm>>) target_semaphore(%run_scoped3A_103 : memref<!tpu.dma_semaphore, #tpu.memory_space<semaphore_mem>>)
        %dma_wait3A_116 = arith.constant 0 : i32
        %dma_wait3A_117 = arith.constant 0 : i32
        %dma_wait3A_118 = tpu.memref_slice %arg10[%run_scoped3A_78, %dma_wait3A_116, %dma_wait3A_117] : memref<2x80x128xf32, #tpu.memory_space<vmem>> -> memref<1x80x128xf32, #tpu.memory_space<vmem>>
        %dma_wait3A_119 = tpu.memref_squeeze %dma_wait3A_118 : memref<1x80x128xf32, #tpu.memory_space<vmem>> -> memref<80x128xf32, #tpu.memory_space<vmem>>
        %dma_wait3A_120 = arith.constant 0 : i32
        %dma_wait3A_121 = tpu.memref_slice %arg6[%add3A_76, %dma_wait3A_120] : memref<10240x128xf32, #tpu.memory_space<hbm>> -> memref<80x128xf32, #tpu.memory_space<hbm>>
        %dma_wait3A_122 = arith.constant 0 : i32
        %dma_wait3A_123 = tpu.memref_slice %arg6[%add3A_76, %dma_wait3A_122] : memref<10240x128xf32, #tpu.memory_space<hbm>> -> memref<80x128xf32, #tpu.memory_space<hbm>>
        %dma_wait3A_124 = arith.constant 0 : i32
        %dma_wait3A_125 = arith.constant 0 : i32
        %dma_wait3A_126 = tpu.memref_slice %arg10[%run_scoped3A_78, %dma_wait3A_124, %dma_wait3A_125] : memref<2x80x128xf32, #tpu.memory_space<vmem>> -> memref<1x80x128xf32, #tpu.memory_space<vmem>>
        %dma_wait3A_127 = tpu.memref_squeeze %dma_wait3A_126 : memref<1x80x128xf32, #tpu.memory_space<vmem>> -> memref<80x128xf32, #tpu.memory_space<vmem>>
        tpu.wait_dma2 semaphore(%run_scoped3A_103 : memref<!tpu.dma_semaphore, #tpu.memory_space<semaphore_mem>>) src(%dma_wait3A_127 : memref<80x128xf32, #tpu.memory_space<vmem>>) dst(%dma_wait3A_123 : memref<80x128xf32, #tpu.memory_space<hbm>>)
        tpu.yield
      }) : () -> ()
      %add3A_79 = arith.constant 160 : i32
      %add3A_80 = arith.addi %mul3A_2, %add3A_79 : i32
      %run_scoped3A_81 = arith.constant 0 : i32
      "tpu.region"() ({
        %run_scoped3A_103 = tpu.sem_alloc : memref<!tpu.dma_semaphore, #tpu.memory_space<semaphore_mem>>
        %dma_start3A_104 = arith.constant 0 : i32
        %dma_start3A_105 = arith.constant 0 : i32
        %dma_start3A_106 = tpu.memref_slice %arg10[%run_scoped3A_81, %dma_start3A_104, %dma_start3A_105] : memref<2x80x128xf32, #tpu.memory_space<vmem>> -> memref<1x80x128xf32, #tpu.memory_space<vmem>>
        %dma_start3A_107 = tpu.memref_squeeze %dma_start3A_106 : memref<1x80x128xf32, #tpu.memory_space<vmem>> -> memref<80x128xf32, #tpu.memory_space<vmem>>
        %dma_start3A_108 = arith.constant 0 : i32
        %dma_start3A_109 = tpu.memref_slice %arg11[%add3A_80, %dma_start3A_108] : memref<10240x128xf32, #tpu.memory_space<vmem_shared>> -> memref<80x128xf32, #tpu.memory_space<vmem_shared>>
        %dma_start3A_110 = arith.constant 0 : i32
        %dma_start3A_111 = arith.constant 0 : i32
        %dma_start3A_112 = tpu.memref_slice %arg10[%run_scoped3A_81, %dma_start3A_110, %dma_start3A_111] : memref<2x80x128xf32, #tpu.memory_space<vmem>> -> memref<1x80x128xf32, #tpu.memory_space<vmem>>
        %dma_start3A_113 = tpu.memref_squeeze %dma_start3A_112 : memref<1x80x128xf32, #tpu.memory_space<vmem>> -> memref<80x128xf32, #tpu.memory_space<vmem>>
        %dma_start3A_114 = arith.constant 0 : i32
        %dma_start3A_115 = tpu.memref_slice %arg11[%add3A_80, %dma_start3A_114] : memref<10240x128xf32, #tpu.memory_space<vmem_shared>> -> memref<80x128xf32, #tpu.memory_space<vmem_shared>>
        tpu.enqueue_dma source(%dma_start3A_115 : memref<80x128xf32, #tpu.memory_space<vmem_shared>>) target(%dma_start3A_113 : memref<80x128xf32, #tpu.memory_space<vmem>>) target_semaphore(%run_scoped3A_103 : memref<!tpu.dma_semaphore, #tpu.memory_space<semaphore_mem>>)
        %dma_wait3A_116 = arith.constant 0 : i32
        %dma_wait3A_117 = arith.constant 0 : i32
        %dma_wait3A_118 = tpu.memref_slice %arg10[%run_scoped3A_81, %dma_wait3A_116, %dma_wait3A_117] : memref<2x80x128xf32, #tpu.memory_space<vmem>> -> memref<1x80x128xf32, #tpu.memory_space<vmem>>
        %dma_wait3A_119 = tpu.memref_squeeze %dma_wait3A_118 : memref<1x80x128xf32, #tpu.memory_space<vmem>> -> memref<80x128xf32, #tpu.memory_space<vmem>>
        %dma_wait3A_120 = arith.constant 0 : i32
        %dma_wait3A_121 = tpu.memref_slice %arg11[%add3A_80, %dma_wait3A_120] : memref<10240x128xf32, #tpu.memory_space<vmem_shared>> -> memref<80x128xf32, #tpu.memory_space<vmem_shared>>
        %dma_wait3A_122 = arith.constant 0 : i32
        %dma_wait3A_123 = arith.constant 0 : i32
        %dma_wait3A_124 = tpu.memref_slice %arg10[%run_scoped3A_81, %dma_wait3A_122, %dma_wait3A_123] : memref<2x80x128xf32, #tpu.memory_space<vmem>> -> memref<1x80x128xf32, #tpu.memory_space<vmem>>
        %dma_wait3A_125 = tpu.memref_squeeze %dma_wait3A_124 : memref<1x80x128xf32, #tpu.memory_space<vmem>> -> memref<80x128xf32, #tpu.memory_space<vmem>>
        %dma_wait3A_126 = arith.constant 0 : i32
        %dma_wait3A_127 = tpu.memref_slice %arg11[%add3A_80, %dma_wait3A_126] : memref<10240x128xf32, #tpu.memory_space<vmem_shared>> -> memref<80x128xf32, #tpu.memory_space<vmem_shared>>
        tpu.wait_dma2 semaphore(%run_scoped3A_103 : memref<!tpu.dma_semaphore, #tpu.memory_space<semaphore_mem>>) src(%dma_wait3A_127 : memref<80x128xf32, #tpu.memory_space<vmem_shared>>) dst(%dma_wait3A_125 : memref<80x128xf32, #tpu.memory_space<vmem>>)
        tpu.yield
      }) : () -> ()
      %run_scoped3A_82 = arith.constant 0 : i32
      "tpu.region"() ({
        %run_scoped3A_103 = tpu.sem_alloc : memref<!tpu.dma_semaphore, #tpu.memory_space<semaphore_mem>>
        %dma_start3A_104 = arith.constant 0 : i32
        %dma_start3A_105 = arith.constant 0 : i32
        %dma_start3A_106 = tpu.memref_slice %arg10[%run_scoped3A_82, %dma_start3A_104, %dma_start3A_105] : memref<2x80x128xf32, #tpu.memory_space<vmem>> -> memref<1x80x128xf32, #tpu.memory_space<vmem>>
        %dma_start3A_107 = tpu.memref_squeeze %dma_start3A_106 : memref<1x80x128xf32, #tpu.memory_space<vmem>> -> memref<80x128xf32, #tpu.memory_space<vmem>>
        %dma_start3A_108 = arith.constant 0 : i32
        %dma_start3A_109 = tpu.memref_slice %arg6[%add3A_80, %dma_start3A_108] : memref<10240x128xf32, #tpu.memory_space<hbm>> -> memref<80x128xf32, #tpu.memory_space<hbm>>
        %dma_start3A_110 = arith.constant 0 : i32
        %dma_start3A_111 = tpu.memref_slice %arg6[%add3A_80, %dma_start3A_110] : memref<10240x128xf32, #tpu.memory_space<hbm>> -> memref<80x128xf32, #tpu.memory_space<hbm>>
        %dma_start3A_112 = arith.constant 0 : i32
        %dma_start3A_113 = arith.constant 0 : i32
        %dma_start3A_114 = tpu.memref_slice %arg10[%run_scoped3A_82, %dma_start3A_112, %dma_start3A_113] : memref<2x80x128xf32, #tpu.memory_space<vmem>> -> memref<1x80x128xf32, #tpu.memory_space<vmem>>
        %dma_start3A_115 = tpu.memref_squeeze %dma_start3A_114 : memref<1x80x128xf32, #tpu.memory_space<vmem>> -> memref<80x128xf32, #tpu.memory_space<vmem>>
        tpu.enqueue_dma source(%dma_start3A_115 : memref<80x128xf32, #tpu.memory_space<vmem>>) target(%dma_start3A_111 : memref<80x128xf32, #tpu.memory_space<hbm>>) target_semaphore(%run_scoped3A_103 : memref<!tpu.dma_semaphore, #tpu.memory_space<semaphore_mem>>)
        %dma_wait3A_116 = arith.constant 0 : i32
        %dma_wait3A_117 = arith.constant 0 : i32
        %dma_wait3A_118 = tpu.memref_slice %arg10[%run_scoped3A_82, %dma_wait3A_116, %dma_wait3A_117] : memref<2x80x128xf32, #tpu.memory_space<vmem>> -> memref<1x80x128xf32, #tpu.memory_space<vmem>>
        %dma_wait3A_119 = tpu.memref_squeeze %dma_wait3A_118 : memref<1x80x128xf32, #tpu.memory_space<vmem>> -> memref<80x128xf32, #tpu.memory_space<vmem>>
        %dma_wait3A_120 = arith.constant 0 : i32
        %dma_wait3A_121 = tpu.memref_slice %arg6[%add3A_80, %dma_wait3A_120] : memref<10240x128xf32, #tpu.memory_space<hbm>> -> memref<80x128xf32, #tpu.memory_space<hbm>>
        %dma_wait3A_122 = arith.constant 0 : i32
        %dma_wait3A_123 = tpu.memref_slice %arg6[%add3A_80, %dma_wait3A_122] : memref<10240x128xf32, #tpu.memory_space<hbm>> -> memref<80x128xf32, #tpu.memory_space<hbm>>
        %dma_wait3A_124 = arith.constant 0 : i32
        %dma_wait3A_125 = arith.constant 0 : i32
        %dma_wait3A_126 = tpu.memref_slice %arg10[%run_scoped3A_82, %dma_wait3A_124, %dma_wait3A_125] : memref<2x80x128xf32, #tpu.memory_space<vmem>> -> memref<1x80x128xf32, #tpu.memory_space<vmem>>
        %dma_wait3A_127 = tpu.memref_squeeze %dma_wait3A_126 : memref<1x80x128xf32, #tpu.memory_space<vmem>> -> memref<80x128xf32, #tpu.memory_space<vmem>>
        tpu.wait_dma2 semaphore(%run_scoped3A_103 : memref<!tpu.dma_semaphore, #tpu.memory_space<semaphore_mem>>) src(%dma_wait3A_127 : memref<80x128xf32, #tpu.memory_space<vmem>>) dst(%dma_wait3A_123 : memref<80x128xf32, #tpu.memory_space<hbm>>)
        tpu.yield
      }) : () -> ()
      %add3A_83 = arith.constant 240 : i32
      %add3A_84 = arith.addi %mul3A_2, %add3A_83 : i32
      %run_scoped3A_85 = arith.constant 0 : i32
      "tpu.region"() ({
        %run_scoped3A_103 = tpu.sem_alloc : memref<!tpu.dma_semaphore, #tpu.memory_space<semaphore_mem>>
        %dma_start3A_104 = arith.constant 0 : i32
        %dma_start3A_105 = arith.constant 0 : i32
        %dma_start3A_106 = tpu.memref_slice %arg10[%run_scoped3A_85, %dma_start3A_104, %dma_start3A_105] : memref<2x80x128xf32, #tpu.memory_space<vmem>> -> memref<1x80x128xf32, #tpu.memory_space<vmem>>
        %dma_start3A_107 = tpu.memref_squeeze %dma_start3A_106 : memref<1x80x128xf32, #tpu.memory_space<vmem>> -> memref<80x128xf32, #tpu.memory_space<vmem>>
        %dma_start3A_108 = arith.constant 0 : i32
        %dma_start3A_109 = tpu.memref_slice %arg11[%add3A_84, %dma_start3A_108] : memref<10240x128xf32, #tpu.memory_space<vmem_shared>> -> memref<80x128xf32, #tpu.memory_space<vmem_shared>>
        %dma_start3A_110 = arith.constant 0 : i32
        %dma_start3A_111 = arith.constant 0 : i32
        %dma_start3A_112 = tpu.memref_slice %arg10[%run_scoped3A_85, %dma_start3A_110, %dma_start3A_111] : memref<2x80x128xf32, #tpu.memory_space<vmem>> -> memref<1x80x128xf32, #tpu.memory_space<vmem>>
        %dma_start3A_113 = tpu.memref_squeeze %dma_start3A_112 : memref<1x80x128xf32, #tpu.memory_space<vmem>> -> memref<80x128xf32, #tpu.memory_space<vmem>>
        %dma_start3A_114 = arith.constant 0 : i32
        %dma_start3A_115 = tpu.memref_slice %arg11[%add3A_84, %dma_start3A_114] : memref<10240x128xf32, #tpu.memory_space<vmem_shared>> -> memref<80x128xf32, #tpu.memory_space<vmem_shared>>
        tpu.enqueue_dma source(%dma_start3A_115 : memref<80x128xf32, #tpu.memory_space<vmem_shared>>) target(%dma_start3A_113 : memref<80x128xf32, #tpu.memory_space<vmem>>) target_semaphore(%run_scoped3A_103 : memref<!tpu.dma_semaphore, #tpu.memory_space<semaphore_mem>>)
        %dma_wait3A_116 = arith.constant 0 : i32
        %dma_wait3A_117 = arith.constant 0 : i32
        %dma_wait3A_118 = tpu.memref_slice %arg10[%run_scoped3A_85, %dma_wait3A_116, %dma_wait3A_117] : memref<2x80x128xf32, #tpu.memory_space<vmem>> -> memref<1x80x128xf32, #tpu.memory_space<vmem>>
        %dma_wait3A_119 = tpu.memref_squeeze %dma_wait3A_118 : memref<1x80x128xf32, #tpu.memory_space<vmem>> -> memref<80x128xf32, #tpu.memory_space<vmem>>
        %dma_wait3A_120 = arith.constant 0 : i32
        %dma_wait3A_121 = tpu.memref_slice %arg11[%add3A_84, %dma_wait3A_120] : memref<10240x128xf32, #tpu.memory_space<vmem_shared>> -> memref<80x128xf32, #tpu.memory_space<vmem_shared>>
        %dma_wait3A_122 = arith.constant 0 : i32
        %dma_wait3A_123 = arith.constant 0 : i32
        %dma_wait3A_124 = tpu.memref_slice %arg10[%run_scoped3A_85, %dma_wait3A_122, %dma_wait3A_123] : memref<2x80x128xf32, #tpu.memory_space<vmem>> -> memref<1x80x128xf32, #tpu.memory_space<vmem>>
        %dma_wait3A_125 = tpu.memref_squeeze %dma_wait3A_124 : memref<1x80x128xf32, #tpu.memory_space<vmem>> -> memref<80x128xf32, #tpu.memory_space<vmem>>
        %dma_wait3A_126 = arith.constant 0 : i32
        %dma_wait3A_127 = tpu.memref_slice %arg11[%add3A_84, %dma_wait3A_126] : memref<10240x128xf32, #tpu.memory_space<vmem_shared>> -> memref<80x128xf32, #tpu.memory_space<vmem_shared>>
        tpu.wait_dma2 semaphore(%run_scoped3A_103 : memref<!tpu.dma_semaphore, #tpu.memory_space<semaphore_mem>>) src(%dma_wait3A_127 : memref<80x128xf32, #tpu.memory_space<vmem_shared>>) dst(%dma_wait3A_125 : memref<80x128xf32, #tpu.memory_space<vmem>>)
        tpu.yield
      }) : () -> ()
      %run_scoped3A_86 = arith.constant 0 : i32
      "tpu.region"() ({
        %run_scoped3A_103 = tpu.sem_alloc : memref<!tpu.dma_semaphore, #tpu.memory_space<semaphore_mem>>
        %dma_start3A_104 = arith.constant 0 : i32
        %dma_start3A_105 = arith.constant 0 : i32
        %dma_start3A_106 = tpu.memref_slice %arg10[%run_scoped3A_86, %dma_start3A_104, %dma_start3A_105] : memref<2x80x128xf32, #tpu.memory_space<vmem>> -> memref<1x80x128xf32, #tpu.memory_space<vmem>>
        %dma_start3A_107 = tpu.memref_squeeze %dma_start3A_106 : memref<1x80x128xf32, #tpu.memory_space<vmem>> -> memref<80x128xf32, #tpu.memory_space<vmem>>
        %dma_start3A_108 = arith.constant 0 : i32
        %dma_start3A_109 = tpu.memref_slice %arg6[%add3A_84, %dma_start3A_108] : memref<10240x128xf32, #tpu.memory_space<hbm>> -> memref<80x128xf32, #tpu.memory_space<hbm>>
        %dma_start3A_110 = arith.constant 0 : i32
        %dma_start3A_111 = tpu.memref_slice %arg6[%add3A_84, %dma_start3A_110] : memref<10240x128xf32, #tpu.memory_space<hbm>> -> memref<80x128xf32, #tpu.memory_space<hbm>>
        %dma_start3A_112 = arith.constant 0 : i32
        %dma_start3A_113 = arith.constant 0 : i32
        %dma_start3A_114 = tpu.memref_slice %arg10[%run_scoped3A_86, %dma_start3A_112, %dma_start3A_113] : memref<2x80x128xf32, #tpu.memory_space<vmem>> -> memref<1x80x128xf32, #tpu.memory_space<vmem>>
        %dma_start3A_115 = tpu.memref_squeeze %dma_start3A_114 : memref<1x80x128xf32, #tpu.memory_space<vmem>> -> memref<80x128xf32, #tpu.memory_space<vmem>>
        tpu.enqueue_dma source(%dma_start3A_115 : memref<80x128xf32, #tpu.memory_space<vmem>>) target(%dma_start3A_111 : memref<80x128xf32, #tpu.memory_space<hbm>>) target_semaphore(%run_scoped3A_103 : memref<!tpu.dma_semaphore, #tpu.memory_space<semaphore_mem>>)
        %dma_wait3A_116 = arith.constant 0 : i32
        %dma_wait3A_117 = arith.constant 0 : i32
        %dma_wait3A_118 = tpu.memref_slice %arg10[%run_scoped3A_86, %dma_wait3A_116, %dma_wait3A_117] : memref<2x80x128xf32, #tpu.memory_space<vmem>> -> memref<1x80x128xf32, #tpu.memory_space<vmem>>
        %dma_wait3A_119 = tpu.memref_squeeze %dma_wait3A_118 : memref<1x80x128xf32, #tpu.memory_space<vmem>> -> memref<80x128xf32, #tpu.memory_space<vmem>>
        %dma_wait3A_120 = arith.constant 0 : i32
        %dma_wait3A_121 = tpu.memref_slice %arg6[%add3A_84, %dma_wait3A_120] : memref<10240x128xf32, #tpu.memory_space<hbm>> -> memref<80x128xf32, #tpu.memory_space<hbm>>
        %dma_wait3A_122 = arith.constant 0 : i32
        %dma_wait3A_123 = tpu.memref_slice %arg6[%add3A_84, %dma_wait3A_122] : memref<10240x128xf32, #tpu.memory_space<hbm>> -> memref<80x128xf32, #tpu.memory_space<hbm>>
        %dma_wait3A_124 = arith.constant 0 : i32
        %dma_wait3A_125 = arith.constant 0 : i32
        %dma_wait3A_126 = tpu.memref_slice %arg10[%run_scoped3A_86, %dma_wait3A_124, %dma_wait3A_125] : memref<2x80x128xf32, #tpu.memory_space<vmem>> -> memref<1x80x128xf32, #tpu.memory_space<vmem>>
        %dma_wait3A_127 = tpu.memref_squeeze %dma_wait3A_126 : memref<1x80x128xf32, #tpu.memory_space<vmem>> -> memref<80x128xf32, #tpu.memory_space<vmem>>
        tpu.wait_dma2 semaphore(%run_scoped3A_103 : memref<!tpu.dma_semaphore, #tpu.memory_space<semaphore_mem>>) src(%dma_wait3A_127 : memref<80x128xf32, #tpu.memory_space<vmem>>) dst(%dma_wait3A_123 : memref<80x128xf32, #tpu.memory_space<hbm>>)
        tpu.yield
      }) : () -> ()
      %add3A_87 = arith.constant 320 : i32
      %add3A_88 = arith.addi %mul3A_2, %add3A_87 : i32
      %run_scoped3A_89 = arith.constant 0 : i32
      "tpu.region"() ({
        %run_scoped3A_103 = tpu.sem_alloc : memref<!tpu.dma_semaphore, #tpu.memory_space<semaphore_mem>>
        %dma_start3A_104 = arith.constant 0 : i32
        %dma_start3A_105 = arith.constant 0 : i32
        %dma_start3A_106 = tpu.memref_slice %arg10[%run_scoped3A_89, %dma_start3A_104, %dma_start3A_105] : memref<2x80x128xf32, #tpu.memory_space<vmem>> -> memref<1x80x128xf32, #tpu.memory_space<vmem>>
        %dma_start3A_107 = tpu.memref_squeeze %dma_start3A_106 : memref<1x80x128xf32, #tpu.memory_space<vmem>> -> memref<80x128xf32, #tpu.memory_space<vmem>>
        %dma_start3A_108 = arith.constant 0 : i32
        %dma_start3A_109 = tpu.memref_slice %arg11[%add3A_88, %dma_start3A_108] : memref<10240x128xf32, #tpu.memory_space<vmem_shared>> -> memref<80x128xf32, #tpu.memory_space<vmem_shared>>
        %dma_start3A_110 = arith.constant 0 : i32
        %dma_start3A_111 = arith.constant 0 : i32
        %dma_start3A_112 = tpu.memref_slice %arg10[%run_scoped3A_89, %dma_start3A_110, %dma_start3A_111] : memref<2x80x128xf32, #tpu.memory_space<vmem>> -> memref<1x80x128xf32, #tpu.memory_space<vmem>>
        %dma_start3A_113 = tpu.memref_squeeze %dma_start3A_112 : memref<1x80x128xf32, #tpu.memory_space<vmem>> -> memref<80x128xf32, #tpu.memory_space<vmem>>
        %dma_start3A_114 = arith.constant 0 : i32
        %dma_start3A_115 = tpu.memref_slice %arg11[%add3A_88, %dma_start3A_114] : memref<10240x128xf32, #tpu.memory_space<vmem_shared>> -> memref<80x128xf32, #tpu.memory_space<vmem_shared>>
        tpu.enqueue_dma source(%dma_start3A_115 : memref<80x128xf32, #tpu.memory_space<vmem_shared>>) target(%dma_start3A_113 : memref<80x128xf32, #tpu.memory_space<vmem>>) target_semaphore(%run_scoped3A_103 : memref<!tpu.dma_semaphore, #tpu.memory_space<semaphore_mem>>)
        %dma_wait3A_116 = arith.constant 0 : i32
        %dma_wait3A_117 = arith.constant 0 : i32
        %dma_wait3A_118 = tpu.memref_slice %arg10[%run_scoped3A_89, %dma_wait3A_116, %dma_wait3A_117] : memref<2x80x128xf32, #tpu.memory_space<vmem>> -> memref<1x80x128xf32, #tpu.memory_space<vmem>>
        %dma_wait3A_119 = tpu.memref_squeeze %dma_wait3A_118 : memref<1x80x128xf32, #tpu.memory_space<vmem>> -> memref<80x128xf32, #tpu.memory_space<vmem>>
        %dma_wait3A_120 = arith.constant 0 : i32
        %dma_wait3A_121 = tpu.memref_slice %arg11[%add3A_88, %dma_wait3A_120] : memref<10240x128xf32, #tpu.memory_space<vmem_shared>> -> memref<80x128xf32, #tpu.memory_space<vmem_shared>>
        %dma_wait3A_122 = arith.constant 0 : i32
        %dma_wait3A_123 = arith.constant 0 : i32
        %dma_wait3A_124 = tpu.memref_slice %arg10[%run_scoped3A_89, %dma_wait3A_122, %dma_wait3A_123] : memref<2x80x128xf32, #tpu.memory_space<vmem>> -> memref<1x80x128xf32, #tpu.memory_space<vmem>>
        %dma_wait3A_125 = tpu.memref_squeeze %dma_wait3A_124 : memref<1x80x128xf32, #tpu.memory_space<vmem>> -> memref<80x128xf32, #tpu.memory_space<vmem>>
        %dma_wait3A_126 = arith.constant 0 : i32
        %dma_wait3A_127 = tpu.memref_slice %arg11[%add3A_88, %dma_wait3A_126] : memref<10240x128xf32, #tpu.memory_space<vmem_shared>> -> memref<80x128xf32, #tpu.memory_space<vmem_shared>>
        tpu.wait_dma2 semaphore(%run_scoped3A_103 : memref<!tpu.dma_semaphore, #tpu.memory_space<semaphore_mem>>) src(%dma_wait3A_127 : memref<80x128xf32, #tpu.memory_space<vmem_shared>>) dst(%dma_wait3A_125 : memref<80x128xf32, #tpu.memory_space<vmem>>)
        tpu.yield
      }) : () -> ()
      %run_scoped3A_90 = arith.constant 0 : i32
      "tpu.region"() ({
        %run_scoped3A_103 = tpu.sem_alloc : memref<!tpu.dma_semaphore, #tpu.memory_space<semaphore_mem>>
        %dma_start3A_104 = arith.constant 0 : i32
        %dma_start3A_105 = arith.constant 0 : i32
        %dma_start3A_106 = tpu.memref_slice %arg10[%run_scoped3A_90, %dma_start3A_104, %dma_start3A_105] : memref<2x80x128xf32, #tpu.memory_space<vmem>> -> memref<1x80x128xf32, #tpu.memory_space<vmem>>
        %dma_start3A_107 = tpu.memref_squeeze %dma_start3A_106 : memref<1x80x128xf32, #tpu.memory_space<vmem>> -> memref<80x128xf32, #tpu.memory_space<vmem>>
        %dma_start3A_108 = arith.constant 0 : i32
        %dma_start3A_109 = tpu.memref_slice %arg6[%add3A_88, %dma_start3A_108] : memref<10240x128xf32, #tpu.memory_space<hbm>> -> memref<80x128xf32, #tpu.memory_space<hbm>>
        %dma_start3A_110 = arith.constant 0 : i32
        %dma_start3A_111 = tpu.memref_slice %arg6[%add3A_88, %dma_start3A_110] : memref<10240x128xf32, #tpu.memory_space<hbm>> -> memref<80x128xf32, #tpu.memory_space<hbm>>
        %dma_start3A_112 = arith.constant 0 : i32
        %dma_start3A_113 = arith.constant 0 : i32
        %dma_start3A_114 = tpu.memref_slice %arg10[%run_scoped3A_90, %dma_start3A_112, %dma_start3A_113] : memref<2x80x128xf32, #tpu.memory_space<vmem>> -> memref<1x80x128xf32, #tpu.memory_space<vmem>>
        %dma_start3A_115 = tpu.memref_squeeze %dma_start3A_114 : memref<1x80x128xf32, #tpu.memory_space<vmem>> -> memref<80x128xf32, #tpu.memory_space<vmem>>
        tpu.enqueue_dma source(%dma_start3A_115 : memref<80x128xf32, #tpu.memory_space<vmem>>) target(%dma_start3A_111 : memref<80x128xf32, #tpu.memory_space<hbm>>) target_semaphore(%run_scoped3A_103 : memref<!tpu.dma_semaphore, #tpu.memory_space<semaphore_mem>>)
        %dma_wait3A_116 = arith.constant 0 : i32
        %dma_wait3A_117 = arith.constant 0 : i32
        %dma_wait3A_118 = tpu.memref_slice %arg10[%run_scoped3A_90, %dma_wait3A_116, %dma_wait3A_117] : memref<2x80x128xf32, #tpu.memory_space<vmem>> -> memref<1x80x128xf32, #tpu.memory_space<vmem>>
        %dma_wait3A_119 = tpu.memref_squeeze %dma_wait3A_118 : memref<1x80x128xf32, #tpu.memory_space<vmem>> -> memref<80x128xf32, #tpu.memory_space<vmem>>
        %dma_wait3A_120 = arith.constant 0 : i32
        %dma_wait3A_121 = tpu.memref_slice %arg6[%add3A_88, %dma_wait3A_120] : memref<10240x128xf32, #tpu.memory_space<hbm>> -> memref<80x128xf32, #tpu.memory_space<hbm>>
        %dma_wait3A_122 = arith.constant 0 : i32
        %dma_wait3A_123 = tpu.memref_slice %arg6[%add3A_88, %dma_wait3A_122] : memref<10240x128xf32, #tpu.memory_space<hbm>> -> memref<80x128xf32, #tpu.memory_space<hbm>>
        %dma_wait3A_124 = arith.constant 0 : i32
        %dma_wait3A_125 = arith.constant 0 : i32
        %dma_wait3A_126 = tpu.memref_slice %arg10[%run_scoped3A_90, %dma_wait3A_124, %dma_wait3A_125] : memref<2x80x128xf32, #tpu.memory_space<vmem>> -> memref<1x80x128xf32, #tpu.memory_space<vmem>>
        %dma_wait3A_127 = tpu.memref_squeeze %dma_wait3A_126 : memref<1x80x128xf32, #tpu.memory_space<vmem>> -> memref<80x128xf32, #tpu.memory_space<vmem>>
        tpu.wait_dma2 semaphore(%run_scoped3A_103 : memref<!tpu.dma_semaphore, #tpu.memory_space<semaphore_mem>>) src(%dma_wait3A_127 : memref<80x128xf32, #tpu.memory_space<vmem>>) dst(%dma_wait3A_123 : memref<80x128xf32, #tpu.memory_space<hbm>>)
        tpu.yield
      }) : () -> ()
      %add3A_91 = arith.constant 400 : i32
      %add3A_92 = arith.addi %mul3A_2, %add3A_91 : i32
      %run_scoped3A_93 = arith.constant 0 : i32
      "tpu.region"() ({
        %run_scoped3A_103 = tpu.sem_alloc : memref<!tpu.dma_semaphore, #tpu.memory_space<semaphore_mem>>
        %dma_start3A_104 = arith.constant 0 : i32
        %dma_start3A_105 = arith.constant 0 : i32
        %dma_start3A_106 = tpu.memref_slice %arg10[%run_scoped3A_93, %dma_start3A_104, %dma_start3A_105] : memref<2x80x128xf32, #tpu.memory_space<vmem>> -> memref<1x80x128xf32, #tpu.memory_space<vmem>>
        %dma_start3A_107 = tpu.memref_squeeze %dma_start3A_106 : memref<1x80x128xf32, #tpu.memory_space<vmem>> -> memref<80x128xf32, #tpu.memory_space<vmem>>
        %dma_start3A_108 = arith.constant 0 : i32
        %dma_start3A_109 = tpu.memref_slice %arg11[%add3A_92, %dma_start3A_108] : memref<10240x128xf32, #tpu.memory_space<vmem_shared>> -> memref<80x128xf32, #tpu.memory_space<vmem_shared>>
        %dma_start3A_110 = arith.constant 0 : i32
        %dma_start3A_111 = arith.constant 0 : i32
        %dma_start3A_112 = tpu.memref_slice %arg10[%run_scoped3A_93, %dma_start3A_110, %dma_start3A_111] : memref<2x80x128xf32, #tpu.memory_space<vmem>> -> memref<1x80x128xf32, #tpu.memory_space<vmem>>
        %dma_start3A_113 = tpu.memref_squeeze %dma_start3A_112 : memref<1x80x128xf32, #tpu.memory_space<vmem>> -> memref<80x128xf32, #tpu.memory_space<vmem>>
        %dma_start3A_114 = arith.constant 0 : i32
        %dma_start3A_115 = tpu.memref_slice %arg11[%add3A_92, %dma_start3A_114] : memref<10240x128xf32, #tpu.memory_space<vmem_shared>> -> memref<80x128xf32, #tpu.memory_space<vmem_shared>>
        tpu.enqueue_dma source(%dma_start3A_115 : memref<80x128xf32, #tpu.memory_space<vmem_shared>>) target(%dma_start3A_113 : memref<80x128xf32, #tpu.memory_space<vmem>>) target_semaphore(%run_scoped3A_103 : memref<!tpu.dma_semaphore, #tpu.memory_space<semaphore_mem>>)
        %dma_wait3A_116 = arith.constant 0 : i32
        %dma_wait3A_117 = arith.constant 0 : i32
        %dma_wait3A_118 = tpu.memref_slice %arg10[%run_scoped3A_93, %dma_wait3A_116, %dma_wait3A_117] : memref<2x80x128xf32, #tpu.memory_space<vmem>> -> memref<1x80x128xf32, #tpu.memory_space<vmem>>
        %dma_wait3A_119 = tpu.memref_squeeze %dma_wait3A_118 : memref<1x80x128xf32, #tpu.memory_space<vmem>> -> memref<80x128xf32, #tpu.memory_space<vmem>>
        %dma_wait3A_120 = arith.constant 0 : i32
        %dma_wait3A_121 = tpu.memref_slice %arg11[%add3A_92, %dma_wait3A_120] : memref<10240x128xf32, #tpu.memory_space<vmem_shared>> -> memref<80x128xf32, #tpu.memory_space<vmem_shared>>
        %dma_wait3A_122 = arith.constant 0 : i32
        %dma_wait3A_123 = arith.constant 0 : i32
        %dma_wait3A_124 = tpu.memref_slice %arg10[%run_scoped3A_93, %dma_wait3A_122, %dma_wait3A_123] : memref<2x80x128xf32, #tpu.memory_space<vmem>> -> memref<1x80x128xf32, #tpu.memory_space<vmem>>
        %dma_wait3A_125 = tpu.memref_squeeze %dma_wait3A_124 : memref<1x80x128xf32, #tpu.memory_space<vmem>> -> memref<80x128xf32, #tpu.memory_space<vmem>>
        %dma_wait3A_126 = arith.constant 0 : i32
        %dma_wait3A_127 = tpu.memref_slice %arg11[%add3A_92, %dma_wait3A_126] : memref<10240x128xf32, #tpu.memory_space<vmem_shared>> -> memref<80x128xf32, #tpu.memory_space<vmem_shared>>
        tpu.wait_dma2 semaphore(%run_scoped3A_103 : memref<!tpu.dma_semaphore, #tpu.memory_space<semaphore_mem>>) src(%dma_wait3A_127 : memref<80x128xf32, #tpu.memory_space<vmem_shared>>) dst(%dma_wait3A_125 : memref<80x128xf32, #tpu.memory_space<vmem>>)
        tpu.yield
      }) : () -> ()
      %run_scoped3A_94 = arith.constant 0 : i32
      "tpu.region"() ({
        %run_scoped3A_103 = tpu.sem_alloc : memref<!tpu.dma_semaphore, #tpu.memory_space<semaphore_mem>>
        %dma_start3A_104 = arith.constant 0 : i32
        %dma_start3A_105 = arith.constant 0 : i32
        %dma_start3A_106 = tpu.memref_slice %arg10[%run_scoped3A_94, %dma_start3A_104, %dma_start3A_105] : memref<2x80x128xf32, #tpu.memory_space<vmem>> -> memref<1x80x128xf32, #tpu.memory_space<vmem>>
        %dma_start3A_107 = tpu.memref_squeeze %dma_start3A_106 : memref<1x80x128xf32, #tpu.memory_space<vmem>> -> memref<80x128xf32, #tpu.memory_space<vmem>>
        %dma_start3A_108 = arith.constant 0 : i32
        %dma_start3A_109 = tpu.memref_slice %arg6[%add3A_92, %dma_start3A_108] : memref<10240x128xf32, #tpu.memory_space<hbm>> -> memref<80x128xf32, #tpu.memory_space<hbm>>
        %dma_start3A_110 = arith.constant 0 : i32
        %dma_start3A_111 = tpu.memref_slice %arg6[%add3A_92, %dma_start3A_110] : memref<10240x128xf32, #tpu.memory_space<hbm>> -> memref<80x128xf32, #tpu.memory_space<hbm>>
        %dma_start3A_112 = arith.constant 0 : i32
        %dma_start3A_113 = arith.constant 0 : i32
        %dma_start3A_114 = tpu.memref_slice %arg10[%run_scoped3A_94, %dma_start3A_112, %dma_start3A_113] : memref<2x80x128xf32, #tpu.memory_space<vmem>> -> memref<1x80x128xf32, #tpu.memory_space<vmem>>
        %dma_start3A_115 = tpu.memref_squeeze %dma_start3A_114 : memref<1x80x128xf32, #tpu.memory_space<vmem>> -> memref<80x128xf32, #tpu.memory_space<vmem>>
        tpu.enqueue_dma source(%dma_start3A_115 : memref<80x128xf32, #tpu.memory_space<vmem>>) target(%dma_start3A_111 : memref<80x128xf32, #tpu.memory_space<hbm>>) target_semaphore(%run_scoped3A_103 : memref<!tpu.dma_semaphore, #tpu.memory_space<semaphore_mem>>)
        %dma_wait3A_116 = arith.constant 0 : i32
        %dma_wait3A_117 = arith.constant 0 : i32
        %dma_wait3A_118 = tpu.memref_slice %arg10[%run_scoped3A_94, %dma_wait3A_116, %dma_wait3A_117] : memref<2x80x128xf32, #tpu.memory_space<vmem>> -> memref<1x80x128xf32, #tpu.memory_space<vmem>>
        %dma_wait3A_119 = tpu.memref_squeeze %dma_wait3A_118 : memref<1x80x128xf32, #tpu.memory_space<vmem>> -> memref<80x128xf32, #tpu.memory_space<vmem>>
        %dma_wait3A_120 = arith.constant 0 : i32
        %dma_wait3A_121 = tpu.memref_slice %arg6[%add3A_92, %dma_wait3A_120] : memref<10240x128xf32, #tpu.memory_space<hbm>> -> memref<80x128xf32, #tpu.memory_space<hbm>>
        %dma_wait3A_122 = arith.constant 0 : i32
        %dma_wait3A_123 = tpu.memref_slice %arg6[%add3A_92, %dma_wait3A_122] : memref<10240x128xf32, #tpu.memory_space<hbm>> -> memref<80x128xf32, #tpu.memory_space<hbm>>
        %dma_wait3A_124 = arith.constant 0 : i32
        %dma_wait3A_125 = arith.constant 0 : i32
        %dma_wait3A_126 = tpu.memref_slice %arg10[%run_scoped3A_94, %dma_wait3A_124, %dma_wait3A_125] : memref<2x80x128xf32, #tpu.memory_space<vmem>> -> memref<1x80x128xf32, #tpu.memory_space<vmem>>
        %dma_wait3A_127 = tpu.memref_squeeze %dma_wait3A_126 : memref<1x80x128xf32, #tpu.memory_space<vmem>> -> memref<80x128xf32, #tpu.memory_space<vmem>>
        tpu.wait_dma2 semaphore(%run_scoped3A_103 : memref<!tpu.dma_semaphore, #tpu.memory_space<semaphore_mem>>) src(%dma_wait3A_127 : memref<80x128xf32, #tpu.memory_space<vmem>>) dst(%dma_wait3A_123 : memref<80x128xf32, #tpu.memory_space<hbm>>)
        tpu.yield
      }) : () -> ()
      %add3A_95 = arith.constant 480 : i32
      %add3A_96 = arith.addi %mul3A_2, %add3A_95 : i32
      %run_scoped3A_97 = arith.constant 0 : i32
      "tpu.region"() ({
        %run_scoped3A_103 = tpu.sem_alloc : memref<!tpu.dma_semaphore, #tpu.memory_space<semaphore_mem>>
        %dma_start3A_104 = arith.constant 0 : i32
        %dma_start3A_105 = arith.constant 0 : i32
        %dma_start3A_106 = tpu.memref_slice %arg10[%run_scoped3A_97, %dma_start3A_104, %dma_start3A_105] : memref<2x80x128xf32, #tpu.memory_space<vmem>> -> memref<1x80x128xf32, #tpu.memory_space<vmem>>
        %dma_start3A_107 = tpu.memref_squeeze %dma_start3A_106 : memref<1x80x128xf32, #tpu.memory_space<vmem>> -> memref<80x128xf32, #tpu.memory_space<vmem>>
        %dma_start3A_108 = arith.constant 0 : i32
        %dma_start3A_109 = tpu.memref_slice %arg11[%add3A_96, %dma_start3A_108] : memref<10240x128xf32, #tpu.memory_space<vmem_shared>> -> memref<80x128xf32, #tpu.memory_space<vmem_shared>>
        %dma_start3A_110 = arith.constant 0 : i32
        %dma_start3A_111 = arith.constant 0 : i32
        %dma_start3A_112 = tpu.memref_slice %arg10[%run_scoped3A_97, %dma_start3A_110, %dma_start3A_111] : memref<2x80x128xf32, #tpu.memory_space<vmem>> -> memref<1x80x128xf32, #tpu.memory_space<vmem>>
        %dma_start3A_113 = tpu.memref_squeeze %dma_start3A_112 : memref<1x80x128xf32, #tpu.memory_space<vmem>> -> memref<80x128xf32, #tpu.memory_space<vmem>>
        %dma_start3A_114 = arith.constant 0 : i32
        %dma_start3A_115 = tpu.memref_slice %arg11[%add3A_96, %dma_start3A_114] : memref<10240x128xf32, #tpu.memory_space<vmem_shared>> -> memref<80x128xf32, #tpu.memory_space<vmem_shared>>
        tpu.enqueue_dma source(%dma_start3A_115 : memref<80x128xf32, #tpu.memory_space<vmem_shared>>) target(%dma_start3A_113 : memref<80x128xf32, #tpu.memory_space<vmem>>) target_semaphore(%run_scoped3A_103 : memref<!tpu.dma_semaphore, #tpu.memory_space<semaphore_mem>>)
        %dma_wait3A_116 = arith.constant 0 : i32
        %dma_wait3A_117 = arith.constant 0 : i32
        %dma_wait3A_118 = tpu.memref_slice %arg10[%run_scoped3A_97, %dma_wait3A_116, %dma_wait3A_117] : memref<2x80x128xf32, #tpu.memory_space<vmem>> -> memref<1x80x128xf32, #tpu.memory_space<vmem>>
        %dma_wait3A_119 = tpu.memref_squeeze %dma_wait3A_118 : memref<1x80x128xf32, #tpu.memory_space<vmem>> -> memref<80x128xf32, #tpu.memory_space<vmem>>
        %dma_wait3A_120 = arith.constant 0 : i32
        %dma_wait3A_121 = tpu.memref_slice %arg11[%add3A_96, %dma_wait3A_120] : memref<10240x128xf32, #tpu.memory_space<vmem_shared>> -> memref<80x128xf32, #tpu.memory_space<vmem_shared>>
        %dma_wait3A_122 = arith.constant 0 : i32
        %dma_wait3A_123 = arith.constant 0 : i32
        %dma_wait3A_124 = tpu.memref_slice %arg10[%run_scoped3A_97, %dma_wait3A_122, %dma_wait3A_123] : memref<2x80x128xf32, #tpu.memory_space<vmem>> -> memref<1x80x128xf32, #tpu.memory_space<vmem>>
        %dma_wait3A_125 = tpu.memref_squeeze %dma_wait3A_124 : memref<1x80x128xf32, #tpu.memory_space<vmem>> -> memref<80x128xf32, #tpu.memory_space<vmem>>
        %dma_wait3A_126 = arith.constant 0 : i32
        %dma_wait3A_127 = tpu.memref_slice %arg11[%add3A_96, %dma_wait3A_126] : memref<10240x128xf32, #tpu.memory_space<vmem_shared>> -> memref<80x128xf32, #tpu.memory_space<vmem_shared>>
        tpu.wait_dma2 semaphore(%run_scoped3A_103 : memref<!tpu.dma_semaphore, #tpu.memory_space<semaphore_mem>>) src(%dma_wait3A_127 : memref<80x128xf32, #tpu.memory_space<vmem_shared>>) dst(%dma_wait3A_125 : memref<80x128xf32, #tpu.memory_space<vmem>>)
        tpu.yield
      }) : () -> ()
      %run_scoped3A_98 = arith.constant 0 : i32
      "tpu.region"() ({
        %run_scoped3A_103 = tpu.sem_alloc : memref<!tpu.dma_semaphore, #tpu.memory_space<semaphore_mem>>
        %dma_start3A_104 = arith.constant 0 : i32
        %dma_start3A_105 = arith.constant 0 : i32
        %dma_start3A_106 = tpu.memref_slice %arg10[%run_scoped3A_98, %dma_start3A_104, %dma_start3A_105] : memref<2x80x128xf32, #tpu.memory_space<vmem>> -> memref<1x80x128xf32, #tpu.memory_space<vmem>>
        %dma_start3A_107 = tpu.memref_squeeze %dma_start3A_106 : memref<1x80x128xf32, #tpu.memory_space<vmem>> -> memref<80x128xf32, #tpu.memory_space<vmem>>
        %dma_start3A_108 = arith.constant 0 : i32
        %dma_start3A_109 = tpu.memref_slice %arg6[%add3A_96, %dma_start3A_108] : memref<10240x128xf32, #tpu.memory_space<hbm>> -> memref<80x128xf32, #tpu.memory_space<hbm>>
        %dma_start3A_110 = arith.constant 0 : i32
        %dma_start3A_111 = tpu.memref_slice %arg6[%add3A_96, %dma_start3A_110] : memref<10240x128xf32, #tpu.memory_space<hbm>> -> memref<80x128xf32, #tpu.memory_space<hbm>>
        %dma_start3A_112 = arith.constant 0 : i32
        %dma_start3A_113 = arith.constant 0 : i32
        %dma_start3A_114 = tpu.memref_slice %arg10[%run_scoped3A_98, %dma_start3A_112, %dma_start3A_113] : memref<2x80x128xf32, #tpu.memory_space<vmem>> -> memref<1x80x128xf32, #tpu.memory_space<vmem>>
        %dma_start3A_115 = tpu.memref_squeeze %dma_start3A_114 : memref<1x80x128xf32, #tpu.memory_space<vmem>> -> memref<80x128xf32, #tpu.memory_space<vmem>>
        tpu.enqueue_dma source(%dma_start3A_115 : memref<80x128xf32, #tpu.memory_space<vmem>>) target(%dma_start3A_111 : memref<80x128xf32, #tpu.memory_space<hbm>>) target_semaphore(%run_scoped3A_103 : memref<!tpu.dma_semaphore, #tpu.memory_space<semaphore_mem>>)
        %dma_wait3A_116 = arith.constant 0 : i32
        %dma_wait3A_117 = arith.constant 0 : i32
        %dma_wait3A_118 = tpu.memref_slice %arg10[%run_scoped3A_98, %dma_wait3A_116, %dma_wait3A_117] : memref<2x80x128xf32, #tpu.memory_space<vmem>> -> memref<1x80x128xf32, #tpu.memory_space<vmem>>
        %dma_wait3A_119 = tpu.memref_squeeze %dma_wait3A_118 : memref<1x80x128xf32, #tpu.memory_space<vmem>> -> memref<80x128xf32, #tpu.memory_space<vmem>>
        %dma_wait3A_120 = arith.constant 0 : i32
        %dma_wait3A_121 = tpu.memref_slice %arg6[%add3A_96, %dma_wait3A_120] : memref<10240x128xf32, #tpu.memory_space<hbm>> -> memref<80x128xf32, #tpu.memory_space<hbm>>
        %dma_wait3A_122 = arith.constant 0 : i32
        %dma_wait3A_123 = tpu.memref_slice %arg6[%add3A_96, %dma_wait3A_122] : memref<10240x128xf32, #tpu.memory_space<hbm>> -> memref<80x128xf32, #tpu.memory_space<hbm>>
        %dma_wait3A_124 = arith.constant 0 : i32
        %dma_wait3A_125 = arith.constant 0 : i32
        %dma_wait3A_126 = tpu.memref_slice %arg10[%run_scoped3A_98, %dma_wait3A_124, %dma_wait3A_125] : memref<2x80x128xf32, #tpu.memory_space<vmem>> -> memref<1x80x128xf32, #tpu.memory_space<vmem>>
        %dma_wait3A_127 = tpu.memref_squeeze %dma_wait3A_126 : memref<1x80x128xf32, #tpu.memory_space<vmem>> -> memref<80x128xf32, #tpu.memory_space<vmem>>
        tpu.wait_dma2 semaphore(%run_scoped3A_103 : memref<!tpu.dma_semaphore, #tpu.memory_space<semaphore_mem>>) src(%dma_wait3A_127 : memref<80x128xf32, #tpu.memory_space<vmem>>) dst(%dma_wait3A_123 : memref<80x128xf32, #tpu.memory_space<hbm>>)
        tpu.yield
      }) : () -> ()
      %add3A_99 = arith.constant 560 : i32
      %add3A_100 = arith.addi %mul3A_2, %add3A_99 : i32
      %run_scoped3A_101 = arith.constant 0 : i32
      "tpu.region"() ({
        %run_scoped3A_103 = tpu.sem_alloc : memref<!tpu.dma_semaphore, #tpu.memory_space<semaphore_mem>>
        %dma_start3A_104 = arith.constant 0 : i32
        %dma_start3A_105 = arith.constant 0 : i32
        %dma_start3A_106 = tpu.memref_slice %arg10[%run_scoped3A_101, %dma_start3A_104, %dma_start3A_105] : memref<2x80x128xf32, #tpu.memory_space<vmem>> -> memref<1x80x128xf32, #tpu.memory_space<vmem>>
        %dma_start3A_107 = tpu.memref_squeeze %dma_start3A_106 : memref<1x80x128xf32, #tpu.memory_space<vmem>> -> memref<80x128xf32, #tpu.memory_space<vmem>>
        %dma_start3A_108 = arith.constant 0 : i32
        %dma_start3A_109 = tpu.memref_slice %arg11[%add3A_100, %dma_start3A_108] : memref<10240x128xf32, #tpu.memory_space<vmem_shared>> -> memref<80x128xf32, #tpu.memory_space<vmem_shared>>
        %dma_start3A_110 = arith.constant 0 : i32
        %dma_start3A_111 = arith.constant 0 : i32
        %dma_start3A_112 = tpu.memref_slice %arg10[%run_scoped3A_101, %dma_start3A_110, %dma_start3A_111] : memref<2x80x128xf32, #tpu.memory_space<vmem>> -> memref<1x80x128xf32, #tpu.memory_space<vmem>>
        %dma_start3A_113 = tpu.memref_squeeze %dma_start3A_112 : memref<1x80x128xf32, #tpu.memory_space<vmem>> -> memref<80x128xf32, #tpu.memory_space<vmem>>
        %dma_start3A_114 = arith.constant 0 : i32
        %dma_start3A_115 = tpu.memref_slice %arg11[%add3A_100, %dma_start3A_114] : memref<10240x128xf32, #tpu.memory_space<vmem_shared>> -> memref<80x128xf32, #tpu.memory_space<vmem_shared>>
        tpu.enqueue_dma source(%dma_start3A_115 : memref<80x128xf32, #tpu.memory_space<vmem_shared>>) target(%dma_start3A_113 : memref<80x128xf32, #tpu.memory_space<vmem>>) target_semaphore(%run_scoped3A_103 : memref<!tpu.dma_semaphore, #tpu.memory_space<semaphore_mem>>)
        %dma_wait3A_116 = arith.constant 0 : i32
        %dma_wait3A_117 = arith.constant 0 : i32
        %dma_wait3A_118 = tpu.memref_slice %arg10[%run_scoped3A_101, %dma_wait3A_116, %dma_wait3A_117] : memref<2x80x128xf32, #tpu.memory_space<vmem>> -> memref<1x80x128xf32, #tpu.memory_space<vmem>>
        %dma_wait3A_119 = tpu.memref_squeeze %dma_wait3A_118 : memref<1x80x128xf32, #tpu.memory_space<vmem>> -> memref<80x128xf32, #tpu.memory_space<vmem>>
        %dma_wait3A_120 = arith.constant 0 : i32
        %dma_wait3A_121 = tpu.memref_slice %arg11[%add3A_100, %dma_wait3A_120] : memref<10240x128xf32, #tpu.memory_space<vmem_shared>> -> memref<80x128xf32, #tpu.memory_space<vmem_shared>>
        %dma_wait3A_122 = arith.constant 0 : i32
        %dma_wait3A_123 = arith.constant 0 : i32
        %dma_wait3A_124 = tpu.memref_slice %arg10[%run_scoped3A_101, %dma_wait3A_122, %dma_wait3A_123] : memref<2x80x128xf32, #tpu.memory_space<vmem>> -> memref<1x80x128xf32, #tpu.memory_space<vmem>>
        %dma_wait3A_125 = tpu.memref_squeeze %dma_wait3A_124 : memref<1x80x128xf32, #tpu.memory_space<vmem>> -> memref<80x128xf32, #tpu.memory_space<vmem>>
        %dma_wait3A_126 = arith.constant 0 : i32
        %dma_wait3A_127 = tpu.memref_slice %arg11[%add3A_100, %dma_wait3A_126] : memref<10240x128xf32, #tpu.memory_space<vmem_shared>> -> memref<80x128xf32, #tpu.memory_space<vmem_shared>>
        tpu.wait_dma2 semaphore(%run_scoped3A_103 : memref<!tpu.dma_semaphore, #tpu.memory_space<semaphore_mem>>) src(%dma_wait3A_127 : memref<80x128xf32, #tpu.memory_space<vmem_shared>>) dst(%dma_wait3A_125 : memref<80x128xf32, #tpu.memory_space<vmem>>)
        tpu.yield
      }) : () -> ()
      %run_scoped3A_102 = arith.constant 0 : i32
      "tpu.region"() ({
        %run_scoped3A_103 = tpu.sem_alloc : memref<!tpu.dma_semaphore, #tpu.memory_space<semaphore_mem>>
        %dma_start3A_104 = arith.constant 0 : i32
        %dma_start3A_105 = arith.constant 0 : i32
        %dma_start3A_106 = tpu.memref_slice %arg10[%run_scoped3A_102, %dma_start3A_104, %dma_start3A_105] : memref<2x80x128xf32, #tpu.memory_space<vmem>> -> memref<1x80x128xf32, #tpu.memory_space<vmem>>
        %dma_start3A_107 = tpu.memref_squeeze %dma_start3A_106 : memref<1x80x128xf32, #tpu.memory_space<vmem>> -> memref<80x128xf32, #tpu.memory_space<vmem>>
        %dma_start3A_108 = arith.constant 0 : i32
        %dma_start3A_109 = tpu.memref_slice %arg6[%add3A_100, %dma_start3A_108] : memref<10240x128xf32, #tpu.memory_space<hbm>> -> memref<80x128xf32, #tpu.memory_space<hbm>>
        %dma_start3A_110 = arith.constant 0 : i32
        %dma_start3A_111 = tpu.memref_slice %arg6[%add3A_100, %dma_start3A_110] : memref<10240x128xf32, #tpu.memory_space<hbm>> -> memref<80x128xf32, #tpu.memory_space<hbm>>
        %dma_start3A_112 = arith.constant 0 : i32
        %dma_start3A_113 = arith.constant 0 : i32
        %dma_start3A_114 = tpu.memref_slice %arg10[%run_scoped3A_102, %dma_start3A_112, %dma_start3A_113] : memref<2x80x128xf32, #tpu.memory_space<vmem>> -> memref<1x80x128xf32, #tpu.memory_space<vmem>>
        %dma_start3A_115 = tpu.memref_squeeze %dma_start3A_114 : memref<1x80x128xf32, #tpu.memory_space<vmem>> -> memref<80x128xf32, #tpu.memory_space<vmem>>
        tpu.enqueue_dma source(%dma_start3A_115 : memref<80x128xf32, #tpu.memory_space<vmem>>) target(%dma_start3A_111 : memref<80x128xf32, #tpu.memory_space<hbm>>) target_semaphore(%run_scoped3A_103 : memref<!tpu.dma_semaphore, #tpu.memory_space<semaphore_mem>>)
        %dma_wait3A_116 = arith.constant 0 : i32
        %dma_wait3A_117 = arith.constant 0 : i32
        %dma_wait3A_118 = tpu.memref_slice %arg10[%run_scoped3A_102, %dma_wait3A_116, %dma_wait3A_117] : memref<2x80x128xf32, #tpu.memory_space<vmem>> -> memref<1x80x128xf32, #tpu.memory_space<vmem>>
        %dma_wait3A_119 = tpu.memref_squeeze %dma_wait3A_118 : memref<1x80x128xf32, #tpu.memory_space<vmem>> -> memref<80x128xf32, #tpu.memory_space<vmem>>
        %dma_wait3A_120 = arith.constant 0 : i32
        %dma_wait3A_121 = tpu.memref_slice %arg6[%add3A_100, %dma_wait3A_120] : memref<10240x128xf32, #tpu.memory_space<hbm>> -> memref<80x128xf32, #tpu.memory_space<hbm>>
        %dma_wait3A_122 = arith.constant 0 : i32
        %dma_wait3A_123 = tpu.memref_slice %arg6[%add3A_100, %dma_wait3A_122] : memref<10240x128xf32, #tpu.memory_space<hbm>> -> memref<80x128xf32, #tpu.memory_space<hbm>>
        %dma_wait3A_124 = arith.constant 0 : i32
        %dma_wait3A_125 = arith.constant 0 : i32
        %dma_wait3A_126 = tpu.memref_slice %arg10[%run_scoped3A_102, %dma_wait3A_124, %dma_wait3A_125] : memref<2x80x128xf32, #tpu.memory_space<vmem>> -> memref<1x80x128xf32, #tpu.memory_space<vmem>>
        %dma_wait3A_127 = tpu.memref_squeeze %dma_wait3A_126 : memref<1x80x128xf32, #tpu.memory_space<vmem>> -> memref<80x128xf32, #tpu.memory_space<vmem>>
        tpu.wait_dma2 semaphore(%run_scoped3A_103 : memref<!tpu.dma_semaphore, #tpu.memory_space<semaphore_mem>>) src(%dma_wait3A_127 : memref<80x128xf32, #tpu.memory_space<vmem>>) dst(%dma_wait3A_123 : memref<80x128xf32, #tpu.memory_space<hbm>>)
        tpu.yield
      }) : () -> ()
    } else {
    }
    %eq3A_66 = arith.constant 1 : i32
    %eq3A_67 = arith.cmpi eq, %arg0, %eq3A_66 : i32
    %convert_element_type3A_68 = arith.extui %eq3A_67 : i1 to i32
    %cond3A_69 = arith.constant 0 : i32
    %cond3A_70 = arith.cmpi ne, %convert_element_type3A_68, %cond3A_69 : i32
    scf.if %cond3A_70 {
      %add3A_71 = arith.constant 0 : i32
      %add3A_72 = arith.addi %mul3A_2, %add3A_71 : i32
      %run_scoped3A_73 = arith.constant 0 : i32
      "tpu.region"() ({
        %run_scoped3A_103 = tpu.sem_alloc : memref<!tpu.dma_semaphore, #tpu.memory_space<semaphore_mem>>
        %dma_start3A_104 = arith.constant 0 : i32
        %dma_start3A_105 = arith.constant 0 : i32
        %dma_start3A_106 = tpu.memref_slice %arg10[%run_scoped3A_73, %dma_start3A_104, %dma_start3A_105] : memref<2x80x128xf32, #tpu.memory_space<vmem>> -> memref<1x80x128xf32, #tpu.memory_space<vmem>>
        %dma_start3A_107 = tpu.memref_squeeze %dma_start3A_106 : memref<1x80x128xf32, #tpu.memory_space<vmem>> -> memref<80x128xf32, #tpu.memory_space<vmem>>
        %dma_start3A_108 = arith.constant 0 : i32
        %dma_start3A_109 = tpu.memref_slice %arg11[%add3A_72, %dma_start3A_108] : memref<10240x128xf32, #tpu.memory_space<vmem_shared>> -> memref<80x128xf32, #tpu.memory_space<vmem_shared>>
        %dma_start3A_110 = arith.constant 0 : i32
        %dma_start3A_111 = arith.constant 0 : i32
        %dma_start3A_112 = tpu.memref_slice %arg10[%run_scoped3A_73, %dma_start3A_110, %dma_start3A_111] : memref<2x80x128xf32, #tpu.memory_space<vmem>> -> memref<1x80x128xf32, #tpu.memory_space<vmem>>
        %dma_start3A_113 = tpu.memref_squeeze %dma_start3A_112 : memref<1x80x128xf32, #tpu.memory_space<vmem>> -> memref<80x128xf32, #tpu.memory_space<vmem>>
        %dma_start3A_114 = arith.constant 0 : i32
        %dma_start3A_115 = tpu.memref_slice %arg11[%add3A_72, %dma_start3A_114] : memref<10240x128xf32, #tpu.memory_space<vmem_shared>> -> memref<80x128xf32, #tpu.memory_space<vmem_shared>>
        tpu.enqueue_dma source(%dma_start3A_115 : memref<80x128xf32, #tpu.memory_space<vmem_shared>>) target(%dma_start3A_113 : memref<80x128xf32, #tpu.memory_space<vmem>>) target_semaphore(%run_scoped3A_103 : memref<!tpu.dma_semaphore, #tpu.memory_space<semaphore_mem>>)
        %dma_wait3A_116 = arith.constant 0 : i32
        %dma_wait3A_117 = arith.constant 0 : i32
        %dma_wait3A_118 = tpu.memref_slice %arg10[%run_scoped3A_73, %dma_wait3A_116, %dma_wait3A_117] : memref<2x80x128xf32, #tpu.memory_space<vmem>> -> memref<1x80x128xf32, #tpu.memory_space<vmem>>
        %dma_wait3A_119 = tpu.memref_squeeze %dma_wait3A_118 : memref<1x80x128xf32, #tpu.memory_space<vmem>> -> memref<80x128xf32, #tpu.memory_space<vmem>>
        %dma_wait3A_120 = arith.constant 0 : i32
        %dma_wait3A_121 = tpu.memref_slice %arg11[%add3A_72, %dma_wait3A_120] : memref<10240x128xf32, #tpu.memory_space<vmem_shared>> -> memref<80x128xf32, #tpu.memory_space<vmem_shared>>
        %dma_wait3A_122 = arith.constant 0 : i32
        %dma_wait3A_123 = arith.constant 0 : i32
        %dma_wait3A_124 = tpu.memref_slice %arg10[%run_scoped3A_73, %dma_wait3A_122, %dma_wait3A_123] : memref<2x80x128xf32, #tpu.memory_space<vmem>> -> memref<1x80x128xf32, #tpu.memory_space<vmem>>
        %dma_wait3A_125 = tpu.memref_squeeze %dma_wait3A_124 : memref<1x80x128xf32, #tpu.memory_space<vmem>> -> memref<80x128xf32, #tpu.memory_space<vmem>>
        %dma_wait3A_126 = arith.constant 0 : i32
        %dma_wait3A_127 = tpu.memref_slice %arg11[%add3A_72, %dma_wait3A_126] : memref<10240x128xf32, #tpu.memory_space<vmem_shared>> -> memref<80x128xf32, #tpu.memory_space<vmem_shared>>
        tpu.wait_dma2 semaphore(%run_scoped3A_103 : memref<!tpu.dma_semaphore, #tpu.memory_space<semaphore_mem>>) src(%dma_wait3A_127 : memref<80x128xf32, #tpu.memory_space<vmem_shared>>) dst(%dma_wait3A_125 : memref<80x128xf32, #tpu.memory_space<vmem>>)
        tpu.yield
      }) : () -> ()
      %run_scoped3A_74 = arith.constant 0 : i32
      "tpu.region"() ({
        %run_scoped3A_103 = tpu.sem_alloc : memref<!tpu.dma_semaphore, #tpu.memory_space<semaphore_mem>>
        %dma_start3A_104 = arith.constant 0 : i32
        %dma_start3A_105 = arith.constant 0 : i32
        %dma_start3A_106 = tpu.memref_slice %arg10[%run_scoped3A_74, %dma_start3A_104, %dma_start3A_105] : memref<2x80x128xf32, #tpu.memory_space<vmem>> -> memref<1x80x128xf32, #tpu.memory_space<vmem>>
        %dma_start3A_107 = tpu.memref_squeeze %dma_start3A_106 : memref<1x80x128xf32, #tpu.memory_space<vmem>> -> memref<80x128xf32, #tpu.memory_space<vmem>>
        %dma_start3A_108 = arith.constant 0 : i32
        %dma_start3A_109 = tpu.memref_slice %arg7[%add3A_72, %dma_start3A_108] : memref<10240x128xf32, #tpu.memory_space<hbm>> -> memref<80x128xf32, #tpu.memory_space<hbm>>
        %dma_start3A_110 = arith.constant 0 : i32
        %dma_start3A_111 = tpu.memref_slice %arg7[%add3A_72, %dma_start3A_110] : memref<10240x128xf32, #tpu.memory_space<hbm>> -> memref<80x128xf32, #tpu.memory_space<hbm>>
        %dma_start3A_112 = arith.constant 0 : i32
        %dma_start3A_113 = arith.constant 0 : i32
        %dma_start3A_114 = tpu.memref_slice %arg10[%run_scoped3A_74, %dma_start3A_112, %dma_start3A_113] : memref<2x80x128xf32, #tpu.memory_space<vmem>> -> memref<1x80x128xf32, #tpu.memory_space<vmem>>
        %dma_start3A_115 = tpu.memref_squeeze %dma_start3A_114 : memref<1x80x128xf32, #tpu.memory_space<vmem>> -> memref<80x128xf32, #tpu.memory_space<vmem>>
        tpu.enqueue_dma source(%dma_start3A_115 : memref<80x128xf32, #tpu.memory_space<vmem>>) target(%dma_start3A_111 : memref<80x128xf32, #tpu.memory_space<hbm>>) target_semaphore(%run_scoped3A_103 : memref<!tpu.dma_semaphore, #tpu.memory_space<semaphore_mem>>)
        %dma_wait3A_116 = arith.constant 0 : i32
        %dma_wait3A_117 = arith.constant 0 : i32
        %dma_wait3A_118 = tpu.memref_slice %arg10[%run_scoped3A_74, %dma_wait3A_116, %dma_wait3A_117] : memref<2x80x128xf32, #tpu.memory_space<vmem>> -> memref<1x80x128xf32, #tpu.memory_space<vmem>>
        %dma_wait3A_119 = tpu.memref_squeeze %dma_wait3A_118 : memref<1x80x128xf32, #tpu.memory_space<vmem>> -> memref<80x128xf32, #tpu.memory_space<vmem>>
        %dma_wait3A_120 = arith.constant 0 : i32
        %dma_wait3A_121 = tpu.memref_slice %arg7[%add3A_72, %dma_wait3A_120] : memref<10240x128xf32, #tpu.memory_space<hbm>> -> memref<80x128xf32, #tpu.memory_space<hbm>>
        %dma_wait3A_122 = arith.constant 0 : i32
        %dma_wait3A_123 = tpu.memref_slice %arg7[%add3A_72, %dma_wait3A_122] : memref<10240x128xf32, #tpu.memory_space<hbm>> -> memref<80x128xf32, #tpu.memory_space<hbm>>
        %dma_wait3A_124 = arith.constant 0 : i32
        %dma_wait3A_125 = arith.constant 0 : i32
        %dma_wait3A_126 = tpu.memref_slice %arg10[%run_scoped3A_74, %dma_wait3A_124, %dma_wait3A_125] : memref<2x80x128xf32, #tpu.memory_space<vmem>> -> memref<1x80x128xf32, #tpu.memory_space<vmem>>
        %dma_wait3A_127 = tpu.memref_squeeze %dma_wait3A_126 : memref<1x80x128xf32, #tpu.memory_space<vmem>> -> memref<80x128xf32, #tpu.memory_space<vmem>>
        tpu.wait_dma2 semaphore(%run_scoped3A_103 : memref<!tpu.dma_semaphore, #tpu.memory_space<semaphore_mem>>) src(%dma_wait3A_127 : memref<80x128xf32, #tpu.memory_space<vmem>>) dst(%dma_wait3A_123 : memref<80x128xf32, #tpu.memory_space<hbm>>)
        tpu.yield
      }) : () -> ()
      %add3A_75 = arith.constant 80 : i32
      %add3A_76 = arith.addi %mul3A_2, %add3A_75 : i32
      %run_scoped3A_77 = arith.constant 0 : i32
      "tpu.region"() ({
        %run_scoped3A_103 = tpu.sem_alloc : memref<!tpu.dma_semaphore, #tpu.memory_space<semaphore_mem>>
        %dma_start3A_104 = arith.constant 0 : i32
        %dma_start3A_105 = arith.constant 0 : i32
        %dma_start3A_106 = tpu.memref_slice %arg10[%run_scoped3A_77, %dma_start3A_104, %dma_start3A_105] : memref<2x80x128xf32, #tpu.memory_space<vmem>> -> memref<1x80x128xf32, #tpu.memory_space<vmem>>
        %dma_start3A_107 = tpu.memref_squeeze %dma_start3A_106 : memref<1x80x128xf32, #tpu.memory_space<vmem>> -> memref<80x128xf32, #tpu.memory_space<vmem>>
        %dma_start3A_108 = arith.constant 0 : i32
        %dma_start3A_109 = tpu.memref_slice %arg11[%add3A_76, %dma_start3A_108] : memref<10240x128xf32, #tpu.memory_space<vmem_shared>> -> memref<80x128xf32, #tpu.memory_space<vmem_shared>>
        %dma_start3A_110 = arith.constant 0 : i32
        %dma_start3A_111 = arith.constant 0 : i32
        %dma_start3A_112 = tpu.memref_slice %arg10[%run_scoped3A_77, %dma_start3A_110, %dma_start3A_111] : memref<2x80x128xf32, #tpu.memory_space<vmem>> -> memref<1x80x128xf32, #tpu.memory_space<vmem>>
        %dma_start3A_113 = tpu.memref_squeeze %dma_start3A_112 : memref<1x80x128xf32, #tpu.memory_space<vmem>> -> memref<80x128xf32, #tpu.memory_space<vmem>>
        %dma_start3A_114 = arith.constant 0 : i32
        %dma_start3A_115 = tpu.memref_slice %arg11[%add3A_76, %dma_start3A_114] : memref<10240x128xf32, #tpu.memory_space<vmem_shared>> -> memref<80x128xf32, #tpu.memory_space<vmem_shared>>
        tpu.enqueue_dma source(%dma_start3A_115 : memref<80x128xf32, #tpu.memory_space<vmem_shared>>) target(%dma_start3A_113 : memref<80x128xf32, #tpu.memory_space<vmem>>) target_semaphore(%run_scoped3A_103 : memref<!tpu.dma_semaphore, #tpu.memory_space<semaphore_mem>>)
        %dma_wait3A_116 = arith.constant 0 : i32
        %dma_wait3A_117 = arith.constant 0 : i32
        %dma_wait3A_118 = tpu.memref_slice %arg10[%run_scoped3A_77, %dma_wait3A_116, %dma_wait3A_117] : memref<2x80x128xf32, #tpu.memory_space<vmem>> -> memref<1x80x128xf32, #tpu.memory_space<vmem>>
        %dma_wait3A_119 = tpu.memref_squeeze %dma_wait3A_118 : memref<1x80x128xf32, #tpu.memory_space<vmem>> -> memref<80x128xf32, #tpu.memory_space<vmem>>
        %dma_wait3A_120 = arith.constant 0 : i32
        %dma_wait3A_121 = tpu.memref_slice %arg11[%add3A_76, %dma_wait3A_120] : memref<10240x128xf32, #tpu.memory_space<vmem_shared>> -> memref<80x128xf32, #tpu.memory_space<vmem_shared>>
        %dma_wait3A_122 = arith.constant 0 : i32
        %dma_wait3A_123 = arith.constant 0 : i32
        %dma_wait3A_124 = tpu.memref_slice %arg10[%run_scoped3A_77, %dma_wait3A_122, %dma_wait3A_123] : memref<2x80x128xf32, #tpu.memory_space<vmem>> -> memref<1x80x128xf32, #tpu.memory_space<vmem>>
        %dma_wait3A_125 = tpu.memref_squeeze %dma_wait3A_124 : memref<1x80x128xf32, #tpu.memory_space<vmem>> -> memref<80x128xf32, #tpu.memory_space<vmem>>
        %dma_wait3A_126 = arith.constant 0 : i32
        %dma_wait3A_127 = tpu.memref_slice %arg11[%add3A_76, %dma_wait3A_126] : memref<10240x128xf32, #tpu.memory_space<vmem_shared>> -> memref<80x128xf32, #tpu.memory_space<vmem_shared>>
        tpu.wait_dma2 semaphore(%run_scoped3A_103 : memref<!tpu.dma_semaphore, #tpu.memory_space<semaphore_mem>>) src(%dma_wait3A_127 : memref<80x128xf32, #tpu.memory_space<vmem_shared>>) dst(%dma_wait3A_125 : memref<80x128xf32, #tpu.memory_space<vmem>>)
        tpu.yield
      }) : () -> ()
      %run_scoped3A_78 = arith.constant 0 : i32
      "tpu.region"() ({
        %run_scoped3A_103 = tpu.sem_alloc : memref<!tpu.dma_semaphore, #tpu.memory_space<semaphore_mem>>
        %dma_start3A_104 = arith.constant 0 : i32
        %dma_start3A_105 = arith.constant 0 : i32
        %dma_start3A_106 = tpu.memref_slice %arg10[%run_scoped3A_78, %dma_start3A_104, %dma_start3A_105] : memref<2x80x128xf32, #tpu.memory_space<vmem>> -> memref<1x80x128xf32, #tpu.memory_space<vmem>>
        %dma_start3A_107 = tpu.memref_squeeze %dma_start3A_106 : memref<1x80x128xf32, #tpu.memory_space<vmem>> -> memref<80x128xf32, #tpu.memory_space<vmem>>
        %dma_start3A_108 = arith.constant 0 : i32
        %dma_start3A_109 = tpu.memref_slice %arg7[%add3A_76, %dma_start3A_108] : memref<10240x128xf32, #tpu.memory_space<hbm>> -> memref<80x128xf32, #tpu.memory_space<hbm>>
        %dma_start3A_110 = arith.constant 0 : i32
        %dma_start3A_111 = tpu.memref_slice %arg7[%add3A_76, %dma_start3A_110] : memref<10240x128xf32, #tpu.memory_space<hbm>> -> memref<80x128xf32, #tpu.memory_space<hbm>>
        %dma_start3A_112 = arith.constant 0 : i32
        %dma_start3A_113 = arith.constant 0 : i32
        %dma_start3A_114 = tpu.memref_slice %arg10[%run_scoped3A_78, %dma_start3A_112, %dma_start3A_113] : memref<2x80x128xf32, #tpu.memory_space<vmem>> -> memref<1x80x128xf32, #tpu.memory_space<vmem>>
        %dma_start3A_115 = tpu.memref_squeeze %dma_start3A_114 : memref<1x80x128xf32, #tpu.memory_space<vmem>> -> memref<80x128xf32, #tpu.memory_space<vmem>>
        tpu.enqueue_dma source(%dma_start3A_115 : memref<80x128xf32, #tpu.memory_space<vmem>>) target(%dma_start3A_111 : memref<80x128xf32, #tpu.memory_space<hbm>>) target_semaphore(%run_scoped3A_103 : memref<!tpu.dma_semaphore, #tpu.memory_space<semaphore_mem>>)
        %dma_wait3A_116 = arith.constant 0 : i32
        %dma_wait3A_117 = arith.constant 0 : i32
        %dma_wait3A_118 = tpu.memref_slice %arg10[%run_scoped3A_78, %dma_wait3A_116, %dma_wait3A_117] : memref<2x80x128xf32, #tpu.memory_space<vmem>> -> memref<1x80x128xf32, #tpu.memory_space<vmem>>
        %dma_wait3A_119 = tpu.memref_squeeze %dma_wait3A_118 : memref<1x80x128xf32, #tpu.memory_space<vmem>> -> memref<80x128xf32, #tpu.memory_space<vmem>>
        %dma_wait3A_120 = arith.constant 0 : i32
        %dma_wait3A_121 = tpu.memref_slice %arg7[%add3A_76, %dma_wait3A_120] : memref<10240x128xf32, #tpu.memory_space<hbm>> -> memref<80x128xf32, #tpu.memory_space<hbm>>
        %dma_wait3A_122 = arith.constant 0 : i32
        %dma_wait3A_123 = tpu.memref_slice %arg7[%add3A_76, %dma_wait3A_122] : memref<10240x128xf32, #tpu.memory_space<hbm>> -> memref<80x128xf32, #tpu.memory_space<hbm>>
        %dma_wait3A_124 = arith.constant 0 : i32
        %dma_wait3A_125 = arith.constant 0 : i32
        %dma_wait3A_126 = tpu.memref_slice %arg10[%run_scoped3A_78, %dma_wait3A_124, %dma_wait3A_125] : memref<2x80x128xf32, #tpu.memory_space<vmem>> -> memref<1x80x128xf32, #tpu.memory_space<vmem>>
        %dma_wait3A_127 = tpu.memref_squeeze %dma_wait3A_126 : memref<1x80x128xf32, #tpu.memory_space<vmem>> -> memref<80x128xf32, #tpu.memory_space<vmem>>
        tpu.wait_dma2 semaphore(%run_scoped3A_103 : memref<!tpu.dma_semaphore, #tpu.memory_space<semaphore_mem>>) src(%dma_wait3A_127 : memref<80x128xf32, #tpu.memory_space<vmem>>) dst(%dma_wait3A_123 : memref<80x128xf32, #tpu.memory_space<hbm>>)
        tpu.yield
      }) : () -> ()
      %add3A_79 = arith.constant 160 : i32
      %add3A_80 = arith.addi %mul3A_2, %add3A_79 : i32
      %run_scoped3A_81 = arith.constant 0 : i32
      "tpu.region"() ({
        %run_scoped3A_103 = tpu.sem_alloc : memref<!tpu.dma_semaphore, #tpu.memory_space<semaphore_mem>>
        %dma_start3A_104 = arith.constant 0 : i32
        %dma_start3A_105 = arith.constant 0 : i32
        %dma_start3A_106 = tpu.memref_slice %arg10[%run_scoped3A_81, %dma_start3A_104, %dma_start3A_105] : memref<2x80x128xf32, #tpu.memory_space<vmem>> -> memref<1x80x128xf32, #tpu.memory_space<vmem>>
        %dma_start3A_107 = tpu.memref_squeeze %dma_start3A_106 : memref<1x80x128xf32, #tpu.memory_space<vmem>> -> memref<80x128xf32, #tpu.memory_space<vmem>>
        %dma_start3A_108 = arith.constant 0 : i32
        %dma_start3A_109 = tpu.memref_slice %arg11[%add3A_80, %dma_start3A_108] : memref<10240x128xf32, #tpu.memory_space<vmem_shared>> -> memref<80x128xf32, #tpu.memory_space<vmem_shared>>
        %dma_start3A_110 = arith.constant 0 : i32
        %dma_start3A_111 = arith.constant 0 : i32
        %dma_start3A_112 = tpu.memref_slice %arg10[%run_scoped3A_81, %dma_start3A_110, %dma_start3A_111] : memref<2x80x128xf32, #tpu.memory_space<vmem>> -> memref<1x80x128xf32, #tpu.memory_space<vmem>>
        %dma_start3A_113 = tpu.memref_squeeze %dma_start3A_112 : memref<1x80x128xf32, #tpu.memory_space<vmem>> -> memref<80x128xf32, #tpu.memory_space<vmem>>
        %dma_start3A_114 = arith.constant 0 : i32
        %dma_start3A_115 = tpu.memref_slice %arg11[%add3A_80, %dma_start3A_114] : memref<10240x128xf32, #tpu.memory_space<vmem_shared>> -> memref<80x128xf32, #tpu.memory_space<vmem_shared>>
        tpu.enqueue_dma source(%dma_start3A_115 : memref<80x128xf32, #tpu.memory_space<vmem_shared>>) target(%dma_start3A_113 : memref<80x128xf32, #tpu.memory_space<vmem>>) target_semaphore(%run_scoped3A_103 : memref<!tpu.dma_semaphore, #tpu.memory_space<semaphore_mem>>)
        %dma_wait3A_116 = arith.constant 0 : i32
        %dma_wait3A_117 = arith.constant 0 : i32
        %dma_wait3A_118 = tpu.memref_slice %arg10[%run_scoped3A_81, %dma_wait3A_116, %dma_wait3A_117] : memref<2x80x128xf32, #tpu.memory_space<vmem>> -> memref<1x80x128xf32, #tpu.memory_space<vmem>>
        %dma_wait3A_119 = tpu.memref_squeeze %dma_wait3A_118 : memref<1x80x128xf32, #tpu.memory_space<vmem>> -> memref<80x128xf32, #tpu.memory_space<vmem>>
        %dma_wait3A_120 = arith.constant 0 : i32
        %dma_wait3A_121 = tpu.memref_slice %arg11[%add3A_80, %dma_wait3A_120] : memref<10240x128xf32, #tpu.memory_space<vmem_shared>> -> memref<80x128xf32, #tpu.memory_space<vmem_shared>>
        %dma_wait3A_122 = arith.constant 0 : i32
        %dma_wait3A_123 = arith.constant 0 : i32
        %dma_wait3A_124 = tpu.memref_slice %arg10[%run_scoped3A_81, %dma_wait3A_122, %dma_wait3A_123] : memref<2x80x128xf32, #tpu.memory_space<vmem>> -> memref<1x80x128xf32, #tpu.memory_space<vmem>>
        %dma_wait3A_125 = tpu.memref_squeeze %dma_wait3A_124 : memref<1x80x128xf32, #tpu.memory_space<vmem>> -> memref<80x128xf32, #tpu.memory_space<vmem>>
        %dma_wait3A_126 = arith.constant 0 : i32
        %dma_wait3A_127 = tpu.memref_slice %arg11[%add3A_80, %dma_wait3A_126] : memref<10240x128xf32, #tpu.memory_space<vmem_shared>> -> memref<80x128xf32, #tpu.memory_space<vmem_shared>>
        tpu.wait_dma2 semaphore(%run_scoped3A_103 : memref<!tpu.dma_semaphore, #tpu.memory_space<semaphore_mem>>) src(%dma_wait3A_127 : memref<80x128xf32, #tpu.memory_space<vmem_shared>>) dst(%dma_wait3A_125 : memref<80x128xf32, #tpu.memory_space<vmem>>)
        tpu.yield
      }) : () -> ()
      %run_scoped3A_82 = arith.constant 0 : i32
      "tpu.region"() ({
        %run_scoped3A_103 = tpu.sem_alloc : memref<!tpu.dma_semaphore, #tpu.memory_space<semaphore_mem>>
        %dma_start3A_104 = arith.constant 0 : i32
        %dma_start3A_105 = arith.constant 0 : i32
        %dma_start3A_106 = tpu.memref_slice %arg10[%run_scoped3A_82, %dma_start3A_104, %dma_start3A_105] : memref<2x80x128xf32, #tpu.memory_space<vmem>> -> memref<1x80x128xf32, #tpu.memory_space<vmem>>
        %dma_start3A_107 = tpu.memref_squeeze %dma_start3A_106 : memref<1x80x128xf32, #tpu.memory_space<vmem>> -> memref<80x128xf32, #tpu.memory_space<vmem>>
        %dma_start3A_108 = arith.constant 0 : i32
        %dma_start3A_109 = tpu.memref_slice %arg7[%add3A_80, %dma_start3A_108] : memref<10240x128xf32, #tpu.memory_space<hbm>> -> memref<80x128xf32, #tpu.memory_space<hbm>>
        %dma_start3A_110 = arith.constant 0 : i32
        %dma_start3A_111 = tpu.memref_slice %arg7[%add3A_80, %dma_start3A_110] : memref<10240x128xf32, #tpu.memory_space<hbm>> -> memref<80x128xf32, #tpu.memory_space<hbm>>
        %dma_start3A_112 = arith.constant 0 : i32
        %dma_start3A_113 = arith.constant 0 : i32
        %dma_start3A_114 = tpu.memref_slice %arg10[%run_scoped3A_82, %dma_start3A_112, %dma_start3A_113] : memref<2x80x128xf32, #tpu.memory_space<vmem>> -> memref<1x80x128xf32, #tpu.memory_space<vmem>>
        %dma_start3A_115 = tpu.memref_squeeze %dma_start3A_114 : memref<1x80x128xf32, #tpu.memory_space<vmem>> -> memref<80x128xf32, #tpu.memory_space<vmem>>
        tpu.enqueue_dma source(%dma_start3A_115 : memref<80x128xf32, #tpu.memory_space<vmem>>) target(%dma_start3A_111 : memref<80x128xf32, #tpu.memory_space<hbm>>) target_semaphore(%run_scoped3A_103 : memref<!tpu.dma_semaphore, #tpu.memory_space<semaphore_mem>>)
        %dma_wait3A_116 = arith.constant 0 : i32
        %dma_wait3A_117 = arith.constant 0 : i32
        %dma_wait3A_118 = tpu.memref_slice %arg10[%run_scoped3A_82, %dma_wait3A_116, %dma_wait3A_117] : memref<2x80x128xf32, #tpu.memory_space<vmem>> -> memref<1x80x128xf32, #tpu.memory_space<vmem>>
        %dma_wait3A_119 = tpu.memref_squeeze %dma_wait3A_118 : memref<1x80x128xf32, #tpu.memory_space<vmem>> -> memref<80x128xf32, #tpu.memory_space<vmem>>
        %dma_wait3A_120 = arith.constant 0 : i32
        %dma_wait3A_121 = tpu.memref_slice %arg7[%add3A_80, %dma_wait3A_120] : memref<10240x128xf32, #tpu.memory_space<hbm>> -> memref<80x128xf32, #tpu.memory_space<hbm>>
        %dma_wait3A_122 = arith.constant 0 : i32
        %dma_wait3A_123 = tpu.memref_slice %arg7[%add3A_80, %dma_wait3A_122] : memref<10240x128xf32, #tpu.memory_space<hbm>> -> memref<80x128xf32, #tpu.memory_space<hbm>>
        %dma_wait3A_124 = arith.constant 0 : i32
        %dma_wait3A_125 = arith.constant 0 : i32
        %dma_wait3A_126 = tpu.memref_slice %arg10[%run_scoped3A_82, %dma_wait3A_124, %dma_wait3A_125] : memref<2x80x128xf32, #tpu.memory_space<vmem>> -> memref<1x80x128xf32, #tpu.memory_space<vmem>>
        %dma_wait3A_127 = tpu.memref_squeeze %dma_wait3A_126 : memref<1x80x128xf32, #tpu.memory_space<vmem>> -> memref<80x128xf32, #tpu.memory_space<vmem>>
        tpu.wait_dma2 semaphore(%run_scoped3A_103 : memref<!tpu.dma_semaphore, #tpu.memory_space<semaphore_mem>>) src(%dma_wait3A_127 : memref<80x128xf32, #tpu.memory_space<vmem>>) dst(%dma_wait3A_123 : memref<80x128xf32, #tpu.memory_space<hbm>>)
        tpu.yield
      }) : () -> ()
      %add3A_83 = arith.constant 240 : i32
      %add3A_84 = arith.addi %mul3A_2, %add3A_83 : i32
      %run_scoped3A_85 = arith.constant 0 : i32
      "tpu.region"() ({
        %run_scoped3A_103 = tpu.sem_alloc : memref<!tpu.dma_semaphore, #tpu.memory_space<semaphore_mem>>
        %dma_start3A_104 = arith.constant 0 : i32
        %dma_start3A_105 = arith.constant 0 : i32
        %dma_start3A_106 = tpu.memref_slice %arg10[%run_scoped3A_85, %dma_start3A_104, %dma_start3A_105] : memref<2x80x128xf32, #tpu.memory_space<vmem>> -> memref<1x80x128xf32, #tpu.memory_space<vmem>>
        %dma_start3A_107 = tpu.memref_squeeze %dma_start3A_106 : memref<1x80x128xf32, #tpu.memory_space<vmem>> -> memref<80x128xf32, #tpu.memory_space<vmem>>
        %dma_start3A_108 = arith.constant 0 : i32
        %dma_start3A_109 = tpu.memref_slice %arg11[%add3A_84, %dma_start3A_108] : memref<10240x128xf32, #tpu.memory_space<vmem_shared>> -> memref<80x128xf32, #tpu.memory_space<vmem_shared>>
        %dma_start3A_110 = arith.constant 0 : i32
        %dma_start3A_111 = arith.constant 0 : i32
        %dma_start3A_112 = tpu.memref_slice %arg10[%run_scoped3A_85, %dma_start3A_110, %dma_start3A_111] : memref<2x80x128xf32, #tpu.memory_space<vmem>> -> memref<1x80x128xf32, #tpu.memory_space<vmem>>
        %dma_start3A_113 = tpu.memref_squeeze %dma_start3A_112 : memref<1x80x128xf32, #tpu.memory_space<vmem>> -> memref<80x128xf32, #tpu.memory_space<vmem>>
        %dma_start3A_114 = arith.constant 0 : i32
        %dma_start3A_115 = tpu.memref_slice %arg11[%add3A_84, %dma_start3A_114] : memref<10240x128xf32, #tpu.memory_space<vmem_shared>> -> memref<80x128xf32, #tpu.memory_space<vmem_shared>>
        tpu.enqueue_dma source(%dma_start3A_115 : memref<80x128xf32, #tpu.memory_space<vmem_shared>>) target(%dma_start3A_113 : memref<80x128xf32, #tpu.memory_space<vmem>>) target_semaphore(%run_scoped3A_103 : memref<!tpu.dma_semaphore, #tpu.memory_space<semaphore_mem>>)
        %dma_wait3A_116 = arith.constant 0 : i32
        %dma_wait3A_117 = arith.constant 0 : i32
        %dma_wait3A_118 = tpu.memref_slice %arg10[%run_scoped3A_85, %dma_wait3A_116, %dma_wait3A_117] : memref<2x80x128xf32, #tpu.memory_space<vmem>> -> memref<1x80x128xf32, #tpu.memory_space<vmem>>
        %dma_wait3A_119 = tpu.memref_squeeze %dma_wait3A_118 : memref<1x80x128xf32, #tpu.memory_space<vmem>> -> memref<80x128xf32, #tpu.memory_space<vmem>>
        %dma_wait3A_120 = arith.constant 0 : i32
        %dma_wait3A_121 = tpu.memref_slice %arg11[%add3A_84, %dma_wait3A_120] : memref<10240x128xf32, #tpu.memory_space<vmem_shared>> -> memref<80x128xf32, #tpu.memory_space<vmem_shared>>
        %dma_wait3A_122 = arith.constant 0 : i32
        %dma_wait3A_123 = arith.constant 0 : i32
        %dma_wait3A_124 = tpu.memref_slice %arg10[%run_scoped3A_85, %dma_wait3A_122, %dma_wait3A_123] : memref<2x80x128xf32, #tpu.memory_space<vmem>> -> memref<1x80x128xf32, #tpu.memory_space<vmem>>
        %dma_wait3A_125 = tpu.memref_squeeze %dma_wait3A_124 : memref<1x80x128xf32, #tpu.memory_space<vmem>> -> memref<80x128xf32, #tpu.memory_space<vmem>>
        %dma_wait3A_126 = arith.constant 0 : i32
        %dma_wait3A_127 = tpu.memref_slice %arg11[%add3A_84, %dma_wait3A_126] : memref<10240x128xf32, #tpu.memory_space<vmem_shared>> -> memref<80x128xf32, #tpu.memory_space<vmem_shared>>
        tpu.wait_dma2 semaphore(%run_scoped3A_103 : memref<!tpu.dma_semaphore, #tpu.memory_space<semaphore_mem>>) src(%dma_wait3A_127 : memref<80x128xf32, #tpu.memory_space<vmem_shared>>) dst(%dma_wait3A_125 : memref<80x128xf32, #tpu.memory_space<vmem>>)
        tpu.yield
      }) : () -> ()
      %run_scoped3A_86 = arith.constant 0 : i32
      "tpu.region"() ({
        %run_scoped3A_103 = tpu.sem_alloc : memref<!tpu.dma_semaphore, #tpu.memory_space<semaphore_mem>>
        %dma_start3A_104 = arith.constant 0 : i32
        %dma_start3A_105 = arith.constant 0 : i32
        %dma_start3A_106 = tpu.memref_slice %arg10[%run_scoped3A_86, %dma_start3A_104, %dma_start3A_105] : memref<2x80x128xf32, #tpu.memory_space<vmem>> -> memref<1x80x128xf32, #tpu.memory_space<vmem>>
        %dma_start3A_107 = tpu.memref_squeeze %dma_start3A_106 : memref<1x80x128xf32, #tpu.memory_space<vmem>> -> memref<80x128xf32, #tpu.memory_space<vmem>>
        %dma_start3A_108 = arith.constant 0 : i32
        %dma_start3A_109 = tpu.memref_slice %arg7[%add3A_84, %dma_start3A_108] : memref<10240x128xf32, #tpu.memory_space<hbm>> -> memref<80x128xf32, #tpu.memory_space<hbm>>
        %dma_start3A_110 = arith.constant 0 : i32
        %dma_start3A_111 = tpu.memref_slice %arg7[%add3A_84, %dma_start3A_110] : memref<10240x128xf32, #tpu.memory_space<hbm>> -> memref<80x128xf32, #tpu.memory_space<hbm>>
        %dma_start3A_112 = arith.constant 0 : i32
        %dma_start3A_113 = arith.constant 0 : i32
        %dma_start3A_114 = tpu.memref_slice %arg10[%run_scoped3A_86, %dma_start3A_112, %dma_start3A_113] : memref<2x80x128xf32, #tpu.memory_space<vmem>> -> memref<1x80x128xf32, #tpu.memory_space<vmem>>
        %dma_start3A_115 = tpu.memref_squeeze %dma_start3A_114 : memref<1x80x128xf32, #tpu.memory_space<vmem>> -> memref<80x128xf32, #tpu.memory_space<vmem>>
        tpu.enqueue_dma source(%dma_start3A_115 : memref<80x128xf32, #tpu.memory_space<vmem>>) target(%dma_start3A_111 : memref<80x128xf32, #tpu.memory_space<hbm>>) target_semaphore(%run_scoped3A_103 : memref<!tpu.dma_semaphore, #tpu.memory_space<semaphore_mem>>)
        %dma_wait3A_116 = arith.constant 0 : i32
        %dma_wait3A_117 = arith.constant 0 : i32
        %dma_wait3A_118 = tpu.memref_slice %arg10[%run_scoped3A_86, %dma_wait3A_116, %dma_wait3A_117] : memref<2x80x128xf32, #tpu.memory_space<vmem>> -> memref<1x80x128xf32, #tpu.memory_space<vmem>>
        %dma_wait3A_119 = tpu.memref_squeeze %dma_wait3A_118 : memref<1x80x128xf32, #tpu.memory_space<vmem>> -> memref<80x128xf32, #tpu.memory_space<vmem>>
        %dma_wait3A_120 = arith.constant 0 : i32
        %dma_wait3A_121 = tpu.memref_slice %arg7[%add3A_84, %dma_wait3A_120] : memref<10240x128xf32, #tpu.memory_space<hbm>> -> memref<80x128xf32, #tpu.memory_space<hbm>>
        %dma_wait3A_122 = arith.constant 0 : i32
        %dma_wait3A_123 = tpu.memref_slice %arg7[%add3A_84, %dma_wait3A_122] : memref<10240x128xf32, #tpu.memory_space<hbm>> -> memref<80x128xf32, #tpu.memory_space<hbm>>
        %dma_wait3A_124 = arith.constant 0 : i32
        %dma_wait3A_125 = arith.constant 0 : i32
        %dma_wait3A_126 = tpu.memref_slice %arg10[%run_scoped3A_86, %dma_wait3A_124, %dma_wait3A_125] : memref<2x80x128xf32, #tpu.memory_space<vmem>> -> memref<1x80x128xf32, #tpu.memory_space<vmem>>
        %dma_wait3A_127 = tpu.memref_squeeze %dma_wait3A_126 : memref<1x80x128xf32, #tpu.memory_space<vmem>> -> memref<80x128xf32, #tpu.memory_space<vmem>>
        tpu.wait_dma2 semaphore(%run_scoped3A_103 : memref<!tpu.dma_semaphore, #tpu.memory_space<semaphore_mem>>) src(%dma_wait3A_127 : memref<80x128xf32, #tpu.memory_space<vmem>>) dst(%dma_wait3A_123 : memref<80x128xf32, #tpu.memory_space<hbm>>)
        tpu.yield
      }) : () -> ()
      %add3A_87 = arith.constant 320 : i32
      %add3A_88 = arith.addi %mul3A_2, %add3A_87 : i32
      %run_scoped3A_89 = arith.constant 0 : i32
      "tpu.region"() ({
        %run_scoped3A_103 = tpu.sem_alloc : memref<!tpu.dma_semaphore, #tpu.memory_space<semaphore_mem>>
        %dma_start3A_104 = arith.constant 0 : i32
        %dma_start3A_105 = arith.constant 0 : i32
        %dma_start3A_106 = tpu.memref_slice %arg10[%run_scoped3A_89, %dma_start3A_104, %dma_start3A_105] : memref<2x80x128xf32, #tpu.memory_space<vmem>> -> memref<1x80x128xf32, #tpu.memory_space<vmem>>
        %dma_start3A_107 = tpu.memref_squeeze %dma_start3A_106 : memref<1x80x128xf32, #tpu.memory_space<vmem>> -> memref<80x128xf32, #tpu.memory_space<vmem>>
        %dma_start3A_108 = arith.constant 0 : i32
        %dma_start3A_109 = tpu.memref_slice %arg11[%add3A_88, %dma_start3A_108] : memref<10240x128xf32, #tpu.memory_space<vmem_shared>> -> memref<80x128xf32, #tpu.memory_space<vmem_shared>>
        %dma_start3A_110 = arith.constant 0 : i32
        %dma_start3A_111 = arith.constant 0 : i32
        %dma_start3A_112 = tpu.memref_slice %arg10[%run_scoped3A_89, %dma_start3A_110, %dma_start3A_111] : memref<2x80x128xf32, #tpu.memory_space<vmem>> -> memref<1x80x128xf32, #tpu.memory_space<vmem>>
        %dma_start3A_113 = tpu.memref_squeeze %dma_start3A_112 : memref<1x80x128xf32, #tpu.memory_space<vmem>> -> memref<80x128xf32, #tpu.memory_space<vmem>>
        %dma_start3A_114 = arith.constant 0 : i32
        %dma_start3A_115 = tpu.memref_slice %arg11[%add3A_88, %dma_start3A_114] : memref<10240x128xf32, #tpu.memory_space<vmem_shared>> -> memref<80x128xf32, #tpu.memory_space<vmem_shared>>
        tpu.enqueue_dma source(%dma_start3A_115 : memref<80x128xf32, #tpu.memory_space<vmem_shared>>) target(%dma_start3A_113 : memref<80x128xf32, #tpu.memory_space<vmem>>) target_semaphore(%run_scoped3A_103 : memref<!tpu.dma_semaphore, #tpu.memory_space<semaphore_mem>>)
        %dma_wait3A_116 = arith.constant 0 : i32
        %dma_wait3A_117 = arith.constant 0 : i32
        %dma_wait3A_118 = tpu.memref_slice %arg10[%run_scoped3A_89, %dma_wait3A_116, %dma_wait3A_117] : memref<2x80x128xf32, #tpu.memory_space<vmem>> -> memref<1x80x128xf32, #tpu.memory_space<vmem>>
        %dma_wait3A_119 = tpu.memref_squeeze %dma_wait3A_118 : memref<1x80x128xf32, #tpu.memory_space<vmem>> -> memref<80x128xf32, #tpu.memory_space<vmem>>
        %dma_wait3A_120 = arith.constant 0 : i32
        %dma_wait3A_121 = tpu.memref_slice %arg11[%add3A_88, %dma_wait3A_120] : memref<10240x128xf32, #tpu.memory_space<vmem_shared>> -> memref<80x128xf32, #tpu.memory_space<vmem_shared>>
        %dma_wait3A_122 = arith.constant 0 : i32
        %dma_wait3A_123 = arith.constant 0 : i32
        %dma_wait3A_124 = tpu.memref_slice %arg10[%run_scoped3A_89, %dma_wait3A_122, %dma_wait3A_123] : memref<2x80x128xf32, #tpu.memory_space<vmem>> -> memref<1x80x128xf32, #tpu.memory_space<vmem>>
        %dma_wait3A_125 = tpu.memref_squeeze %dma_wait3A_124 : memref<1x80x128xf32, #tpu.memory_space<vmem>> -> memref<80x128xf32, #tpu.memory_space<vmem>>
        %dma_wait3A_126 = arith.constant 0 : i32
        %dma_wait3A_127 = tpu.memref_slice %arg11[%add3A_88, %dma_wait3A_126] : memref<10240x128xf32, #tpu.memory_space<vmem_shared>> -> memref<80x128xf32, #tpu.memory_space<vmem_shared>>
        tpu.wait_dma2 semaphore(%run_scoped3A_103 : memref<!tpu.dma_semaphore, #tpu.memory_space<semaphore_mem>>) src(%dma_wait3A_127 : memref<80x128xf32, #tpu.memory_space<vmem_shared>>) dst(%dma_wait3A_125 : memref<80x128xf32, #tpu.memory_space<vmem>>)
        tpu.yield
      }) : () -> ()
      %run_scoped3A_90 = arith.constant 0 : i32
      "tpu.region"() ({
        %run_scoped3A_103 = tpu.sem_alloc : memref<!tpu.dma_semaphore, #tpu.memory_space<semaphore_mem>>
        %dma_start3A_104 = arith.constant 0 : i32
        %dma_start3A_105 = arith.constant 0 : i32
        %dma_start3A_106 = tpu.memref_slice %arg10[%run_scoped3A_90, %dma_start3A_104, %dma_start3A_105] : memref<2x80x128xf32, #tpu.memory_space<vmem>> -> memref<1x80x128xf32, #tpu.memory_space<vmem>>
        %dma_start3A_107 = tpu.memref_squeeze %dma_start3A_106 : memref<1x80x128xf32, #tpu.memory_space<vmem>> -> memref<80x128xf32, #tpu.memory_space<vmem>>
        %dma_start3A_108 = arith.constant 0 : i32
        %dma_start3A_109 = tpu.memref_slice %arg7[%add3A_88, %dma_start3A_108] : memref<10240x128xf32, #tpu.memory_space<hbm>> -> memref<80x128xf32, #tpu.memory_space<hbm>>
        %dma_start3A_110 = arith.constant 0 : i32
        %dma_start3A_111 = tpu.memref_slice %arg7[%add3A_88, %dma_start3A_110] : memref<10240x128xf32, #tpu.memory_space<hbm>> -> memref<80x128xf32, #tpu.memory_space<hbm>>
        %dma_start3A_112 = arith.constant 0 : i32
        %dma_start3A_113 = arith.constant 0 : i32
        %dma_start3A_114 = tpu.memref_slice %arg10[%run_scoped3A_90, %dma_start3A_112, %dma_start3A_113] : memref<2x80x128xf32, #tpu.memory_space<vmem>> -> memref<1x80x128xf32, #tpu.memory_space<vmem>>
        %dma_start3A_115 = tpu.memref_squeeze %dma_start3A_114 : memref<1x80x128xf32, #tpu.memory_space<vmem>> -> memref<80x128xf32, #tpu.memory_space<vmem>>
        tpu.enqueue_dma source(%dma_start3A_115 : memref<80x128xf32, #tpu.memory_space<vmem>>) target(%dma_start3A_111 : memref<80x128xf32, #tpu.memory_space<hbm>>) target_semaphore(%run_scoped3A_103 : memref<!tpu.dma_semaphore, #tpu.memory_space<semaphore_mem>>)
        %dma_wait3A_116 = arith.constant 0 : i32
        %dma_wait3A_117 = arith.constant 0 : i32
        %dma_wait3A_118 = tpu.memref_slice %arg10[%run_scoped3A_90, %dma_wait3A_116, %dma_wait3A_117] : memref<2x80x128xf32, #tpu.memory_space<vmem>> -> memref<1x80x128xf32, #tpu.memory_space<vmem>>
        %dma_wait3A_119 = tpu.memref_squeeze %dma_wait3A_118 : memref<1x80x128xf32, #tpu.memory_space<vmem>> -> memref<80x128xf32, #tpu.memory_space<vmem>>
        %dma_wait3A_120 = arith.constant 0 : i32
        %dma_wait3A_121 = tpu.memref_slice %arg7[%add3A_88, %dma_wait3A_120] : memref<10240x128xf32, #tpu.memory_space<hbm>> -> memref<80x128xf32, #tpu.memory_space<hbm>>
        %dma_wait3A_122 = arith.constant 0 : i32
        %dma_wait3A_123 = tpu.memref_slice %arg7[%add3A_88, %dma_wait3A_122] : memref<10240x128xf32, #tpu.memory_space<hbm>> -> memref<80x128xf32, #tpu.memory_space<hbm>>
        %dma_wait3A_124 = arith.constant 0 : i32
        %dma_wait3A_125 = arith.constant 0 : i32
        %dma_wait3A_126 = tpu.memref_slice %arg10[%run_scoped3A_90, %dma_wait3A_124, %dma_wait3A_125] : memref<2x80x128xf32, #tpu.memory_space<vmem>> -> memref<1x80x128xf32, #tpu.memory_space<vmem>>
        %dma_wait3A_127 = tpu.memref_squeeze %dma_wait3A_126 : memref<1x80x128xf32, #tpu.memory_space<vmem>> -> memref<80x128xf32, #tpu.memory_space<vmem>>
        tpu.wait_dma2 semaphore(%run_scoped3A_103 : memref<!tpu.dma_semaphore, #tpu.memory_space<semaphore_mem>>) src(%dma_wait3A_127 : memref<80x128xf32, #tpu.memory_space<vmem>>) dst(%dma_wait3A_123 : memref<80x128xf32, #tpu.memory_space<hbm>>)
        tpu.yield
      }) : () -> ()
      %add3A_91 = arith.constant 400 : i32
      %add3A_92 = arith.addi %mul3A_2, %add3A_91 : i32
      %run_scoped3A_93 = arith.constant 0 : i32
      "tpu.region"() ({
        %run_scoped3A_103 = tpu.sem_alloc : memref<!tpu.dma_semaphore, #tpu.memory_space<semaphore_mem>>
        %dma_start3A_104 = arith.constant 0 : i32
        %dma_start3A_105 = arith.constant 0 : i32
        %dma_start3A_106 = tpu.memref_slice %arg10[%run_scoped3A_93, %dma_start3A_104, %dma_start3A_105] : memref<2x80x128xf32, #tpu.memory_space<vmem>> -> memref<1x80x128xf32, #tpu.memory_space<vmem>>
        %dma_start3A_107 = tpu.memref_squeeze %dma_start3A_106 : memref<1x80x128xf32, #tpu.memory_space<vmem>> -> memref<80x128xf32, #tpu.memory_space<vmem>>
        %dma_start3A_108 = arith.constant 0 : i32
        %dma_start3A_109 = tpu.memref_slice %arg11[%add3A_92, %dma_start3A_108] : memref<10240x128xf32, #tpu.memory_space<vmem_shared>> -> memref<80x128xf32, #tpu.memory_space<vmem_shared>>
        %dma_start3A_110 = arith.constant 0 : i32
        %dma_start3A_111 = arith.constant 0 : i32
        %dma_start3A_112 = tpu.memref_slice %arg10[%run_scoped3A_93, %dma_start3A_110, %dma_start3A_111] : memref<2x80x128xf32, #tpu.memory_space<vmem>> -> memref<1x80x128xf32, #tpu.memory_space<vmem>>
        %dma_start3A_113 = tpu.memref_squeeze %dma_start3A_112 : memref<1x80x128xf32, #tpu.memory_space<vmem>> -> memref<80x128xf32, #tpu.memory_space<vmem>>
        %dma_start3A_114 = arith.constant 0 : i32
        %dma_start3A_115 = tpu.memref_slice %arg11[%add3A_92, %dma_start3A_114] : memref<10240x128xf32, #tpu.memory_space<vmem_shared>> -> memref<80x128xf32, #tpu.memory_space<vmem_shared>>
        tpu.enqueue_dma source(%dma_start3A_115 : memref<80x128xf32, #tpu.memory_space<vmem_shared>>) target(%dma_start3A_113 : memref<80x128xf32, #tpu.memory_space<vmem>>) target_semaphore(%run_scoped3A_103 : memref<!tpu.dma_semaphore, #tpu.memory_space<semaphore_mem>>)
        %dma_wait3A_116 = arith.constant 0 : i32
        %dma_wait3A_117 = arith.constant 0 : i32
        %dma_wait3A_118 = tpu.memref_slice %arg10[%run_scoped3A_93, %dma_wait3A_116, %dma_wait3A_117] : memref<2x80x128xf32, #tpu.memory_space<vmem>> -> memref<1x80x128xf32, #tpu.memory_space<vmem>>
        %dma_wait3A_119 = tpu.memref_squeeze %dma_wait3A_118 : memref<1x80x128xf32, #tpu.memory_space<vmem>> -> memref<80x128xf32, #tpu.memory_space<vmem>>
        %dma_wait3A_120 = arith.constant 0 : i32
        %dma_wait3A_121 = tpu.memref_slice %arg11[%add3A_92, %dma_wait3A_120] : memref<10240x128xf32, #tpu.memory_space<vmem_shared>> -> memref<80x128xf32, #tpu.memory_space<vmem_shared>>
        %dma_wait3A_122 = arith.constant 0 : i32
        %dma_wait3A_123 = arith.constant 0 : i32
        %dma_wait3A_124 = tpu.memref_slice %arg10[%run_scoped3A_93, %dma_wait3A_122, %dma_wait3A_123] : memref<2x80x128xf32, #tpu.memory_space<vmem>> -> memref<1x80x128xf32, #tpu.memory_space<vmem>>
        %dma_wait3A_125 = tpu.memref_squeeze %dma_wait3A_124 : memref<1x80x128xf32, #tpu.memory_space<vmem>> -> memref<80x128xf32, #tpu.memory_space<vmem>>
        %dma_wait3A_126 = arith.constant 0 : i32
        %dma_wait3A_127 = tpu.memref_slice %arg11[%add3A_92, %dma_wait3A_126] : memref<10240x128xf32, #tpu.memory_space<vmem_shared>> -> memref<80x128xf32, #tpu.memory_space<vmem_shared>>
        tpu.wait_dma2 semaphore(%run_scoped3A_103 : memref<!tpu.dma_semaphore, #tpu.memory_space<semaphore_mem>>) src(%dma_wait3A_127 : memref<80x128xf32, #tpu.memory_space<vmem_shared>>) dst(%dma_wait3A_125 : memref<80x128xf32, #tpu.memory_space<vmem>>)
        tpu.yield
      }) : () -> ()
      %run_scoped3A_94 = arith.constant 0 : i32
      "tpu.region"() ({
        %run_scoped3A_103 = tpu.sem_alloc : memref<!tpu.dma_semaphore, #tpu.memory_space<semaphore_mem>>
        %dma_start3A_104 = arith.constant 0 : i32
        %dma_start3A_105 = arith.constant 0 : i32
        %dma_start3A_106 = tpu.memref_slice %arg10[%run_scoped3A_94, %dma_start3A_104, %dma_start3A_105] : memref<2x80x128xf32, #tpu.memory_space<vmem>> -> memref<1x80x128xf32, #tpu.memory_space<vmem>>
        %dma_start3A_107 = tpu.memref_squeeze %dma_start3A_106 : memref<1x80x128xf32, #tpu.memory_space<vmem>> -> memref<80x128xf32, #tpu.memory_space<vmem>>
        %dma_start3A_108 = arith.constant 0 : i32
        %dma_start3A_109 = tpu.memref_slice %arg7[%add3A_92, %dma_start3A_108] : memref<10240x128xf32, #tpu.memory_space<hbm>> -> memref<80x128xf32, #tpu.memory_space<hbm>>
        %dma_start3A_110 = arith.constant 0 : i32
        %dma_start3A_111 = tpu.memref_slice %arg7[%add3A_92, %dma_start3A_110] : memref<10240x128xf32, #tpu.memory_space<hbm>> -> memref<80x128xf32, #tpu.memory_space<hbm>>
        %dma_start3A_112 = arith.constant 0 : i32
        %dma_start3A_113 = arith.constant 0 : i32
        %dma_start3A_114 = tpu.memref_slice %arg10[%run_scoped3A_94, %dma_start3A_112, %dma_start3A_113] : memref<2x80x128xf32, #tpu.memory_space<vmem>> -> memref<1x80x128xf32, #tpu.memory_space<vmem>>
        %dma_start3A_115 = tpu.memref_squeeze %dma_start3A_114 : memref<1x80x128xf32, #tpu.memory_space<vmem>> -> memref<80x128xf32, #tpu.memory_space<vmem>>
        tpu.enqueue_dma source(%dma_start3A_115 : memref<80x128xf32, #tpu.memory_space<vmem>>) target(%dma_start3A_111 : memref<80x128xf32, #tpu.memory_space<hbm>>) target_semaphore(%run_scoped3A_103 : memref<!tpu.dma_semaphore, #tpu.memory_space<semaphore_mem>>)
        %dma_wait3A_116 = arith.constant 0 : i32
        %dma_wait3A_117 = arith.constant 0 : i32
        %dma_wait3A_118 = tpu.memref_slice %arg10[%run_scoped3A_94, %dma_wait3A_116, %dma_wait3A_117] : memref<2x80x128xf32, #tpu.memory_space<vmem>> -> memref<1x80x128xf32, #tpu.memory_space<vmem>>
        %dma_wait3A_119 = tpu.memref_squeeze %dma_wait3A_118 : memref<1x80x128xf32, #tpu.memory_space<vmem>> -> memref<80x128xf32, #tpu.memory_space<vmem>>
        %dma_wait3A_120 = arith.constant 0 : i32
        %dma_wait3A_121 = tpu.memref_slice %arg7[%add3A_92, %dma_wait3A_120] : memref<10240x128xf32, #tpu.memory_space<hbm>> -> memref<80x128xf32, #tpu.memory_space<hbm>>
        %dma_wait3A_122 = arith.constant 0 : i32
        %dma_wait3A_123 = tpu.memref_slice %arg7[%add3A_92, %dma_wait3A_122] : memref<10240x128xf32, #tpu.memory_space<hbm>> -> memref<80x128xf32, #tpu.memory_space<hbm>>
        %dma_wait3A_124 = arith.constant 0 : i32
        %dma_wait3A_125 = arith.constant 0 : i32
        %dma_wait3A_126 = tpu.memref_slice %arg10[%run_scoped3A_94, %dma_wait3A_124, %dma_wait3A_125] : memref<2x80x128xf32, #tpu.memory_space<vmem>> -> memref<1x80x128xf32, #tpu.memory_space<vmem>>
        %dma_wait3A_127 = tpu.memref_squeeze %dma_wait3A_126 : memref<1x80x128xf32, #tpu.memory_space<vmem>> -> memref<80x128xf32, #tpu.memory_space<vmem>>
        tpu.wait_dma2 semaphore(%run_scoped3A_103 : memref<!tpu.dma_semaphore, #tpu.memory_space<semaphore_mem>>) src(%dma_wait3A_127 : memref<80x128xf32, #tpu.memory_space<vmem>>) dst(%dma_wait3A_123 : memref<80x128xf32, #tpu.memory_space<hbm>>)
        tpu.yield
      }) : () -> ()
      %add3A_95 = arith.constant 480 : i32
      %add3A_96 = arith.addi %mul3A_2, %add3A_95 : i32
      %run_scoped3A_97 = arith.constant 0 : i32
      "tpu.region"() ({
        %run_scoped3A_103 = tpu.sem_alloc : memref<!tpu.dma_semaphore, #tpu.memory_space<semaphore_mem>>
        %dma_start3A_104 = arith.constant 0 : i32
        %dma_start3A_105 = arith.constant 0 : i32
        %dma_start3A_106 = tpu.memref_slice %arg10[%run_scoped3A_97, %dma_start3A_104, %dma_start3A_105] : memref<2x80x128xf32, #tpu.memory_space<vmem>> -> memref<1x80x128xf32, #tpu.memory_space<vmem>>
        %dma_start3A_107 = tpu.memref_squeeze %dma_start3A_106 : memref<1x80x128xf32, #tpu.memory_space<vmem>> -> memref<80x128xf32, #tpu.memory_space<vmem>>
        %dma_start3A_108 = arith.constant 0 : i32
        %dma_start3A_109 = tpu.memref_slice %arg11[%add3A_96, %dma_start3A_108] : memref<10240x128xf32, #tpu.memory_space<vmem_shared>> -> memref<80x128xf32, #tpu.memory_space<vmem_shared>>
        %dma_start3A_110 = arith.constant 0 : i32
        %dma_start3A_111 = arith.constant 0 : i32
        %dma_start3A_112 = tpu.memref_slice %arg10[%run_scoped3A_97, %dma_start3A_110, %dma_start3A_111] : memref<2x80x128xf32, #tpu.memory_space<vmem>> -> memref<1x80x128xf32, #tpu.memory_space<vmem>>
        %dma_start3A_113 = tpu.memref_squeeze %dma_start3A_112 : memref<1x80x128xf32, #tpu.memory_space<vmem>> -> memref<80x128xf32, #tpu.memory_space<vmem>>
        %dma_start3A_114 = arith.constant 0 : i32
        %dma_start3A_115 = tpu.memref_slice %arg11[%add3A_96, %dma_start3A_114] : memref<10240x128xf32, #tpu.memory_space<vmem_shared>> -> memref<80x128xf32, #tpu.memory_space<vmem_shared>>
        tpu.enqueue_dma source(%dma_start3A_115 : memref<80x128xf32, #tpu.memory_space<vmem_shared>>) target(%dma_start3A_113 : memref<80x128xf32, #tpu.memory_space<vmem>>) target_semaphore(%run_scoped3A_103 : memref<!tpu.dma_semaphore, #tpu.memory_space<semaphore_mem>>)
        %dma_wait3A_116 = arith.constant 0 : i32
        %dma_wait3A_117 = arith.constant 0 : i32
        %dma_wait3A_118 = tpu.memref_slice %arg10[%run_scoped3A_97, %dma_wait3A_116, %dma_wait3A_117] : memref<2x80x128xf32, #tpu.memory_space<vmem>> -> memref<1x80x128xf32, #tpu.memory_space<vmem>>
        %dma_wait3A_119 = tpu.memref_squeeze %dma_wait3A_118 : memref<1x80x128xf32, #tpu.memory_space<vmem>> -> memref<80x128xf32, #tpu.memory_space<vmem>>
        %dma_wait3A_120 = arith.constant 0 : i32
        %dma_wait3A_121 = tpu.memref_slice %arg11[%add3A_96, %dma_wait3A_120] : memref<10240x128xf32, #tpu.memory_space<vmem_shared>> -> memref<80x128xf32, #tpu.memory_space<vmem_shared>>
        %dma_wait3A_122 = arith.constant 0 : i32
        %dma_wait3A_123 = arith.constant 0 : i32
        %dma_wait3A_124 = tpu.memref_slice %arg10[%run_scoped3A_97, %dma_wait3A_122, %dma_wait3A_123] : memref<2x80x128xf32, #tpu.memory_space<vmem>> -> memref<1x80x128xf32, #tpu.memory_space<vmem>>
        %dma_wait3A_125 = tpu.memref_squeeze %dma_wait3A_124 : memref<1x80x128xf32, #tpu.memory_space<vmem>> -> memref<80x128xf32, #tpu.memory_space<vmem>>
        %dma_wait3A_126 = arith.constant 0 : i32
        %dma_wait3A_127 = tpu.memref_slice %arg11[%add3A_96, %dma_wait3A_126] : memref<10240x128xf32, #tpu.memory_space<vmem_shared>> -> memref<80x128xf32, #tpu.memory_space<vmem_shared>>
        tpu.wait_dma2 semaphore(%run_scoped3A_103 : memref<!tpu.dma_semaphore, #tpu.memory_space<semaphore_mem>>) src(%dma_wait3A_127 : memref<80x128xf32, #tpu.memory_space<vmem_shared>>) dst(%dma_wait3A_125 : memref<80x128xf32, #tpu.memory_space<vmem>>)
        tpu.yield
      }) : () -> ()
      %run_scoped3A_98 = arith.constant 0 : i32
      "tpu.region"() ({
        %run_scoped3A_103 = tpu.sem_alloc : memref<!tpu.dma_semaphore, #tpu.memory_space<semaphore_mem>>
        %dma_start3A_104 = arith.constant 0 : i32
        %dma_start3A_105 = arith.constant 0 : i32
        %dma_start3A_106 = tpu.memref_slice %arg10[%run_scoped3A_98, %dma_start3A_104, %dma_start3A_105] : memref<2x80x128xf32, #tpu.memory_space<vmem>> -> memref<1x80x128xf32, #tpu.memory_space<vmem>>
        %dma_start3A_107 = tpu.memref_squeeze %dma_start3A_106 : memref<1x80x128xf32, #tpu.memory_space<vmem>> -> memref<80x128xf32, #tpu.memory_space<vmem>>
        %dma_start3A_108 = arith.constant 0 : i32
        %dma_start3A_109 = tpu.memref_slice %arg7[%add3A_96, %dma_start3A_108] : memref<10240x128xf32, #tpu.memory_space<hbm>> -> memref<80x128xf32, #tpu.memory_space<hbm>>
        %dma_start3A_110 = arith.constant 0 : i32
        %dma_start3A_111 = tpu.memref_slice %arg7[%add3A_96, %dma_start3A_110] : memref<10240x128xf32, #tpu.memory_space<hbm>> -> memref<80x128xf32, #tpu.memory_space<hbm>>
        %dma_start3A_112 = arith.constant 0 : i32
        %dma_start3A_113 = arith.constant 0 : i32
        %dma_start3A_114 = tpu.memref_slice %arg10[%run_scoped3A_98, %dma_start3A_112, %dma_start3A_113] : memref<2x80x128xf32, #tpu.memory_space<vmem>> -> memref<1x80x128xf32, #tpu.memory_space<vmem>>
        %dma_start3A_115 = tpu.memref_squeeze %dma_start3A_114 : memref<1x80x128xf32, #tpu.memory_space<vmem>> -> memref<80x128xf32, #tpu.memory_space<vmem>>
        tpu.enqueue_dma source(%dma_start3A_115 : memref<80x128xf32, #tpu.memory_space<vmem>>) target(%dma_start3A_111 : memref<80x128xf32, #tpu.memory_space<hbm>>) target_semaphore(%run_scoped3A_103 : memref<!tpu.dma_semaphore, #tpu.memory_space<semaphore_mem>>)
        %dma_wait3A_116 = arith.constant 0 : i32
        %dma_wait3A_117 = arith.constant 0 : i32
        %dma_wait3A_118 = tpu.memref_slice %arg10[%run_scoped3A_98, %dma_wait3A_116, %dma_wait3A_117] : memref<2x80x128xf32, #tpu.memory_space<vmem>> -> memref<1x80x128xf32, #tpu.memory_space<vmem>>
        %dma_wait3A_119 = tpu.memref_squeeze %dma_wait3A_118 : memref<1x80x128xf32, #tpu.memory_space<vmem>> -> memref<80x128xf32, #tpu.memory_space<vmem>>
        %dma_wait3A_120 = arith.constant 0 : i32
        %dma_wait3A_121 = tpu.memref_slice %arg7[%add3A_96, %dma_wait3A_120] : memref<10240x128xf32, #tpu.memory_space<hbm>> -> memref<80x128xf32, #tpu.memory_space<hbm>>
        %dma_wait3A_122 = arith.constant 0 : i32
        %dma_wait3A_123 = tpu.memref_slice %arg7[%add3A_96, %dma_wait3A_122] : memref<10240x128xf32, #tpu.memory_space<hbm>> -> memref<80x128xf32, #tpu.memory_space<hbm>>
        %dma_wait3A_124 = arith.constant 0 : i32
        %dma_wait3A_125 = arith.constant 0 : i32
        %dma_wait3A_126 = tpu.memref_slice %arg10[%run_scoped3A_98, %dma_wait3A_124, %dma_wait3A_125] : memref<2x80x128xf32, #tpu.memory_space<vmem>> -> memref<1x80x128xf32, #tpu.memory_space<vmem>>
        %dma_wait3A_127 = tpu.memref_squeeze %dma_wait3A_126 : memref<1x80x128xf32, #tpu.memory_space<vmem>> -> memref<80x128xf32, #tpu.memory_space<vmem>>
        tpu.wait_dma2 semaphore(%run_scoped3A_103 : memref<!tpu.dma_semaphore, #tpu.memory_space<semaphore_mem>>) src(%dma_wait3A_127 : memref<80x128xf32, #tpu.memory_space<vmem>>) dst(%dma_wait3A_123 : memref<80x128xf32, #tpu.memory_space<hbm>>)
        tpu.yield
      }) : () -> ()
      %add3A_99 = arith.constant 560 : i32
      %add3A_100 = arith.addi %mul3A_2, %add3A_99 : i32
      %run_scoped3A_101 = arith.constant 0 : i32
      "tpu.region"() ({
        %run_scoped3A_103 = tpu.sem_alloc : memref<!tpu.dma_semaphore, #tpu.memory_space<semaphore_mem>>
        %dma_start3A_104 = arith.constant 0 : i32
        %dma_start3A_105 = arith.constant 0 : i32
        %dma_start3A_106 = tpu.memref_slice %arg10[%run_scoped3A_101, %dma_start3A_104, %dma_start3A_105] : memref<2x80x128xf32, #tpu.memory_space<vmem>> -> memref<1x80x128xf32, #tpu.memory_space<vmem>>
        %dma_start3A_107 = tpu.memref_squeeze %dma_start3A_106 : memref<1x80x128xf32, #tpu.memory_space<vmem>> -> memref<80x128xf32, #tpu.memory_space<vmem>>
        %dma_start3A_108 = arith.constant 0 : i32
        %dma_start3A_109 = tpu.memref_slice %arg11[%add3A_100, %dma_start3A_108] : memref<10240x128xf32, #tpu.memory_space<vmem_shared>> -> memref<80x128xf32, #tpu.memory_space<vmem_shared>>
        %dma_start3A_110 = arith.constant 0 : i32
        %dma_start3A_111 = arith.constant 0 : i32
        %dma_start3A_112 = tpu.memref_slice %arg10[%run_scoped3A_101, %dma_start3A_110, %dma_start3A_111] : memref<2x80x128xf32, #tpu.memory_space<vmem>> -> memref<1x80x128xf32, #tpu.memory_space<vmem>>
        %dma_start3A_113 = tpu.memref_squeeze %dma_start3A_112 : memref<1x80x128xf32, #tpu.memory_space<vmem>> -> memref<80x128xf32, #tpu.memory_space<vmem>>
        %dma_start3A_114 = arith.constant 0 : i32
        %dma_start3A_115 = tpu.memref_slice %arg11[%add3A_100, %dma_start3A_114] : memref<10240x128xf32, #tpu.memory_space<vmem_shared>> -> memref<80x128xf32, #tpu.memory_space<vmem_shared>>
        tpu.enqueue_dma source(%dma_start3A_115 : memref<80x128xf32, #tpu.memory_space<vmem_shared>>) target(%dma_start3A_113 : memref<80x128xf32, #tpu.memory_space<vmem>>) target_semaphore(%run_scoped3A_103 : memref<!tpu.dma_semaphore, #tpu.memory_space<semaphore_mem>>)
        %dma_wait3A_116 = arith.constant 0 : i32
        %dma_wait3A_117 = arith.constant 0 : i32
        %dma_wait3A_118 = tpu.memref_slice %arg10[%run_scoped3A_101, %dma_wait3A_116, %dma_wait3A_117] : memref<2x80x128xf32, #tpu.memory_space<vmem>> -> memref<1x80x128xf32, #tpu.memory_space<vmem>>
        %dma_wait3A_119 = tpu.memref_squeeze %dma_wait3A_118 : memref<1x80x128xf32, #tpu.memory_space<vmem>> -> memref<80x128xf32, #tpu.memory_space<vmem>>
        %dma_wait3A_120 = arith.constant 0 : i32
        %dma_wait3A_121 = tpu.memref_slice %arg11[%add3A_100, %dma_wait3A_120] : memref<10240x128xf32, #tpu.memory_space<vmem_shared>> -> memref<80x128xf32, #tpu.memory_space<vmem_shared>>
        %dma_wait3A_122 = arith.constant 0 : i32
        %dma_wait3A_123 = arith.constant 0 : i32
        %dma_wait3A_124 = tpu.memref_slice %arg10[%run_scoped3A_101, %dma_wait3A_122, %dma_wait3A_123] : memref<2x80x128xf32, #tpu.memory_space<vmem>> -> memref<1x80x128xf32, #tpu.memory_space<vmem>>
        %dma_wait3A_125 = tpu.memref_squeeze %dma_wait3A_124 : memref<1x80x128xf32, #tpu.memory_space<vmem>> -> memref<80x128xf32, #tpu.memory_space<vmem>>
        %dma_wait3A_126 = arith.constant 0 : i32
        %dma_wait3A_127 = tpu.memref_slice %arg11[%add3A_100, %dma_wait3A_126] : memref<10240x128xf32, #tpu.memory_space<vmem_shared>> -> memref<80x128xf32, #tpu.memory_space<vmem_shared>>
        tpu.wait_dma2 semaphore(%run_scoped3A_103 : memref<!tpu.dma_semaphore, #tpu.memory_space<semaphore_mem>>) src(%dma_wait3A_127 : memref<80x128xf32, #tpu.memory_space<vmem_shared>>) dst(%dma_wait3A_125 : memref<80x128xf32, #tpu.memory_space<vmem>>)
        tpu.yield
      }) : () -> ()
      %run_scoped3A_102 = arith.constant 0 : i32
      "tpu.region"() ({
        %run_scoped3A_103 = tpu.sem_alloc : memref<!tpu.dma_semaphore, #tpu.memory_space<semaphore_mem>>
        %dma_start3A_104 = arith.constant 0 : i32
        %dma_start3A_105 = arith.constant 0 : i32
        %dma_start3A_106 = tpu.memref_slice %arg10[%run_scoped3A_102, %dma_start3A_104, %dma_start3A_105] : memref<2x80x128xf32, #tpu.memory_space<vmem>> -> memref<1x80x128xf32, #tpu.memory_space<vmem>>
        %dma_start3A_107 = tpu.memref_squeeze %dma_start3A_106 : memref<1x80x128xf32, #tpu.memory_space<vmem>> -> memref<80x128xf32, #tpu.memory_space<vmem>>
        %dma_start3A_108 = arith.constant 0 : i32
        %dma_start3A_109 = tpu.memref_slice %arg7[%add3A_100, %dma_start3A_108] : memref<10240x128xf32, #tpu.memory_space<hbm>> -> memref<80x128xf32, #tpu.memory_space<hbm>>
        %dma_start3A_110 = arith.constant 0 : i32
        %dma_start3A_111 = tpu.memref_slice %arg7[%add3A_100, %dma_start3A_110] : memref<10240x128xf32, #tpu.memory_space<hbm>> -> memref<80x128xf32, #tpu.memory_space<hbm>>
        %dma_start3A_112 = arith.constant 0 : i32
        %dma_start3A_113 = arith.constant 0 : i32
        %dma_start3A_114 = tpu.memref_slice %arg10[%run_scoped3A_102, %dma_start3A_112, %dma_start3A_113] : memref<2x80x128xf32, #tpu.memory_space<vmem>> -> memref<1x80x128xf32, #tpu.memory_space<vmem>>
        %dma_start3A_115 = tpu.memref_squeeze %dma_start3A_114 : memref<1x80x128xf32, #tpu.memory_space<vmem>> -> memref<80x128xf32, #tpu.memory_space<vmem>>
        tpu.enqueue_dma source(%dma_start3A_115 : memref<80x128xf32, #tpu.memory_space<vmem>>) target(%dma_start3A_111 : memref<80x128xf32, #tpu.memory_space<hbm>>) target_semaphore(%run_scoped3A_103 : memref<!tpu.dma_semaphore, #tpu.memory_space<semaphore_mem>>)
        %dma_wait3A_116 = arith.constant 0 : i32
        %dma_wait3A_117 = arith.constant 0 : i32
        %dma_wait3A_118 = tpu.memref_slice %arg10[%run_scoped3A_102, %dma_wait3A_116, %dma_wait3A_117] : memref<2x80x128xf32, #tpu.memory_space<vmem>> -> memref<1x80x128xf32, #tpu.memory_space<vmem>>
        %dma_wait3A_119 = tpu.memref_squeeze %dma_wait3A_118 : memref<1x80x128xf32, #tpu.memory_space<vmem>> -> memref<80x128xf32, #tpu.memory_space<vmem>>
        %dma_wait3A_120 = arith.constant 0 : i32
        %dma_wait3A_121 = tpu.memref_slice %arg7[%add3A_100, %dma_wait3A_120] : memref<10240x128xf32, #tpu.memory_space<hbm>> -> memref<80x128xf32, #tpu.memory_space<hbm>>
        %dma_wait3A_122 = arith.constant 0 : i32
        %dma_wait3A_123 = tpu.memref_slice %arg7[%add3A_100, %dma_wait3A_122] : memref<10240x128xf32, #tpu.memory_space<hbm>> -> memref<80x128xf32, #tpu.memory_space<hbm>>
        %dma_wait3A_124 = arith.constant 0 : i32
        %dma_wait3A_125 = arith.constant 0 : i32
        %dma_wait3A_126 = tpu.memref_slice %arg10[%run_scoped3A_102, %dma_wait3A_124, %dma_wait3A_125] : memref<2x80x128xf32, #tpu.memory_space<vmem>> -> memref<1x80x128xf32, #tpu.memory_space<vmem>>
        %dma_wait3A_127 = tpu.memref_squeeze %dma_wait3A_126 : memref<1x80x128xf32, #tpu.memory_space<vmem>> -> memref<80x128xf32, #tpu.memory_space<vmem>>
        tpu.wait_dma2 semaphore(%run_scoped3A_103 : memref<!tpu.dma_semaphore, #tpu.memory_space<semaphore_mem>>) src(%dma_wait3A_127 : memref<80x128xf32, #tpu.memory_space<vmem>>) dst(%dma_wait3A_123 : memref<80x128xf32, #tpu.memory_space<hbm>>)
        tpu.yield
      }) : () -> ()
    } else {
    }
    return
  }
}

#map = affine_map<(d0, d1) -> (0, 0, 0)>
#map1 = affine_map<(d0, d1) -> (0, 0)>
module attributes {stable_mosaic.version = 14 : i64} {
  func.func @_sc_cnt_body(%arg0: i32, %arg1: i32, %arg2: memref<32x125x80xi32, #tpu.memory_space<hbm>>, %arg3: memref<80x128xf32, #tpu.memory_space<hbm>>, %arg4: memref<80x128xf32, #tpu.memory_space<hbm>>, %arg5: memref<10240x128xf32, #tpu.memory_space<hbm>>, %arg6: memref<10240x128xf32, #tpu.memory_space<hbm>>, %arg7: memref<125x80xi32, #tpu.memory_space<vmem>>, %arg8: memref<80x128xf32, #tpu.memory_space<vmem>>, %arg9: memref<80x128xf32, #tpu.memory_space<vmem>>, %arg10: memref<10240x128xf32, #tpu.memory_space<vmem_shared>>, %arg11: memref<!tpu.dma_semaphore, #tpu.memory_space<semaphore_mem>>) attributes {dimension_semantics = [#tpu.dimension_semantics<core_parallel>, #tpu.dimension_semantics<subcore_parallel>], iteration_bounds = array<i64: 2, 16>, scalar_prefetch = 0 : i64, scratch_operands = 5 : i64, tpu.core_type = #tpu.core_type<sc_vector_subcore>, window_params = [{transform_indices = #map}, {transform_indices = #map1}, {transform_indices = #map1}, {transform_indices = #map1}, {transform_indices = #map1}]} {
    %mul3A = arith.constant 2 : i32
    %mul3A_0 = arith.muli %arg1, %mul3A : i32
    %add3A = arith.addi %mul3A_0, %arg0 : i32
    %mul3A_1 = arith.constant 640 : i32
    %mul3A_2 = arith.muli %arg1, %mul3A_1 : i32
    "tpu.region"() ({
      %run_scoped3A = tpu.sem_alloc : memref<!tpu.dma_semaphore, #tpu.memory_space<semaphore_mem>>
      %dma_start3A = arith.constant 0 : i32
      %dma_start3A_36 = arith.constant 0 : i32
      %dma_start3A_37 = tpu.memref_slice %arg2[%add3A, %dma_start3A, %dma_start3A_36] : memref<32x125x80xi32, #tpu.memory_space<hbm>> -> memref<1x125x80xi32, #tpu.memory_space<hbm>>
      %dma_start3A_38 = tpu.memref_squeeze %dma_start3A_37 : memref<1x125x80xi32, #tpu.memory_space<hbm>> -> memref<125x80xi32, #tpu.memory_space<hbm>>
      %dma_start3A_39 = arith.constant 0 : i32
      %dma_start3A_40 = arith.constant 0 : i32
      %dma_start3A_41 = tpu.memref_slice %arg2[%add3A, %dma_start3A_39, %dma_start3A_40] : memref<32x125x80xi32, #tpu.memory_space<hbm>> -> memref<1x125x80xi32, #tpu.memory_space<hbm>>
      %dma_start3A_42 = tpu.memref_squeeze %dma_start3A_41 : memref<1x125x80xi32, #tpu.memory_space<hbm>> -> memref<125x80xi32, #tpu.memory_space<hbm>>
      tpu.enqueue_dma source(%dma_start3A_42 : memref<125x80xi32, #tpu.memory_space<hbm>>) target(%arg7 : memref<125x80xi32, #tpu.memory_space<vmem>>) target_semaphore(%run_scoped3A : memref<!tpu.dma_semaphore, #tpu.memory_space<semaphore_mem>>)
      %dma_wait3A = arith.constant 0 : i32
      %dma_wait3A_43 = arith.constant 0 : i32
      %dma_wait3A_44 = tpu.memref_slice %arg2[%add3A, %dma_wait3A, %dma_wait3A_43] : memref<32x125x80xi32, #tpu.memory_space<hbm>> -> memref<1x125x80xi32, #tpu.memory_space<hbm>>
      %dma_wait3A_45 = tpu.memref_squeeze %dma_wait3A_44 : memref<1x125x80xi32, #tpu.memory_space<hbm>> -> memref<125x80xi32, #tpu.memory_space<hbm>>
      %dma_wait3A_46 = arith.constant 0 : i32
      %dma_wait3A_47 = arith.constant 0 : i32
      %dma_wait3A_48 = tpu.memref_slice %arg2[%add3A, %dma_wait3A_46, %dma_wait3A_47] : memref<32x125x80xi32, #tpu.memory_space<hbm>> -> memref<1x125x80xi32, #tpu.memory_space<hbm>>
      %dma_wait3A_49 = tpu.memref_squeeze %dma_wait3A_48 : memref<1x125x80xi32, #tpu.memory_space<hbm>> -> memref<125x80xi32, #tpu.memory_space<hbm>>
      tpu.wait_dma2 semaphore(%run_scoped3A : memref<!tpu.dma_semaphore, #tpu.memory_space<semaphore_mem>>) src(%dma_wait3A_49 : memref<125x80xi32, #tpu.memory_space<hbm>>) dst(%arg7 : memref<125x80xi32, #tpu.memory_space<vmem>>)
      tpu.yield
    }) : () -> ()
    "tpu.region"() ({
      %run_scoped3A = tpu.sem_alloc : memref<!tpu.dma_semaphore, #tpu.memory_space<semaphore_mem>>
      tpu.enqueue_dma source(%arg3 : memref<80x128xf32, #tpu.memory_space<hbm>>) target(%arg9 : memref<80x128xf32, #tpu.memory_space<vmem>>) target_semaphore(%run_scoped3A : memref<!tpu.dma_semaphore, #tpu.memory_space<semaphore_mem>>)
      tpu.wait_dma2 semaphore(%run_scoped3A : memref<!tpu.dma_semaphore, #tpu.memory_space<semaphore_mem>>) src(%arg3 : memref<80x128xf32, #tpu.memory_space<hbm>>) dst(%arg9 : memref<80x128xf32, #tpu.memory_space<vmem>>)
      tpu.yield
    }) : () -> ()
    "tpu.region"() ({
      %run_scoped3A = tpu.sem_alloc : memref<!tpu.dma_semaphore, #tpu.memory_space<semaphore_mem>>
      tpu.enqueue_dma source(%arg4 : memref<80x128xf32, #tpu.memory_space<hbm>>) target(%arg8 : memref<80x128xf32, #tpu.memory_space<vmem>>) target_semaphore(%run_scoped3A : memref<!tpu.dma_semaphore, #tpu.memory_space<semaphore_mem>>)
      tpu.wait_dma2 semaphore(%run_scoped3A : memref<!tpu.dma_semaphore, #tpu.memory_space<semaphore_mem>>) src(%arg4 : memref<80x128xf32, #tpu.memory_space<hbm>>) dst(%arg8 : memref<80x128xf32, #tpu.memory_space<vmem>>)
      tpu.yield
    }) : () -> ()
    %add3A_3 = arith.constant 0 : i32
    %add3A_4 = arith.addi %mul3A_2, %add3A_3 : i32
    "tpu.region"() ({
      %run_scoped3A = tpu.sem_alloc : memref<!tpu.dma_semaphore, #tpu.memory_space<semaphore_mem>>
      %dma_start3A = arith.constant 0 : i32
      %dma_start3A_36 = tpu.memref_slice %arg10[%add3A_4, %dma_start3A] : memref<10240x128xf32, #tpu.memory_space<vmem_shared>> -> memref<80x128xf32, #tpu.memory_space<vmem_shared>>
      %dma_start3A_37 = arith.constant 0 : i32
      %dma_start3A_38 = tpu.memref_slice %arg10[%add3A_4, %dma_start3A_37] : memref<10240x128xf32, #tpu.memory_space<vmem_shared>> -> memref<80x128xf32, #tpu.memory_space<vmem_shared>>
      tpu.enqueue_dma source(%arg9 : memref<80x128xf32, #tpu.memory_space<vmem>>) target(%dma_start3A_38 : memref<80x128xf32, #tpu.memory_space<vmem_shared>>) target_semaphore(%run_scoped3A : memref<!tpu.dma_semaphore, #tpu.memory_space<semaphore_mem>>)
      %dma_wait3A = arith.constant 0 : i32
      %dma_wait3A_39 = tpu.memref_slice %arg10[%add3A_4, %dma_wait3A] : memref<10240x128xf32, #tpu.memory_space<vmem_shared>> -> memref<80x128xf32, #tpu.memory_space<vmem_shared>>
      %dma_wait3A_40 = arith.constant 0 : i32
      %dma_wait3A_41 = tpu.memref_slice %arg10[%add3A_4, %dma_wait3A_40] : memref<10240x128xf32, #tpu.memory_space<vmem_shared>> -> memref<80x128xf32, #tpu.memory_space<vmem_shared>>
      tpu.wait_dma2 semaphore(%run_scoped3A : memref<!tpu.dma_semaphore, #tpu.memory_space<semaphore_mem>>) src(%arg9 : memref<80x128xf32, #tpu.memory_space<vmem>>) dst(%dma_wait3A_41 : memref<80x128xf32, #tpu.memory_space<vmem_shared>>)
      tpu.yield
    }) : () -> ()
    %add3A_5 = arith.constant 80 : i32
    %add3A_6 = arith.addi %mul3A_2, %add3A_5 : i32
    "tpu.region"() ({
      %run_scoped3A = tpu.sem_alloc : memref<!tpu.dma_semaphore, #tpu.memory_space<semaphore_mem>>
      %dma_start3A = arith.constant 0 : i32
      %dma_start3A_36 = tpu.memref_slice %arg10[%add3A_6, %dma_start3A] : memref<10240x128xf32, #tpu.memory_space<vmem_shared>> -> memref<80x128xf32, #tpu.memory_space<vmem_shared>>
      %dma_start3A_37 = arith.constant 0 : i32
      %dma_start3A_38 = tpu.memref_slice %arg10[%add3A_6, %dma_start3A_37] : memref<10240x128xf32, #tpu.memory_space<vmem_shared>> -> memref<80x128xf32, #tpu.memory_space<vmem_shared>>
      tpu.enqueue_dma source(%arg9 : memref<80x128xf32, #tpu.memory_space<vmem>>) target(%dma_start3A_38 : memref<80x128xf32, #tpu.memory_space<vmem_shared>>) target_semaphore(%run_scoped3A : memref<!tpu.dma_semaphore, #tpu.memory_space<semaphore_mem>>)
      %dma_wait3A = arith.constant 0 : i32
      %dma_wait3A_39 = tpu.memref_slice %arg10[%add3A_6, %dma_wait3A] : memref<10240x128xf32, #tpu.memory_space<vmem_shared>> -> memref<80x128xf32, #tpu.memory_space<vmem_shared>>
      %dma_wait3A_40 = arith.constant 0 : i32
      %dma_wait3A_41 = tpu.memref_slice %arg10[%add3A_6, %dma_wait3A_40] : memref<10240x128xf32, #tpu.memory_space<vmem_shared>> -> memref<80x128xf32, #tpu.memory_space<vmem_shared>>
      tpu.wait_dma2 semaphore(%run_scoped3A : memref<!tpu.dma_semaphore, #tpu.memory_space<semaphore_mem>>) src(%arg9 : memref<80x128xf32, #tpu.memory_space<vmem>>) dst(%dma_wait3A_41 : memref<80x128xf32, #tpu.memory_space<vmem_shared>>)
      tpu.yield
    }) : () -> ()
    %add3A_7 = arith.constant 160 : i32
    %add3A_8 = arith.addi %mul3A_2, %add3A_7 : i32
    "tpu.region"() ({
      %run_scoped3A = tpu.sem_alloc : memref<!tpu.dma_semaphore, #tpu.memory_space<semaphore_mem>>
      %dma_start3A = arith.constant 0 : i32
      %dma_start3A_36 = tpu.memref_slice %arg10[%add3A_8, %dma_start3A] : memref<10240x128xf32, #tpu.memory_space<vmem_shared>> -> memref<80x128xf32, #tpu.memory_space<vmem_shared>>
      %dma_start3A_37 = arith.constant 0 : i32
      %dma_start3A_38 = tpu.memref_slice %arg10[%add3A_8, %dma_start3A_37] : memref<10240x128xf32, #tpu.memory_space<vmem_shared>> -> memref<80x128xf32, #tpu.memory_space<vmem_shared>>
      tpu.enqueue_dma source(%arg9 : memref<80x128xf32, #tpu.memory_space<vmem>>) target(%dma_start3A_38 : memref<80x128xf32, #tpu.memory_space<vmem_shared>>) target_semaphore(%run_scoped3A : memref<!tpu.dma_semaphore, #tpu.memory_space<semaphore_mem>>)
      %dma_wait3A = arith.constant 0 : i32
      %dma_wait3A_39 = tpu.memref_slice %arg10[%add3A_8, %dma_wait3A] : memref<10240x128xf32, #tpu.memory_space<vmem_shared>> -> memref<80x128xf32, #tpu.memory_space<vmem_shared>>
      %dma_wait3A_40 = arith.constant 0 : i32
      %dma_wait3A_41 = tpu.memref_slice %arg10[%add3A_8, %dma_wait3A_40] : memref<10240x128xf32, #tpu.memory_space<vmem_shared>> -> memref<80x128xf32, #tpu.memory_space<vmem_shared>>
      tpu.wait_dma2 semaphore(%run_scoped3A : memref<!tpu.dma_semaphore, #tpu.memory_space<semaphore_mem>>) src(%arg9 : memref<80x128xf32, #tpu.memory_space<vmem>>) dst(%dma_wait3A_41 : memref<80x128xf32, #tpu.memory_space<vmem_shared>>)
      tpu.yield
    }) : () -> ()
    %add3A_9 = arith.constant 240 : i32
    %add3A_10 = arith.addi %mul3A_2, %add3A_9 : i32
    "tpu.region"() ({
      %run_scoped3A = tpu.sem_alloc : memref<!tpu.dma_semaphore, #tpu.memory_space<semaphore_mem>>
      %dma_start3A = arith.constant 0 : i32
      %dma_start3A_36 = tpu.memref_slice %arg10[%add3A_10, %dma_start3A] : memref<10240x128xf32, #tpu.memory_space<vmem_shared>> -> memref<80x128xf32, #tpu.memory_space<vmem_shared>>
      %dma_start3A_37 = arith.constant 0 : i32
      %dma_start3A_38 = tpu.memref_slice %arg10[%add3A_10, %dma_start3A_37] : memref<10240x128xf32, #tpu.memory_space<vmem_shared>> -> memref<80x128xf32, #tpu.memory_space<vmem_shared>>
      tpu.enqueue_dma source(%arg9 : memref<80x128xf32, #tpu.memory_space<vmem>>) target(%dma_start3A_38 : memref<80x128xf32, #tpu.memory_space<vmem_shared>>) target_semaphore(%run_scoped3A : memref<!tpu.dma_semaphore, #tpu.memory_space<semaphore_mem>>)
      %dma_wait3A = arith.constant 0 : i32
      %dma_wait3A_39 = tpu.memref_slice %arg10[%add3A_10, %dma_wait3A] : memref<10240x128xf32, #tpu.memory_space<vmem_shared>> -> memref<80x128xf32, #tpu.memory_space<vmem_shared>>
      %dma_wait3A_40 = arith.constant 0 : i32
      %dma_wait3A_41 = tpu.memref_slice %arg10[%add3A_10, %dma_wait3A_40] : memref<10240x128xf32, #tpu.memory_space<vmem_shared>> -> memref<80x128xf32, #tpu.memory_space<vmem_shared>>
      tpu.wait_dma2 semaphore(%run_scoped3A : memref<!tpu.dma_semaphore, #tpu.memory_space<semaphore_mem>>) src(%arg9 : memref<80x128xf32, #tpu.memory_space<vmem>>) dst(%dma_wait3A_41 : memref<80x128xf32, #tpu.memory_space<vmem_shared>>)
      tpu.yield
    }) : () -> ()
    %add3A_11 = arith.constant 320 : i32
    %add3A_12 = arith.addi %mul3A_2, %add3A_11 : i32
    "tpu.region"() ({
      %run_scoped3A = tpu.sem_alloc : memref<!tpu.dma_semaphore, #tpu.memory_space<semaphore_mem>>
      %dma_start3A = arith.constant 0 : i32
      %dma_start3A_36 = tpu.memref_slice %arg10[%add3A_12, %dma_start3A] : memref<10240x128xf32, #tpu.memory_space<vmem_shared>> -> memref<80x128xf32, #tpu.memory_space<vmem_shared>>
      %dma_start3A_37 = arith.constant 0 : i32
      %dma_start3A_38 = tpu.memref_slice %arg10[%add3A_12, %dma_start3A_37] : memref<10240x128xf32, #tpu.memory_space<vmem_shared>> -> memref<80x128xf32, #tpu.memory_space<vmem_shared>>
      tpu.enqueue_dma source(%arg9 : memref<80x128xf32, #tpu.memory_space<vmem>>) target(%dma_start3A_38 : memref<80x128xf32, #tpu.memory_space<vmem_shared>>) target_semaphore(%run_scoped3A : memref<!tpu.dma_semaphore, #tpu.memory_space<semaphore_mem>>)
      %dma_wait3A = arith.constant 0 : i32
      %dma_wait3A_39 = tpu.memref_slice %arg10[%add3A_12, %dma_wait3A] : memref<10240x128xf32, #tpu.memory_space<vmem_shared>> -> memref<80x128xf32, #tpu.memory_space<vmem_shared>>
      %dma_wait3A_40 = arith.constant 0 : i32
      %dma_wait3A_41 = tpu.memref_slice %arg10[%add3A_12, %dma_wait3A_40] : memref<10240x128xf32, #tpu.memory_space<vmem_shared>> -> memref<80x128xf32, #tpu.memory_space<vmem_shared>>
      tpu.wait_dma2 semaphore(%run_scoped3A : memref<!tpu.dma_semaphore, #tpu.memory_space<semaphore_mem>>) src(%arg9 : memref<80x128xf32, #tpu.memory_space<vmem>>) dst(%dma_wait3A_41 : memref<80x128xf32, #tpu.memory_space<vmem_shared>>)
      tpu.yield
    }) : () -> ()
    %add3A_13 = arith.constant 400 : i32
    %add3A_14 = arith.addi %mul3A_2, %add3A_13 : i32
    "tpu.region"() ({
      %run_scoped3A = tpu.sem_alloc : memref<!tpu.dma_semaphore, #tpu.memory_space<semaphore_mem>>
      %dma_start3A = arith.constant 0 : i32
      %dma_start3A_36 = tpu.memref_slice %arg10[%add3A_14, %dma_start3A] : memref<10240x128xf32, #tpu.memory_space<vmem_shared>> -> memref<80x128xf32, #tpu.memory_space<vmem_shared>>
      %dma_start3A_37 = arith.constant 0 : i32
      %dma_start3A_38 = tpu.memref_slice %arg10[%add3A_14, %dma_start3A_37] : memref<10240x128xf32, #tpu.memory_space<vmem_shared>> -> memref<80x128xf32, #tpu.memory_space<vmem_shared>>
      tpu.enqueue_dma source(%arg9 : memref<80x128xf32, #tpu.memory_space<vmem>>) target(%dma_start3A_38 : memref<80x128xf32, #tpu.memory_space<vmem_shared>>) target_semaphore(%run_scoped3A : memref<!tpu.dma_semaphore, #tpu.memory_space<semaphore_mem>>)
      %dma_wait3A = arith.constant 0 : i32
      %dma_wait3A_39 = tpu.memref_slice %arg10[%add3A_14, %dma_wait3A] : memref<10240x128xf32, #tpu.memory_space<vmem_shared>> -> memref<80x128xf32, #tpu.memory_space<vmem_shared>>
      %dma_wait3A_40 = arith.constant 0 : i32
      %dma_wait3A_41 = tpu.memref_slice %arg10[%add3A_14, %dma_wait3A_40] : memref<10240x128xf32, #tpu.memory_space<vmem_shared>> -> memref<80x128xf32, #tpu.memory_space<vmem_shared>>
      tpu.wait_dma2 semaphore(%run_scoped3A : memref<!tpu.dma_semaphore, #tpu.memory_space<semaphore_mem>>) src(%arg9 : memref<80x128xf32, #tpu.memory_space<vmem>>) dst(%dma_wait3A_41 : memref<80x128xf32, #tpu.memory_space<vmem_shared>>)
      tpu.yield
    }) : () -> ()
    %add3A_15 = arith.constant 480 : i32
    %add3A_16 = arith.addi %mul3A_2, %add3A_15 : i32
    "tpu.region"() ({
      %run_scoped3A = tpu.sem_alloc : memref<!tpu.dma_semaphore, #tpu.memory_space<semaphore_mem>>
      %dma_start3A = arith.constant 0 : i32
      %dma_start3A_36 = tpu.memref_slice %arg10[%add3A_16, %dma_start3A] : memref<10240x128xf32, #tpu.memory_space<vmem_shared>> -> memref<80x128xf32, #tpu.memory_space<vmem_shared>>
      %dma_start3A_37 = arith.constant 0 : i32
      %dma_start3A_38 = tpu.memref_slice %arg10[%add3A_16, %dma_start3A_37] : memref<10240x128xf32, #tpu.memory_space<vmem_shared>> -> memref<80x128xf32, #tpu.memory_space<vmem_shared>>
      tpu.enqueue_dma source(%arg9 : memref<80x128xf32, #tpu.memory_space<vmem>>) target(%dma_start3A_38 : memref<80x128xf32, #tpu.memory_space<vmem_shared>>) target_semaphore(%run_scoped3A : memref<!tpu.dma_semaphore, #tpu.memory_space<semaphore_mem>>)
      %dma_wait3A = arith.constant 0 : i32
      %dma_wait3A_39 = tpu.memref_slice %arg10[%add3A_16, %dma_wait3A] : memref<10240x128xf32, #tpu.memory_space<vmem_shared>> -> memref<80x128xf32, #tpu.memory_space<vmem_shared>>
      %dma_wait3A_40 = arith.constant 0 : i32
      %dma_wait3A_41 = tpu.memref_slice %arg10[%add3A_16, %dma_wait3A_40] : memref<10240x128xf32, #tpu.memory_space<vmem_shared>> -> memref<80x128xf32, #tpu.memory_space<vmem_shared>>
      tpu.wait_dma2 semaphore(%run_scoped3A : memref<!tpu.dma_semaphore, #tpu.memory_space<semaphore_mem>>) src(%arg9 : memref<80x128xf32, #tpu.memory_space<vmem>>) dst(%dma_wait3A_41 : memref<80x128xf32, #tpu.memory_space<vmem_shared>>)
      tpu.yield
    }) : () -> ()
    %add3A_17 = arith.constant 560 : i32
    %add3A_18 = arith.addi %mul3A_2, %add3A_17 : i32
    "tpu.region"() ({
      %run_scoped3A = tpu.sem_alloc : memref<!tpu.dma_semaphore, #tpu.memory_space<semaphore_mem>>
      %dma_start3A = arith.constant 0 : i32
      %dma_start3A_36 = tpu.memref_slice %arg10[%add3A_18, %dma_start3A] : memref<10240x128xf32, #tpu.memory_space<vmem_shared>> -> memref<80x128xf32, #tpu.memory_space<vmem_shared>>
      %dma_start3A_37 = arith.constant 0 : i32
      %dma_start3A_38 = tpu.memref_slice %arg10[%add3A_18, %dma_start3A_37] : memref<10240x128xf32, #tpu.memory_space<vmem_shared>> -> memref<80x128xf32, #tpu.memory_space<vmem_shared>>
      tpu.enqueue_dma source(%arg9 : memref<80x128xf32, #tpu.memory_space<vmem>>) target(%dma_start3A_38 : memref<80x128xf32, #tpu.memory_space<vmem_shared>>) target_semaphore(%run_scoped3A : memref<!tpu.dma_semaphore, #tpu.memory_space<semaphore_mem>>)
      %dma_wait3A = arith.constant 0 : i32
      %dma_wait3A_39 = tpu.memref_slice %arg10[%add3A_18, %dma_wait3A] : memref<10240x128xf32, #tpu.memory_space<vmem_shared>> -> memref<80x128xf32, #tpu.memory_space<vmem_shared>>
      %dma_wait3A_40 = arith.constant 0 : i32
      %dma_wait3A_41 = tpu.memref_slice %arg10[%add3A_18, %dma_wait3A_40] : memref<10240x128xf32, #tpu.memory_space<vmem_shared>> -> memref<80x128xf32, #tpu.memory_space<vmem_shared>>
      tpu.wait_dma2 semaphore(%run_scoped3A : memref<!tpu.dma_semaphore, #tpu.memory_space<semaphore_mem>>) src(%arg9 : memref<80x128xf32, #tpu.memory_space<vmem>>) dst(%dma_wait3A_41 : memref<80x128xf32, #tpu.memory_space<vmem_shared>>)
      tpu.yield
    }) : () -> ()
    %barrier3A = arith.constant 0 : index
    tpu.barrier barrier_id(%barrier3A)
    %scan3A = arith.constant 0 : i32
    %scan3A_19 = arith.constant 125 : i32
    %scan3A_20 = arith.addi %scan3A, %scan3A_19 : i32
    %scan3A_21 = arith.constant 1 : i32
    scf.for %scan3A_36 = %scan3A to %scan3A_20 step %scan3A_21  : i32 {
      %mul3A_37 = arith.constant 1 : i32
      %mul3A_38 = arith.muli %scan3A_36, %mul3A_37 : i32
      %add3A_39 = arith.constant 0 : i32
      %add3A_40 = arith.addi %add3A_39, %mul3A_38 : i32
      %dma_start3A = arith.constant 0 : i32
      %dma_start3A_41 = tpu.memref_slice %arg7[%add3A_40, %dma_start3A] : memref<125x80xi32, #tpu.memory_space<vmem>> -> memref<1x80xi32, #tpu.memory_space<vmem>>
      %dma_start3A_42 = tpu.memref_squeeze %dma_start3A_41 : memref<1x80xi32, #tpu.memory_space<vmem>> -> memref<80xi32, #tpu.memory_space<vmem>>
      %dma_start3A_43 = arith.constant 0 : i32
      %dma_start3A_44 = arith.constant 0 : i32
      %dma_start3A_45 = tpu.memref_slice %arg10[%dma_start3A_43, %dma_start3A_44] : memref<10240x128xf32, #tpu.memory_space<vmem_shared>> -> memref<10240x128xf32, #tpu.memory_space<vmem_shared>>
      tpu.enqueue_indirect_dma source(%arg8 : memref<80x128xf32, #tpu.memory_space<vmem>>) target(%dma_start3A_45 : memref<10240x128xf32, #tpu.memory_space<vmem_shared>>) offsets(%dma_start3A_42 : memref<80xi32, #tpu.memory_space<vmem>>) semaphore(%arg11 : memref<!tpu.dma_semaphore, #tpu.memory_space<semaphore_mem>>) {add = true}
    }
    %scan3A_22 = arith.constant 125 : i32
    %scan3A_23 = arith.constant 0 : i32
    %scan3A_24 = arith.constant 125 : i32
    %scan3A_25 = arith.addi %scan3A_23, %scan3A_24 : i32
    %scan3A_26 = arith.constant 1 : i32
    scf.for %scan3A_36 = %scan3A_23 to %scan3A_25 step %scan3A_26  : i32 {
      %mul3A_37 = arith.constant 1 : i32
      %mul3A_38 = arith.muli %scan3A_36, %mul3A_37 : i32
      %add3A_39 = arith.constant 0 : i32
      %add3A_40 = arith.addi %add3A_39, %mul3A_38 : i32
      %dma_wait3A = arith.constant 0 : i32
      %dma_wait3A_41 = arith.constant 0 : i32
      %dma_wait3A_42 = tpu.memref_slice %arg7[%dma_wait3A, %dma_wait3A_41] : memref<125x80xi32, #tpu.memory_space<vmem>> -> memref<1x80xi32, #tpu.memory_space<vmem>>
      %dma_wait3A_43 = tpu.memref_squeeze %dma_wait3A_42 : memref<1x80xi32, #tpu.memory_space<vmem>> -> memref<80xi32, #tpu.memory_space<vmem>>
      %dma_wait3A_44 = arith.constant 0 : i32
      %dma_wait3A_45 = arith.constant 0 : i32
      %dma_wait3A_46 = tpu.memref_slice %arg10[%dma_wait3A_44, %dma_wait3A_45] : memref<10240x128xf32, #tpu.memory_space<vmem_shared>> -> memref<10240x128xf32, #tpu.memory_space<vmem_shared>>
      tpu.wait_indirect_dma semaphore(%arg11 : memref<!tpu.dma_semaphore, #tpu.memory_space<semaphore_mem>>) src(%arg8 : memref<80x128xf32, #tpu.memory_space<vmem>>) dst(%dma_wait3A_46 : memref<10240x128xf32, #tpu.memory_space<vmem_shared>>)
    }
    %scan3A_27 = arith.constant 125 : i32
    %barrier3A_28 = arith.constant 0 : index
    tpu.barrier barrier_id(%barrier3A_28)
    %eq3A = arith.constant 0 : i32
    %eq3A_29 = arith.cmpi eq, %arg0, %eq3A : i32
    %convert_element_type3A = arith.extui %eq3A_29 : i1 to i32
    %cond3A = arith.constant 0 : i32
    %cond3A_30 = arith.cmpi ne, %convert_element_type3A, %cond3A : i32
    scf.if %cond3A_30 {
      %add3A_36 = arith.constant 0 : i32
      %add3A_37 = arith.addi %mul3A_2, %add3A_36 : i32
      "tpu.region"() ({
        %run_scoped3A = tpu.sem_alloc : memref<!tpu.dma_semaphore, #tpu.memory_space<semaphore_mem>>
        %dma_start3A = arith.constant 0 : i32
        %dma_start3A_52 = tpu.memref_slice %arg10[%add3A_37, %dma_start3A] : memref<10240x128xf32, #tpu.memory_space<vmem_shared>> -> memref<80x128xf32, #tpu.memory_space<vmem_shared>>
        %dma_start3A_53 = arith.constant 0 : i32
        %dma_start3A_54 = tpu.memref_slice %arg10[%add3A_37, %dma_start3A_53] : memref<10240x128xf32, #tpu.memory_space<vmem_shared>> -> memref<80x128xf32, #tpu.memory_space<vmem_shared>>
        tpu.enqueue_dma source(%dma_start3A_54 : memref<80x128xf32, #tpu.memory_space<vmem_shared>>) target(%arg9 : memref<80x128xf32, #tpu.memory_space<vmem>>) target_semaphore(%run_scoped3A : memref<!tpu.dma_semaphore, #tpu.memory_space<semaphore_mem>>)
        %dma_wait3A = arith.constant 0 : i32
        %dma_wait3A_55 = tpu.memref_slice %arg10[%add3A_37, %dma_wait3A] : memref<10240x128xf32, #tpu.memory_space<vmem_shared>> -> memref<80x128xf32, #tpu.memory_space<vmem_shared>>
        %dma_wait3A_56 = arith.constant 0 : i32
        %dma_wait3A_57 = tpu.memref_slice %arg10[%add3A_37, %dma_wait3A_56] : memref<10240x128xf32, #tpu.memory_space<vmem_shared>> -> memref<80x128xf32, #tpu.memory_space<vmem_shared>>
        tpu.wait_dma2 semaphore(%run_scoped3A : memref<!tpu.dma_semaphore, #tpu.memory_space<semaphore_mem>>) src(%dma_wait3A_57 : memref<80x128xf32, #tpu.memory_space<vmem_shared>>) dst(%arg9 : memref<80x128xf32, #tpu.memory_space<vmem>>)
        tpu.yield
      }) : () -> ()
      "tpu.region"() ({
        %run_scoped3A = tpu.sem_alloc : memref<!tpu.dma_semaphore, #tpu.memory_space<semaphore_mem>>
        %dma_start3A = arith.constant 0 : i32
        %dma_start3A_52 = tpu.memref_slice %arg5[%add3A_37, %dma_start3A] : memref<10240x128xf32, #tpu.memory_space<hbm>> -> memref<80x128xf32, #tpu.memory_space<hbm>>
        %dma_start3A_53 = arith.constant 0 : i32
        %dma_start3A_54 = tpu.memref_slice %arg5[%add3A_37, %dma_start3A_53] : memref<10240x128xf32, #tpu.memory_space<hbm>> -> memref<80x128xf32, #tpu.memory_space<hbm>>
        tpu.enqueue_dma source(%arg9 : memref<80x128xf32, #tpu.memory_space<vmem>>) target(%dma_start3A_54 : memref<80x128xf32, #tpu.memory_space<hbm>>) target_semaphore(%run_scoped3A : memref<!tpu.dma_semaphore, #tpu.memory_space<semaphore_mem>>)
        %dma_wait3A = arith.constant 0 : i32
        %dma_wait3A_55 = tpu.memref_slice %arg5[%add3A_37, %dma_wait3A] : memref<10240x128xf32, #tpu.memory_space<hbm>> -> memref<80x128xf32, #tpu.memory_space<hbm>>
        %dma_wait3A_56 = arith.constant 0 : i32
        %dma_wait3A_57 = tpu.memref_slice %arg5[%add3A_37, %dma_wait3A_56] : memref<10240x128xf32, #tpu.memory_space<hbm>> -> memref<80x128xf32, #tpu.memory_space<hbm>>
        tpu.wait_dma2 semaphore(%run_scoped3A : memref<!tpu.dma_semaphore, #tpu.memory_space<semaphore_mem>>) src(%arg9 : memref<80x128xf32, #tpu.memory_space<vmem>>) dst(%dma_wait3A_57 : memref<80x128xf32, #tpu.memory_space<hbm>>)
        tpu.yield
      }) : () -> ()
      %add3A_38 = arith.constant 80 : i32
      %add3A_39 = arith.addi %mul3A_2, %add3A_38 : i32
      "tpu.region"() ({
        %run_scoped3A = tpu.sem_alloc : memref<!tpu.dma_semaphore, #tpu.memory_space<semaphore_mem>>
        %dma_start3A = arith.constant 0 : i32
        %dma_start3A_52 = tpu.memref_slice %arg10[%add3A_39, %dma_start3A] : memref<10240x128xf32, #tpu.memory_space<vmem_shared>> -> memref<80x128xf32, #tpu.memory_space<vmem_shared>>
        %dma_start3A_53 = arith.constant 0 : i32
        %dma_start3A_54 = tpu.memref_slice %arg10[%add3A_39, %dma_start3A_53] : memref<10240x128xf32, #tpu.memory_space<vmem_shared>> -> memref<80x128xf32, #tpu.memory_space<vmem_shared>>
        tpu.enqueue_dma source(%dma_start3A_54 : memref<80x128xf32, #tpu.memory_space<vmem_shared>>) target(%arg9 : memref<80x128xf32, #tpu.memory_space<vmem>>) target_semaphore(%run_scoped3A : memref<!tpu.dma_semaphore, #tpu.memory_space<semaphore_mem>>)
        %dma_wait3A = arith.constant 0 : i32
        %dma_wait3A_55 = tpu.memref_slice %arg10[%add3A_39, %dma_wait3A] : memref<10240x128xf32, #tpu.memory_space<vmem_shared>> -> memref<80x128xf32, #tpu.memory_space<vmem_shared>>
        %dma_wait3A_56 = arith.constant 0 : i32
        %dma_wait3A_57 = tpu.memref_slice %arg10[%add3A_39, %dma_wait3A_56] : memref<10240x128xf32, #tpu.memory_space<vmem_shared>> -> memref<80x128xf32, #tpu.memory_space<vmem_shared>>
        tpu.wait_dma2 semaphore(%run_scoped3A : memref<!tpu.dma_semaphore, #tpu.memory_space<semaphore_mem>>) src(%dma_wait3A_57 : memref<80x128xf32, #tpu.memory_space<vmem_shared>>) dst(%arg9 : memref<80x128xf32, #tpu.memory_space<vmem>>)
        tpu.yield
      }) : () -> ()
      "tpu.region"() ({
        %run_scoped3A = tpu.sem_alloc : memref<!tpu.dma_semaphore, #tpu.memory_space<semaphore_mem>>
        %dma_start3A = arith.constant 0 : i32
        %dma_start3A_52 = tpu.memref_slice %arg5[%add3A_39, %dma_start3A] : memref<10240x128xf32, #tpu.memory_space<hbm>> -> memref<80x128xf32, #tpu.memory_space<hbm>>
        %dma_start3A_53 = arith.constant 0 : i32
        %dma_start3A_54 = tpu.memref_slice %arg5[%add3A_39, %dma_start3A_53] : memref<10240x128xf32, #tpu.memory_space<hbm>> -> memref<80x128xf32, #tpu.memory_space<hbm>>
        tpu.enqueue_dma source(%arg9 : memref<80x128xf32, #tpu.memory_space<vmem>>) target(%dma_start3A_54 : memref<80x128xf32, #tpu.memory_space<hbm>>) target_semaphore(%run_scoped3A : memref<!tpu.dma_semaphore, #tpu.memory_space<semaphore_mem>>)
        %dma_wait3A = arith.constant 0 : i32
        %dma_wait3A_55 = tpu.memref_slice %arg5[%add3A_39, %dma_wait3A] : memref<10240x128xf32, #tpu.memory_space<hbm>> -> memref<80x128xf32, #tpu.memory_space<hbm>>
        %dma_wait3A_56 = arith.constant 0 : i32
        %dma_wait3A_57 = tpu.memref_slice %arg5[%add3A_39, %dma_wait3A_56] : memref<10240x128xf32, #tpu.memory_space<hbm>> -> memref<80x128xf32, #tpu.memory_space<hbm>>
        tpu.wait_dma2 semaphore(%run_scoped3A : memref<!tpu.dma_semaphore, #tpu.memory_space<semaphore_mem>>) src(%arg9 : memref<80x128xf32, #tpu.memory_space<vmem>>) dst(%dma_wait3A_57 : memref<80x128xf32, #tpu.memory_space<hbm>>)
        tpu.yield
      }) : () -> ()
      %add3A_40 = arith.constant 160 : i32
      %add3A_41 = arith.addi %mul3A_2, %add3A_40 : i32
      "tpu.region"() ({
        %run_scoped3A = tpu.sem_alloc : memref<!tpu.dma_semaphore, #tpu.memory_space<semaphore_mem>>
        %dma_start3A = arith.constant 0 : i32
        %dma_start3A_52 = tpu.memref_slice %arg10[%add3A_41, %dma_start3A] : memref<10240x128xf32, #tpu.memory_space<vmem_shared>> -> memref<80x128xf32, #tpu.memory_space<vmem_shared>>
        %dma_start3A_53 = arith.constant 0 : i32
        %dma_start3A_54 = tpu.memref_slice %arg10[%add3A_41, %dma_start3A_53] : memref<10240x128xf32, #tpu.memory_space<vmem_shared>> -> memref<80x128xf32, #tpu.memory_space<vmem_shared>>
        tpu.enqueue_dma source(%dma_start3A_54 : memref<80x128xf32, #tpu.memory_space<vmem_shared>>) target(%arg9 : memref<80x128xf32, #tpu.memory_space<vmem>>) target_semaphore(%run_scoped3A : memref<!tpu.dma_semaphore, #tpu.memory_space<semaphore_mem>>)
        %dma_wait3A = arith.constant 0 : i32
        %dma_wait3A_55 = tpu.memref_slice %arg10[%add3A_41, %dma_wait3A] : memref<10240x128xf32, #tpu.memory_space<vmem_shared>> -> memref<80x128xf32, #tpu.memory_space<vmem_shared>>
        %dma_wait3A_56 = arith.constant 0 : i32
        %dma_wait3A_57 = tpu.memref_slice %arg10[%add3A_41, %dma_wait3A_56] : memref<10240x128xf32, #tpu.memory_space<vmem_shared>> -> memref<80x128xf32, #tpu.memory_space<vmem_shared>>
        tpu.wait_dma2 semaphore(%run_scoped3A : memref<!tpu.dma_semaphore, #tpu.memory_space<semaphore_mem>>) src(%dma_wait3A_57 : memref<80x128xf32, #tpu.memory_space<vmem_shared>>) dst(%arg9 : memref<80x128xf32, #tpu.memory_space<vmem>>)
        tpu.yield
      }) : () -> ()
      "tpu.region"() ({
        %run_scoped3A = tpu.sem_alloc : memref<!tpu.dma_semaphore, #tpu.memory_space<semaphore_mem>>
        %dma_start3A = arith.constant 0 : i32
        %dma_start3A_52 = tpu.memref_slice %arg5[%add3A_41, %dma_start3A] : memref<10240x128xf32, #tpu.memory_space<hbm>> -> memref<80x128xf32, #tpu.memory_space<hbm>>
        %dma_start3A_53 = arith.constant 0 : i32
        %dma_start3A_54 = tpu.memref_slice %arg5[%add3A_41, %dma_start3A_53] : memref<10240x128xf32, #tpu.memory_space<hbm>> -> memref<80x128xf32, #tpu.memory_space<hbm>>
        tpu.enqueue_dma source(%arg9 : memref<80x128xf32, #tpu.memory_space<vmem>>) target(%dma_start3A_54 : memref<80x128xf32, #tpu.memory_space<hbm>>) target_semaphore(%run_scoped3A : memref<!tpu.dma_semaphore, #tpu.memory_space<semaphore_mem>>)
        %dma_wait3A = arith.constant 0 : i32
        %dma_wait3A_55 = tpu.memref_slice %arg5[%add3A_41, %dma_wait3A] : memref<10240x128xf32, #tpu.memory_space<hbm>> -> memref<80x128xf32, #tpu.memory_space<hbm>>
        %dma_wait3A_56 = arith.constant 0 : i32
        %dma_wait3A_57 = tpu.memref_slice %arg5[%add3A_41, %dma_wait3A_56] : memref<10240x128xf32, #tpu.memory_space<hbm>> -> memref<80x128xf32, #tpu.memory_space<hbm>>
        tpu.wait_dma2 semaphore(%run_scoped3A : memref<!tpu.dma_semaphore, #tpu.memory_space<semaphore_mem>>) src(%arg9 : memref<80x128xf32, #tpu.memory_space<vmem>>) dst(%dma_wait3A_57 : memref<80x128xf32, #tpu.memory_space<hbm>>)
        tpu.yield
      }) : () -> ()
      %add3A_42 = arith.constant 240 : i32
      %add3A_43 = arith.addi %mul3A_2, %add3A_42 : i32
      "tpu.region"() ({
        %run_scoped3A = tpu.sem_alloc : memref<!tpu.dma_semaphore, #tpu.memory_space<semaphore_mem>>
        %dma_start3A = arith.constant 0 : i32
        %dma_start3A_52 = tpu.memref_slice %arg10[%add3A_43, %dma_start3A] : memref<10240x128xf32, #tpu.memory_space<vmem_shared>> -> memref<80x128xf32, #tpu.memory_space<vmem_shared>>
        %dma_start3A_53 = arith.constant 0 : i32
        %dma_start3A_54 = tpu.memref_slice %arg10[%add3A_43, %dma_start3A_53] : memref<10240x128xf32, #tpu.memory_space<vmem_shared>> -> memref<80x128xf32, #tpu.memory_space<vmem_shared>>
        tpu.enqueue_dma source(%dma_start3A_54 : memref<80x128xf32, #tpu.memory_space<vmem_shared>>) target(%arg9 : memref<80x128xf32, #tpu.memory_space<vmem>>) target_semaphore(%run_scoped3A : memref<!tpu.dma_semaphore, #tpu.memory_space<semaphore_mem>>)
        %dma_wait3A = arith.constant 0 : i32
        %dma_wait3A_55 = tpu.memref_slice %arg10[%add3A_43, %dma_wait3A] : memref<10240x128xf32, #tpu.memory_space<vmem_shared>> -> memref<80x128xf32, #tpu.memory_space<vmem_shared>>
        %dma_wait3A_56 = arith.constant 0 : i32
        %dma_wait3A_57 = tpu.memref_slice %arg10[%add3A_43, %dma_wait3A_56] : memref<10240x128xf32, #tpu.memory_space<vmem_shared>> -> memref<80x128xf32, #tpu.memory_space<vmem_shared>>
        tpu.wait_dma2 semaphore(%run_scoped3A : memref<!tpu.dma_semaphore, #tpu.memory_space<semaphore_mem>>) src(%dma_wait3A_57 : memref<80x128xf32, #tpu.memory_space<vmem_shared>>) dst(%arg9 : memref<80x128xf32, #tpu.memory_space<vmem>>)
        tpu.yield
      }) : () -> ()
      "tpu.region"() ({
        %run_scoped3A = tpu.sem_alloc : memref<!tpu.dma_semaphore, #tpu.memory_space<semaphore_mem>>
        %dma_start3A = arith.constant 0 : i32
        %dma_start3A_52 = tpu.memref_slice %arg5[%add3A_43, %dma_start3A] : memref<10240x128xf32, #tpu.memory_space<hbm>> -> memref<80x128xf32, #tpu.memory_space<hbm>>
        %dma_start3A_53 = arith.constant 0 : i32
        %dma_start3A_54 = tpu.memref_slice %arg5[%add3A_43, %dma_start3A_53] : memref<10240x128xf32, #tpu.memory_space<hbm>> -> memref<80x128xf32, #tpu.memory_space<hbm>>
        tpu.enqueue_dma source(%arg9 : memref<80x128xf32, #tpu.memory_space<vmem>>) target(%dma_start3A_54 : memref<80x128xf32, #tpu.memory_space<hbm>>) target_semaphore(%run_scoped3A : memref<!tpu.dma_semaphore, #tpu.memory_space<semaphore_mem>>)
        %dma_wait3A = arith.constant 0 : i32
        %dma_wait3A_55 = tpu.memref_slice %arg5[%add3A_43, %dma_wait3A] : memref<10240x128xf32, #tpu.memory_space<hbm>> -> memref<80x128xf32, #tpu.memory_space<hbm>>
        %dma_wait3A_56 = arith.constant 0 : i32
        %dma_wait3A_57 = tpu.memref_slice %arg5[%add3A_43, %dma_wait3A_56] : memref<10240x128xf32, #tpu.memory_space<hbm>> -> memref<80x128xf32, #tpu.memory_space<hbm>>
        tpu.wait_dma2 semaphore(%run_scoped3A : memref<!tpu.dma_semaphore, #tpu.memory_space<semaphore_mem>>) src(%arg9 : memref<80x128xf32, #tpu.memory_space<vmem>>) dst(%dma_wait3A_57 : memref<80x128xf32, #tpu.memory_space<hbm>>)
        tpu.yield
      }) : () -> ()
      %add3A_44 = arith.constant 320 : i32
      %add3A_45 = arith.addi %mul3A_2, %add3A_44 : i32
      "tpu.region"() ({
        %run_scoped3A = tpu.sem_alloc : memref<!tpu.dma_semaphore, #tpu.memory_space<semaphore_mem>>
        %dma_start3A = arith.constant 0 : i32
        %dma_start3A_52 = tpu.memref_slice %arg10[%add3A_45, %dma_start3A] : memref<10240x128xf32, #tpu.memory_space<vmem_shared>> -> memref<80x128xf32, #tpu.memory_space<vmem_shared>>
        %dma_start3A_53 = arith.constant 0 : i32
        %dma_start3A_54 = tpu.memref_slice %arg10[%add3A_45, %dma_start3A_53] : memref<10240x128xf32, #tpu.memory_space<vmem_shared>> -> memref<80x128xf32, #tpu.memory_space<vmem_shared>>
        tpu.enqueue_dma source(%dma_start3A_54 : memref<80x128xf32, #tpu.memory_space<vmem_shared>>) target(%arg9 : memref<80x128xf32, #tpu.memory_space<vmem>>) target_semaphore(%run_scoped3A : memref<!tpu.dma_semaphore, #tpu.memory_space<semaphore_mem>>)
        %dma_wait3A = arith.constant 0 : i32
        %dma_wait3A_55 = tpu.memref_slice %arg10[%add3A_45, %dma_wait3A] : memref<10240x128xf32, #tpu.memory_space<vmem_shared>> -> memref<80x128xf32, #tpu.memory_space<vmem_shared>>
        %dma_wait3A_56 = arith.constant 0 : i32
        %dma_wait3A_57 = tpu.memref_slice %arg10[%add3A_45, %dma_wait3A_56] : memref<10240x128xf32, #tpu.memory_space<vmem_shared>> -> memref<80x128xf32, #tpu.memory_space<vmem_shared>>
        tpu.wait_dma2 semaphore(%run_scoped3A : memref<!tpu.dma_semaphore, #tpu.memory_space<semaphore_mem>>) src(%dma_wait3A_57 : memref<80x128xf32, #tpu.memory_space<vmem_shared>>) dst(%arg9 : memref<80x128xf32, #tpu.memory_space<vmem>>)
        tpu.yield
      }) : () -> ()
      "tpu.region"() ({
        %run_scoped3A = tpu.sem_alloc : memref<!tpu.dma_semaphore, #tpu.memory_space<semaphore_mem>>
        %dma_start3A = arith.constant 0 : i32
        %dma_start3A_52 = tpu.memref_slice %arg5[%add3A_45, %dma_start3A] : memref<10240x128xf32, #tpu.memory_space<hbm>> -> memref<80x128xf32, #tpu.memory_space<hbm>>
        %dma_start3A_53 = arith.constant 0 : i32
        %dma_start3A_54 = tpu.memref_slice %arg5[%add3A_45, %dma_start3A_53] : memref<10240x128xf32, #tpu.memory_space<hbm>> -> memref<80x128xf32, #tpu.memory_space<hbm>>
        tpu.enqueue_dma source(%arg9 : memref<80x128xf32, #tpu.memory_space<vmem>>) target(%dma_start3A_54 : memref<80x128xf32, #tpu.memory_space<hbm>>) target_semaphore(%run_scoped3A : memref<!tpu.dma_semaphore, #tpu.memory_space<semaphore_mem>>)
        %dma_wait3A = arith.constant 0 : i32
        %dma_wait3A_55 = tpu.memref_slice %arg5[%add3A_45, %dma_wait3A] : memref<10240x128xf32, #tpu.memory_space<hbm>> -> memref<80x128xf32, #tpu.memory_space<hbm>>
        %dma_wait3A_56 = arith.constant 0 : i32
        %dma_wait3A_57 = tpu.memref_slice %arg5[%add3A_45, %dma_wait3A_56] : memref<10240x128xf32, #tpu.memory_space<hbm>> -> memref<80x128xf32, #tpu.memory_space<hbm>>
        tpu.wait_dma2 semaphore(%run_scoped3A : memref<!tpu.dma_semaphore, #tpu.memory_space<semaphore_mem>>) src(%arg9 : memref<80x128xf32, #tpu.memory_space<vmem>>) dst(%dma_wait3A_57 : memref<80x128xf32, #tpu.memory_space<hbm>>)
        tpu.yield
      }) : () -> ()
      %add3A_46 = arith.constant 400 : i32
      %add3A_47 = arith.addi %mul3A_2, %add3A_46 : i32
      "tpu.region"() ({
        %run_scoped3A = tpu.sem_alloc : memref<!tpu.dma_semaphore, #tpu.memory_space<semaphore_mem>>
        %dma_start3A = arith.constant 0 : i32
        %dma_start3A_52 = tpu.memref_slice %arg10[%add3A_47, %dma_start3A] : memref<10240x128xf32, #tpu.memory_space<vmem_shared>> -> memref<80x128xf32, #tpu.memory_space<vmem_shared>>
        %dma_start3A_53 = arith.constant 0 : i32
        %dma_start3A_54 = tpu.memref_slice %arg10[%add3A_47, %dma_start3A_53] : memref<10240x128xf32, #tpu.memory_space<vmem_shared>> -> memref<80x128xf32, #tpu.memory_space<vmem_shared>>
        tpu.enqueue_dma source(%dma_start3A_54 : memref<80x128xf32, #tpu.memory_space<vmem_shared>>) target(%arg9 : memref<80x128xf32, #tpu.memory_space<vmem>>) target_semaphore(%run_scoped3A : memref<!tpu.dma_semaphore, #tpu.memory_space<semaphore_mem>>)
        %dma_wait3A = arith.constant 0 : i32
        %dma_wait3A_55 = tpu.memref_slice %arg10[%add3A_47, %dma_wait3A] : memref<10240x128xf32, #tpu.memory_space<vmem_shared>> -> memref<80x128xf32, #tpu.memory_space<vmem_shared>>
        %dma_wait3A_56 = arith.constant 0 : i32
        %dma_wait3A_57 = tpu.memref_slice %arg10[%add3A_47, %dma_wait3A_56] : memref<10240x128xf32, #tpu.memory_space<vmem_shared>> -> memref<80x128xf32, #tpu.memory_space<vmem_shared>>
        tpu.wait_dma2 semaphore(%run_scoped3A : memref<!tpu.dma_semaphore, #tpu.memory_space<semaphore_mem>>) src(%dma_wait3A_57 : memref<80x128xf32, #tpu.memory_space<vmem_shared>>) dst(%arg9 : memref<80x128xf32, #tpu.memory_space<vmem>>)
        tpu.yield
      }) : () -> ()
      "tpu.region"() ({
        %run_scoped3A = tpu.sem_alloc : memref<!tpu.dma_semaphore, #tpu.memory_space<semaphore_mem>>
        %dma_start3A = arith.constant 0 : i32
        %dma_start3A_52 = tpu.memref_slice %arg5[%add3A_47, %dma_start3A] : memref<10240x128xf32, #tpu.memory_space<hbm>> -> memref<80x128xf32, #tpu.memory_space<hbm>>
        %dma_start3A_53 = arith.constant 0 : i32
        %dma_start3A_54 = tpu.memref_slice %arg5[%add3A_47, %dma_start3A_53] : memref<10240x128xf32, #tpu.memory_space<hbm>> -> memref<80x128xf32, #tpu.memory_space<hbm>>
        tpu.enqueue_dma source(%arg9 : memref<80x128xf32, #tpu.memory_space<vmem>>) target(%dma_start3A_54 : memref<80x128xf32, #tpu.memory_space<hbm>>) target_semaphore(%run_scoped3A : memref<!tpu.dma_semaphore, #tpu.memory_space<semaphore_mem>>)
        %dma_wait3A = arith.constant 0 : i32
        %dma_wait3A_55 = tpu.memref_slice %arg5[%add3A_47, %dma_wait3A] : memref<10240x128xf32, #tpu.memory_space<hbm>> -> memref<80x128xf32, #tpu.memory_space<hbm>>
        %dma_wait3A_56 = arith.constant 0 : i32
        %dma_wait3A_57 = tpu.memref_slice %arg5[%add3A_47, %dma_wait3A_56] : memref<10240x128xf32, #tpu.memory_space<hbm>> -> memref<80x128xf32, #tpu.memory_space<hbm>>
        tpu.wait_dma2 semaphore(%run_scoped3A : memref<!tpu.dma_semaphore, #tpu.memory_space<semaphore_mem>>) src(%arg9 : memref<80x128xf32, #tpu.memory_space<vmem>>) dst(%dma_wait3A_57 : memref<80x128xf32, #tpu.memory_space<hbm>>)
        tpu.yield
      }) : () -> ()
      %add3A_48 = arith.constant 480 : i32
      %add3A_49 = arith.addi %mul3A_2, %add3A_48 : i32
      "tpu.region"() ({
        %run_scoped3A = tpu.sem_alloc : memref<!tpu.dma_semaphore, #tpu.memory_space<semaphore_mem>>
        %dma_start3A = arith.constant 0 : i32
        %dma_start3A_52 = tpu.memref_slice %arg10[%add3A_49, %dma_start3A] : memref<10240x128xf32, #tpu.memory_space<vmem_shared>> -> memref<80x128xf32, #tpu.memory_space<vmem_shared>>
        %dma_start3A_53 = arith.constant 0 : i32
        %dma_start3A_54 = tpu.memref_slice %arg10[%add3A_49, %dma_start3A_53] : memref<10240x128xf32, #tpu.memory_space<vmem_shared>> -> memref<80x128xf32, #tpu.memory_space<vmem_shared>>
        tpu.enqueue_dma source(%dma_start3A_54 : memref<80x128xf32, #tpu.memory_space<vmem_shared>>) target(%arg9 : memref<80x128xf32, #tpu.memory_space<vmem>>) target_semaphore(%run_scoped3A : memref<!tpu.dma_semaphore, #tpu.memory_space<semaphore_mem>>)
        %dma_wait3A = arith.constant 0 : i32
        %dma_wait3A_55 = tpu.memref_slice %arg10[%add3A_49, %dma_wait3A] : memref<10240x128xf32, #tpu.memory_space<vmem_shared>> -> memref<80x128xf32, #tpu.memory_space<vmem_shared>>
        %dma_wait3A_56 = arith.constant 0 : i32
        %dma_wait3A_57 = tpu.memref_slice %arg10[%add3A_49, %dma_wait3A_56] : memref<10240x128xf32, #tpu.memory_space<vmem_shared>> -> memref<80x128xf32, #tpu.memory_space<vmem_shared>>
        tpu.wait_dma2 semaphore(%run_scoped3A : memref<!tpu.dma_semaphore, #tpu.memory_space<semaphore_mem>>) src(%dma_wait3A_57 : memref<80x128xf32, #tpu.memory_space<vmem_shared>>) dst(%arg9 : memref<80x128xf32, #tpu.memory_space<vmem>>)
        tpu.yield
      }) : () -> ()
      "tpu.region"() ({
        %run_scoped3A = tpu.sem_alloc : memref<!tpu.dma_semaphore, #tpu.memory_space<semaphore_mem>>
        %dma_start3A = arith.constant 0 : i32
        %dma_start3A_52 = tpu.memref_slice %arg5[%add3A_49, %dma_start3A] : memref<10240x128xf32, #tpu.memory_space<hbm>> -> memref<80x128xf32, #tpu.memory_space<hbm>>
        %dma_start3A_53 = arith.constant 0 : i32
        %dma_start3A_54 = tpu.memref_slice %arg5[%add3A_49, %dma_start3A_53] : memref<10240x128xf32, #tpu.memory_space<hbm>> -> memref<80x128xf32, #tpu.memory_space<hbm>>
        tpu.enqueue_dma source(%arg9 : memref<80x128xf32, #tpu.memory_space<vmem>>) target(%dma_start3A_54 : memref<80x128xf32, #tpu.memory_space<hbm>>) target_semaphore(%run_scoped3A : memref<!tpu.dma_semaphore, #tpu.memory_space<semaphore_mem>>)
        %dma_wait3A = arith.constant 0 : i32
        %dma_wait3A_55 = tpu.memref_slice %arg5[%add3A_49, %dma_wait3A] : memref<10240x128xf32, #tpu.memory_space<hbm>> -> memref<80x128xf32, #tpu.memory_space<hbm>>
        %dma_wait3A_56 = arith.constant 0 : i32
        %dma_wait3A_57 = tpu.memref_slice %arg5[%add3A_49, %dma_wait3A_56] : memref<10240x128xf32, #tpu.memory_space<hbm>> -> memref<80x128xf32, #tpu.memory_space<hbm>>
        tpu.wait_dma2 semaphore(%run_scoped3A : memref<!tpu.dma_semaphore, #tpu.memory_space<semaphore_mem>>) src(%arg9 : memref<80x128xf32, #tpu.memory_space<vmem>>) dst(%dma_wait3A_57 : memref<80x128xf32, #tpu.memory_space<hbm>>)
        tpu.yield
      }) : () -> ()
      %add3A_50 = arith.constant 560 : i32
      %add3A_51 = arith.addi %mul3A_2, %add3A_50 : i32
      "tpu.region"() ({
        %run_scoped3A = tpu.sem_alloc : memref<!tpu.dma_semaphore, #tpu.memory_space<semaphore_mem>>
        %dma_start3A = arith.constant 0 : i32
        %dma_start3A_52 = tpu.memref_slice %arg10[%add3A_51, %dma_start3A] : memref<10240x128xf32, #tpu.memory_space<vmem_shared>> -> memref<80x128xf32, #tpu.memory_space<vmem_shared>>
        %dma_start3A_53 = arith.constant 0 : i32
        %dma_start3A_54 = tpu.memref_slice %arg10[%add3A_51, %dma_start3A_53] : memref<10240x128xf32, #tpu.memory_space<vmem_shared>> -> memref<80x128xf32, #tpu.memory_space<vmem_shared>>
        tpu.enqueue_dma source(%dma_start3A_54 : memref<80x128xf32, #tpu.memory_space<vmem_shared>>) target(%arg9 : memref<80x128xf32, #tpu.memory_space<vmem>>) target_semaphore(%run_scoped3A : memref<!tpu.dma_semaphore, #tpu.memory_space<semaphore_mem>>)
        %dma_wait3A = arith.constant 0 : i32
        %dma_wait3A_55 = tpu.memref_slice %arg10[%add3A_51, %dma_wait3A] : memref<10240x128xf32, #tpu.memory_space<vmem_shared>> -> memref<80x128xf32, #tpu.memory_space<vmem_shared>>
        %dma_wait3A_56 = arith.constant 0 : i32
        %dma_wait3A_57 = tpu.memref_slice %arg10[%add3A_51, %dma_wait3A_56] : memref<10240x128xf32, #tpu.memory_space<vmem_shared>> -> memref<80x128xf32, #tpu.memory_space<vmem_shared>>
        tpu.wait_dma2 semaphore(%run_scoped3A : memref<!tpu.dma_semaphore, #tpu.memory_space<semaphore_mem>>) src(%dma_wait3A_57 : memref<80x128xf32, #tpu.memory_space<vmem_shared>>) dst(%arg9 : memref<80x128xf32, #tpu.memory_space<vmem>>)
        tpu.yield
      }) : () -> ()
      "tpu.region"() ({
        %run_scoped3A = tpu.sem_alloc : memref<!tpu.dma_semaphore, #tpu.memory_space<semaphore_mem>>
        %dma_start3A = arith.constant 0 : i32
        %dma_start3A_52 = tpu.memref_slice %arg5[%add3A_51, %dma_start3A] : memref<10240x128xf32, #tpu.memory_space<hbm>> -> memref<80x128xf32, #tpu.memory_space<hbm>>
        %dma_start3A_53 = arith.constant 0 : i32
        %dma_start3A_54 = tpu.memref_slice %arg5[%add3A_51, %dma_start3A_53] : memref<10240x128xf32, #tpu.memory_space<hbm>> -> memref<80x128xf32, #tpu.memory_space<hbm>>
        tpu.enqueue_dma source(%arg9 : memref<80x128xf32, #tpu.memory_space<vmem>>) target(%dma_start3A_54 : memref<80x128xf32, #tpu.memory_space<hbm>>) target_semaphore(%run_scoped3A : memref<!tpu.dma_semaphore, #tpu.memory_space<semaphore_mem>>)
        %dma_wait3A = arith.constant 0 : i32
        %dma_wait3A_55 = tpu.memref_slice %arg5[%add3A_51, %dma_wait3A] : memref<10240x128xf32, #tpu.memory_space<hbm>> -> memref<80x128xf32, #tpu.memory_space<hbm>>
        %dma_wait3A_56 = arith.constant 0 : i32
        %dma_wait3A_57 = tpu.memref_slice %arg5[%add3A_51, %dma_wait3A_56] : memref<10240x128xf32, #tpu.memory_space<hbm>> -> memref<80x128xf32, #tpu.memory_space<hbm>>
        tpu.wait_dma2 semaphore(%run_scoped3A : memref<!tpu.dma_semaphore, #tpu.memory_space<semaphore_mem>>) src(%arg9 : memref<80x128xf32, #tpu.memory_space<vmem>>) dst(%dma_wait3A_57 : memref<80x128xf32, #tpu.memory_space<hbm>>)
        tpu.yield
      }) : () -> ()
    } else {
    }
    %eq3A_31 = arith.constant 1 : i32
    %eq3A_32 = arith.cmpi eq, %arg0, %eq3A_31 : i32
    %convert_element_type3A_33 = arith.extui %eq3A_32 : i1 to i32
    %cond3A_34 = arith.constant 0 : i32
    %cond3A_35 = arith.cmpi ne, %convert_element_type3A_33, %cond3A_34 : i32
    scf.if %cond3A_35 {
      %add3A_36 = arith.constant 0 : i32
      %add3A_37 = arith.addi %mul3A_2, %add3A_36 : i32
      "tpu.region"() ({
        %run_scoped3A = tpu.sem_alloc : memref<!tpu.dma_semaphore, #tpu.memory_space<semaphore_mem>>
        %dma_start3A = arith.constant 0 : i32
        %dma_start3A_52 = tpu.memref_slice %arg10[%add3A_37, %dma_start3A] : memref<10240x128xf32, #tpu.memory_space<vmem_shared>> -> memref<80x128xf32, #tpu.memory_space<vmem_shared>>
        %dma_start3A_53 = arith.constant 0 : i32
        %dma_start3A_54 = tpu.memref_slice %arg10[%add3A_37, %dma_start3A_53] : memref<10240x128xf32, #tpu.memory_space<vmem_shared>> -> memref<80x128xf32, #tpu.memory_space<vmem_shared>>
        tpu.enqueue_dma source(%dma_start3A_54 : memref<80x128xf32, #tpu.memory_space<vmem_shared>>) target(%arg9 : memref<80x128xf32, #tpu.memory_space<vmem>>) target_semaphore(%run_scoped3A : memref<!tpu.dma_semaphore, #tpu.memory_space<semaphore_mem>>)
        %dma_wait3A = arith.constant 0 : i32
        %dma_wait3A_55 = tpu.memref_slice %arg10[%add3A_37, %dma_wait3A] : memref<10240x128xf32, #tpu.memory_space<vmem_shared>> -> memref<80x128xf32, #tpu.memory_space<vmem_shared>>
        %dma_wait3A_56 = arith.constant 0 : i32
        %dma_wait3A_57 = tpu.memref_slice %arg10[%add3A_37, %dma_wait3A_56] : memref<10240x128xf32, #tpu.memory_space<vmem_shared>> -> memref<80x128xf32, #tpu.memory_space<vmem_shared>>
        tpu.wait_dma2 semaphore(%run_scoped3A : memref<!tpu.dma_semaphore, #tpu.memory_space<semaphore_mem>>) src(%dma_wait3A_57 : memref<80x128xf32, #tpu.memory_space<vmem_shared>>) dst(%arg9 : memref<80x128xf32, #tpu.memory_space<vmem>>)
        tpu.yield
      }) : () -> ()
      "tpu.region"() ({
        %run_scoped3A = tpu.sem_alloc : memref<!tpu.dma_semaphore, #tpu.memory_space<semaphore_mem>>
        %dma_start3A = arith.constant 0 : i32
        %dma_start3A_52 = tpu.memref_slice %arg6[%add3A_37, %dma_start3A] : memref<10240x128xf32, #tpu.memory_space<hbm>> -> memref<80x128xf32, #tpu.memory_space<hbm>>
        %dma_start3A_53 = arith.constant 0 : i32
        %dma_start3A_54 = tpu.memref_slice %arg6[%add3A_37, %dma_start3A_53] : memref<10240x128xf32, #tpu.memory_space<hbm>> -> memref<80x128xf32, #tpu.memory_space<hbm>>
        tpu.enqueue_dma source(%arg9 : memref<80x128xf32, #tpu.memory_space<vmem>>) target(%dma_start3A_54 : memref<80x128xf32, #tpu.memory_space<hbm>>) target_semaphore(%run_scoped3A : memref<!tpu.dma_semaphore, #tpu.memory_space<semaphore_mem>>)
        %dma_wait3A = arith.constant 0 : i32
        %dma_wait3A_55 = tpu.memref_slice %arg6[%add3A_37, %dma_wait3A] : memref<10240x128xf32, #tpu.memory_space<hbm>> -> memref<80x128xf32, #tpu.memory_space<hbm>>
        %dma_wait3A_56 = arith.constant 0 : i32
        %dma_wait3A_57 = tpu.memref_slice %arg6[%add3A_37, %dma_wait3A_56] : memref<10240x128xf32, #tpu.memory_space<hbm>> -> memref<80x128xf32, #tpu.memory_space<hbm>>
        tpu.wait_dma2 semaphore(%run_scoped3A : memref<!tpu.dma_semaphore, #tpu.memory_space<semaphore_mem>>) src(%arg9 : memref<80x128xf32, #tpu.memory_space<vmem>>) dst(%dma_wait3A_57 : memref<80x128xf32, #tpu.memory_space<hbm>>)
        tpu.yield
      }) : () -> ()
      %add3A_38 = arith.constant 80 : i32
      %add3A_39 = arith.addi %mul3A_2, %add3A_38 : i32
      "tpu.region"() ({
        %run_scoped3A = tpu.sem_alloc : memref<!tpu.dma_semaphore, #tpu.memory_space<semaphore_mem>>
        %dma_start3A = arith.constant 0 : i32
        %dma_start3A_52 = tpu.memref_slice %arg10[%add3A_39, %dma_start3A] : memref<10240x128xf32, #tpu.memory_space<vmem_shared>> -> memref<80x128xf32, #tpu.memory_space<vmem_shared>>
        %dma_start3A_53 = arith.constant 0 : i32
        %dma_start3A_54 = tpu.memref_slice %arg10[%add3A_39, %dma_start3A_53] : memref<10240x128xf32, #tpu.memory_space<vmem_shared>> -> memref<80x128xf32, #tpu.memory_space<vmem_shared>>
        tpu.enqueue_dma source(%dma_start3A_54 : memref<80x128xf32, #tpu.memory_space<vmem_shared>>) target(%arg9 : memref<80x128xf32, #tpu.memory_space<vmem>>) target_semaphore(%run_scoped3A : memref<!tpu.dma_semaphore, #tpu.memory_space<semaphore_mem>>)
        %dma_wait3A = arith.constant 0 : i32
        %dma_wait3A_55 = tpu.memref_slice %arg10[%add3A_39, %dma_wait3A] : memref<10240x128xf32, #tpu.memory_space<vmem_shared>> -> memref<80x128xf32, #tpu.memory_space<vmem_shared>>
        %dma_wait3A_56 = arith.constant 0 : i32
        %dma_wait3A_57 = tpu.memref_slice %arg10[%add3A_39, %dma_wait3A_56] : memref<10240x128xf32, #tpu.memory_space<vmem_shared>> -> memref<80x128xf32, #tpu.memory_space<vmem_shared>>
        tpu.wait_dma2 semaphore(%run_scoped3A : memref<!tpu.dma_semaphore, #tpu.memory_space<semaphore_mem>>) src(%dma_wait3A_57 : memref<80x128xf32, #tpu.memory_space<vmem_shared>>) dst(%arg9 : memref<80x128xf32, #tpu.memory_space<vmem>>)
        tpu.yield
      }) : () -> ()
      "tpu.region"() ({
        %run_scoped3A = tpu.sem_alloc : memref<!tpu.dma_semaphore, #tpu.memory_space<semaphore_mem>>
        %dma_start3A = arith.constant 0 : i32
        %dma_start3A_52 = tpu.memref_slice %arg6[%add3A_39, %dma_start3A] : memref<10240x128xf32, #tpu.memory_space<hbm>> -> memref<80x128xf32, #tpu.memory_space<hbm>>
        %dma_start3A_53 = arith.constant 0 : i32
        %dma_start3A_54 = tpu.memref_slice %arg6[%add3A_39, %dma_start3A_53] : memref<10240x128xf32, #tpu.memory_space<hbm>> -> memref<80x128xf32, #tpu.memory_space<hbm>>
        tpu.enqueue_dma source(%arg9 : memref<80x128xf32, #tpu.memory_space<vmem>>) target(%dma_start3A_54 : memref<80x128xf32, #tpu.memory_space<hbm>>) target_semaphore(%run_scoped3A : memref<!tpu.dma_semaphore, #tpu.memory_space<semaphore_mem>>)
        %dma_wait3A = arith.constant 0 : i32
        %dma_wait3A_55 = tpu.memref_slice %arg6[%add3A_39, %dma_wait3A] : memref<10240x128xf32, #tpu.memory_space<hbm>> -> memref<80x128xf32, #tpu.memory_space<hbm>>
        %dma_wait3A_56 = arith.constant 0 : i32
        %dma_wait3A_57 = tpu.memref_slice %arg6[%add3A_39, %dma_wait3A_56] : memref<10240x128xf32, #tpu.memory_space<hbm>> -> memref<80x128xf32, #tpu.memory_space<hbm>>
        tpu.wait_dma2 semaphore(%run_scoped3A : memref<!tpu.dma_semaphore, #tpu.memory_space<semaphore_mem>>) src(%arg9 : memref<80x128xf32, #tpu.memory_space<vmem>>) dst(%dma_wait3A_57 : memref<80x128xf32, #tpu.memory_space<hbm>>)
        tpu.yield
      }) : () -> ()
      %add3A_40 = arith.constant 160 : i32
      %add3A_41 = arith.addi %mul3A_2, %add3A_40 : i32
      "tpu.region"() ({
        %run_scoped3A = tpu.sem_alloc : memref<!tpu.dma_semaphore, #tpu.memory_space<semaphore_mem>>
        %dma_start3A = arith.constant 0 : i32
        %dma_start3A_52 = tpu.memref_slice %arg10[%add3A_41, %dma_start3A] : memref<10240x128xf32, #tpu.memory_space<vmem_shared>> -> memref<80x128xf32, #tpu.memory_space<vmem_shared>>
        %dma_start3A_53 = arith.constant 0 : i32
        %dma_start3A_54 = tpu.memref_slice %arg10[%add3A_41, %dma_start3A_53] : memref<10240x128xf32, #tpu.memory_space<vmem_shared>> -> memref<80x128xf32, #tpu.memory_space<vmem_shared>>
        tpu.enqueue_dma source(%dma_start3A_54 : memref<80x128xf32, #tpu.memory_space<vmem_shared>>) target(%arg9 : memref<80x128xf32, #tpu.memory_space<vmem>>) target_semaphore(%run_scoped3A : memref<!tpu.dma_semaphore, #tpu.memory_space<semaphore_mem>>)
        %dma_wait3A = arith.constant 0 : i32
        %dma_wait3A_55 = tpu.memref_slice %arg10[%add3A_41, %dma_wait3A] : memref<10240x128xf32, #tpu.memory_space<vmem_shared>> -> memref<80x128xf32, #tpu.memory_space<vmem_shared>>
        %dma_wait3A_56 = arith.constant 0 : i32
        %dma_wait3A_57 = tpu.memref_slice %arg10[%add3A_41, %dma_wait3A_56] : memref<10240x128xf32, #tpu.memory_space<vmem_shared>> -> memref<80x128xf32, #tpu.memory_space<vmem_shared>>
        tpu.wait_dma2 semaphore(%run_scoped3A : memref<!tpu.dma_semaphore, #tpu.memory_space<semaphore_mem>>) src(%dma_wait3A_57 : memref<80x128xf32, #tpu.memory_space<vmem_shared>>) dst(%arg9 : memref<80x128xf32, #tpu.memory_space<vmem>>)
        tpu.yield
      }) : () -> ()
      "tpu.region"() ({
        %run_scoped3A = tpu.sem_alloc : memref<!tpu.dma_semaphore, #tpu.memory_space<semaphore_mem>>
        %dma_start3A = arith.constant 0 : i32
        %dma_start3A_52 = tpu.memref_slice %arg6[%add3A_41, %dma_start3A] : memref<10240x128xf32, #tpu.memory_space<hbm>> -> memref<80x128xf32, #tpu.memory_space<hbm>>
        %dma_start3A_53 = arith.constant 0 : i32
        %dma_start3A_54 = tpu.memref_slice %arg6[%add3A_41, %dma_start3A_53] : memref<10240x128xf32, #tpu.memory_space<hbm>> -> memref<80x128xf32, #tpu.memory_space<hbm>>
        tpu.enqueue_dma source(%arg9 : memref<80x128xf32, #tpu.memory_space<vmem>>) target(%dma_start3A_54 : memref<80x128xf32, #tpu.memory_space<hbm>>) target_semaphore(%run_scoped3A : memref<!tpu.dma_semaphore, #tpu.memory_space<semaphore_mem>>)
        %dma_wait3A = arith.constant 0 : i32
        %dma_wait3A_55 = tpu.memref_slice %arg6[%add3A_41, %dma_wait3A] : memref<10240x128xf32, #tpu.memory_space<hbm>> -> memref<80x128xf32, #tpu.memory_space<hbm>>
        %dma_wait3A_56 = arith.constant 0 : i32
        %dma_wait3A_57 = tpu.memref_slice %arg6[%add3A_41, %dma_wait3A_56] : memref<10240x128xf32, #tpu.memory_space<hbm>> -> memref<80x128xf32, #tpu.memory_space<hbm>>
        tpu.wait_dma2 semaphore(%run_scoped3A : memref<!tpu.dma_semaphore, #tpu.memory_space<semaphore_mem>>) src(%arg9 : memref<80x128xf32, #tpu.memory_space<vmem>>) dst(%dma_wait3A_57 : memref<80x128xf32, #tpu.memory_space<hbm>>)
        tpu.yield
      }) : () -> ()
      %add3A_42 = arith.constant 240 : i32
      %add3A_43 = arith.addi %mul3A_2, %add3A_42 : i32
      "tpu.region"() ({
        %run_scoped3A = tpu.sem_alloc : memref<!tpu.dma_semaphore, #tpu.memory_space<semaphore_mem>>
        %dma_start3A = arith.constant 0 : i32
        %dma_start3A_52 = tpu.memref_slice %arg10[%add3A_43, %dma_start3A] : memref<10240x128xf32, #tpu.memory_space<vmem_shared>> -> memref<80x128xf32, #tpu.memory_space<vmem_shared>>
        %dma_start3A_53 = arith.constant 0 : i32
        %dma_start3A_54 = tpu.memref_slice %arg10[%add3A_43, %dma_start3A_53] : memref<10240x128xf32, #tpu.memory_space<vmem_shared>> -> memref<80x128xf32, #tpu.memory_space<vmem_shared>>
        tpu.enqueue_dma source(%dma_start3A_54 : memref<80x128xf32, #tpu.memory_space<vmem_shared>>) target(%arg9 : memref<80x128xf32, #tpu.memory_space<vmem>>) target_semaphore(%run_scoped3A : memref<!tpu.dma_semaphore, #tpu.memory_space<semaphore_mem>>)
        %dma_wait3A = arith.constant 0 : i32
        %dma_wait3A_55 = tpu.memref_slice %arg10[%add3A_43, %dma_wait3A] : memref<10240x128xf32, #tpu.memory_space<vmem_shared>> -> memref<80x128xf32, #tpu.memory_space<vmem_shared>>
        %dma_wait3A_56 = arith.constant 0 : i32
        %dma_wait3A_57 = tpu.memref_slice %arg10[%add3A_43, %dma_wait3A_56] : memref<10240x128xf32, #tpu.memory_space<vmem_shared>> -> memref<80x128xf32, #tpu.memory_space<vmem_shared>>
        tpu.wait_dma2 semaphore(%run_scoped3A : memref<!tpu.dma_semaphore, #tpu.memory_space<semaphore_mem>>) src(%dma_wait3A_57 : memref<80x128xf32, #tpu.memory_space<vmem_shared>>) dst(%arg9 : memref<80x128xf32, #tpu.memory_space<vmem>>)
        tpu.yield
      }) : () -> ()
      "tpu.region"() ({
        %run_scoped3A = tpu.sem_alloc : memref<!tpu.dma_semaphore, #tpu.memory_space<semaphore_mem>>
        %dma_start3A = arith.constant 0 : i32
        %dma_start3A_52 = tpu.memref_slice %arg6[%add3A_43, %dma_start3A] : memref<10240x128xf32, #tpu.memory_space<hbm>> -> memref<80x128xf32, #tpu.memory_space<hbm>>
        %dma_start3A_53 = arith.constant 0 : i32
        %dma_start3A_54 = tpu.memref_slice %arg6[%add3A_43, %dma_start3A_53] : memref<10240x128xf32, #tpu.memory_space<hbm>> -> memref<80x128xf32, #tpu.memory_space<hbm>>
        tpu.enqueue_dma source(%arg9 : memref<80x128xf32, #tpu.memory_space<vmem>>) target(%dma_start3A_54 : memref<80x128xf32, #tpu.memory_space<hbm>>) target_semaphore(%run_scoped3A : memref<!tpu.dma_semaphore, #tpu.memory_space<semaphore_mem>>)
        %dma_wait3A = arith.constant 0 : i32
        %dma_wait3A_55 = tpu.memref_slice %arg6[%add3A_43, %dma_wait3A] : memref<10240x128xf32, #tpu.memory_space<hbm>> -> memref<80x128xf32, #tpu.memory_space<hbm>>
        %dma_wait3A_56 = arith.constant 0 : i32
        %dma_wait3A_57 = tpu.memref_slice %arg6[%add3A_43, %dma_wait3A_56] : memref<10240x128xf32, #tpu.memory_space<hbm>> -> memref<80x128xf32, #tpu.memory_space<hbm>>
        tpu.wait_dma2 semaphore(%run_scoped3A : memref<!tpu.dma_semaphore, #tpu.memory_space<semaphore_mem>>) src(%arg9 : memref<80x128xf32, #tpu.memory_space<vmem>>) dst(%dma_wait3A_57 : memref<80x128xf32, #tpu.memory_space<hbm>>)
        tpu.yield
      }) : () -> ()
      %add3A_44 = arith.constant 320 : i32
      %add3A_45 = arith.addi %mul3A_2, %add3A_44 : i32
      "tpu.region"() ({
        %run_scoped3A = tpu.sem_alloc : memref<!tpu.dma_semaphore, #tpu.memory_space<semaphore_mem>>
        %dma_start3A = arith.constant 0 : i32
        %dma_start3A_52 = tpu.memref_slice %arg10[%add3A_45, %dma_start3A] : memref<10240x128xf32, #tpu.memory_space<vmem_shared>> -> memref<80x128xf32, #tpu.memory_space<vmem_shared>>
        %dma_start3A_53 = arith.constant 0 : i32
        %dma_start3A_54 = tpu.memref_slice %arg10[%add3A_45, %dma_start3A_53] : memref<10240x128xf32, #tpu.memory_space<vmem_shared>> -> memref<80x128xf32, #tpu.memory_space<vmem_shared>>
        tpu.enqueue_dma source(%dma_start3A_54 : memref<80x128xf32, #tpu.memory_space<vmem_shared>>) target(%arg9 : memref<80x128xf32, #tpu.memory_space<vmem>>) target_semaphore(%run_scoped3A : memref<!tpu.dma_semaphore, #tpu.memory_space<semaphore_mem>>)
        %dma_wait3A = arith.constant 0 : i32
        %dma_wait3A_55 = tpu.memref_slice %arg10[%add3A_45, %dma_wait3A] : memref<10240x128xf32, #tpu.memory_space<vmem_shared>> -> memref<80x128xf32, #tpu.memory_space<vmem_shared>>
        %dma_wait3A_56 = arith.constant 0 : i32
        %dma_wait3A_57 = tpu.memref_slice %arg10[%add3A_45, %dma_wait3A_56] : memref<10240x128xf32, #tpu.memory_space<vmem_shared>> -> memref<80x128xf32, #tpu.memory_space<vmem_shared>>
        tpu.wait_dma2 semaphore(%run_scoped3A : memref<!tpu.dma_semaphore, #tpu.memory_space<semaphore_mem>>) src(%dma_wait3A_57 : memref<80x128xf32, #tpu.memory_space<vmem_shared>>) dst(%arg9 : memref<80x128xf32, #tpu.memory_space<vmem>>)
        tpu.yield
      }) : () -> ()
      "tpu.region"() ({
        %run_scoped3A = tpu.sem_alloc : memref<!tpu.dma_semaphore, #tpu.memory_space<semaphore_mem>>
        %dma_start3A = arith.constant 0 : i32
        %dma_start3A_52 = tpu.memref_slice %arg6[%add3A_45, %dma_start3A] : memref<10240x128xf32, #tpu.memory_space<hbm>> -> memref<80x128xf32, #tpu.memory_space<hbm>>
        %dma_start3A_53 = arith.constant 0 : i32
        %dma_start3A_54 = tpu.memref_slice %arg6[%add3A_45, %dma_start3A_53] : memref<10240x128xf32, #tpu.memory_space<hbm>> -> memref<80x128xf32, #tpu.memory_space<hbm>>
        tpu.enqueue_dma source(%arg9 : memref<80x128xf32, #tpu.memory_space<vmem>>) target(%dma_start3A_54 : memref<80x128xf32, #tpu.memory_space<hbm>>) target_semaphore(%run_scoped3A : memref<!tpu.dma_semaphore, #tpu.memory_space<semaphore_mem>>)
        %dma_wait3A = arith.constant 0 : i32
        %dma_wait3A_55 = tpu.memref_slice %arg6[%add3A_45, %dma_wait3A] : memref<10240x128xf32, #tpu.memory_space<hbm>> -> memref<80x128xf32, #tpu.memory_space<hbm>>
        %dma_wait3A_56 = arith.constant 0 : i32
        %dma_wait3A_57 = tpu.memref_slice %arg6[%add3A_45, %dma_wait3A_56] : memref<10240x128xf32, #tpu.memory_space<hbm>> -> memref<80x128xf32, #tpu.memory_space<hbm>>
        tpu.wait_dma2 semaphore(%run_scoped3A : memref<!tpu.dma_semaphore, #tpu.memory_space<semaphore_mem>>) src(%arg9 : memref<80x128xf32, #tpu.memory_space<vmem>>) dst(%dma_wait3A_57 : memref<80x128xf32, #tpu.memory_space<hbm>>)
        tpu.yield
      }) : () -> ()
      %add3A_46 = arith.constant 400 : i32
      %add3A_47 = arith.addi %mul3A_2, %add3A_46 : i32
      "tpu.region"() ({
        %run_scoped3A = tpu.sem_alloc : memref<!tpu.dma_semaphore, #tpu.memory_space<semaphore_mem>>
        %dma_start3A = arith.constant 0 : i32
        %dma_start3A_52 = tpu.memref_slice %arg10[%add3A_47, %dma_start3A] : memref<10240x128xf32, #tpu.memory_space<vmem_shared>> -> memref<80x128xf32, #tpu.memory_space<vmem_shared>>
        %dma_start3A_53 = arith.constant 0 : i32
        %dma_start3A_54 = tpu.memref_slice %arg10[%add3A_47, %dma_start3A_53] : memref<10240x128xf32, #tpu.memory_space<vmem_shared>> -> memref<80x128xf32, #tpu.memory_space<vmem_shared>>
        tpu.enqueue_dma source(%dma_start3A_54 : memref<80x128xf32, #tpu.memory_space<vmem_shared>>) target(%arg9 : memref<80x128xf32, #tpu.memory_space<vmem>>) target_semaphore(%run_scoped3A : memref<!tpu.dma_semaphore, #tpu.memory_space<semaphore_mem>>)
        %dma_wait3A = arith.constant 0 : i32
        %dma_wait3A_55 = tpu.memref_slice %arg10[%add3A_47, %dma_wait3A] : memref<10240x128xf32, #tpu.memory_space<vmem_shared>> -> memref<80x128xf32, #tpu.memory_space<vmem_shared>>
        %dma_wait3A_56 = arith.constant 0 : i32
        %dma_wait3A_57 = tpu.memref_slice %arg10[%add3A_47, %dma_wait3A_56] : memref<10240x128xf32, #tpu.memory_space<vmem_shared>> -> memref<80x128xf32, #tpu.memory_space<vmem_shared>>
        tpu.wait_dma2 semaphore(%run_scoped3A : memref<!tpu.dma_semaphore, #tpu.memory_space<semaphore_mem>>) src(%dma_wait3A_57 : memref<80x128xf32, #tpu.memory_space<vmem_shared>>) dst(%arg9 : memref<80x128xf32, #tpu.memory_space<vmem>>)
        tpu.yield
      }) : () -> ()
      "tpu.region"() ({
        %run_scoped3A = tpu.sem_alloc : memref<!tpu.dma_semaphore, #tpu.memory_space<semaphore_mem>>
        %dma_start3A = arith.constant 0 : i32
        %dma_start3A_52 = tpu.memref_slice %arg6[%add3A_47, %dma_start3A] : memref<10240x128xf32, #tpu.memory_space<hbm>> -> memref<80x128xf32, #tpu.memory_space<hbm>>
        %dma_start3A_53 = arith.constant 0 : i32
        %dma_start3A_54 = tpu.memref_slice %arg6[%add3A_47, %dma_start3A_53] : memref<10240x128xf32, #tpu.memory_space<hbm>> -> memref<80x128xf32, #tpu.memory_space<hbm>>
        tpu.enqueue_dma source(%arg9 : memref<80x128xf32, #tpu.memory_space<vmem>>) target(%dma_start3A_54 : memref<80x128xf32, #tpu.memory_space<hbm>>) target_semaphore(%run_scoped3A : memref<!tpu.dma_semaphore, #tpu.memory_space<semaphore_mem>>)
        %dma_wait3A = arith.constant 0 : i32
        %dma_wait3A_55 = tpu.memref_slice %arg6[%add3A_47, %dma_wait3A] : memref<10240x128xf32, #tpu.memory_space<hbm>> -> memref<80x128xf32, #tpu.memory_space<hbm>>
        %dma_wait3A_56 = arith.constant 0 : i32
        %dma_wait3A_57 = tpu.memref_slice %arg6[%add3A_47, %dma_wait3A_56] : memref<10240x128xf32, #tpu.memory_space<hbm>> -> memref<80x128xf32, #tpu.memory_space<hbm>>
        tpu.wait_dma2 semaphore(%run_scoped3A : memref<!tpu.dma_semaphore, #tpu.memory_space<semaphore_mem>>) src(%arg9 : memref<80x128xf32, #tpu.memory_space<vmem>>) dst(%dma_wait3A_57 : memref<80x128xf32, #tpu.memory_space<hbm>>)
        tpu.yield
      }) : () -> ()
      %add3A_48 = arith.constant 480 : i32
      %add3A_49 = arith.addi %mul3A_2, %add3A_48 : i32
      "tpu.region"() ({
        %run_scoped3A = tpu.sem_alloc : memref<!tpu.dma_semaphore, #tpu.memory_space<semaphore_mem>>
        %dma_start3A = arith.constant 0 : i32
        %dma_start3A_52 = tpu.memref_slice %arg10[%add3A_49, %dma_start3A] : memref<10240x128xf32, #tpu.memory_space<vmem_shared>> -> memref<80x128xf32, #tpu.memory_space<vmem_shared>>
        %dma_start3A_53 = arith.constant 0 : i32
        %dma_start3A_54 = tpu.memref_slice %arg10[%add3A_49, %dma_start3A_53] : memref<10240x128xf32, #tpu.memory_space<vmem_shared>> -> memref<80x128xf32, #tpu.memory_space<vmem_shared>>
        tpu.enqueue_dma source(%dma_start3A_54 : memref<80x128xf32, #tpu.memory_space<vmem_shared>>) target(%arg9 : memref<80x128xf32, #tpu.memory_space<vmem>>) target_semaphore(%run_scoped3A : memref<!tpu.dma_semaphore, #tpu.memory_space<semaphore_mem>>)
        %dma_wait3A = arith.constant 0 : i32
        %dma_wait3A_55 = tpu.memref_slice %arg10[%add3A_49, %dma_wait3A] : memref<10240x128xf32, #tpu.memory_space<vmem_shared>> -> memref<80x128xf32, #tpu.memory_space<vmem_shared>>
        %dma_wait3A_56 = arith.constant 0 : i32
        %dma_wait3A_57 = tpu.memref_slice %arg10[%add3A_49, %dma_wait3A_56] : memref<10240x128xf32, #tpu.memory_space<vmem_shared>> -> memref<80x128xf32, #tpu.memory_space<vmem_shared>>
        tpu.wait_dma2 semaphore(%run_scoped3A : memref<!tpu.dma_semaphore, #tpu.memory_space<semaphore_mem>>) src(%dma_wait3A_57 : memref<80x128xf32, #tpu.memory_space<vmem_shared>>) dst(%arg9 : memref<80x128xf32, #tpu.memory_space<vmem>>)
        tpu.yield
      }) : () -> ()
      "tpu.region"() ({
        %run_scoped3A = tpu.sem_alloc : memref<!tpu.dma_semaphore, #tpu.memory_space<semaphore_mem>>
        %dma_start3A = arith.constant 0 : i32
        %dma_start3A_52 = tpu.memref_slice %arg6[%add3A_49, %dma_start3A] : memref<10240x128xf32, #tpu.memory_space<hbm>> -> memref<80x128xf32, #tpu.memory_space<hbm>>
        %dma_start3A_53 = arith.constant 0 : i32
        %dma_start3A_54 = tpu.memref_slice %arg6[%add3A_49, %dma_start3A_53] : memref<10240x128xf32, #tpu.memory_space<hbm>> -> memref<80x128xf32, #tpu.memory_space<hbm>>
        tpu.enqueue_dma source(%arg9 : memref<80x128xf32, #tpu.memory_space<vmem>>) target(%dma_start3A_54 : memref<80x128xf32, #tpu.memory_space<hbm>>) target_semaphore(%run_scoped3A : memref<!tpu.dma_semaphore, #tpu.memory_space<semaphore_mem>>)
        %dma_wait3A = arith.constant 0 : i32
        %dma_wait3A_55 = tpu.memref_slice %arg6[%add3A_49, %dma_wait3A] : memref<10240x128xf32, #tpu.memory_space<hbm>> -> memref<80x128xf32, #tpu.memory_space<hbm>>
        %dma_wait3A_56 = arith.constant 0 : i32
        %dma_wait3A_57 = tpu.memref_slice %arg6[%add3A_49, %dma_wait3A_56] : memref<10240x128xf32, #tpu.memory_space<hbm>> -> memref<80x128xf32, #tpu.memory_space<hbm>>
        tpu.wait_dma2 semaphore(%run_scoped3A : memref<!tpu.dma_semaphore, #tpu.memory_space<semaphore_mem>>) src(%arg9 : memref<80x128xf32, #tpu.memory_space<vmem>>) dst(%dma_wait3A_57 : memref<80x128xf32, #tpu.memory_space<hbm>>)
        tpu.yield
      }) : () -> ()
      %add3A_50 = arith.constant 560 : i32
      %add3A_51 = arith.addi %mul3A_2, %add3A_50 : i32
      "tpu.region"() ({
        %run_scoped3A = tpu.sem_alloc : memref<!tpu.dma_semaphore, #tpu.memory_space<semaphore_mem>>
        %dma_start3A = arith.constant 0 : i32
        %dma_start3A_52 = tpu.memref_slice %arg10[%add3A_51, %dma_start3A] : memref<10240x128xf32, #tpu.memory_space<vmem_shared>> -> memref<80x128xf32, #tpu.memory_space<vmem_shared>>
        %dma_start3A_53 = arith.constant 0 : i32
        %dma_start3A_54 = tpu.memref_slice %arg10[%add3A_51, %dma_start3A_53] : memref<10240x128xf32, #tpu.memory_space<vmem_shared>> -> memref<80x128xf32, #tpu.memory_space<vmem_shared>>
        tpu.enqueue_dma source(%dma_start3A_54 : memref<80x128xf32, #tpu.memory_space<vmem_shared>>) target(%arg9 : memref<80x128xf32, #tpu.memory_space<vmem>>) target_semaphore(%run_scoped3A : memref<!tpu.dma_semaphore, #tpu.memory_space<semaphore_mem>>)
        %dma_wait3A = arith.constant 0 : i32
        %dma_wait3A_55 = tpu.memref_slice %arg10[%add3A_51, %dma_wait3A] : memref<10240x128xf32, #tpu.memory_space<vmem_shared>> -> memref<80x128xf32, #tpu.memory_space<vmem_shared>>
        %dma_wait3A_56 = arith.constant 0 : i32
        %dma_wait3A_57 = tpu.memref_slice %arg10[%add3A_51, %dma_wait3A_56] : memref<10240x128xf32, #tpu.memory_space<vmem_shared>> -> memref<80x128xf32, #tpu.memory_space<vmem_shared>>
        tpu.wait_dma2 semaphore(%run_scoped3A : memref<!tpu.dma_semaphore, #tpu.memory_space<semaphore_mem>>) src(%dma_wait3A_57 : memref<80x128xf32, #tpu.memory_space<vmem_shared>>) dst(%arg9 : memref<80x128xf32, #tpu.memory_space<vmem>>)
        tpu.yield
      }) : () -> ()
      "tpu.region"() ({
        %run_scoped3A = tpu.sem_alloc : memref<!tpu.dma_semaphore, #tpu.memory_space<semaphore_mem>>
        %dma_start3A = arith.constant 0 : i32
        %dma_start3A_52 = tpu.memref_slice %arg6[%add3A_51, %dma_start3A] : memref<10240x128xf32, #tpu.memory_space<hbm>> -> memref<80x128xf32, #tpu.memory_space<hbm>>
        %dma_start3A_53 = arith.constant 0 : i32
        %dma_start3A_54 = tpu.memref_slice %arg6[%add3A_51, %dma_start3A_53] : memref<10240x128xf32, #tpu.memory_space<hbm>> -> memref<80x128xf32, #tpu.memory_space<hbm>>
        tpu.enqueue_dma source(%arg9 : memref<80x128xf32, #tpu.memory_space<vmem>>) target(%dma_start3A_54 : memref<80x128xf32, #tpu.memory_space<hbm>>) target_semaphore(%run_scoped3A : memref<!tpu.dma_semaphore, #tpu.memory_space<semaphore_mem>>)
        %dma_wait3A = arith.constant 0 : i32
        %dma_wait3A_55 = tpu.memref_slice %arg6[%add3A_51, %dma_wait3A] : memref<10240x128xf32, #tpu.memory_space<hbm>> -> memref<80x128xf32, #tpu.memory_space<hbm>>
        %dma_wait3A_56 = arith.constant 0 : i32
        %dma_wait3A_57 = tpu.memref_slice %arg6[%add3A_51, %dma_wait3A_56] : memref<10240x128xf32, #tpu.memory_space<hbm>> -> memref<80x128xf32, #tpu.memory_space<hbm>>
        tpu.wait_dma2 semaphore(%run_scoped3A : memref<!tpu.dma_semaphore, #tpu.memory_space<semaphore_mem>>) src(%arg9 : memref<80x128xf32, #tpu.memory_space<vmem>>) dst(%dma_wait3A_57 : memref<80x128xf32, #tpu.memory_space<hbm>>)
        tpu.yield
      }) : () -> ()
    } else {
    }
    return
  }
}

#map = affine_map<(d0, d1) -> (0, 0)>
#map1 = affine_map<(d0, d1) -> (0, 0, 0)>
module attributes {stable_mosaic.version = 14 : i64} {
  func.func @_sc_agg_body(%arg0: i32, %arg1: i32, %arg2: memref<10240x128xf32, #tpu.memory_space<hbm>>, %arg3: memref<32x10000xi32, #tpu.memory_space<hbm>>, %arg4: memref<32x125x80xi32, #tpu.memory_space<hbm>>, %arg5: memref<80x128xf32, #tpu.memory_space<hbm>>, %arg6: memref<10240x128xf32, #tpu.memory_space<hbm>>, %arg7: memref<10240x128xf32, #tpu.memory_space<hbm>>, %arg8: memref<10000xi32, #tpu.memory_space<vmem>>, %arg9: memref<125x80xi32, #tpu.memory_space<vmem>>, %arg10: memref<2x80x128xf32, #tpu.memory_space<vmem>>, %arg11: memref<10240x128xf32, #tpu.memory_space<vmem_shared>>, %arg12: memref<!tpu.dma_semaphore, #tpu.memory_space<semaphore_mem>>, %arg13: memref<!tpu.dma_semaphore, #tpu.memory_space<semaphore_mem>>) attributes {dimension_semantics = [#tpu.dimension_semantics<core_parallel>, #tpu.dimension_semantics<subcore_parallel>], iteration_bounds = array<i64: 2, 16>, scalar_prefetch = 0 : i64, scratch_operands = 6 : i64, tpu.core_type = #tpu.core_type<sc_vector_subcore>, window_params = [{transform_indices = #map}, {transform_indices = #map}, {transform_indices = #map1}, {transform_indices = #map}, {transform_indices = #map}, {transform_indices = #map}]} {
    %mul3A = arith.constant 2 : i32
    %mul3A_0 = arith.muli %arg1, %mul3A : i32
    %add3A = arith.addi %mul3A_0, %arg0 : i32
    %mul3A_1 = arith.constant 640 : i32
    %mul3A_2 = arith.muli %arg1, %mul3A_1 : i32
    %dma_start3A = arith.constant 0 : i32
    %dma_start3A_3 = tpu.memref_slice %arg3[%add3A, %dma_start3A] : memref<32x10000xi32, #tpu.memory_space<hbm>> -> memref<1x10000xi32, #tpu.memory_space<hbm>>
    %dma_start3A_4 = tpu.memref_squeeze %dma_start3A_3 : memref<1x10000xi32, #tpu.memory_space<hbm>> -> memref<10000xi32, #tpu.memory_space<hbm>>
    %dma_start3A_5 = arith.constant 0 : i32
    %dma_start3A_6 = tpu.memref_slice %arg3[%add3A, %dma_start3A_5] : memref<32x10000xi32, #tpu.memory_space<hbm>> -> memref<1x10000xi32, #tpu.memory_space<hbm>>
    %dma_start3A_7 = tpu.memref_squeeze %dma_start3A_6 : memref<1x10000xi32, #tpu.memory_space<hbm>> -> memref<10000xi32, #tpu.memory_space<hbm>>
    tpu.enqueue_dma source(%dma_start3A_7 : memref<10000xi32, #tpu.memory_space<hbm>>) target(%arg8 : memref<10000xi32, #tpu.memory_space<vmem>>) target_semaphore(%arg12 : memref<!tpu.dma_semaphore, #tpu.memory_space<semaphore_mem>>)
    "tpu.region"() ({
      %run_scoped3A_71 = tpu.sem_alloc : memref<!tpu.dma_semaphore, #tpu.memory_space<semaphore_mem>>
      %dma_start3A_72 = arith.constant 0 : i32
      %dma_start3A_73 = arith.constant 0 : i32
      %dma_start3A_74 = tpu.memref_slice %arg4[%add3A, %dma_start3A_72, %dma_start3A_73] : memref<32x125x80xi32, #tpu.memory_space<hbm>> -> memref<1x125x80xi32, #tpu.memory_space<hbm>>
      %dma_start3A_75 = tpu.memref_squeeze %dma_start3A_74 : memref<1x125x80xi32, #tpu.memory_space<hbm>> -> memref<125x80xi32, #tpu.memory_space<hbm>>
      %dma_start3A_76 = arith.constant 0 : i32
      %dma_start3A_77 = arith.constant 0 : i32
      %dma_start3A_78 = tpu.memref_slice %arg4[%add3A, %dma_start3A_76, %dma_start3A_77] : memref<32x125x80xi32, #tpu.memory_space<hbm>> -> memref<1x125x80xi32, #tpu.memory_space<hbm>>
      %dma_start3A_79 = tpu.memref_squeeze %dma_start3A_78 : memref<1x125x80xi32, #tpu.memory_space<hbm>> -> memref<125x80xi32, #tpu.memory_space<hbm>>
      tpu.enqueue_dma source(%dma_start3A_79 : memref<125x80xi32, #tpu.memory_space<hbm>>) target(%arg9 : memref<125x80xi32, #tpu.memory_space<vmem>>) target_semaphore(%run_scoped3A_71 : memref<!tpu.dma_semaphore, #tpu.memory_space<semaphore_mem>>)
      %dma_wait3A_80 = arith.constant 0 : i32
      %dma_wait3A_81 = arith.constant 0 : i32
      %dma_wait3A_82 = tpu.memref_slice %arg4[%add3A, %dma_wait3A_80, %dma_wait3A_81] : memref<32x125x80xi32, #tpu.memory_space<hbm>> -> memref<1x125x80xi32, #tpu.memory_space<hbm>>
      %dma_wait3A_83 = tpu.memref_squeeze %dma_wait3A_82 : memref<1x125x80xi32, #tpu.memory_space<hbm>> -> memref<125x80xi32, #tpu.memory_space<hbm>>
      %dma_wait3A_84 = arith.constant 0 : i32
      %dma_wait3A_85 = arith.constant 0 : i32
      %dma_wait3A_86 = tpu.memref_slice %arg4[%add3A, %dma_wait3A_84, %dma_wait3A_85] : memref<32x125x80xi32, #tpu.memory_space<hbm>> -> memref<1x125x80xi32, #tpu.memory_space<hbm>>
      %dma_wait3A_87 = tpu.memref_squeeze %dma_wait3A_86 : memref<1x125x80xi32, #tpu.memory_space<hbm>> -> memref<125x80xi32, #tpu.memory_space<hbm>>
      tpu.wait_dma2 semaphore(%run_scoped3A_71 : memref<!tpu.dma_semaphore, #tpu.memory_space<semaphore_mem>>) src(%dma_wait3A_87 : memref<125x80xi32, #tpu.memory_space<hbm>>) dst(%arg9 : memref<125x80xi32, #tpu.memory_space<vmem>>)
      tpu.yield
    }) : () -> ()
    %dma_wait3A = arith.constant 0 : i32
    %dma_wait3A_8 = tpu.memref_slice %arg3[%add3A, %dma_wait3A] : memref<32x10000xi32, #tpu.memory_space<hbm>> -> memref<1x10000xi32, #tpu.memory_space<hbm>>
    %dma_wait3A_9 = tpu.memref_squeeze %dma_wait3A_8 : memref<1x10000xi32, #tpu.memory_space<hbm>> -> memref<10000xi32, #tpu.memory_space<hbm>>
    %dma_wait3A_10 = arith.constant 0 : i32
    %dma_wait3A_11 = tpu.memref_slice %arg3[%add3A, %dma_wait3A_10] : memref<32x10000xi32, #tpu.memory_space<hbm>> -> memref<1x10000xi32, #tpu.memory_space<hbm>>
    %dma_wait3A_12 = tpu.memref_squeeze %dma_wait3A_11 : memref<1x10000xi32, #tpu.memory_space<hbm>> -> memref<10000xi32, #tpu.memory_space<hbm>>
    tpu.wait_dma2 semaphore(%arg12 : memref<!tpu.dma_semaphore, #tpu.memory_space<semaphore_mem>>) src(%dma_wait3A_12 : memref<10000xi32, #tpu.memory_space<hbm>>) dst(%arg8 : memref<10000xi32, #tpu.memory_space<vmem>>)
    %run_scoped3A = arith.constant 0 : i32
    "tpu.region"() ({
      %run_scoped3A_71 = tpu.sem_alloc : memref<!tpu.dma_semaphore, #tpu.memory_space<semaphore_mem>>
      %dma_start3A_72 = arith.constant 0 : i32
      %dma_start3A_73 = arith.constant 0 : i32
      %dma_start3A_74 = tpu.memref_slice %arg10[%run_scoped3A, %dma_start3A_72, %dma_start3A_73] : memref<2x80x128xf32, #tpu.memory_space<vmem>> -> memref<1x80x128xf32, #tpu.memory_space<vmem>>
      %dma_start3A_75 = tpu.memref_squeeze %dma_start3A_74 : memref<1x80x128xf32, #tpu.memory_space<vmem>> -> memref<80x128xf32, #tpu.memory_space<vmem>>
      %dma_start3A_76 = arith.constant 0 : i32
      %dma_start3A_77 = arith.constant 0 : i32
      %dma_start3A_78 = tpu.memref_slice %arg10[%run_scoped3A, %dma_start3A_76, %dma_start3A_77] : memref<2x80x128xf32, #tpu.memory_space<vmem>> -> memref<1x80x128xf32, #tpu.memory_space<vmem>>
      %dma_start3A_79 = tpu.memref_squeeze %dma_start3A_78 : memref<1x80x128xf32, #tpu.memory_space<vmem>> -> memref<80x128xf32, #tpu.memory_space<vmem>>
      tpu.enqueue_dma source(%arg5 : memref<80x128xf32, #tpu.memory_space<hbm>>) target(%dma_start3A_79 : memref<80x128xf32, #tpu.memory_space<vmem>>) target_semaphore(%run_scoped3A_71 : memref<!tpu.dma_semaphore, #tpu.memory_space<semaphore_mem>>)
      %dma_wait3A_80 = arith.constant 0 : i32
      %dma_wait3A_81 = arith.constant 0 : i32
      %dma_wait3A_82 = tpu.memref_slice %arg10[%run_scoped3A, %dma_wait3A_80, %dma_wait3A_81] : memref<2x80x128xf32, #tpu.memory_space<vmem>> -> memref<1x80x128xf32, #tpu.memory_space<vmem>>
      %dma_wait3A_83 = tpu.memref_squeeze %dma_wait3A_82 : memref<1x80x128xf32, #tpu.memory_space<vmem>> -> memref<80x128xf32, #tpu.memory_space<vmem>>
      %dma_wait3A_84 = arith.constant 0 : i32
      %dma_wait3A_85 = arith.constant 0 : i32
      %dma_wait3A_86 = tpu.memref_slice %arg10[%run_scoped3A, %dma_wait3A_84, %dma_wait3A_85] : memref<2x80x128xf32, #tpu.memory_space<vmem>> -> memref<1x80x128xf32, #tpu.memory_space<vmem>>
      %dma_wait3A_87 = tpu.memref_squeeze %dma_wait3A_86 : memref<1x80x128xf32, #tpu.memory_space<vmem>> -> memref<80x128xf32, #tpu.memory_space<vmem>>
      tpu.wait_dma2 semaphore(%run_scoped3A_71 : memref<!tpu.dma_semaphore, #tpu.memory_space<semaphore_mem>>) src(%arg5 : memref<80x128xf32, #tpu.memory_space<hbm>>) dst(%dma_wait3A_87 : memref<80x128xf32, #tpu.memory_space<vmem>>)
      tpu.yield
    }) : () -> ()
    %add3A_13 = arith.constant 0 : i32
    %add3A_14 = arith.addi %mul3A_2, %add3A_13 : i32
    %run_scoped3A_15 = arith.constant 0 : i32
    "tpu.region"() ({
      %run_scoped3A_71 = tpu.sem_alloc : memref<!tpu.dma_semaphore, #tpu.memory_space<semaphore_mem>>
      %dma_start3A_72 = arith.constant 0 : i32
      %dma_start3A_73 = arith.constant 0 : i32
      %dma_start3A_74 = tpu.memref_slice %arg10[%run_scoped3A_15, %dma_start3A_72, %dma_start3A_73] : memref<2x80x128xf32, #tpu.memory_space<vmem>> -> memref<1x80x128xf32, #tpu.memory_space<vmem>>
      %dma_start3A_75 = tpu.memref_squeeze %dma_start3A_74 : memref<1x80x128xf32, #tpu.memory_space<vmem>> -> memref<80x128xf32, #tpu.memory_space<vmem>>
      %dma_start3A_76 = arith.constant 0 : i32
      %dma_start3A_77 = tpu.memref_slice %arg11[%add3A_14, %dma_start3A_76] : memref<10240x128xf32, #tpu.memory_space<vmem_shared>> -> memref<80x128xf32, #tpu.memory_space<vmem_shared>>
      %dma_start3A_78 = arith.constant 0 : i32
      %dma_start3A_79 = tpu.memref_slice %arg11[%add3A_14, %dma_start3A_78] : memref<10240x128xf32, #tpu.memory_space<vmem_shared>> -> memref<80x128xf32, #tpu.memory_space<vmem_shared>>
      %dma_start3A_80 = arith.constant 0 : i32
      %dma_start3A_81 = arith.constant 0 : i32
      %dma_start3A_82 = tpu.memref_slice %arg10[%run_scoped3A_15, %dma_start3A_80, %dma_start3A_81] : memref<2x80x128xf32, #tpu.memory_space<vmem>> -> memref<1x80x128xf32, #tpu.memory_space<vmem>>
      %dma_start3A_83 = tpu.memref_squeeze %dma_start3A_82 : memref<1x80x128xf32, #tpu.memory_space<vmem>> -> memref<80x128xf32, #tpu.memory_space<vmem>>
      tpu.enqueue_dma source(%dma_start3A_83 : memref<80x128xf32, #tpu.memory_space<vmem>>) target(%dma_start3A_79 : memref<80x128xf32, #tpu.memory_space<vmem_shared>>) target_semaphore(%run_scoped3A_71 : memref<!tpu.dma_semaphore, #tpu.memory_space<semaphore_mem>>)
      %dma_wait3A_84 = arith.constant 0 : i32
      %dma_wait3A_85 = arith.constant 0 : i32
      %dma_wait3A_86 = tpu.memref_slice %arg10[%run_scoped3A_15, %dma_wait3A_84, %dma_wait3A_85] : memref<2x80x128xf32, #tpu.memory_space<vmem>> -> memref<1x80x128xf32, #tpu.memory_space<vmem>>
      %dma_wait3A_87 = tpu.memref_squeeze %dma_wait3A_86 : memref<1x80x128xf32, #tpu.memory_space<vmem>> -> memref<80x128xf32, #tpu.memory_space<vmem>>
      %dma_wait3A_88 = arith.constant 0 : i32
      %dma_wait3A_89 = tpu.memref_slice %arg11[%add3A_14, %dma_wait3A_88] : memref<10240x128xf32, #tpu.memory_space<vmem_shared>> -> memref<80x128xf32, #tpu.memory_space<vmem_shared>>
      %dma_wait3A_90 = arith.constant 0 : i32
      %dma_wait3A_91 = tpu.memref_slice %arg11[%add3A_14, %dma_wait3A_90] : memref<10240x128xf32, #tpu.memory_space<vmem_shared>> -> memref<80x128xf32, #tpu.memory_space<vmem_shared>>
      %dma_wait3A_92 = arith.constant 0 : i32
      %dma_wait3A_93 = arith.constant 0 : i32
      %dma_wait3A_94 = tpu.memref_slice %arg10[%run_scoped3A_15, %dma_wait3A_92, %dma_wait3A_93] : memref<2x80x128xf32, #tpu.memory_space<vmem>> -> memref<1x80x128xf32, #tpu.memory_space<vmem>>
      %dma_wait3A_95 = tpu.memref_squeeze %dma_wait3A_94 : memref<1x80x128xf32, #tpu.memory_space<vmem>> -> memref<80x128xf32, #tpu.memory_space<vmem>>
      tpu.wait_dma2 semaphore(%run_scoped3A_71 : memref<!tpu.dma_semaphore, #tpu.memory_space<semaphore_mem>>) src(%dma_wait3A_95 : memref<80x128xf32, #tpu.memory_space<vmem>>) dst(%dma_wait3A_91 : memref<80x128xf32, #tpu.memory_space<vmem_shared>>)
      tpu.yield
    }) : () -> ()
    %add3A_16 = arith.constant 80 : i32
    %add3A_17 = arith.addi %mul3A_2, %add3A_16 : i32
    %run_scoped3A_18 = arith.constant 0 : i32
    "tpu.region"() ({
      %run_scoped3A_71 = tpu.sem_alloc : memref<!tpu.dma_semaphore, #tpu.memory_space<semaphore_mem>>
      %dma_start3A_72 = arith.constant 0 : i32
      %dma_start3A_73 = arith.constant 0 : i32
      %dma_start3A_74 = tpu.memref_slice %arg10[%run_scoped3A_18, %dma_start3A_72, %dma_start3A_73] : memref<2x80x128xf32, #tpu.memory_space<vmem>> -> memref<1x80x128xf32, #tpu.memory_space<vmem>>
      %dma_start3A_75 = tpu.memref_squeeze %dma_start3A_74 : memref<1x80x128xf32, #tpu.memory_space<vmem>> -> memref<80x128xf32, #tpu.memory_space<vmem>>
      %dma_start3A_76 = arith.constant 0 : i32
      %dma_start3A_77 = tpu.memref_slice %arg11[%add3A_17, %dma_start3A_76] : memref<10240x128xf32, #tpu.memory_space<vmem_shared>> -> memref<80x128xf32, #tpu.memory_space<vmem_shared>>
      %dma_start3A_78 = arith.constant 0 : i32
      %dma_start3A_79 = tpu.memref_slice %arg11[%add3A_17, %dma_start3A_78] : memref<10240x128xf32, #tpu.memory_space<vmem_shared>> -> memref<80x128xf32, #tpu.memory_space<vmem_shared>>
      %dma_start3A_80 = arith.constant 0 : i32
      %dma_start3A_81 = arith.constant 0 : i32
      %dma_start3A_82 = tpu.memref_slice %arg10[%run_scoped3A_18, %dma_start3A_80, %dma_start3A_81] : memref<2x80x128xf32, #tpu.memory_space<vmem>> -> memref<1x80x128xf32, #tpu.memory_space<vmem>>
      %dma_start3A_83 = tpu.memref_squeeze %dma_start3A_82 : memref<1x80x128xf32, #tpu.memory_space<vmem>> -> memref<80x128xf32, #tpu.memory_space<vmem>>
      tpu.enqueue_dma source(%dma_start3A_83 : memref<80x128xf32, #tpu.memory_space<vmem>>) target(%dma_start3A_79 : memref<80x128xf32, #tpu.memory_space<vmem_shared>>) target_semaphore(%run_scoped3A_71 : memref<!tpu.dma_semaphore, #tpu.memory_space<semaphore_mem>>)
      %dma_wait3A_84 = arith.constant 0 : i32
      %dma_wait3A_85 = arith.constant 0 : i32
      %dma_wait3A_86 = tpu.memref_slice %arg10[%run_scoped3A_18, %dma_wait3A_84, %dma_wait3A_85] : memref<2x80x128xf32, #tpu.memory_space<vmem>> -> memref<1x80x128xf32, #tpu.memory_space<vmem>>
      %dma_wait3A_87 = tpu.memref_squeeze %dma_wait3A_86 : memref<1x80x128xf32, #tpu.memory_space<vmem>> -> memref<80x128xf32, #tpu.memory_space<vmem>>
      %dma_wait3A_88 = arith.constant 0 : i32
      %dma_wait3A_89 = tpu.memref_slice %arg11[%add3A_17, %dma_wait3A_88] : memref<10240x128xf32, #tpu.memory_space<vmem_shared>> -> memref<80x128xf32, #tpu.memory_space<vmem_shared>>
      %dma_wait3A_90 = arith.constant 0 : i32
      %dma_wait3A_91 = tpu.memref_slice %arg11[%add3A_17, %dma_wait3A_90] : memref<10240x128xf32, #tpu.memory_space<vmem_shared>> -> memref<80x128xf32, #tpu.memory_space<vmem_shared>>
      %dma_wait3A_92 = arith.constant 0 : i32
      %dma_wait3A_93 = arith.constant 0 : i32
      %dma_wait3A_94 = tpu.memref_slice %arg10[%run_scoped3A_18, %dma_wait3A_92, %dma_wait3A_93] : memref<2x80x128xf32, #tpu.memory_space<vmem>> -> memref<1x80x128xf32, #tpu.memory_space<vmem>>
      %dma_wait3A_95 = tpu.memref_squeeze %dma_wait3A_94 : memref<1x80x128xf32, #tpu.memory_space<vmem>> -> memref<80x128xf32, #tpu.memory_space<vmem>>
      tpu.wait_dma2 semaphore(%run_scoped3A_71 : memref<!tpu.dma_semaphore, #tpu.memory_space<semaphore_mem>>) src(%dma_wait3A_95 : memref<80x128xf32, #tpu.memory_space<vmem>>) dst(%dma_wait3A_91 : memref<80x128xf32, #tpu.memory_space<vmem_shared>>)
      tpu.yield
    }) : () -> ()
    %add3A_19 = arith.constant 160 : i32
    %add3A_20 = arith.addi %mul3A_2, %add3A_19 : i32
    %run_scoped3A_21 = arith.constant 0 : i32
    "tpu.region"() ({
      %run_scoped3A_71 = tpu.sem_alloc : memref<!tpu.dma_semaphore, #tpu.memory_space<semaphore_mem>>
      %dma_start3A_72 = arith.constant 0 : i32
      %dma_start3A_73 = arith.constant 0 : i32
      %dma_start3A_74 = tpu.memref_slice %arg10[%run_scoped3A_21, %dma_start3A_72, %dma_start3A_73] : memref<2x80x128xf32, #tpu.memory_space<vmem>> -> memref<1x80x128xf32, #tpu.memory_space<vmem>>
      %dma_start3A_75 = tpu.memref_squeeze %dma_start3A_74 : memref<1x80x128xf32, #tpu.memory_space<vmem>> -> memref<80x128xf32, #tpu.memory_space<vmem>>
      %dma_start3A_76 = arith.constant 0 : i32
      %dma_start3A_77 = tpu.memref_slice %arg11[%add3A_20, %dma_start3A_76] : memref<10240x128xf32, #tpu.memory_space<vmem_shared>> -> memref<80x128xf32, #tpu.memory_space<vmem_shared>>
      %dma_start3A_78 = arith.constant 0 : i32
      %dma_start3A_79 = tpu.memref_slice %arg11[%add3A_20, %dma_start3A_78] : memref<10240x128xf32, #tpu.memory_space<vmem_shared>> -> memref<80x128xf32, #tpu.memory_space<vmem_shared>>
      %dma_start3A_80 = arith.constant 0 : i32
      %dma_start3A_81 = arith.constant 0 : i32
      %dma_start3A_82 = tpu.memref_slice %arg10[%run_scoped3A_21, %dma_start3A_80, %dma_start3A_81] : memref<2x80x128xf32, #tpu.memory_space<vmem>> -> memref<1x80x128xf32, #tpu.memory_space<vmem>>
      %dma_start3A_83 = tpu.memref_squeeze %dma_start3A_82 : memref<1x80x128xf32, #tpu.memory_space<vmem>> -> memref<80x128xf32, #tpu.memory_space<vmem>>
      tpu.enqueue_dma source(%dma_start3A_83 : memref<80x128xf32, #tpu.memory_space<vmem>>) target(%dma_start3A_79 : memref<80x128xf32, #tpu.memory_space<vmem_shared>>) target_semaphore(%run_scoped3A_71 : memref<!tpu.dma_semaphore, #tpu.memory_space<semaphore_mem>>)
      %dma_wait3A_84 = arith.constant 0 : i32
      %dma_wait3A_85 = arith.constant 0 : i32
      %dma_wait3A_86 = tpu.memref_slice %arg10[%run_scoped3A_21, %dma_wait3A_84, %dma_wait3A_85] : memref<2x80x128xf32, #tpu.memory_space<vmem>> -> memref<1x80x128xf32, #tpu.memory_space<vmem>>
      %dma_wait3A_87 = tpu.memref_squeeze %dma_wait3A_86 : memref<1x80x128xf32, #tpu.memory_space<vmem>> -> memref<80x128xf32, #tpu.memory_space<vmem>>
      %dma_wait3A_88 = arith.constant 0 : i32
      %dma_wait3A_89 = tpu.memref_slice %arg11[%add3A_20, %dma_wait3A_88] : memref<10240x128xf32, #tpu.memory_space<vmem_shared>> -> memref<80x128xf32, #tpu.memory_space<vmem_shared>>
      %dma_wait3A_90 = arith.constant 0 : i32
      %dma_wait3A_91 = tpu.memref_slice %arg11[%add3A_20, %dma_wait3A_90] : memref<10240x128xf32, #tpu.memory_space<vmem_shared>> -> memref<80x128xf32, #tpu.memory_space<vmem_shared>>
      %dma_wait3A_92 = arith.constant 0 : i32
      %dma_wait3A_93 = arith.constant 0 : i32
      %dma_wait3A_94 = tpu.memref_slice %arg10[%run_scoped3A_21, %dma_wait3A_92, %dma_wait3A_93] : memref<2x80x128xf32, #tpu.memory_space<vmem>> -> memref<1x80x128xf32, #tpu.memory_space<vmem>>
      %dma_wait3A_95 = tpu.memref_squeeze %dma_wait3A_94 : memref<1x80x128xf32, #tpu.memory_space<vmem>> -> memref<80x128xf32, #tpu.memory_space<vmem>>
      tpu.wait_dma2 semaphore(%run_scoped3A_71 : memref<!tpu.dma_semaphore, #tpu.memory_space<semaphore_mem>>) src(%dma_wait3A_95 : memref<80x128xf32, #tpu.memory_space<vmem>>) dst(%dma_wait3A_91 : memref<80x128xf32, #tpu.memory_space<vmem_shared>>)
      tpu.yield
    }) : () -> ()
    %add3A_22 = arith.constant 240 : i32
    %add3A_23 = arith.addi %mul3A_2, %add3A_22 : i32
    %run_scoped3A_24 = arith.constant 0 : i32
    "tpu.region"() ({
      %run_scoped3A_71 = tpu.sem_alloc : memref<!tpu.dma_semaphore, #tpu.memory_space<semaphore_mem>>
      %dma_start3A_72 = arith.constant 0 : i32
      %dma_start3A_73 = arith.constant 0 : i32
      %dma_start3A_74 = tpu.memref_slice %arg10[%run_scoped3A_24, %dma_start3A_72, %dma_start3A_73] : memref<2x80x128xf32, #tpu.memory_space<vmem>> -> memref<1x80x128xf32, #tpu.memory_space<vmem>>
      %dma_start3A_75 = tpu.memref_squeeze %dma_start3A_74 : memref<1x80x128xf32, #tpu.memory_space<vmem>> -> memref<80x128xf32, #tpu.memory_space<vmem>>
      %dma_start3A_76 = arith.constant 0 : i32
      %dma_start3A_77 = tpu.memref_slice %arg11[%add3A_23, %dma_start3A_76] : memref<10240x128xf32, #tpu.memory_space<vmem_shared>> -> memref<80x128xf32, #tpu.memory_space<vmem_shared>>
      %dma_start3A_78 = arith.constant 0 : i32
      %dma_start3A_79 = tpu.memref_slice %arg11[%add3A_23, %dma_start3A_78] : memref<10240x128xf32, #tpu.memory_space<vmem_shared>> -> memref<80x128xf32, #tpu.memory_space<vmem_shared>>
      %dma_start3A_80 = arith.constant 0 : i32
      %dma_start3A_81 = arith.constant 0 : i32
      %dma_start3A_82 = tpu.memref_slice %arg10[%run_scoped3A_24, %dma_start3A_80, %dma_start3A_81] : memref<2x80x128xf32, #tpu.memory_space<vmem>> -> memref<1x80x128xf32, #tpu.memory_space<vmem>>
      %dma_start3A_83 = tpu.memref_squeeze %dma_start3A_82 : memref<1x80x128xf32, #tpu.memory_space<vmem>> -> memref<80x128xf32, #tpu.memory_space<vmem>>
      tpu.enqueue_dma source(%dma_start3A_83 : memref<80x128xf32, #tpu.memory_space<vmem>>) target(%dma_start3A_79 : memref<80x128xf32, #tpu.memory_space<vmem_shared>>) target_semaphore(%run_scoped3A_71 : memref<!tpu.dma_semaphore, #tpu.memory_space<semaphore_mem>>)
      %dma_wait3A_84 = arith.constant 0 : i32
      %dma_wait3A_85 = arith.constant 0 : i32
      %dma_wait3A_86 = tpu.memref_slice %arg10[%run_scoped3A_24, %dma_wait3A_84, %dma_wait3A_85] : memref<2x80x128xf32, #tpu.memory_space<vmem>> -> memref<1x80x128xf32, #tpu.memory_space<vmem>>
      %dma_wait3A_87 = tpu.memref_squeeze %dma_wait3A_86 : memref<1x80x128xf32, #tpu.memory_space<vmem>> -> memref<80x128xf32, #tpu.memory_space<vmem>>
      %dma_wait3A_88 = arith.constant 0 : i32
      %dma_wait3A_89 = tpu.memref_slice %arg11[%add3A_23, %dma_wait3A_88] : memref<10240x128xf32, #tpu.memory_space<vmem_shared>> -> memref<80x128xf32, #tpu.memory_space<vmem_shared>>
      %dma_wait3A_90 = arith.constant 0 : i32
      %dma_wait3A_91 = tpu.memref_slice %arg11[%add3A_23, %dma_wait3A_90] : memref<10240x128xf32, #tpu.memory_space<vmem_shared>> -> memref<80x128xf32, #tpu.memory_space<vmem_shared>>
      %dma_wait3A_92 = arith.constant 0 : i32
      %dma_wait3A_93 = arith.constant 0 : i32
      %dma_wait3A_94 = tpu.memref_slice %arg10[%run_scoped3A_24, %dma_wait3A_92, %dma_wait3A_93] : memref<2x80x128xf32, #tpu.memory_space<vmem>> -> memref<1x80x128xf32, #tpu.memory_space<vmem>>
      %dma_wait3A_95 = tpu.memref_squeeze %dma_wait3A_94 : memref<1x80x128xf32, #tpu.memory_space<vmem>> -> memref<80x128xf32, #tpu.memory_space<vmem>>
      tpu.wait_dma2 semaphore(%run_scoped3A_71 : memref<!tpu.dma_semaphore, #tpu.memory_space<semaphore_mem>>) src(%dma_wait3A_95 : memref<80x128xf32, #tpu.memory_space<vmem>>) dst(%dma_wait3A_91 : memref<80x128xf32, #tpu.memory_space<vmem_shared>>)
      tpu.yield
    }) : () -> ()
    %add3A_25 = arith.constant 320 : i32
    %add3A_26 = arith.addi %mul3A_2, %add3A_25 : i32
    %run_scoped3A_27 = arith.constant 0 : i32
    "tpu.region"() ({
      %run_scoped3A_71 = tpu.sem_alloc : memref<!tpu.dma_semaphore, #tpu.memory_space<semaphore_mem>>
      %dma_start3A_72 = arith.constant 0 : i32
      %dma_start3A_73 = arith.constant 0 : i32
      %dma_start3A_74 = tpu.memref_slice %arg10[%run_scoped3A_27, %dma_start3A_72, %dma_start3A_73] : memref<2x80x128xf32, #tpu.memory_space<vmem>> -> memref<1x80x128xf32, #tpu.memory_space<vmem>>
      %dma_start3A_75 = tpu.memref_squeeze %dma_start3A_74 : memref<1x80x128xf32, #tpu.memory_space<vmem>> -> memref<80x128xf32, #tpu.memory_space<vmem>>
      %dma_start3A_76 = arith.constant 0 : i32
      %dma_start3A_77 = tpu.memref_slice %arg11[%add3A_26, %dma_start3A_76] : memref<10240x128xf32, #tpu.memory_space<vmem_shared>> -> memref<80x128xf32, #tpu.memory_space<vmem_shared>>
      %dma_start3A_78 = arith.constant 0 : i32
      %dma_start3A_79 = tpu.memref_slice %arg11[%add3A_26, %dma_start3A_78] : memref<10240x128xf32, #tpu.memory_space<vmem_shared>> -> memref<80x128xf32, #tpu.memory_space<vmem_shared>>
      %dma_start3A_80 = arith.constant 0 : i32
      %dma_start3A_81 = arith.constant 0 : i32
      %dma_start3A_82 = tpu.memref_slice %arg10[%run_scoped3A_27, %dma_start3A_80, %dma_start3A_81] : memref<2x80x128xf32, #tpu.memory_space<vmem>> -> memref<1x80x128xf32, #tpu.memory_space<vmem>>
      %dma_start3A_83 = tpu.memref_squeeze %dma_start3A_82 : memref<1x80x128xf32, #tpu.memory_space<vmem>> -> memref<80x128xf32, #tpu.memory_space<vmem>>
      tpu.enqueue_dma source(%dma_start3A_83 : memref<80x128xf32, #tpu.memory_space<vmem>>) target(%dma_start3A_79 : memref<80x128xf32, #tpu.memory_space<vmem_shared>>) target_semaphore(%run_scoped3A_71 : memref<!tpu.dma_semaphore, #tpu.memory_space<semaphore_mem>>)
      %dma_wait3A_84 = arith.constant 0 : i32
      %dma_wait3A_85 = arith.constant 0 : i32
      %dma_wait3A_86 = tpu.memref_slice %arg10[%run_scoped3A_27, %dma_wait3A_84, %dma_wait3A_85] : memref<2x80x128xf32, #tpu.memory_space<vmem>> -> memref<1x80x128xf32, #tpu.memory_space<vmem>>
      %dma_wait3A_87 = tpu.memref_squeeze %dma_wait3A_86 : memref<1x80x128xf32, #tpu.memory_space<vmem>> -> memref<80x128xf32, #tpu.memory_space<vmem>>
      %dma_wait3A_88 = arith.constant 0 : i32
      %dma_wait3A_89 = tpu.memref_slice %arg11[%add3A_26, %dma_wait3A_88] : memref<10240x128xf32, #tpu.memory_space<vmem_shared>> -> memref<80x128xf32, #tpu.memory_space<vmem_shared>>
      %dma_wait3A_90 = arith.constant 0 : i32
      %dma_wait3A_91 = tpu.memref_slice %arg11[%add3A_26, %dma_wait3A_90] : memref<10240x128xf32, #tpu.memory_space<vmem_shared>> -> memref<80x128xf32, #tpu.memory_space<vmem_shared>>
      %dma_wait3A_92 = arith.constant 0 : i32
      %dma_wait3A_93 = arith.constant 0 : i32
      %dma_wait3A_94 = tpu.memref_slice %arg10[%run_scoped3A_27, %dma_wait3A_92, %dma_wait3A_93] : memref<2x80x128xf32, #tpu.memory_space<vmem>> -> memref<1x80x128xf32, #tpu.memory_space<vmem>>
      %dma_wait3A_95 = tpu.memref_squeeze %dma_wait3A_94 : memref<1x80x128xf32, #tpu.memory_space<vmem>> -> memref<80x128xf32, #tpu.memory_space<vmem>>
      tpu.wait_dma2 semaphore(%run_scoped3A_71 : memref<!tpu.dma_semaphore, #tpu.memory_space<semaphore_mem>>) src(%dma_wait3A_95 : memref<80x128xf32, #tpu.memory_space<vmem>>) dst(%dma_wait3A_91 : memref<80x128xf32, #tpu.memory_space<vmem_shared>>)
      tpu.yield
    }) : () -> ()
    %add3A_28 = arith.constant 400 : i32
    %add3A_29 = arith.addi %mul3A_2, %add3A_28 : i32
    %run_scoped3A_30 = arith.constant 0 : i32
    "tpu.region"() ({
      %run_scoped3A_71 = tpu.sem_alloc : memref<!tpu.dma_semaphore, #tpu.memory_space<semaphore_mem>>
      %dma_start3A_72 = arith.constant 0 : i32
      %dma_start3A_73 = arith.constant 0 : i32
      %dma_start3A_74 = tpu.memref_slice %arg10[%run_scoped3A_30, %dma_start3A_72, %dma_start3A_73] : memref<2x80x128xf32, #tpu.memory_space<vmem>> -> memref<1x80x128xf32, #tpu.memory_space<vmem>>
      %dma_start3A_75 = tpu.memref_squeeze %dma_start3A_74 : memref<1x80x128xf32, #tpu.memory_space<vmem>> -> memref<80x128xf32, #tpu.memory_space<vmem>>
      %dma_start3A_76 = arith.constant 0 : i32
      %dma_start3A_77 = tpu.memref_slice %arg11[%add3A_29, %dma_start3A_76] : memref<10240x128xf32, #tpu.memory_space<vmem_shared>> -> memref<80x128xf32, #tpu.memory_space<vmem_shared>>
      %dma_start3A_78 = arith.constant 0 : i32
      %dma_start3A_79 = tpu.memref_slice %arg11[%add3A_29, %dma_start3A_78] : memref<10240x128xf32, #tpu.memory_space<vmem_shared>> -> memref<80x128xf32, #tpu.memory_space<vmem_shared>>
      %dma_start3A_80 = arith.constant 0 : i32
      %dma_start3A_81 = arith.constant 0 : i32
      %dma_start3A_82 = tpu.memref_slice %arg10[%run_scoped3A_30, %dma_start3A_80, %dma_start3A_81] : memref<2x80x128xf32, #tpu.memory_space<vmem>> -> memref<1x80x128xf32, #tpu.memory_space<vmem>>
      %dma_start3A_83 = tpu.memref_squeeze %dma_start3A_82 : memref<1x80x128xf32, #tpu.memory_space<vmem>> -> memref<80x128xf32, #tpu.memory_space<vmem>>
      tpu.enqueue_dma source(%dma_start3A_83 : memref<80x128xf32, #tpu.memory_space<vmem>>) target(%dma_start3A_79 : memref<80x128xf32, #tpu.memory_space<vmem_shared>>) target_semaphore(%run_scoped3A_71 : memref<!tpu.dma_semaphore, #tpu.memory_space<semaphore_mem>>)
      %dma_wait3A_84 = arith.constant 0 : i32
      %dma_wait3A_85 = arith.constant 0 : i32
      %dma_wait3A_86 = tpu.memref_slice %arg10[%run_scoped3A_30, %dma_wait3A_84, %dma_wait3A_85] : memref<2x80x128xf32, #tpu.memory_space<vmem>> -> memref<1x80x128xf32, #tpu.memory_space<vmem>>
      %dma_wait3A_87 = tpu.memref_squeeze %dma_wait3A_86 : memref<1x80x128xf32, #tpu.memory_space<vmem>> -> memref<80x128xf32, #tpu.memory_space<vmem>>
      %dma_wait3A_88 = arith.constant 0 : i32
      %dma_wait3A_89 = tpu.memref_slice %arg11[%add3A_29, %dma_wait3A_88] : memref<10240x128xf32, #tpu.memory_space<vmem_shared>> -> memref<80x128xf32, #tpu.memory_space<vmem_shared>>
      %dma_wait3A_90 = arith.constant 0 : i32
      %dma_wait3A_91 = tpu.memref_slice %arg11[%add3A_29, %dma_wait3A_90] : memref<10240x128xf32, #tpu.memory_space<vmem_shared>> -> memref<80x128xf32, #tpu.memory_space<vmem_shared>>
      %dma_wait3A_92 = arith.constant 0 : i32
      %dma_wait3A_93 = arith.constant 0 : i32
      %dma_wait3A_94 = tpu.memref_slice %arg10[%run_scoped3A_30, %dma_wait3A_92, %dma_wait3A_93] : memref<2x80x128xf32, #tpu.memory_space<vmem>> -> memref<1x80x128xf32, #tpu.memory_space<vmem>>
      %dma_wait3A_95 = tpu.memref_squeeze %dma_wait3A_94 : memref<1x80x128xf32, #tpu.memory_space<vmem>> -> memref<80x128xf32, #tpu.memory_space<vmem>>
      tpu.wait_dma2 semaphore(%run_scoped3A_71 : memref<!tpu.dma_semaphore, #tpu.memory_space<semaphore_mem>>) src(%dma_wait3A_95 : memref<80x128xf32, #tpu.memory_space<vmem>>) dst(%dma_wait3A_91 : memref<80x128xf32, #tpu.memory_space<vmem_shared>>)
      tpu.yield
    }) : () -> ()
    %add3A_31 = arith.constant 480 : i32
    %add3A_32 = arith.addi %mul3A_2, %add3A_31 : i32
    %run_scoped3A_33 = arith.constant 0 : i32
    "tpu.region"() ({
      %run_scoped3A_71 = tpu.sem_alloc : memref<!tpu.dma_semaphore, #tpu.memory_space<semaphore_mem>>
      %dma_start3A_72 = arith.constant 0 : i32
      %dma_start3A_73 = arith.constant 0 : i32
      %dma_start3A_74 = tpu.memref_slice %arg10[%run_scoped3A_33, %dma_start3A_72, %dma_start3A_73] : memref<2x80x128xf32, #tpu.memory_space<vmem>> -> memref<1x80x128xf32, #tpu.memory_space<vmem>>
      %dma_start3A_75 = tpu.memref_squeeze %dma_start3A_74 : memref<1x80x128xf32, #tpu.memory_space<vmem>> -> memref<80x128xf32, #tpu.memory_space<vmem>>
      %dma_start3A_76 = arith.constant 0 : i32
      %dma_start3A_77 = tpu.memref_slice %arg11[%add3A_32, %dma_start3A_76] : memref<10240x128xf32, #tpu.memory_space<vmem_shared>> -> memref<80x128xf32, #tpu.memory_space<vmem_shared>>
      %dma_start3A_78 = arith.constant 0 : i32
      %dma_start3A_79 = tpu.memref_slice %arg11[%add3A_32, %dma_start3A_78] : memref<10240x128xf32, #tpu.memory_space<vmem_shared>> -> memref<80x128xf32, #tpu.memory_space<vmem_shared>>
      %dma_start3A_80 = arith.constant 0 : i32
      %dma_start3A_81 = arith.constant 0 : i32
      %dma_start3A_82 = tpu.memref_slice %arg10[%run_scoped3A_33, %dma_start3A_80, %dma_start3A_81] : memref<2x80x128xf32, #tpu.memory_space<vmem>> -> memref<1x80x128xf32, #tpu.memory_space<vmem>>
      %dma_start3A_83 = tpu.memref_squeeze %dma_start3A_82 : memref<1x80x128xf32, #tpu.memory_space<vmem>> -> memref<80x128xf32, #tpu.memory_space<vmem>>
      tpu.enqueue_dma source(%dma_start3A_83 : memref<80x128xf32, #tpu.memory_space<vmem>>) target(%dma_start3A_79 : memref<80x128xf32, #tpu.memory_space<vmem_shared>>) target_semaphore(%run_scoped3A_71 : memref<!tpu.dma_semaphore, #tpu.memory_space<semaphore_mem>>)
      %dma_wait3A_84 = arith.constant 0 : i32
      %dma_wait3A_85 = arith.constant 0 : i32
      %dma_wait3A_86 = tpu.memref_slice %arg10[%run_scoped3A_33, %dma_wait3A_84, %dma_wait3A_85] : memref<2x80x128xf32, #tpu.memory_space<vmem>> -> memref<1x80x128xf32, #tpu.memory_space<vmem>>
      %dma_wait3A_87 = tpu.memref_squeeze %dma_wait3A_86 : memref<1x80x128xf32, #tpu.memory_space<vmem>> -> memref<80x128xf32, #tpu.memory_space<vmem>>
      %dma_wait3A_88 = arith.constant 0 : i32
      %dma_wait3A_89 = tpu.memref_slice %arg11[%add3A_32, %dma_wait3A_88] : memref<10240x128xf32, #tpu.memory_space<vmem_shared>> -> memref<80x128xf32, #tpu.memory_space<vmem_shared>>
      %dma_wait3A_90 = arith.constant 0 : i32
      %dma_wait3A_91 = tpu.memref_slice %arg11[%add3A_32, %dma_wait3A_90] : memref<10240x128xf32, #tpu.memory_space<vmem_shared>> -> memref<80x128xf32, #tpu.memory_space<vmem_shared>>
      %dma_wait3A_92 = arith.constant 0 : i32
      %dma_wait3A_93 = arith.constant 0 : i32
      %dma_wait3A_94 = tpu.memref_slice %arg10[%run_scoped3A_33, %dma_wait3A_92, %dma_wait3A_93] : memref<2x80x128xf32, #tpu.memory_space<vmem>> -> memref<1x80x128xf32, #tpu.memory_space<vmem>>
      %dma_wait3A_95 = tpu.memref_squeeze %dma_wait3A_94 : memref<1x80x128xf32, #tpu.memory_space<vmem>> -> memref<80x128xf32, #tpu.memory_space<vmem>>
      tpu.wait_dma2 semaphore(%run_scoped3A_71 : memref<!tpu.dma_semaphore, #tpu.memory_space<semaphore_mem>>) src(%dma_wait3A_95 : memref<80x128xf32, #tpu.memory_space<vmem>>) dst(%dma_wait3A_91 : memref<80x128xf32, #tpu.memory_space<vmem_shared>>)
      tpu.yield
    }) : () -> ()
    %add3A_34 = arith.constant 560 : i32
    %add3A_35 = arith.addi %mul3A_2, %add3A_34 : i32
    %run_scoped3A_36 = arith.constant 0 : i32
    "tpu.region"() ({
      %run_scoped3A_71 = tpu.sem_alloc : memref<!tpu.dma_semaphore, #tpu.memory_space<semaphore_mem>>
      %dma_start3A_72 = arith.constant 0 : i32
      %dma_start3A_73 = arith.constant 0 : i32
      %dma_start3A_74 = tpu.memref_slice %arg10[%run_scoped3A_36, %dma_start3A_72, %dma_start3A_73] : memref<2x80x128xf32, #tpu.memory_space<vmem>> -> memref<1x80x128xf32, #tpu.memory_space<vmem>>
      %dma_start3A_75 = tpu.memref_squeeze %dma_start3A_74 : memref<1x80x128xf32, #tpu.memory_space<vmem>> -> memref<80x128xf32, #tpu.memory_space<vmem>>
      %dma_start3A_76 = arith.constant 0 : i32
      %dma_start3A_77 = tpu.memref_slice %arg11[%add3A_35, %dma_start3A_76] : memref<10240x128xf32, #tpu.memory_space<vmem_shared>> -> memref<80x128xf32, #tpu.memory_space<vmem_shared>>
      %dma_start3A_78 = arith.constant 0 : i32
      %dma_start3A_79 = tpu.memref_slice %arg11[%add3A_35, %dma_start3A_78] : memref<10240x128xf32, #tpu.memory_space<vmem_shared>> -> memref<80x128xf32, #tpu.memory_space<vmem_shared>>
      %dma_start3A_80 = arith.constant 0 : i32
      %dma_start3A_81 = arith.constant 0 : i32
      %dma_start3A_82 = tpu.memref_slice %arg10[%run_scoped3A_36, %dma_start3A_80, %dma_start3A_81] : memref<2x80x128xf32, #tpu.memory_space<vmem>> -> memref<1x80x128xf32, #tpu.memory_space<vmem>>
      %dma_start3A_83 = tpu.memref_squeeze %dma_start3A_82 : memref<1x80x128xf32, #tpu.memory_space<vmem>> -> memref<80x128xf32, #tpu.memory_space<vmem>>
      tpu.enqueue_dma source(%dma_start3A_83 : memref<80x128xf32, #tpu.memory_space<vmem>>) target(%dma_start3A_79 : memref<80x128xf32, #tpu.memory_space<vmem_shared>>) target_semaphore(%run_scoped3A_71 : memref<!tpu.dma_semaphore, #tpu.memory_space<semaphore_mem>>)
      %dma_wait3A_84 = arith.constant 0 : i32
      %dma_wait3A_85 = arith.constant 0 : i32
      %dma_wait3A_86 = tpu.memref_slice %arg10[%run_scoped3A_36, %dma_wait3A_84, %dma_wait3A_85] : memref<2x80x128xf32, #tpu.memory_space<vmem>> -> memref<1x80x128xf32, #tpu.memory_space<vmem>>
      %dma_wait3A_87 = tpu.memref_squeeze %dma_wait3A_86 : memref<1x80x128xf32, #tpu.memory_space<vmem>> -> memref<80x128xf32, #tpu.memory_space<vmem>>
      %dma_wait3A_88 = arith.constant 0 : i32
      %dma_wait3A_89 = tpu.memref_slice %arg11[%add3A_35, %dma_wait3A_88] : memref<10240x128xf32, #tpu.memory_space<vmem_shared>> -> memref<80x128xf32, #tpu.memory_space<vmem_shared>>
      %dma_wait3A_90 = arith.constant 0 : i32
      %dma_wait3A_91 = tpu.memref_slice %arg11[%add3A_35, %dma_wait3A_90] : memref<10240x128xf32, #tpu.memory_space<vmem_shared>> -> memref<80x128xf32, #tpu.memory_space<vmem_shared>>
      %dma_wait3A_92 = arith.constant 0 : i32
      %dma_wait3A_93 = arith.constant 0 : i32
      %dma_wait3A_94 = tpu.memref_slice %arg10[%run_scoped3A_36, %dma_wait3A_92, %dma_wait3A_93] : memref<2x80x128xf32, #tpu.memory_space<vmem>> -> memref<1x80x128xf32, #tpu.memory_space<vmem>>
      %dma_wait3A_95 = tpu.memref_squeeze %dma_wait3A_94 : memref<1x80x128xf32, #tpu.memory_space<vmem>> -> memref<80x128xf32, #tpu.memory_space<vmem>>
      tpu.wait_dma2 semaphore(%run_scoped3A_71 : memref<!tpu.dma_semaphore, #tpu.memory_space<semaphore_mem>>) src(%dma_wait3A_95 : memref<80x128xf32, #tpu.memory_space<vmem>>) dst(%dma_wait3A_91 : memref<80x128xf32, #tpu.memory_space<vmem_shared>>)
      tpu.yield
    }) : () -> ()
    %barrier3A = arith.constant 0 : index
    tpu.barrier barrier_id(%barrier3A)
    %dma_start3A_37 = arith.constant 0 : i32
    %dma_start3A_38 = arith.constant 0 : i32
    %dma_start3A_39 = arith.constant 0 : i32
    %dma_start3A_40 = tpu.memref_slice %arg10[%dma_start3A_37, %dma_start3A_38, %dma_start3A_39] : memref<2x80x128xf32, #tpu.memory_space<vmem>> -> memref<1x80x128xf32, #tpu.memory_space<vmem>>
    %dma_start3A_41 = tpu.memref_squeeze %dma_start3A_40 : memref<1x80x128xf32, #tpu.memory_space<vmem>> -> memref<80x128xf32, #tpu.memory_space<vmem>>
    %dma_start3A_42 = arith.constant 0 : i32
    %dma_start3A_43 = tpu.memref_slice %arg8[%dma_start3A_42] : memref<10000xi32, #tpu.memory_space<vmem>> -> memref<80xi32, #tpu.memory_space<vmem>>
    %dma_start3A_44 = arith.constant 0 : i32
    %dma_start3A_45 = arith.constant 0 : i32
    %dma_start3A_46 = tpu.memref_slice %arg2[%dma_start3A_44, %dma_start3A_45] : memref<10240x128xf32, #tpu.memory_space<hbm>> -> memref<10240x128xf32, #tpu.memory_space<hbm>>
    tpu.enqueue_indirect_dma source(%dma_start3A_46 : memref<10240x128xf32, #tpu.memory_space<hbm>>) target(%dma_start3A_41 : memref<80x128xf32, #tpu.memory_space<vmem>>) offsets(%dma_start3A_43 : memref<80xi32, #tpu.memory_space<vmem>>) semaphore(%arg12 : memref<!tpu.dma_semaphore, #tpu.memory_space<semaphore_mem>>)
    %scan3A = arith.constant 0 : i32
    %scan3A_47 = arith.constant 62 : i32
    %scan3A_48 = arith.addi %scan3A, %scan3A_47 : i32
    %scan3A_49 = arith.constant 1 : i32
    scf.for %scan3A_71 = %scan3A to %scan3A_48 step %scan3A_49  : i32 {
      %mul3A_72 = arith.constant 1 : i32
      %mul3A_73 = arith.muli %scan3A_71, %mul3A_72 : i32
      %add3A_74 = arith.constant 0 : i32
      %add3A_75 = arith.addi %add3A_74, %mul3A_73 : i32
      %mul3A_76 = arith.constant 2 : i32
      %mul3A_77 = arith.muli %mul3A_76, %add3A_75 : i32
      %mul3A_78 = arith.constant 80 : i32
      %mul3A_79 = arith.muli %mul3A_77, %mul3A_78 : i32
      %dma_wait3A_80 = arith.constant 0 : i32
      %dma_wait3A_81 = arith.constant 0 : i32
      %dma_wait3A_82 = arith.constant 0 : i32
      %dma_wait3A_83 = tpu.memref_slice %arg10[%dma_wait3A_80, %dma_wait3A_81, %dma_wait3A_82] : memref<2x80x128xf32, #tpu.memory_space<vmem>> -> memref<1x80x128xf32, #tpu.memory_space<vmem>>
      %dma_wait3A_84 = tpu.memref_squeeze %dma_wait3A_83 : memref<1x80x128xf32, #tpu.memory_space<vmem>> -> memref<80x128xf32, #tpu.memory_space<vmem>>
      %dma_wait3A_85 = tpu.memref_slice %arg8[%mul3A_79] : memref<10000xi32, #tpu.memory_space<vmem>> -> memref<80xi32, #tpu.memory_space<vmem>>
      %dma_wait3A_86 = arith.constant 0 : i32
      %dma_wait3A_87 = arith.constant 0 : i32
      %dma_wait3A_88 = tpu.memref_slice %arg2[%dma_wait3A_86, %dma_wait3A_87] : memref<10240x128xf32, #tpu.memory_space<hbm>> -> memref<10240x128xf32, #tpu.memory_space<hbm>>
      tpu.wait_indirect_dma semaphore(%arg12 : memref<!tpu.dma_semaphore, #tpu.memory_space<semaphore_mem>>) src(%dma_wait3A_88 : memref<10240x128xf32, #tpu.memory_space<hbm>>) dst(%dma_wait3A_84 : memref<80x128xf32, #tpu.memory_space<vmem>>)
      %add3A_89 = arith.constant 1 : i32
      %add3A_90 = arith.addi %mul3A_77, %add3A_89 : i32
      %mul3A_91 = arith.constant 80 : i32
      %mul3A_92 = arith.muli %add3A_90, %mul3A_91 : i32
      %dma_start3A_93 = arith.constant 1 : i32
      %dma_start3A_94 = arith.constant 0 : i32
      %dma_start3A_95 = arith.constant 0 : i32
      %dma_start3A_96 = tpu.memref_slice %arg10[%dma_start3A_93, %dma_start3A_94, %dma_start3A_95] : memref<2x80x128xf32, #tpu.memory_space<vmem>> -> memref<1x80x128xf32, #tpu.memory_space<vmem>>
      %dma_start3A_97 = tpu.memref_squeeze %dma_start3A_96 : memref<1x80x128xf32, #tpu.memory_space<vmem>> -> memref<80x128xf32, #tpu.memory_space<vmem>>
      %dma_start3A_98 = tpu.memref_slice %arg8[%mul3A_92] : memref<10000xi32, #tpu.memory_space<vmem>> -> memref<80xi32, #tpu.memory_space<vmem>>
      %dma_start3A_99 = arith.constant 0 : i32
      %dma_start3A_100 = arith.constant 0 : i32
      %dma_start3A_101 = tpu.memref_slice %arg2[%dma_start3A_99, %dma_start3A_100] : memref<10240x128xf32, #tpu.memory_space<hbm>> -> memref<10240x128xf32, #tpu.memory_space<hbm>>
      tpu.enqueue_indirect_dma source(%dma_start3A_101 : memref<10240x128xf32, #tpu.memory_space<hbm>>) target(%dma_start3A_97 : memref<80x128xf32, #tpu.memory_space<vmem>>) offsets(%dma_start3A_98 : memref<80xi32, #tpu.memory_space<vmem>>) semaphore(%arg13 : memref<!tpu.dma_semaphore, #tpu.memory_space<semaphore_mem>>)
      %run_scoped3A_102 = arith.constant 0 : i32
      "tpu.region"() ({
        %run_scoped3A_132 = tpu.sem_alloc : memref<!tpu.dma_semaphore, #tpu.memory_space<semaphore_mem>>
        %dma_start3A_133 = arith.constant 0 : i32
        %dma_start3A_134 = arith.constant 0 : i32
        %dma_start3A_135 = tpu.memref_slice %arg10[%run_scoped3A_102, %dma_start3A_133, %dma_start3A_134] : memref<2x80x128xf32, #tpu.memory_space<vmem>> -> memref<1x80x128xf32, #tpu.memory_space<vmem>>
        %dma_start3A_136 = tpu.memref_squeeze %dma_start3A_135 : memref<1x80x128xf32, #tpu.memory_space<vmem>> -> memref<80x128xf32, #tpu.memory_space<vmem>>
        %dma_start3A_137 = arith.constant 0 : i32
        %dma_start3A_138 = tpu.memref_slice %arg9[%mul3A_77, %dma_start3A_137] : memref<125x80xi32, #tpu.memory_space<vmem>> -> memref<1x80xi32, #tpu.memory_space<vmem>>
        %dma_start3A_139 = tpu.memref_squeeze %dma_start3A_138 : memref<1x80xi32, #tpu.memory_space<vmem>> -> memref<80xi32, #tpu.memory_space<vmem>>
        %dma_start3A_140 = arith.constant 0 : i32
        %dma_start3A_141 = arith.constant 0 : i32
        %dma_start3A_142 = tpu.memref_slice %arg11[%dma_start3A_140, %dma_start3A_141] : memref<10240x128xf32, #tpu.memory_space<vmem_shared>> -> memref<10240x128xf32, #tpu.memory_space<vmem_shared>>
        tpu.enqueue_indirect_dma source(%dma_start3A_136 : memref<80x128xf32, #tpu.memory_space<vmem>>) target(%dma_start3A_142 : memref<10240x128xf32, #tpu.memory_space<vmem_shared>>) offsets(%dma_start3A_139 : memref<80xi32, #tpu.memory_space<vmem>>) semaphore(%run_scoped3A_132 : memref<!tpu.dma_semaphore, #tpu.memory_space<semaphore_mem>>) {add = true}
        %dma_wait3A_143 = arith.constant 0 : i32
        %dma_wait3A_144 = arith.constant 0 : i32
        %dma_wait3A_145 = tpu.memref_slice %arg10[%run_scoped3A_102, %dma_wait3A_143, %dma_wait3A_144] : memref<2x80x128xf32, #tpu.memory_space<vmem>> -> memref<1x80x128xf32, #tpu.memory_space<vmem>>
        %dma_wait3A_146 = tpu.memref_squeeze %dma_wait3A_145 : memref<1x80x128xf32, #tpu.memory_space<vmem>> -> memref<80x128xf32, #tpu.memory_space<vmem>>
        %dma_wait3A_147 = arith.constant 0 : i32
        %dma_wait3A_148 = tpu.memref_slice %arg9[%mul3A_77, %dma_wait3A_147] : memref<125x80xi32, #tpu.memory_space<vmem>> -> memref<1x80xi32, #tpu.memory_space<vmem>>
        %dma_wait3A_149 = tpu.memref_squeeze %dma_wait3A_148 : memref<1x80xi32, #tpu.memory_space<vmem>> -> memref<80xi32, #tpu.memory_space<vmem>>
        %dma_wait3A_150 = arith.constant 0 : i32
        %dma_wait3A_151 = arith.constant 0 : i32
        %dma_wait3A_152 = tpu.memref_slice %arg11[%dma_wait3A_150, %dma_wait3A_151] : memref<10240x128xf32, #tpu.memory_space<vmem_shared>> -> memref<10240x128xf32, #tpu.memory_space<vmem_shared>>
        tpu.wait_indirect_dma semaphore(%run_scoped3A_132 : memref<!tpu.dma_semaphore, #tpu.memory_space<semaphore_mem>>) src(%dma_wait3A_146 : memref<80x128xf32, #tpu.memory_space<vmem>>) dst(%dma_wait3A_152 : memref<10240x128xf32, #tpu.memory_space<vmem_shared>>)
        tpu.yield
      }) : () -> ()
      %add3A_103 = arith.constant 1 : i32
      %add3A_104 = arith.addi %mul3A_77, %add3A_103 : i32
      %mul3A_105 = arith.constant 80 : i32
      %mul3A_106 = arith.muli %add3A_104, %mul3A_105 : i32
      %dma_wait3A_107 = arith.constant 1 : i32
      %dma_wait3A_108 = arith.constant 0 : i32
      %dma_wait3A_109 = arith.constant 0 : i32
      %dma_wait3A_110 = tpu.memref_slice %arg10[%dma_wait3A_107, %dma_wait3A_108, %dma_wait3A_109] : memref<2x80x128xf32, #tpu.memory_space<vmem>> -> memref<1x80x128xf32, #tpu.memory_space<vmem>>
      %dma_wait3A_111 = tpu.memref_squeeze %dma_wait3A_110 : memref<1x80x128xf32, #tpu.memory_space<vmem>> -> memref<80x128xf32, #tpu.memory_space<vmem>>
      %dma_wait3A_112 = tpu.memref_slice %arg8[%mul3A_106] : memref<10000xi32, #tpu.memory_space<vmem>> -> memref<80xi32, #tpu.memory_space<vmem>>
      %dma_wait3A_113 = arith.constant 0 : i32
      %dma_wait3A_114 = arith.constant 0 : i32
      %dma_wait3A_115 = tpu.memref_slice %arg2[%dma_wait3A_113, %dma_wait3A_114] : memref<10240x128xf32, #tpu.memory_space<hbm>> -> memref<10240x128xf32, #tpu.memory_space<hbm>>
      tpu.wait_indirect_dma semaphore(%arg13 : memref<!tpu.dma_semaphore, #tpu.memory_space<semaphore_mem>>) src(%dma_wait3A_115 : memref<10240x128xf32, #tpu.memory_space<hbm>>) dst(%dma_wait3A_111 : memref<80x128xf32, #tpu.memory_space<vmem>>)
      %add3A_116 = arith.constant 2 : i32
      %add3A_117 = arith.addi %mul3A_77, %add3A_116 : i32
      %mul3A_118 = arith.constant 80 : i32
      %mul3A_119 = arith.muli %add3A_117, %mul3A_118 : i32
      %dma_start3A_120 = arith.constant 0 : i32
      %dma_start3A_121 = arith.constant 0 : i32
      %dma_start3A_122 = arith.constant 0 : i32
      %dma_start3A_123 = tpu.memref_slice %arg10[%dma_start3A_120, %dma_start3A_121, %dma_start3A_122] : memref<2x80x128xf32, #tpu.memory_space<vmem>> -> memref<1x80x128xf32, #tpu.memory_space<vmem>>
      %dma_start3A_124 = tpu.memref_squeeze %dma_start3A_123 : memref<1x80x128xf32, #tpu.memory_space<vmem>> -> memref<80x128xf32, #tpu.memory_space<vmem>>
      %dma_start3A_125 = tpu.memref_slice %arg8[%mul3A_119] : memref<10000xi32, #tpu.memory_space<vmem>> -> memref<80xi32, #tpu.memory_space<vmem>>
      %dma_start3A_126 = arith.constant 0 : i32
      %dma_start3A_127 = arith.constant 0 : i32
      %dma_start3A_128 = tpu.memref_slice %arg2[%dma_start3A_126, %dma_start3A_127] : memref<10240x128xf32, #tpu.memory_space<hbm>> -> memref<10240x128xf32, #tpu.memory_space<hbm>>
      tpu.enqueue_indirect_dma source(%dma_start3A_128 : memref<10240x128xf32, #tpu.memory_space<hbm>>) target(%dma_start3A_124 : memref<80x128xf32, #tpu.memory_space<vmem>>) offsets(%dma_start3A_125 : memref<80xi32, #tpu.memory_space<vmem>>) semaphore(%arg12 : memref<!tpu.dma_semaphore, #tpu.memory_space<semaphore_mem>>)
      %add3A_129 = arith.constant 1 : i32
      %add3A_130 = arith.addi %mul3A_77, %add3A_129 : i32
      %run_scoped3A_131 = arith.constant 1 : i32
      "tpu.region"() ({
        %run_scoped3A_132 = tpu.sem_alloc : memref<!tpu.dma_semaphore, #tpu.memory_space<semaphore_mem>>
        %dma_start3A_133 = arith.constant 0 : i32
        %dma_start3A_134 = arith.constant 0 : i32
        %dma_start3A_135 = tpu.memref_slice %arg10[%run_scoped3A_131, %dma_start3A_133, %dma_start3A_134] : memref<2x80x128xf32, #tpu.memory_space<vmem>> -> memref<1x80x128xf32, #tpu.memory_space<vmem>>
        %dma_start3A_136 = tpu.memref_squeeze %dma_start3A_135 : memref<1x80x128xf32, #tpu.memory_space<vmem>> -> memref<80x128xf32, #tpu.memory_space<vmem>>
        %dma_start3A_137 = arith.constant 0 : i32
        %dma_start3A_138 = tpu.memref_slice %arg9[%add3A_130, %dma_start3A_137] : memref<125x80xi32, #tpu.memory_space<vmem>> -> memref<1x80xi32, #tpu.memory_space<vmem>>
        %dma_start3A_139 = tpu.memref_squeeze %dma_start3A_138 : memref<1x80xi32, #tpu.memory_space<vmem>> -> memref<80xi32, #tpu.memory_space<vmem>>
        %dma_start3A_140 = arith.constant 0 : i32
        %dma_start3A_141 = arith.constant 0 : i32
        %dma_start3A_142 = tpu.memref_slice %arg11[%dma_start3A_140, %dma_start3A_141] : memref<10240x128xf32, #tpu.memory_space<vmem_shared>> -> memref<10240x128xf32, #tpu.memory_space<vmem_shared>>
        tpu.enqueue_indirect_dma source(%dma_start3A_136 : memref<80x128xf32, #tpu.memory_space<vmem>>) target(%dma_start3A_142 : memref<10240x128xf32, #tpu.memory_space<vmem_shared>>) offsets(%dma_start3A_139 : memref<80xi32, #tpu.memory_space<vmem>>) semaphore(%run_scoped3A_132 : memref<!tpu.dma_semaphore, #tpu.memory_space<semaphore_mem>>) {add = true}
        %dma_wait3A_143 = arith.constant 0 : i32
        %dma_wait3A_144 = arith.constant 0 : i32
        %dma_wait3A_145 = tpu.memref_slice %arg10[%run_scoped3A_131, %dma_wait3A_143, %dma_wait3A_144] : memref<2x80x128xf32, #tpu.memory_space<vmem>> -> memref<1x80x128xf32, #tpu.memory_space<vmem>>
        %dma_wait3A_146 = tpu.memref_squeeze %dma_wait3A_145 : memref<1x80x128xf32, #tpu.memory_space<vmem>> -> memref<80x128xf32, #tpu.memory_space<vmem>>
        %dma_wait3A_147 = arith.constant 0 : i32
        %dma_wait3A_148 = tpu.memref_slice %arg9[%add3A_130, %dma_wait3A_147] : memref<125x80xi32, #tpu.memory_space<vmem>> -> memref<1x80xi32, #tpu.memory_space<vmem>>
        %dma_wait3A_149 = tpu.memref_squeeze %dma_wait3A_148 : memref<1x80xi32, #tpu.memory_space<vmem>> -> memref<80xi32, #tpu.memory_space<vmem>>
        %dma_wait3A_150 = arith.constant 0 : i32
        %dma_wait3A_151 = arith.constant 0 : i32
        %dma_wait3A_152 = tpu.memref_slice %arg11[%dma_wait3A_150, %dma_wait3A_151] : memref<10240x128xf32, #tpu.memory_space<vmem_shared>> -> memref<10240x128xf32, #tpu.memory_space<vmem_shared>>
        tpu.wait_indirect_dma semaphore(%run_scoped3A_132 : memref<!tpu.dma_semaphore, #tpu.memory_space<semaphore_mem>>) src(%dma_wait3A_146 : memref<80x128xf32, #tpu.memory_space<vmem>>) dst(%dma_wait3A_152 : memref<10240x128xf32, #tpu.memory_space<vmem_shared>>)
        tpu.yield
      }) : () -> ()
    }
    %scan3A_50 = arith.constant 62 : i32
    %dma_wait3A_51 = arith.constant 0 : i32
    %dma_wait3A_52 = arith.constant 0 : i32
    %dma_wait3A_53 = arith.constant 0 : i32
    %dma_wait3A_54 = tpu.memref_slice %arg10[%dma_wait3A_51, %dma_wait3A_52, %dma_wait3A_53] : memref<2x80x128xf32, #tpu.memory_space<vmem>> -> memref<1x80x128xf32, #tpu.memory_space<vmem>>
    %dma_wait3A_55 = tpu.memref_squeeze %dma_wait3A_54 : memref<1x80x128xf32, #tpu.memory_space<vmem>> -> memref<80x128xf32, #tpu.memory_space<vmem>>
    %dma_wait3A_56 = arith.constant 9920 : i32
    %dma_wait3A_57 = tpu.memref_slice %arg8[%dma_wait3A_56] : memref<10000xi32, #tpu.memory_space<vmem>> -> memref<80xi32, #tpu.memory_space<vmem>>
    %dma_wait3A_58 = arith.constant 0 : i32
    %dma_wait3A_59 = arith.constant 0 : i32
    %dma_wait3A_60 = tpu.memref_slice %arg2[%dma_wait3A_58, %dma_wait3A_59] : memref<10240x128xf32, #tpu.memory_space<hbm>> -> memref<10240x128xf32, #tpu.memory_space<hbm>>
    tpu.wait_indirect_dma semaphore(%arg12 : memref<!tpu.dma_semaphore, #tpu.memory_space<semaphore_mem>>) src(%dma_wait3A_60 : memref<10240x128xf32, #tpu.memory_space<hbm>>) dst(%dma_wait3A_55 : memref<80x128xf32, #tpu.memory_space<vmem>>)
    %run_scoped3A_61 = arith.constant 0 : i32
    %run_scoped3A_62 = arith.constant 124 : i32
    "tpu.region"() ({
      %run_scoped3A_71 = tpu.sem_alloc : memref<!tpu.dma_semaphore, #tpu.memory_space<semaphore_mem>>
      %dma_start3A_72 = arith.constant 0 : i32
      %dma_start3A_73 = arith.constant 0 : i32
      %dma_start3A_74 = tpu.memref_slice %arg10[%run_scoped3A_61, %dma_start3A_72, %dma_start3A_73] : memref<2x80x128xf32, #tpu.memory_space<vmem>> -> memref<1x80x128xf32, #tpu.memory_space<vmem>>
      %dma_start3A_75 = tpu.memref_squeeze %dma_start3A_74 : memref<1x80x128xf32, #tpu.memory_space<vmem>> -> memref<80x128xf32, #tpu.memory_space<vmem>>
      %dma_start3A_76 = arith.constant 0 : i32
      %dma_start3A_77 = tpu.memref_slice %arg9[%run_scoped3A_62, %dma_start3A_76] : memref<125x80xi32, #tpu.memory_space<vmem>> -> memref<1x80xi32, #tpu.memory_space<vmem>>
      %dma_start3A_78 = tpu.memref_squeeze %dma_start3A_77 : memref<1x80xi32, #tpu.memory_space<vmem>> -> memref<80xi32, #tpu.memory_space<vmem>>
      %dma_start3A_79 = arith.constant 0 : i32
      %dma_start3A_80 = arith.constant 0 : i32
      %dma_start3A_81 = tpu.memref_slice %arg11[%dma_start3A_79, %dma_start3A_80] : memref<10240x128xf32, #tpu.memory_space<vmem_shared>> -> memref<10240x128xf32, #tpu.memory_space<vmem_shared>>
      tpu.enqueue_indirect_dma source(%dma_start3A_75 : memref<80x128xf32, #tpu.memory_space<vmem>>) target(%dma_start3A_81 : memref<10240x128xf32, #tpu.memory_space<vmem_shared>>) offsets(%dma_start3A_78 : memref<80xi32, #tpu.memory_space<vmem>>) semaphore(%run_scoped3A_71 : memref<!tpu.dma_semaphore, #tpu.memory_space<semaphore_mem>>) {add = true}
      %dma_wait3A_82 = arith.constant 0 : i32
      %dma_wait3A_83 = arith.constant 0 : i32
      %dma_wait3A_84 = tpu.memref_slice %arg10[%run_scoped3A_61, %dma_wait3A_82, %dma_wait3A_83] : memref<2x80x128xf32, #tpu.memory_space<vmem>> -> memref<1x80x128xf32, #tpu.memory_space<vmem>>
      %dma_wait3A_85 = tpu.memref_squeeze %dma_wait3A_84 : memref<1x80x128xf32, #tpu.memory_space<vmem>> -> memref<80x128xf32, #tpu.memory_space<vmem>>
      %dma_wait3A_86 = arith.constant 0 : i32
      %dma_wait3A_87 = tpu.memref_slice %arg9[%run_scoped3A_62, %dma_wait3A_86] : memref<125x80xi32, #tpu.memory_space<vmem>> -> memref<1x80xi32, #tpu.memory_space<vmem>>
      %dma_wait3A_88 = tpu.memref_squeeze %dma_wait3A_87 : memref<1x80xi32, #tpu.memory_space<vmem>> -> memref<80xi32, #tpu.memory_space<vmem>>
      %dma_wait3A_89 = arith.constant 0 : i32
      %dma_wait3A_90 = arith.constant 0 : i32
      %dma_wait3A_91 = tpu.memref_slice %arg11[%dma_wait3A_89, %dma_wait3A_90] : memref<10240x128xf32, #tpu.memory_space<vmem_shared>> -> memref<10240x128xf32, #tpu.memory_space<vmem_shared>>
      tpu.wait_indirect_dma semaphore(%run_scoped3A_71 : memref<!tpu.dma_semaphore, #tpu.memory_space<semaphore_mem>>) src(%dma_wait3A_85 : memref<80x128xf32, #tpu.memory_space<vmem>>) dst(%dma_wait3A_91 : memref<10240x128xf32, #tpu.memory_space<vmem_shared>>)
      tpu.yield
    }) : () -> ()
    %barrier3A_63 = arith.constant 0 : index
    tpu.barrier barrier_id(%barrier3A_63)
    %eq3A = arith.constant 0 : i32
    %eq3A_64 = arith.cmpi eq, %arg0, %eq3A : i32
    %convert_element_type3A = arith.extui %eq3A_64 : i1 to i32
    %cond3A = arith.constant 0 : i32
    %cond3A_65 = arith.cmpi ne, %convert_element_type3A, %cond3A : i32
    scf.if %cond3A_65 {
      %add3A_71 = arith.constant 0 : i32
      %add3A_72 = arith.addi %mul3A_2, %add3A_71 : i32
      %run_scoped3A_73 = arith.constant 0 : i32
      "tpu.region"() ({
        %run_scoped3A_103 = tpu.sem_alloc : memref<!tpu.dma_semaphore, #tpu.memory_space<semaphore_mem>>
        %dma_start3A_104 = arith.constant 0 : i32
        %dma_start3A_105 = arith.constant 0 : i32
        %dma_start3A_106 = tpu.memref_slice %arg10[%run_scoped3A_73, %dma_start3A_104, %dma_start3A_105] : memref<2x80x128xf32, #tpu.memory_space<vmem>> -> memref<1x80x128xf32, #tpu.memory_space<vmem>>
        %dma_start3A_107 = tpu.memref_squeeze %dma_start3A_106 : memref<1x80x128xf32, #tpu.memory_space<vmem>> -> memref<80x128xf32, #tpu.memory_space<vmem>>
        %dma_start3A_108 = arith.constant 0 : i32
        %dma_start3A_109 = tpu.memref_slice %arg11[%add3A_72, %dma_start3A_108] : memref<10240x128xf32, #tpu.memory_space<vmem_shared>> -> memref<80x128xf32, #tpu.memory_space<vmem_shared>>
        %dma_start3A_110 = arith.constant 0 : i32
        %dma_start3A_111 = arith.constant 0 : i32
        %dma_start3A_112 = tpu.memref_slice %arg10[%run_scoped3A_73, %dma_start3A_110, %dma_start3A_111] : memref<2x80x128xf32, #tpu.memory_space<vmem>> -> memref<1x80x128xf32, #tpu.memory_space<vmem>>
        %dma_start3A_113 = tpu.memref_squeeze %dma_start3A_112 : memref<1x80x128xf32, #tpu.memory_space<vmem>> -> memref<80x128xf32, #tpu.memory_space<vmem>>
        %dma_start3A_114 = arith.constant 0 : i32
        %dma_start3A_115 = tpu.memref_slice %arg11[%add3A_72, %dma_start3A_114] : memref<10240x128xf32, #tpu.memory_space<vmem_shared>> -> memref<80x128xf32, #tpu.memory_space<vmem_shared>>
        tpu.enqueue_dma source(%dma_start3A_115 : memref<80x128xf32, #tpu.memory_space<vmem_shared>>) target(%dma_start3A_113 : memref<80x128xf32, #tpu.memory_space<vmem>>) target_semaphore(%run_scoped3A_103 : memref<!tpu.dma_semaphore, #tpu.memory_space<semaphore_mem>>)
        %dma_wait3A_116 = arith.constant 0 : i32
        %dma_wait3A_117 = arith.constant 0 : i32
        %dma_wait3A_118 = tpu.memref_slice %arg10[%run_scoped3A_73, %dma_wait3A_116, %dma_wait3A_117] : memref<2x80x128xf32, #tpu.memory_space<vmem>> -> memref<1x80x128xf32, #tpu.memory_space<vmem>>
        %dma_wait3A_119 = tpu.memref_squeeze %dma_wait3A_118 : memref<1x80x128xf32, #tpu.memory_space<vmem>> -> memref<80x128xf32, #tpu.memory_space<vmem>>
        %dma_wait3A_120 = arith.constant 0 : i32
        %dma_wait3A_121 = tpu.memref_slice %arg11[%add3A_72, %dma_wait3A_120] : memref<10240x128xf32, #tpu.memory_space<vmem_shared>> -> memref<80x128xf32, #tpu.memory_space<vmem_shared>>
        %dma_wait3A_122 = arith.constant 0 : i32
        %dma_wait3A_123 = arith.constant 0 : i32
        %dma_wait3A_124 = tpu.memref_slice %arg10[%run_scoped3A_73, %dma_wait3A_122, %dma_wait3A_123] : memref<2x80x128xf32, #tpu.memory_space<vmem>> -> memref<1x80x128xf32, #tpu.memory_space<vmem>>
        %dma_wait3A_125 = tpu.memref_squeeze %dma_wait3A_124 : memref<1x80x128xf32, #tpu.memory_space<vmem>> -> memref<80x128xf32, #tpu.memory_space<vmem>>
        %dma_wait3A_126 = arith.constant 0 : i32
        %dma_wait3A_127 = tpu.memref_slice %arg11[%add3A_72, %dma_wait3A_126] : memref<10240x128xf32, #tpu.memory_space<vmem_shared>> -> memref<80x128xf32, #tpu.memory_space<vmem_shared>>
        tpu.wait_dma2 semaphore(%run_scoped3A_103 : memref<!tpu.dma_semaphore, #tpu.memory_space<semaphore_mem>>) src(%dma_wait3A_127 : memref<80x128xf32, #tpu.memory_space<vmem_shared>>) dst(%dma_wait3A_125 : memref<80x128xf32, #tpu.memory_space<vmem>>)
        tpu.yield
      }) : () -> ()
      %run_scoped3A_74 = arith.constant 0 : i32
      "tpu.region"() ({
        %run_scoped3A_103 = tpu.sem_alloc : memref<!tpu.dma_semaphore, #tpu.memory_space<semaphore_mem>>
        %dma_start3A_104 = arith.constant 0 : i32
        %dma_start3A_105 = arith.constant 0 : i32
        %dma_start3A_106 = tpu.memref_slice %arg10[%run_scoped3A_74, %dma_start3A_104, %dma_start3A_105] : memref<2x80x128xf32, #tpu.memory_space<vmem>> -> memref<1x80x128xf32, #tpu.memory_space<vmem>>
        %dma_start3A_107 = tpu.memref_squeeze %dma_start3A_106 : memref<1x80x128xf32, #tpu.memory_space<vmem>> -> memref<80x128xf32, #tpu.memory_space<vmem>>
        %dma_start3A_108 = arith.constant 0 : i32
        %dma_start3A_109 = tpu.memref_slice %arg6[%add3A_72, %dma_start3A_108] : memref<10240x128xf32, #tpu.memory_space<hbm>> -> memref<80x128xf32, #tpu.memory_space<hbm>>
        %dma_start3A_110 = arith.constant 0 : i32
        %dma_start3A_111 = tpu.memref_slice %arg6[%add3A_72, %dma_start3A_110] : memref<10240x128xf32, #tpu.memory_space<hbm>> -> memref<80x128xf32, #tpu.memory_space<hbm>>
        %dma_start3A_112 = arith.constant 0 : i32
        %dma_start3A_113 = arith.constant 0 : i32
        %dma_start3A_114 = tpu.memref_slice %arg10[%run_scoped3A_74, %dma_start3A_112, %dma_start3A_113] : memref<2x80x128xf32, #tpu.memory_space<vmem>> -> memref<1x80x128xf32, #tpu.memory_space<vmem>>
        %dma_start3A_115 = tpu.memref_squeeze %dma_start3A_114 : memref<1x80x128xf32, #tpu.memory_space<vmem>> -> memref<80x128xf32, #tpu.memory_space<vmem>>
        tpu.enqueue_dma source(%dma_start3A_115 : memref<80x128xf32, #tpu.memory_space<vmem>>) target(%dma_start3A_111 : memref<80x128xf32, #tpu.memory_space<hbm>>) target_semaphore(%run_scoped3A_103 : memref<!tpu.dma_semaphore, #tpu.memory_space<semaphore_mem>>)
        %dma_wait3A_116 = arith.constant 0 : i32
        %dma_wait3A_117 = arith.constant 0 : i32
        %dma_wait3A_118 = tpu.memref_slice %arg10[%run_scoped3A_74, %dma_wait3A_116, %dma_wait3A_117] : memref<2x80x128xf32, #tpu.memory_space<vmem>> -> memref<1x80x128xf32, #tpu.memory_space<vmem>>
        %dma_wait3A_119 = tpu.memref_squeeze %dma_wait3A_118 : memref<1x80x128xf32, #tpu.memory_space<vmem>> -> memref<80x128xf32, #tpu.memory_space<vmem>>
        %dma_wait3A_120 = arith.constant 0 : i32
        %dma_wait3A_121 = tpu.memref_slice %arg6[%add3A_72, %dma_wait3A_120] : memref<10240x128xf32, #tpu.memory_space<hbm>> -> memref<80x128xf32, #tpu.memory_space<hbm>>
        %dma_wait3A_122 = arith.constant 0 : i32
        %dma_wait3A_123 = tpu.memref_slice %arg6[%add3A_72, %dma_wait3A_122] : memref<10240x128xf32, #tpu.memory_space<hbm>> -> memref<80x128xf32, #tpu.memory_space<hbm>>
        %dma_wait3A_124 = arith.constant 0 : i32
        %dma_wait3A_125 = arith.constant 0 : i32
        %dma_wait3A_126 = tpu.memref_slice %arg10[%run_scoped3A_74, %dma_wait3A_124, %dma_wait3A_125] : memref<2x80x128xf32, #tpu.memory_space<vmem>> -> memref<1x80x128xf32, #tpu.memory_space<vmem>>
        %dma_wait3A_127 = tpu.memref_squeeze %dma_wait3A_126 : memref<1x80x128xf32, #tpu.memory_space<vmem>> -> memref<80x128xf32, #tpu.memory_space<vmem>>
        tpu.wait_dma2 semaphore(%run_scoped3A_103 : memref<!tpu.dma_semaphore, #tpu.memory_space<semaphore_mem>>) src(%dma_wait3A_127 : memref<80x128xf32, #tpu.memory_space<vmem>>) dst(%dma_wait3A_123 : memref<80x128xf32, #tpu.memory_space<hbm>>)
        tpu.yield
      }) : () -> ()
      %add3A_75 = arith.constant 80 : i32
      %add3A_76 = arith.addi %mul3A_2, %add3A_75 : i32
      %run_scoped3A_77 = arith.constant 0 : i32
      "tpu.region"() ({
        %run_scoped3A_103 = tpu.sem_alloc : memref<!tpu.dma_semaphore, #tpu.memory_space<semaphore_mem>>
        %dma_start3A_104 = arith.constant 0 : i32
        %dma_start3A_105 = arith.constant 0 : i32
        %dma_start3A_106 = tpu.memref_slice %arg10[%run_scoped3A_77, %dma_start3A_104, %dma_start3A_105] : memref<2x80x128xf32, #tpu.memory_space<vmem>> -> memref<1x80x128xf32, #tpu.memory_space<vmem>>
        %dma_start3A_107 = tpu.memref_squeeze %dma_start3A_106 : memref<1x80x128xf32, #tpu.memory_space<vmem>> -> memref<80x128xf32, #tpu.memory_space<vmem>>
        %dma_start3A_108 = arith.constant 0 : i32
        %dma_start3A_109 = tpu.memref_slice %arg11[%add3A_76, %dma_start3A_108] : memref<10240x128xf32, #tpu.memory_space<vmem_shared>> -> memref<80x128xf32, #tpu.memory_space<vmem_shared>>
        %dma_start3A_110 = arith.constant 0 : i32
        %dma_start3A_111 = arith.constant 0 : i32
        %dma_start3A_112 = tpu.memref_slice %arg10[%run_scoped3A_77, %dma_start3A_110, %dma_start3A_111] : memref<2x80x128xf32, #tpu.memory_space<vmem>> -> memref<1x80x128xf32, #tpu.memory_space<vmem>>
        %dma_start3A_113 = tpu.memref_squeeze %dma_start3A_112 : memref<1x80x128xf32, #tpu.memory_space<vmem>> -> memref<80x128xf32, #tpu.memory_space<vmem>>
        %dma_start3A_114 = arith.constant 0 : i32
        %dma_start3A_115 = tpu.memref_slice %arg11[%add3A_76, %dma_start3A_114] : memref<10240x128xf32, #tpu.memory_space<vmem_shared>> -> memref<80x128xf32, #tpu.memory_space<vmem_shared>>
        tpu.enqueue_dma source(%dma_start3A_115 : memref<80x128xf32, #tpu.memory_space<vmem_shared>>) target(%dma_start3A_113 : memref<80x128xf32, #tpu.memory_space<vmem>>) target_semaphore(%run_scoped3A_103 : memref<!tpu.dma_semaphore, #tpu.memory_space<semaphore_mem>>)
        %dma_wait3A_116 = arith.constant 0 : i32
        %dma_wait3A_117 = arith.constant 0 : i32
        %dma_wait3A_118 = tpu.memref_slice %arg10[%run_scoped3A_77, %dma_wait3A_116, %dma_wait3A_117] : memref<2x80x128xf32, #tpu.memory_space<vmem>> -> memref<1x80x128xf32, #tpu.memory_space<vmem>>
        %dma_wait3A_119 = tpu.memref_squeeze %dma_wait3A_118 : memref<1x80x128xf32, #tpu.memory_space<vmem>> -> memref<80x128xf32, #tpu.memory_space<vmem>>
        %dma_wait3A_120 = arith.constant 0 : i32
        %dma_wait3A_121 = tpu.memref_slice %arg11[%add3A_76, %dma_wait3A_120] : memref<10240x128xf32, #tpu.memory_space<vmem_shared>> -> memref<80x128xf32, #tpu.memory_space<vmem_shared>>
        %dma_wait3A_122 = arith.constant 0 : i32
        %dma_wait3A_123 = arith.constant 0 : i32
        %dma_wait3A_124 = tpu.memref_slice %arg10[%run_scoped3A_77, %dma_wait3A_122, %dma_wait3A_123] : memref<2x80x128xf32, #tpu.memory_space<vmem>> -> memref<1x80x128xf32, #tpu.memory_space<vmem>>
        %dma_wait3A_125 = tpu.memref_squeeze %dma_wait3A_124 : memref<1x80x128xf32, #tpu.memory_space<vmem>> -> memref<80x128xf32, #tpu.memory_space<vmem>>
        %dma_wait3A_126 = arith.constant 0 : i32
        %dma_wait3A_127 = tpu.memref_slice %arg11[%add3A_76, %dma_wait3A_126] : memref<10240x128xf32, #tpu.memory_space<vmem_shared>> -> memref<80x128xf32, #tpu.memory_space<vmem_shared>>
        tpu.wait_dma2 semaphore(%run_scoped3A_103 : memref<!tpu.dma_semaphore, #tpu.memory_space<semaphore_mem>>) src(%dma_wait3A_127 : memref<80x128xf32, #tpu.memory_space<vmem_shared>>) dst(%dma_wait3A_125 : memref<80x128xf32, #tpu.memory_space<vmem>>)
        tpu.yield
      }) : () -> ()
      %run_scoped3A_78 = arith.constant 0 : i32
      "tpu.region"() ({
        %run_scoped3A_103 = tpu.sem_alloc : memref<!tpu.dma_semaphore, #tpu.memory_space<semaphore_mem>>
        %dma_start3A_104 = arith.constant 0 : i32
        %dma_start3A_105 = arith.constant 0 : i32
        %dma_start3A_106 = tpu.memref_slice %arg10[%run_scoped3A_78, %dma_start3A_104, %dma_start3A_105] : memref<2x80x128xf32, #tpu.memory_space<vmem>> -> memref<1x80x128xf32, #tpu.memory_space<vmem>>
        %dma_start3A_107 = tpu.memref_squeeze %dma_start3A_106 : memref<1x80x128xf32, #tpu.memory_space<vmem>> -> memref<80x128xf32, #tpu.memory_space<vmem>>
        %dma_start3A_108 = arith.constant 0 : i32
        %dma_start3A_109 = tpu.memref_slice %arg6[%add3A_76, %dma_start3A_108] : memref<10240x128xf32, #tpu.memory_space<hbm>> -> memref<80x128xf32, #tpu.memory_space<hbm>>
        %dma_start3A_110 = arith.constant 0 : i32
        %dma_start3A_111 = tpu.memref_slice %arg6[%add3A_76, %dma_start3A_110] : memref<10240x128xf32, #tpu.memory_space<hbm>> -> memref<80x128xf32, #tpu.memory_space<hbm>>
        %dma_start3A_112 = arith.constant 0 : i32
        %dma_start3A_113 = arith.constant 0 : i32
        %dma_start3A_114 = tpu.memref_slice %arg10[%run_scoped3A_78, %dma_start3A_112, %dma_start3A_113] : memref<2x80x128xf32, #tpu.memory_space<vmem>> -> memref<1x80x128xf32, #tpu.memory_space<vmem>>
        %dma_start3A_115 = tpu.memref_squeeze %dma_start3A_114 : memref<1x80x128xf32, #tpu.memory_space<vmem>> -> memref<80x128xf32, #tpu.memory_space<vmem>>
        tpu.enqueue_dma source(%dma_start3A_115 : memref<80x128xf32, #tpu.memory_space<vmem>>) target(%dma_start3A_111 : memref<80x128xf32, #tpu.memory_space<hbm>>) target_semaphore(%run_scoped3A_103 : memref<!tpu.dma_semaphore, #tpu.memory_space<semaphore_mem>>)
        %dma_wait3A_116 = arith.constant 0 : i32
        %dma_wait3A_117 = arith.constant 0 : i32
        %dma_wait3A_118 = tpu.memref_slice %arg10[%run_scoped3A_78, %dma_wait3A_116, %dma_wait3A_117] : memref<2x80x128xf32, #tpu.memory_space<vmem>> -> memref<1x80x128xf32, #tpu.memory_space<vmem>>
        %dma_wait3A_119 = tpu.memref_squeeze %dma_wait3A_118 : memref<1x80x128xf32, #tpu.memory_space<vmem>> -> memref<80x128xf32, #tpu.memory_space<vmem>>
        %dma_wait3A_120 = arith.constant 0 : i32
        %dma_wait3A_121 = tpu.memref_slice %arg6[%add3A_76, %dma_wait3A_120] : memref<10240x128xf32, #tpu.memory_space<hbm>> -> memref<80x128xf32, #tpu.memory_space<hbm>>
        %dma_wait3A_122 = arith.constant 0 : i32
        %dma_wait3A_123 = tpu.memref_slice %arg6[%add3A_76, %dma_wait3A_122] : memref<10240x128xf32, #tpu.memory_space<hbm>> -> memref<80x128xf32, #tpu.memory_space<hbm>>
        %dma_wait3A_124 = arith.constant 0 : i32
        %dma_wait3A_125 = arith.constant 0 : i32
        %dma_wait3A_126 = tpu.memref_slice %arg10[%run_scoped3A_78, %dma_wait3A_124, %dma_wait3A_125] : memref<2x80x128xf32, #tpu.memory_space<vmem>> -> memref<1x80x128xf32, #tpu.memory_space<vmem>>
        %dma_wait3A_127 = tpu.memref_squeeze %dma_wait3A_126 : memref<1x80x128xf32, #tpu.memory_space<vmem>> -> memref<80x128xf32, #tpu.memory_space<vmem>>
        tpu.wait_dma2 semaphore(%run_scoped3A_103 : memref<!tpu.dma_semaphore, #tpu.memory_space<semaphore_mem>>) src(%dma_wait3A_127 : memref<80x128xf32, #tpu.memory_space<vmem>>) dst(%dma_wait3A_123 : memref<80x128xf32, #tpu.memory_space<hbm>>)
        tpu.yield
      }) : () -> ()
      %add3A_79 = arith.constant 160 : i32
      %add3A_80 = arith.addi %mul3A_2, %add3A_79 : i32
      %run_scoped3A_81 = arith.constant 0 : i32
      "tpu.region"() ({
        %run_scoped3A_103 = tpu.sem_alloc : memref<!tpu.dma_semaphore, #tpu.memory_space<semaphore_mem>>
        %dma_start3A_104 = arith.constant 0 : i32
        %dma_start3A_105 = arith.constant 0 : i32
        %dma_start3A_106 = tpu.memref_slice %arg10[%run_scoped3A_81, %dma_start3A_104, %dma_start3A_105] : memref<2x80x128xf32, #tpu.memory_space<vmem>> -> memref<1x80x128xf32, #tpu.memory_space<vmem>>
        %dma_start3A_107 = tpu.memref_squeeze %dma_start3A_106 : memref<1x80x128xf32, #tpu.memory_space<vmem>> -> memref<80x128xf32, #tpu.memory_space<vmem>>
        %dma_start3A_108 = arith.constant 0 : i32
        %dma_start3A_109 = tpu.memref_slice %arg11[%add3A_80, %dma_start3A_108] : memref<10240x128xf32, #tpu.memory_space<vmem_shared>> -> memref<80x128xf32, #tpu.memory_space<vmem_shared>>
        %dma_start3A_110 = arith.constant 0 : i32
        %dma_start3A_111 = arith.constant 0 : i32
        %dma_start3A_112 = tpu.memref_slice %arg10[%run_scoped3A_81, %dma_start3A_110, %dma_start3A_111] : memref<2x80x128xf32, #tpu.memory_space<vmem>> -> memref<1x80x128xf32, #tpu.memory_space<vmem>>
        %dma_start3A_113 = tpu.memref_squeeze %dma_start3A_112 : memref<1x80x128xf32, #tpu.memory_space<vmem>> -> memref<80x128xf32, #tpu.memory_space<vmem>>
        %dma_start3A_114 = arith.constant 0 : i32
        %dma_start3A_115 = tpu.memref_slice %arg11[%add3A_80, %dma_start3A_114] : memref<10240x128xf32, #tpu.memory_space<vmem_shared>> -> memref<80x128xf32, #tpu.memory_space<vmem_shared>>
        tpu.enqueue_dma source(%dma_start3A_115 : memref<80x128xf32, #tpu.memory_space<vmem_shared>>) target(%dma_start3A_113 : memref<80x128xf32, #tpu.memory_space<vmem>>) target_semaphore(%run_scoped3A_103 : memref<!tpu.dma_semaphore, #tpu.memory_space<semaphore_mem>>)
        %dma_wait3A_116 = arith.constant 0 : i32
        %dma_wait3A_117 = arith.constant 0 : i32
        %dma_wait3A_118 = tpu.memref_slice %arg10[%run_scoped3A_81, %dma_wait3A_116, %dma_wait3A_117] : memref<2x80x128xf32, #tpu.memory_space<vmem>> -> memref<1x80x128xf32, #tpu.memory_space<vmem>>
        %dma_wait3A_119 = tpu.memref_squeeze %dma_wait3A_118 : memref<1x80x128xf32, #tpu.memory_space<vmem>> -> memref<80x128xf32, #tpu.memory_space<vmem>>
        %dma_wait3A_120 = arith.constant 0 : i32
        %dma_wait3A_121 = tpu.memref_slice %arg11[%add3A_80, %dma_wait3A_120] : memref<10240x128xf32, #tpu.memory_space<vmem_shared>> -> memref<80x128xf32, #tpu.memory_space<vmem_shared>>
        %dma_wait3A_122 = arith.constant 0 : i32
        %dma_wait3A_123 = arith.constant 0 : i32
        %dma_wait3A_124 = tpu.memref_slice %arg10[%run_scoped3A_81, %dma_wait3A_122, %dma_wait3A_123] : memref<2x80x128xf32, #tpu.memory_space<vmem>> -> memref<1x80x128xf32, #tpu.memory_space<vmem>>
        %dma_wait3A_125 = tpu.memref_squeeze %dma_wait3A_124 : memref<1x80x128xf32, #tpu.memory_space<vmem>> -> memref<80x128xf32, #tpu.memory_space<vmem>>
        %dma_wait3A_126 = arith.constant 0 : i32
        %dma_wait3A_127 = tpu.memref_slice %arg11[%add3A_80, %dma_wait3A_126] : memref<10240x128xf32, #tpu.memory_space<vmem_shared>> -> memref<80x128xf32, #tpu.memory_space<vmem_shared>>
        tpu.wait_dma2 semaphore(%run_scoped3A_103 : memref<!tpu.dma_semaphore, #tpu.memory_space<semaphore_mem>>) src(%dma_wait3A_127 : memref<80x128xf32, #tpu.memory_space<vmem_shared>>) dst(%dma_wait3A_125 : memref<80x128xf32, #tpu.memory_space<vmem>>)
        tpu.yield
      }) : () -> ()
      %run_scoped3A_82 = arith.constant 0 : i32
      "tpu.region"() ({
        %run_scoped3A_103 = tpu.sem_alloc : memref<!tpu.dma_semaphore, #tpu.memory_space<semaphore_mem>>
        %dma_start3A_104 = arith.constant 0 : i32
        %dma_start3A_105 = arith.constant 0 : i32
        %dma_start3A_106 = tpu.memref_slice %arg10[%run_scoped3A_82, %dma_start3A_104, %dma_start3A_105] : memref<2x80x128xf32, #tpu.memory_space<vmem>> -> memref<1x80x128xf32, #tpu.memory_space<vmem>>
        %dma_start3A_107 = tpu.memref_squeeze %dma_start3A_106 : memref<1x80x128xf32, #tpu.memory_space<vmem>> -> memref<80x128xf32, #tpu.memory_space<vmem>>
        %dma_start3A_108 = arith.constant 0 : i32
        %dma_start3A_109 = tpu.memref_slice %arg6[%add3A_80, %dma_start3A_108] : memref<10240x128xf32, #tpu.memory_space<hbm>> -> memref<80x128xf32, #tpu.memory_space<hbm>>
        %dma_start3A_110 = arith.constant 0 : i32
        %dma_start3A_111 = tpu.memref_slice %arg6[%add3A_80, %dma_start3A_110] : memref<10240x128xf32, #tpu.memory_space<hbm>> -> memref<80x128xf32, #tpu.memory_space<hbm>>
        %dma_start3A_112 = arith.constant 0 : i32
        %dma_start3A_113 = arith.constant 0 : i32
        %dma_start3A_114 = tpu.memref_slice %arg10[%run_scoped3A_82, %dma_start3A_112, %dma_start3A_113] : memref<2x80x128xf32, #tpu.memory_space<vmem>> -> memref<1x80x128xf32, #tpu.memory_space<vmem>>
        %dma_start3A_115 = tpu.memref_squeeze %dma_start3A_114 : memref<1x80x128xf32, #tpu.memory_space<vmem>> -> memref<80x128xf32, #tpu.memory_space<vmem>>
        tpu.enqueue_dma source(%dma_start3A_115 : memref<80x128xf32, #tpu.memory_space<vmem>>) target(%dma_start3A_111 : memref<80x128xf32, #tpu.memory_space<hbm>>) target_semaphore(%run_scoped3A_103 : memref<!tpu.dma_semaphore, #tpu.memory_space<semaphore_mem>>)
        %dma_wait3A_116 = arith.constant 0 : i32
        %dma_wait3A_117 = arith.constant 0 : i32
        %dma_wait3A_118 = tpu.memref_slice %arg10[%run_scoped3A_82, %dma_wait3A_116, %dma_wait3A_117] : memref<2x80x128xf32, #tpu.memory_space<vmem>> -> memref<1x80x128xf32, #tpu.memory_space<vmem>>
        %dma_wait3A_119 = tpu.memref_squeeze %dma_wait3A_118 : memref<1x80x128xf32, #tpu.memory_space<vmem>> -> memref<80x128xf32, #tpu.memory_space<vmem>>
        %dma_wait3A_120 = arith.constant 0 : i32
        %dma_wait3A_121 = tpu.memref_slice %arg6[%add3A_80, %dma_wait3A_120] : memref<10240x128xf32, #tpu.memory_space<hbm>> -> memref<80x128xf32, #tpu.memory_space<hbm>>
        %dma_wait3A_122 = arith.constant 0 : i32
        %dma_wait3A_123 = tpu.memref_slice %arg6[%add3A_80, %dma_wait3A_122] : memref<10240x128xf32, #tpu.memory_space<hbm>> -> memref<80x128xf32, #tpu.memory_space<hbm>>
        %dma_wait3A_124 = arith.constant 0 : i32
        %dma_wait3A_125 = arith.constant 0 : i32
        %dma_wait3A_126 = tpu.memref_slice %arg10[%run_scoped3A_82, %dma_wait3A_124, %dma_wait3A_125] : memref<2x80x128xf32, #tpu.memory_space<vmem>> -> memref<1x80x128xf32, #tpu.memory_space<vmem>>
        %dma_wait3A_127 = tpu.memref_squeeze %dma_wait3A_126 : memref<1x80x128xf32, #tpu.memory_space<vmem>> -> memref<80x128xf32, #tpu.memory_space<vmem>>
        tpu.wait_dma2 semaphore(%run_scoped3A_103 : memref<!tpu.dma_semaphore, #tpu.memory_space<semaphore_mem>>) src(%dma_wait3A_127 : memref<80x128xf32, #tpu.memory_space<vmem>>) dst(%dma_wait3A_123 : memref<80x128xf32, #tpu.memory_space<hbm>>)
        tpu.yield
      }) : () -> ()
      %add3A_83 = arith.constant 240 : i32
      %add3A_84 = arith.addi %mul3A_2, %add3A_83 : i32
      %run_scoped3A_85 = arith.constant 0 : i32
      "tpu.region"() ({
        %run_scoped3A_103 = tpu.sem_alloc : memref<!tpu.dma_semaphore, #tpu.memory_space<semaphore_mem>>
        %dma_start3A_104 = arith.constant 0 : i32
        %dma_start3A_105 = arith.constant 0 : i32
        %dma_start3A_106 = tpu.memref_slice %arg10[%run_scoped3A_85, %dma_start3A_104, %dma_start3A_105] : memref<2x80x128xf32, #tpu.memory_space<vmem>> -> memref<1x80x128xf32, #tpu.memory_space<vmem>>
        %dma_start3A_107 = tpu.memref_squeeze %dma_start3A_106 : memref<1x80x128xf32, #tpu.memory_space<vmem>> -> memref<80x128xf32, #tpu.memory_space<vmem>>
        %dma_start3A_108 = arith.constant 0 : i32
        %dma_start3A_109 = tpu.memref_slice %arg11[%add3A_84, %dma_start3A_108] : memref<10240x128xf32, #tpu.memory_space<vmem_shared>> -> memref<80x128xf32, #tpu.memory_space<vmem_shared>>
        %dma_start3A_110 = arith.constant 0 : i32
        %dma_start3A_111 = arith.constant 0 : i32
        %dma_start3A_112 = tpu.memref_slice %arg10[%run_scoped3A_85, %dma_start3A_110, %dma_start3A_111] : memref<2x80x128xf32, #tpu.memory_space<vmem>> -> memref<1x80x128xf32, #tpu.memory_space<vmem>>
        %dma_start3A_113 = tpu.memref_squeeze %dma_start3A_112 : memref<1x80x128xf32, #tpu.memory_space<vmem>> -> memref<80x128xf32, #tpu.memory_space<vmem>>
        %dma_start3A_114 = arith.constant 0 : i32
        %dma_start3A_115 = tpu.memref_slice %arg11[%add3A_84, %dma_start3A_114] : memref<10240x128xf32, #tpu.memory_space<vmem_shared>> -> memref<80x128xf32, #tpu.memory_space<vmem_shared>>
        tpu.enqueue_dma source(%dma_start3A_115 : memref<80x128xf32, #tpu.memory_space<vmem_shared>>) target(%dma_start3A_113 : memref<80x128xf32, #tpu.memory_space<vmem>>) target_semaphore(%run_scoped3A_103 : memref<!tpu.dma_semaphore, #tpu.memory_space<semaphore_mem>>)
        %dma_wait3A_116 = arith.constant 0 : i32
        %dma_wait3A_117 = arith.constant 0 : i32
        %dma_wait3A_118 = tpu.memref_slice %arg10[%run_scoped3A_85, %dma_wait3A_116, %dma_wait3A_117] : memref<2x80x128xf32, #tpu.memory_space<vmem>> -> memref<1x80x128xf32, #tpu.memory_space<vmem>>
        %dma_wait3A_119 = tpu.memref_squeeze %dma_wait3A_118 : memref<1x80x128xf32, #tpu.memory_space<vmem>> -> memref<80x128xf32, #tpu.memory_space<vmem>>
        %dma_wait3A_120 = arith.constant 0 : i32
        %dma_wait3A_121 = tpu.memref_slice %arg11[%add3A_84, %dma_wait3A_120] : memref<10240x128xf32, #tpu.memory_space<vmem_shared>> -> memref<80x128xf32, #tpu.memory_space<vmem_shared>>
        %dma_wait3A_122 = arith.constant 0 : i32
        %dma_wait3A_123 = arith.constant 0 : i32
        %dma_wait3A_124 = tpu.memref_slice %arg10[%run_scoped3A_85, %dma_wait3A_122, %dma_wait3A_123] : memref<2x80x128xf32, #tpu.memory_space<vmem>> -> memref<1x80x128xf32, #tpu.memory_space<vmem>>
        %dma_wait3A_125 = tpu.memref_squeeze %dma_wait3A_124 : memref<1x80x128xf32, #tpu.memory_space<vmem>> -> memref<80x128xf32, #tpu.memory_space<vmem>>
        %dma_wait3A_126 = arith.constant 0 : i32
        %dma_wait3A_127 = tpu.memref_slice %arg11[%add3A_84, %dma_wait3A_126] : memref<10240x128xf32, #tpu.memory_space<vmem_shared>> -> memref<80x128xf32, #tpu.memory_space<vmem_shared>>
        tpu.wait_dma2 semaphore(%run_scoped3A_103 : memref<!tpu.dma_semaphore, #tpu.memory_space<semaphore_mem>>) src(%dma_wait3A_127 : memref<80x128xf32, #tpu.memory_space<vmem_shared>>) dst(%dma_wait3A_125 : memref<80x128xf32, #tpu.memory_space<vmem>>)
        tpu.yield
      }) : () -> ()
      %run_scoped3A_86 = arith.constant 0 : i32
      "tpu.region"() ({
        %run_scoped3A_103 = tpu.sem_alloc : memref<!tpu.dma_semaphore, #tpu.memory_space<semaphore_mem>>
        %dma_start3A_104 = arith.constant 0 : i32
        %dma_start3A_105 = arith.constant 0 : i32
        %dma_start3A_106 = tpu.memref_slice %arg10[%run_scoped3A_86, %dma_start3A_104, %dma_start3A_105] : memref<2x80x128xf32, #tpu.memory_space<vmem>> -> memref<1x80x128xf32, #tpu.memory_space<vmem>>
        %dma_start3A_107 = tpu.memref_squeeze %dma_start3A_106 : memref<1x80x128xf32, #tpu.memory_space<vmem>> -> memref<80x128xf32, #tpu.memory_space<vmem>>
        %dma_start3A_108 = arith.constant 0 : i32
        %dma_start3A_109 = tpu.memref_slice %arg6[%add3A_84, %dma_start3A_108] : memref<10240x128xf32, #tpu.memory_space<hbm>> -> memref<80x128xf32, #tpu.memory_space<hbm>>
        %dma_start3A_110 = arith.constant 0 : i32
        %dma_start3A_111 = tpu.memref_slice %arg6[%add3A_84, %dma_start3A_110] : memref<10240x128xf32, #tpu.memory_space<hbm>> -> memref<80x128xf32, #tpu.memory_space<hbm>>
        %dma_start3A_112 = arith.constant 0 : i32
        %dma_start3A_113 = arith.constant 0 : i32
        %dma_start3A_114 = tpu.memref_slice %arg10[%run_scoped3A_86, %dma_start3A_112, %dma_start3A_113] : memref<2x80x128xf32, #tpu.memory_space<vmem>> -> memref<1x80x128xf32, #tpu.memory_space<vmem>>
        %dma_start3A_115 = tpu.memref_squeeze %dma_start3A_114 : memref<1x80x128xf32, #tpu.memory_space<vmem>> -> memref<80x128xf32, #tpu.memory_space<vmem>>
        tpu.enqueue_dma source(%dma_start3A_115 : memref<80x128xf32, #tpu.memory_space<vmem>>) target(%dma_start3A_111 : memref<80x128xf32, #tpu.memory_space<hbm>>) target_semaphore(%run_scoped3A_103 : memref<!tpu.dma_semaphore, #tpu.memory_space<semaphore_mem>>)
        %dma_wait3A_116 = arith.constant 0 : i32
        %dma_wait3A_117 = arith.constant 0 : i32
        %dma_wait3A_118 = tpu.memref_slice %arg10[%run_scoped3A_86, %dma_wait3A_116, %dma_wait3A_117] : memref<2x80x128xf32, #tpu.memory_space<vmem>> -> memref<1x80x128xf32, #tpu.memory_space<vmem>>
        %dma_wait3A_119 = tpu.memref_squeeze %dma_wait3A_118 : memref<1x80x128xf32, #tpu.memory_space<vmem>> -> memref<80x128xf32, #tpu.memory_space<vmem>>
        %dma_wait3A_120 = arith.constant 0 : i32
        %dma_wait3A_121 = tpu.memref_slice %arg6[%add3A_84, %dma_wait3A_120] : memref<10240x128xf32, #tpu.memory_space<hbm>> -> memref<80x128xf32, #tpu.memory_space<hbm>>
        %dma_wait3A_122 = arith.constant 0 : i32
        %dma_wait3A_123 = tpu.memref_slice %arg6[%add3A_84, %dma_wait3A_122] : memref<10240x128xf32, #tpu.memory_space<hbm>> -> memref<80x128xf32, #tpu.memory_space<hbm>>
        %dma_wait3A_124 = arith.constant 0 : i32
        %dma_wait3A_125 = arith.constant 0 : i32
        %dma_wait3A_126 = tpu.memref_slice %arg10[%run_scoped3A_86, %dma_wait3A_124, %dma_wait3A_125] : memref<2x80x128xf32, #tpu.memory_space<vmem>> -> memref<1x80x128xf32, #tpu.memory_space<vmem>>
        %dma_wait3A_127 = tpu.memref_squeeze %dma_wait3A_126 : memref<1x80x128xf32, #tpu.memory_space<vmem>> -> memref<80x128xf32, #tpu.memory_space<vmem>>
        tpu.wait_dma2 semaphore(%run_scoped3A_103 : memref<!tpu.dma_semaphore, #tpu.memory_space<semaphore_mem>>) src(%dma_wait3A_127 : memref<80x128xf32, #tpu.memory_space<vmem>>) dst(%dma_wait3A_123 : memref<80x128xf32, #tpu.memory_space<hbm>>)
        tpu.yield
      }) : () -> ()
      %add3A_87 = arith.constant 320 : i32
      %add3A_88 = arith.addi %mul3A_2, %add3A_87 : i32
      %run_scoped3A_89 = arith.constant 0 : i32
      "tpu.region"() ({
        %run_scoped3A_103 = tpu.sem_alloc : memref<!tpu.dma_semaphore, #tpu.memory_space<semaphore_mem>>
        %dma_start3A_104 = arith.constant 0 : i32
        %dma_start3A_105 = arith.constant 0 : i32
        %dma_start3A_106 = tpu.memref_slice %arg10[%run_scoped3A_89, %dma_start3A_104, %dma_start3A_105] : memref<2x80x128xf32, #tpu.memory_space<vmem>> -> memref<1x80x128xf32, #tpu.memory_space<vmem>>
        %dma_start3A_107 = tpu.memref_squeeze %dma_start3A_106 : memref<1x80x128xf32, #tpu.memory_space<vmem>> -> memref<80x128xf32, #tpu.memory_space<vmem>>
        %dma_start3A_108 = arith.constant 0 : i32
        %dma_start3A_109 = tpu.memref_slice %arg11[%add3A_88, %dma_start3A_108] : memref<10240x128xf32, #tpu.memory_space<vmem_shared>> -> memref<80x128xf32, #tpu.memory_space<vmem_shared>>
        %dma_start3A_110 = arith.constant 0 : i32
        %dma_start3A_111 = arith.constant 0 : i32
        %dma_start3A_112 = tpu.memref_slice %arg10[%run_scoped3A_89, %dma_start3A_110, %dma_start3A_111] : memref<2x80x128xf32, #tpu.memory_space<vmem>> -> memref<1x80x128xf32, #tpu.memory_space<vmem>>
        %dma_start3A_113 = tpu.memref_squeeze %dma_start3A_112 : memref<1x80x128xf32, #tpu.memory_space<vmem>> -> memref<80x128xf32, #tpu.memory_space<vmem>>
        %dma_start3A_114 = arith.constant 0 : i32
        %dma_start3A_115 = tpu.memref_slice %arg11[%add3A_88, %dma_start3A_114] : memref<10240x128xf32, #tpu.memory_space<vmem_shared>> -> memref<80x128xf32, #tpu.memory_space<vmem_shared>>
        tpu.enqueue_dma source(%dma_start3A_115 : memref<80x128xf32, #tpu.memory_space<vmem_shared>>) target(%dma_start3A_113 : memref<80x128xf32, #tpu.memory_space<vmem>>) target_semaphore(%run_scoped3A_103 : memref<!tpu.dma_semaphore, #tpu.memory_space<semaphore_mem>>)
        %dma_wait3A_116 = arith.constant 0 : i32
        %dma_wait3A_117 = arith.constant 0 : i32
        %dma_wait3A_118 = tpu.memref_slice %arg10[%run_scoped3A_89, %dma_wait3A_116, %dma_wait3A_117] : memref<2x80x128xf32, #tpu.memory_space<vmem>> -> memref<1x80x128xf32, #tpu.memory_space<vmem>>
        %dma_wait3A_119 = tpu.memref_squeeze %dma_wait3A_118 : memref<1x80x128xf32, #tpu.memory_space<vmem>> -> memref<80x128xf32, #tpu.memory_space<vmem>>
        %dma_wait3A_120 = arith.constant 0 : i32
        %dma_wait3A_121 = tpu.memref_slice %arg11[%add3A_88, %dma_wait3A_120] : memref<10240x128xf32, #tpu.memory_space<vmem_shared>> -> memref<80x128xf32, #tpu.memory_space<vmem_shared>>
        %dma_wait3A_122 = arith.constant 0 : i32
        %dma_wait3A_123 = arith.constant 0 : i32
        %dma_wait3A_124 = tpu.memref_slice %arg10[%run_scoped3A_89, %dma_wait3A_122, %dma_wait3A_123] : memref<2x80x128xf32, #tpu.memory_space<vmem>> -> memref<1x80x128xf32, #tpu.memory_space<vmem>>
        %dma_wait3A_125 = tpu.memref_squeeze %dma_wait3A_124 : memref<1x80x128xf32, #tpu.memory_space<vmem>> -> memref<80x128xf32, #tpu.memory_space<vmem>>
        %dma_wait3A_126 = arith.constant 0 : i32
        %dma_wait3A_127 = tpu.memref_slice %arg11[%add3A_88, %dma_wait3A_126] : memref<10240x128xf32, #tpu.memory_space<vmem_shared>> -> memref<80x128xf32, #tpu.memory_space<vmem_shared>>
        tpu.wait_dma2 semaphore(%run_scoped3A_103 : memref<!tpu.dma_semaphore, #tpu.memory_space<semaphore_mem>>) src(%dma_wait3A_127 : memref<80x128xf32, #tpu.memory_space<vmem_shared>>) dst(%dma_wait3A_125 : memref<80x128xf32, #tpu.memory_space<vmem>>)
        tpu.yield
      }) : () -> ()
      %run_scoped3A_90 = arith.constant 0 : i32
      "tpu.region"() ({
        %run_scoped3A_103 = tpu.sem_alloc : memref<!tpu.dma_semaphore, #tpu.memory_space<semaphore_mem>>
        %dma_start3A_104 = arith.constant 0 : i32
        %dma_start3A_105 = arith.constant 0 : i32
        %dma_start3A_106 = tpu.memref_slice %arg10[%run_scoped3A_90, %dma_start3A_104, %dma_start3A_105] : memref<2x80x128xf32, #tpu.memory_space<vmem>> -> memref<1x80x128xf32, #tpu.memory_space<vmem>>
        %dma_start3A_107 = tpu.memref_squeeze %dma_start3A_106 : memref<1x80x128xf32, #tpu.memory_space<vmem>> -> memref<80x128xf32, #tpu.memory_space<vmem>>
        %dma_start3A_108 = arith.constant 0 : i32
        %dma_start3A_109 = tpu.memref_slice %arg6[%add3A_88, %dma_start3A_108] : memref<10240x128xf32, #tpu.memory_space<hbm>> -> memref<80x128xf32, #tpu.memory_space<hbm>>
        %dma_start3A_110 = arith.constant 0 : i32
        %dma_start3A_111 = tpu.memref_slice %arg6[%add3A_88, %dma_start3A_110] : memref<10240x128xf32, #tpu.memory_space<hbm>> -> memref<80x128xf32, #tpu.memory_space<hbm>>
        %dma_start3A_112 = arith.constant 0 : i32
        %dma_start3A_113 = arith.constant 0 : i32
        %dma_start3A_114 = tpu.memref_slice %arg10[%run_scoped3A_90, %dma_start3A_112, %dma_start3A_113] : memref<2x80x128xf32, #tpu.memory_space<vmem>> -> memref<1x80x128xf32, #tpu.memory_space<vmem>>
        %dma_start3A_115 = tpu.memref_squeeze %dma_start3A_114 : memref<1x80x128xf32, #tpu.memory_space<vmem>> -> memref<80x128xf32, #tpu.memory_space<vmem>>
        tpu.enqueue_dma source(%dma_start3A_115 : memref<80x128xf32, #tpu.memory_space<vmem>>) target(%dma_start3A_111 : memref<80x128xf32, #tpu.memory_space<hbm>>) target_semaphore(%run_scoped3A_103 : memref<!tpu.dma_semaphore, #tpu.memory_space<semaphore_mem>>)
        %dma_wait3A_116 = arith.constant 0 : i32
        %dma_wait3A_117 = arith.constant 0 : i32
        %dma_wait3A_118 = tpu.memref_slice %arg10[%run_scoped3A_90, %dma_wait3A_116, %dma_wait3A_117] : memref<2x80x128xf32, #tpu.memory_space<vmem>> -> memref<1x80x128xf32, #tpu.memory_space<vmem>>
        %dma_wait3A_119 = tpu.memref_squeeze %dma_wait3A_118 : memref<1x80x128xf32, #tpu.memory_space<vmem>> -> memref<80x128xf32, #tpu.memory_space<vmem>>
        %dma_wait3A_120 = arith.constant 0 : i32
        %dma_wait3A_121 = tpu.memref_slice %arg6[%add3A_88, %dma_wait3A_120] : memref<10240x128xf32, #tpu.memory_space<hbm>> -> memref<80x128xf32, #tpu.memory_space<hbm>>
        %dma_wait3A_122 = arith.constant 0 : i32
        %dma_wait3A_123 = tpu.memref_slice %arg6[%add3A_88, %dma_wait3A_122] : memref<10240x128xf32, #tpu.memory_space<hbm>> -> memref<80x128xf32, #tpu.memory_space<hbm>>
        %dma_wait3A_124 = arith.constant 0 : i32
        %dma_wait3A_125 = arith.constant 0 : i32
        %dma_wait3A_126 = tpu.memref_slice %arg10[%run_scoped3A_90, %dma_wait3A_124, %dma_wait3A_125] : memref<2x80x128xf32, #tpu.memory_space<vmem>> -> memref<1x80x128xf32, #tpu.memory_space<vmem>>
        %dma_wait3A_127 = tpu.memref_squeeze %dma_wait3A_126 : memref<1x80x128xf32, #tpu.memory_space<vmem>> -> memref<80x128xf32, #tpu.memory_space<vmem>>
        tpu.wait_dma2 semaphore(%run_scoped3A_103 : memref<!tpu.dma_semaphore, #tpu.memory_space<semaphore_mem>>) src(%dma_wait3A_127 : memref<80x128xf32, #tpu.memory_space<vmem>>) dst(%dma_wait3A_123 : memref<80x128xf32, #tpu.memory_space<hbm>>)
        tpu.yield
      }) : () -> ()
      %add3A_91 = arith.constant 400 : i32
      %add3A_92 = arith.addi %mul3A_2, %add3A_91 : i32
      %run_scoped3A_93 = arith.constant 0 : i32
      "tpu.region"() ({
        %run_scoped3A_103 = tpu.sem_alloc : memref<!tpu.dma_semaphore, #tpu.memory_space<semaphore_mem>>
        %dma_start3A_104 = arith.constant 0 : i32
        %dma_start3A_105 = arith.constant 0 : i32
        %dma_start3A_106 = tpu.memref_slice %arg10[%run_scoped3A_93, %dma_start3A_104, %dma_start3A_105] : memref<2x80x128xf32, #tpu.memory_space<vmem>> -> memref<1x80x128xf32, #tpu.memory_space<vmem>>
        %dma_start3A_107 = tpu.memref_squeeze %dma_start3A_106 : memref<1x80x128xf32, #tpu.memory_space<vmem>> -> memref<80x128xf32, #tpu.memory_space<vmem>>
        %dma_start3A_108 = arith.constant 0 : i32
        %dma_start3A_109 = tpu.memref_slice %arg11[%add3A_92, %dma_start3A_108] : memref<10240x128xf32, #tpu.memory_space<vmem_shared>> -> memref<80x128xf32, #tpu.memory_space<vmem_shared>>
        %dma_start3A_110 = arith.constant 0 : i32
        %dma_start3A_111 = arith.constant 0 : i32
        %dma_start3A_112 = tpu.memref_slice %arg10[%run_scoped3A_93, %dma_start3A_110, %dma_start3A_111] : memref<2x80x128xf32, #tpu.memory_space<vmem>> -> memref<1x80x128xf32, #tpu.memory_space<vmem>>
        %dma_start3A_113 = tpu.memref_squeeze %dma_start3A_112 : memref<1x80x128xf32, #tpu.memory_space<vmem>> -> memref<80x128xf32, #tpu.memory_space<vmem>>
        %dma_start3A_114 = arith.constant 0 : i32
        %dma_start3A_115 = tpu.memref_slice %arg11[%add3A_92, %dma_start3A_114] : memref<10240x128xf32, #tpu.memory_space<vmem_shared>> -> memref<80x128xf32, #tpu.memory_space<vmem_shared>>
        tpu.enqueue_dma source(%dma_start3A_115 : memref<80x128xf32, #tpu.memory_space<vmem_shared>>) target(%dma_start3A_113 : memref<80x128xf32, #tpu.memory_space<vmem>>) target_semaphore(%run_scoped3A_103 : memref<!tpu.dma_semaphore, #tpu.memory_space<semaphore_mem>>)
        %dma_wait3A_116 = arith.constant 0 : i32
        %dma_wait3A_117 = arith.constant 0 : i32
        %dma_wait3A_118 = tpu.memref_slice %arg10[%run_scoped3A_93, %dma_wait3A_116, %dma_wait3A_117] : memref<2x80x128xf32, #tpu.memory_space<vmem>> -> memref<1x80x128xf32, #tpu.memory_space<vmem>>
        %dma_wait3A_119 = tpu.memref_squeeze %dma_wait3A_118 : memref<1x80x128xf32, #tpu.memory_space<vmem>> -> memref<80x128xf32, #tpu.memory_space<vmem>>
        %dma_wait3A_120 = arith.constant 0 : i32
        %dma_wait3A_121 = tpu.memref_slice %arg11[%add3A_92, %dma_wait3A_120] : memref<10240x128xf32, #tpu.memory_space<vmem_shared>> -> memref<80x128xf32, #tpu.memory_space<vmem_shared>>
        %dma_wait3A_122 = arith.constant 0 : i32
        %dma_wait3A_123 = arith.constant 0 : i32
        %dma_wait3A_124 = tpu.memref_slice %arg10[%run_scoped3A_93, %dma_wait3A_122, %dma_wait3A_123] : memref<2x80x128xf32, #tpu.memory_space<vmem>> -> memref<1x80x128xf32, #tpu.memory_space<vmem>>
        %dma_wait3A_125 = tpu.memref_squeeze %dma_wait3A_124 : memref<1x80x128xf32, #tpu.memory_space<vmem>> -> memref<80x128xf32, #tpu.memory_space<vmem>>
        %dma_wait3A_126 = arith.constant 0 : i32
        %dma_wait3A_127 = tpu.memref_slice %arg11[%add3A_92, %dma_wait3A_126] : memref<10240x128xf32, #tpu.memory_space<vmem_shared>> -> memref<80x128xf32, #tpu.memory_space<vmem_shared>>
        tpu.wait_dma2 semaphore(%run_scoped3A_103 : memref<!tpu.dma_semaphore, #tpu.memory_space<semaphore_mem>>) src(%dma_wait3A_127 : memref<80x128xf32, #tpu.memory_space<vmem_shared>>) dst(%dma_wait3A_125 : memref<80x128xf32, #tpu.memory_space<vmem>>)
        tpu.yield
      }) : () -> ()
      %run_scoped3A_94 = arith.constant 0 : i32
      "tpu.region"() ({
        %run_scoped3A_103 = tpu.sem_alloc : memref<!tpu.dma_semaphore, #tpu.memory_space<semaphore_mem>>
        %dma_start3A_104 = arith.constant 0 : i32
        %dma_start3A_105 = arith.constant 0 : i32
        %dma_start3A_106 = tpu.memref_slice %arg10[%run_scoped3A_94, %dma_start3A_104, %dma_start3A_105] : memref<2x80x128xf32, #tpu.memory_space<vmem>> -> memref<1x80x128xf32, #tpu.memory_space<vmem>>
        %dma_start3A_107 = tpu.memref_squeeze %dma_start3A_106 : memref<1x80x128xf32, #tpu.memory_space<vmem>> -> memref<80x128xf32, #tpu.memory_space<vmem>>
        %dma_start3A_108 = arith.constant 0 : i32
        %dma_start3A_109 = tpu.memref_slice %arg6[%add3A_92, %dma_start3A_108] : memref<10240x128xf32, #tpu.memory_space<hbm>> -> memref<80x128xf32, #tpu.memory_space<hbm>>
        %dma_start3A_110 = arith.constant 0 : i32
        %dma_start3A_111 = tpu.memref_slice %arg6[%add3A_92, %dma_start3A_110] : memref<10240x128xf32, #tpu.memory_space<hbm>> -> memref<80x128xf32, #tpu.memory_space<hbm>>
        %dma_start3A_112 = arith.constant 0 : i32
        %dma_start3A_113 = arith.constant 0 : i32
        %dma_start3A_114 = tpu.memref_slice %arg10[%run_scoped3A_94, %dma_start3A_112, %dma_start3A_113] : memref<2x80x128xf32, #tpu.memory_space<vmem>> -> memref<1x80x128xf32, #tpu.memory_space<vmem>>
        %dma_start3A_115 = tpu.memref_squeeze %dma_start3A_114 : memref<1x80x128xf32, #tpu.memory_space<vmem>> -> memref<80x128xf32, #tpu.memory_space<vmem>>
        tpu.enqueue_dma source(%dma_start3A_115 : memref<80x128xf32, #tpu.memory_space<vmem>>) target(%dma_start3A_111 : memref<80x128xf32, #tpu.memory_space<hbm>>) target_semaphore(%run_scoped3A_103 : memref<!tpu.dma_semaphore, #tpu.memory_space<semaphore_mem>>)
        %dma_wait3A_116 = arith.constant 0 : i32
        %dma_wait3A_117 = arith.constant 0 : i32
        %dma_wait3A_118 = tpu.memref_slice %arg10[%run_scoped3A_94, %dma_wait3A_116, %dma_wait3A_117] : memref<2x80x128xf32, #tpu.memory_space<vmem>> -> memref<1x80x128xf32, #tpu.memory_space<vmem>>
        %dma_wait3A_119 = tpu.memref_squeeze %dma_wait3A_118 : memref<1x80x128xf32, #tpu.memory_space<vmem>> -> memref<80x128xf32, #tpu.memory_space<vmem>>
        %dma_wait3A_120 = arith.constant 0 : i32
        %dma_wait3A_121 = tpu.memref_slice %arg6[%add3A_92, %dma_wait3A_120] : memref<10240x128xf32, #tpu.memory_space<hbm>> -> memref<80x128xf32, #tpu.memory_space<hbm>>
        %dma_wait3A_122 = arith.constant 0 : i32
        %dma_wait3A_123 = tpu.memref_slice %arg6[%add3A_92, %dma_wait3A_122] : memref<10240x128xf32, #tpu.memory_space<hbm>> -> memref<80x128xf32, #tpu.memory_space<hbm>>
        %dma_wait3A_124 = arith.constant 0 : i32
        %dma_wait3A_125 = arith.constant 0 : i32
        %dma_wait3A_126 = tpu.memref_slice %arg10[%run_scoped3A_94, %dma_wait3A_124, %dma_wait3A_125] : memref<2x80x128xf32, #tpu.memory_space<vmem>> -> memref<1x80x128xf32, #tpu.memory_space<vmem>>
        %dma_wait3A_127 = tpu.memref_squeeze %dma_wait3A_126 : memref<1x80x128xf32, #tpu.memory_space<vmem>> -> memref<80x128xf32, #tpu.memory_space<vmem>>
        tpu.wait_dma2 semaphore(%run_scoped3A_103 : memref<!tpu.dma_semaphore, #tpu.memory_space<semaphore_mem>>) src(%dma_wait3A_127 : memref<80x128xf32, #tpu.memory_space<vmem>>) dst(%dma_wait3A_123 : memref<80x128xf32, #tpu.memory_space<hbm>>)
        tpu.yield
      }) : () -> ()
      %add3A_95 = arith.constant 480 : i32
      %add3A_96 = arith.addi %mul3A_2, %add3A_95 : i32
      %run_scoped3A_97 = arith.constant 0 : i32
      "tpu.region"() ({
        %run_scoped3A_103 = tpu.sem_alloc : memref<!tpu.dma_semaphore, #tpu.memory_space<semaphore_mem>>
        %dma_start3A_104 = arith.constant 0 : i32
        %dma_start3A_105 = arith.constant 0 : i32
        %dma_start3A_106 = tpu.memref_slice %arg10[%run_scoped3A_97, %dma_start3A_104, %dma_start3A_105] : memref<2x80x128xf32, #tpu.memory_space<vmem>> -> memref<1x80x128xf32, #tpu.memory_space<vmem>>
        %dma_start3A_107 = tpu.memref_squeeze %dma_start3A_106 : memref<1x80x128xf32, #tpu.memory_space<vmem>> -> memref<80x128xf32, #tpu.memory_space<vmem>>
        %dma_start3A_108 = arith.constant 0 : i32
        %dma_start3A_109 = tpu.memref_slice %arg11[%add3A_96, %dma_start3A_108] : memref<10240x128xf32, #tpu.memory_space<vmem_shared>> -> memref<80x128xf32, #tpu.memory_space<vmem_shared>>
        %dma_start3A_110 = arith.constant 0 : i32
        %dma_start3A_111 = arith.constant 0 : i32
        %dma_start3A_112 = tpu.memref_slice %arg10[%run_scoped3A_97, %dma_start3A_110, %dma_start3A_111] : memref<2x80x128xf32, #tpu.memory_space<vmem>> -> memref<1x80x128xf32, #tpu.memory_space<vmem>>
        %dma_start3A_113 = tpu.memref_squeeze %dma_start3A_112 : memref<1x80x128xf32, #tpu.memory_space<vmem>> -> memref<80x128xf32, #tpu.memory_space<vmem>>
        %dma_start3A_114 = arith.constant 0 : i32
        %dma_start3A_115 = tpu.memref_slice %arg11[%add3A_96, %dma_start3A_114] : memref<10240x128xf32, #tpu.memory_space<vmem_shared>> -> memref<80x128xf32, #tpu.memory_space<vmem_shared>>
        tpu.enqueue_dma source(%dma_start3A_115 : memref<80x128xf32, #tpu.memory_space<vmem_shared>>) target(%dma_start3A_113 : memref<80x128xf32, #tpu.memory_space<vmem>>) target_semaphore(%run_scoped3A_103 : memref<!tpu.dma_semaphore, #tpu.memory_space<semaphore_mem>>)
        %dma_wait3A_116 = arith.constant 0 : i32
        %dma_wait3A_117 = arith.constant 0 : i32
        %dma_wait3A_118 = tpu.memref_slice %arg10[%run_scoped3A_97, %dma_wait3A_116, %dma_wait3A_117] : memref<2x80x128xf32, #tpu.memory_space<vmem>> -> memref<1x80x128xf32, #tpu.memory_space<vmem>>
        %dma_wait3A_119 = tpu.memref_squeeze %dma_wait3A_118 : memref<1x80x128xf32, #tpu.memory_space<vmem>> -> memref<80x128xf32, #tpu.memory_space<vmem>>
        %dma_wait3A_120 = arith.constant 0 : i32
        %dma_wait3A_121 = tpu.memref_slice %arg11[%add3A_96, %dma_wait3A_120] : memref<10240x128xf32, #tpu.memory_space<vmem_shared>> -> memref<80x128xf32, #tpu.memory_space<vmem_shared>>
        %dma_wait3A_122 = arith.constant 0 : i32
        %dma_wait3A_123 = arith.constant 0 : i32
        %dma_wait3A_124 = tpu.memref_slice %arg10[%run_scoped3A_97, %dma_wait3A_122, %dma_wait3A_123] : memref<2x80x128xf32, #tpu.memory_space<vmem>> -> memref<1x80x128xf32, #tpu.memory_space<vmem>>
        %dma_wait3A_125 = tpu.memref_squeeze %dma_wait3A_124 : memref<1x80x128xf32, #tpu.memory_space<vmem>> -> memref<80x128xf32, #tpu.memory_space<vmem>>
        %dma_wait3A_126 = arith.constant 0 : i32
        %dma_wait3A_127 = tpu.memref_slice %arg11[%add3A_96, %dma_wait3A_126] : memref<10240x128xf32, #tpu.memory_space<vmem_shared>> -> memref<80x128xf32, #tpu.memory_space<vmem_shared>>
        tpu.wait_dma2 semaphore(%run_scoped3A_103 : memref<!tpu.dma_semaphore, #tpu.memory_space<semaphore_mem>>) src(%dma_wait3A_127 : memref<80x128xf32, #tpu.memory_space<vmem_shared>>) dst(%dma_wait3A_125 : memref<80x128xf32, #tpu.memory_space<vmem>>)
        tpu.yield
      }) : () -> ()
      %run_scoped3A_98 = arith.constant 0 : i32
      "tpu.region"() ({
        %run_scoped3A_103 = tpu.sem_alloc : memref<!tpu.dma_semaphore, #tpu.memory_space<semaphore_mem>>
        %dma_start3A_104 = arith.constant 0 : i32
        %dma_start3A_105 = arith.constant 0 : i32
        %dma_start3A_106 = tpu.memref_slice %arg10[%run_scoped3A_98, %dma_start3A_104, %dma_start3A_105] : memref<2x80x128xf32, #tpu.memory_space<vmem>> -> memref<1x80x128xf32, #tpu.memory_space<vmem>>
        %dma_start3A_107 = tpu.memref_squeeze %dma_start3A_106 : memref<1x80x128xf32, #tpu.memory_space<vmem>> -> memref<80x128xf32, #tpu.memory_space<vmem>>
        %dma_start3A_108 = arith.constant 0 : i32
        %dma_start3A_109 = tpu.memref_slice %arg6[%add3A_96, %dma_start3A_108] : memref<10240x128xf32, #tpu.memory_space<hbm>> -> memref<80x128xf32, #tpu.memory_space<hbm>>
        %dma_start3A_110 = arith.constant 0 : i32
        %dma_start3A_111 = tpu.memref_slice %arg6[%add3A_96, %dma_start3A_110] : memref<10240x128xf32, #tpu.memory_space<hbm>> -> memref<80x128xf32, #tpu.memory_space<hbm>>
        %dma_start3A_112 = arith.constant 0 : i32
        %dma_start3A_113 = arith.constant 0 : i32
        %dma_start3A_114 = tpu.memref_slice %arg10[%run_scoped3A_98, %dma_start3A_112, %dma_start3A_113] : memref<2x80x128xf32, #tpu.memory_space<vmem>> -> memref<1x80x128xf32, #tpu.memory_space<vmem>>
        %dma_start3A_115 = tpu.memref_squeeze %dma_start3A_114 : memref<1x80x128xf32, #tpu.memory_space<vmem>> -> memref<80x128xf32, #tpu.memory_space<vmem>>
        tpu.enqueue_dma source(%dma_start3A_115 : memref<80x128xf32, #tpu.memory_space<vmem>>) target(%dma_start3A_111 : memref<80x128xf32, #tpu.memory_space<hbm>>) target_semaphore(%run_scoped3A_103 : memref<!tpu.dma_semaphore, #tpu.memory_space<semaphore_mem>>)
        %dma_wait3A_116 = arith.constant 0 : i32
        %dma_wait3A_117 = arith.constant 0 : i32
        %dma_wait3A_118 = tpu.memref_slice %arg10[%run_scoped3A_98, %dma_wait3A_116, %dma_wait3A_117] : memref<2x80x128xf32, #tpu.memory_space<vmem>> -> memref<1x80x128xf32, #tpu.memory_space<vmem>>
        %dma_wait3A_119 = tpu.memref_squeeze %dma_wait3A_118 : memref<1x80x128xf32, #tpu.memory_space<vmem>> -> memref<80x128xf32, #tpu.memory_space<vmem>>
        %dma_wait3A_120 = arith.constant 0 : i32
        %dma_wait3A_121 = tpu.memref_slice %arg6[%add3A_96, %dma_wait3A_120] : memref<10240x128xf32, #tpu.memory_space<hbm>> -> memref<80x128xf32, #tpu.memory_space<hbm>>
        %dma_wait3A_122 = arith.constant 0 : i32
        %dma_wait3A_123 = tpu.memref_slice %arg6[%add3A_96, %dma_wait3A_122] : memref<10240x128xf32, #tpu.memory_space<hbm>> -> memref<80x128xf32, #tpu.memory_space<hbm>>
        %dma_wait3A_124 = arith.constant 0 : i32
        %dma_wait3A_125 = arith.constant 0 : i32
        %dma_wait3A_126 = tpu.memref_slice %arg10[%run_scoped3A_98, %dma_wait3A_124, %dma_wait3A_125] : memref<2x80x128xf32, #tpu.memory_space<vmem>> -> memref<1x80x128xf32, #tpu.memory_space<vmem>>
        %dma_wait3A_127 = tpu.memref_squeeze %dma_wait3A_126 : memref<1x80x128xf32, #tpu.memory_space<vmem>> -> memref<80x128xf32, #tpu.memory_space<vmem>>
        tpu.wait_dma2 semaphore(%run_scoped3A_103 : memref<!tpu.dma_semaphore, #tpu.memory_space<semaphore_mem>>) src(%dma_wait3A_127 : memref<80x128xf32, #tpu.memory_space<vmem>>) dst(%dma_wait3A_123 : memref<80x128xf32, #tpu.memory_space<hbm>>)
        tpu.yield
      }) : () -> ()
      %add3A_99 = arith.constant 560 : i32
      %add3A_100 = arith.addi %mul3A_2, %add3A_99 : i32
      %run_scoped3A_101 = arith.constant 0 : i32
      "tpu.region"() ({
        %run_scoped3A_103 = tpu.sem_alloc : memref<!tpu.dma_semaphore, #tpu.memory_space<semaphore_mem>>
        %dma_start3A_104 = arith.constant 0 : i32
        %dma_start3A_105 = arith.constant 0 : i32
        %dma_start3A_106 = tpu.memref_slice %arg10[%run_scoped3A_101, %dma_start3A_104, %dma_start3A_105] : memref<2x80x128xf32, #tpu.memory_space<vmem>> -> memref<1x80x128xf32, #tpu.memory_space<vmem>>
        %dma_start3A_107 = tpu.memref_squeeze %dma_start3A_106 : memref<1x80x128xf32, #tpu.memory_space<vmem>> -> memref<80x128xf32, #tpu.memory_space<vmem>>
        %dma_start3A_108 = arith.constant 0 : i32
        %dma_start3A_109 = tpu.memref_slice %arg11[%add3A_100, %dma_start3A_108] : memref<10240x128xf32, #tpu.memory_space<vmem_shared>> -> memref<80x128xf32, #tpu.memory_space<vmem_shared>>
        %dma_start3A_110 = arith.constant 0 : i32
        %dma_start3A_111 = arith.constant 0 : i32
        %dma_start3A_112 = tpu.memref_slice %arg10[%run_scoped3A_101, %dma_start3A_110, %dma_start3A_111] : memref<2x80x128xf32, #tpu.memory_space<vmem>> -> memref<1x80x128xf32, #tpu.memory_space<vmem>>
        %dma_start3A_113 = tpu.memref_squeeze %dma_start3A_112 : memref<1x80x128xf32, #tpu.memory_space<vmem>> -> memref<80x128xf32, #tpu.memory_space<vmem>>
        %dma_start3A_114 = arith.constant 0 : i32
        %dma_start3A_115 = tpu.memref_slice %arg11[%add3A_100, %dma_start3A_114] : memref<10240x128xf32, #tpu.memory_space<vmem_shared>> -> memref<80x128xf32, #tpu.memory_space<vmem_shared>>
        tpu.enqueue_dma source(%dma_start3A_115 : memref<80x128xf32, #tpu.memory_space<vmem_shared>>) target(%dma_start3A_113 : memref<80x128xf32, #tpu.memory_space<vmem>>) target_semaphore(%run_scoped3A_103 : memref<!tpu.dma_semaphore, #tpu.memory_space<semaphore_mem>>)
        %dma_wait3A_116 = arith.constant 0 : i32
        %dma_wait3A_117 = arith.constant 0 : i32
        %dma_wait3A_118 = tpu.memref_slice %arg10[%run_scoped3A_101, %dma_wait3A_116, %dma_wait3A_117] : memref<2x80x128xf32, #tpu.memory_space<vmem>> -> memref<1x80x128xf32, #tpu.memory_space<vmem>>
        %dma_wait3A_119 = tpu.memref_squeeze %dma_wait3A_118 : memref<1x80x128xf32, #tpu.memory_space<vmem>> -> memref<80x128xf32, #tpu.memory_space<vmem>>
        %dma_wait3A_120 = arith.constant 0 : i32
        %dma_wait3A_121 = tpu.memref_slice %arg11[%add3A_100, %dma_wait3A_120] : memref<10240x128xf32, #tpu.memory_space<vmem_shared>> -> memref<80x128xf32, #tpu.memory_space<vmem_shared>>
        %dma_wait3A_122 = arith.constant 0 : i32
        %dma_wait3A_123 = arith.constant 0 : i32
        %dma_wait3A_124 = tpu.memref_slice %arg10[%run_scoped3A_101, %dma_wait3A_122, %dma_wait3A_123] : memref<2x80x128xf32, #tpu.memory_space<vmem>> -> memref<1x80x128xf32, #tpu.memory_space<vmem>>
        %dma_wait3A_125 = tpu.memref_squeeze %dma_wait3A_124 : memref<1x80x128xf32, #tpu.memory_space<vmem>> -> memref<80x128xf32, #tpu.memory_space<vmem>>
        %dma_wait3A_126 = arith.constant 0 : i32
        %dma_wait3A_127 = tpu.memref_slice %arg11[%add3A_100, %dma_wait3A_126] : memref<10240x128xf32, #tpu.memory_space<vmem_shared>> -> memref<80x128xf32, #tpu.memory_space<vmem_shared>>
        tpu.wait_dma2 semaphore(%run_scoped3A_103 : memref<!tpu.dma_semaphore, #tpu.memory_space<semaphore_mem>>) src(%dma_wait3A_127 : memref<80x128xf32, #tpu.memory_space<vmem_shared>>) dst(%dma_wait3A_125 : memref<80x128xf32, #tpu.memory_space<vmem>>)
        tpu.yield
      }) : () -> ()
      %run_scoped3A_102 = arith.constant 0 : i32
      "tpu.region"() ({
        %run_scoped3A_103 = tpu.sem_alloc : memref<!tpu.dma_semaphore, #tpu.memory_space<semaphore_mem>>
        %dma_start3A_104 = arith.constant 0 : i32
        %dma_start3A_105 = arith.constant 0 : i32
        %dma_start3A_106 = tpu.memref_slice %arg10[%run_scoped3A_102, %dma_start3A_104, %dma_start3A_105] : memref<2x80x128xf32, #tpu.memory_space<vmem>> -> memref<1x80x128xf32, #tpu.memory_space<vmem>>
        %dma_start3A_107 = tpu.memref_squeeze %dma_start3A_106 : memref<1x80x128xf32, #tpu.memory_space<vmem>> -> memref<80x128xf32, #tpu.memory_space<vmem>>
        %dma_start3A_108 = arith.constant 0 : i32
        %dma_start3A_109 = tpu.memref_slice %arg6[%add3A_100, %dma_start3A_108] : memref<10240x128xf32, #tpu.memory_space<hbm>> -> memref<80x128xf32, #tpu.memory_space<hbm>>
        %dma_start3A_110 = arith.constant 0 : i32
        %dma_start3A_111 = tpu.memref_slice %arg6[%add3A_100, %dma_start3A_110] : memref<10240x128xf32, #tpu.memory_space<hbm>> -> memref<80x128xf32, #tpu.memory_space<hbm>>
        %dma_start3A_112 = arith.constant 0 : i32
        %dma_start3A_113 = arith.constant 0 : i32
        %dma_start3A_114 = tpu.memref_slice %arg10[%run_scoped3A_102, %dma_start3A_112, %dma_start3A_113] : memref<2x80x128xf32, #tpu.memory_space<vmem>> -> memref<1x80x128xf32, #tpu.memory_space<vmem>>
        %dma_start3A_115 = tpu.memref_squeeze %dma_start3A_114 : memref<1x80x128xf32, #tpu.memory_space<vmem>> -> memref<80x128xf32, #tpu.memory_space<vmem>>
        tpu.enqueue_dma source(%dma_start3A_115 : memref<80x128xf32, #tpu.memory_space<vmem>>) target(%dma_start3A_111 : memref<80x128xf32, #tpu.memory_space<hbm>>) target_semaphore(%run_scoped3A_103 : memref<!tpu.dma_semaphore, #tpu.memory_space<semaphore_mem>>)
        %dma_wait3A_116 = arith.constant 0 : i32
        %dma_wait3A_117 = arith.constant 0 : i32
        %dma_wait3A_118 = tpu.memref_slice %arg10[%run_scoped3A_102, %dma_wait3A_116, %dma_wait3A_117] : memref<2x80x128xf32, #tpu.memory_space<vmem>> -> memref<1x80x128xf32, #tpu.memory_space<vmem>>
        %dma_wait3A_119 = tpu.memref_squeeze %dma_wait3A_118 : memref<1x80x128xf32, #tpu.memory_space<vmem>> -> memref<80x128xf32, #tpu.memory_space<vmem>>
        %dma_wait3A_120 = arith.constant 0 : i32
        %dma_wait3A_121 = tpu.memref_slice %arg6[%add3A_100, %dma_wait3A_120] : memref<10240x128xf32, #tpu.memory_space<hbm>> -> memref<80x128xf32, #tpu.memory_space<hbm>>
        %dma_wait3A_122 = arith.constant 0 : i32
        %dma_wait3A_123 = tpu.memref_slice %arg6[%add3A_100, %dma_wait3A_122] : memref<10240x128xf32, #tpu.memory_space<hbm>> -> memref<80x128xf32, #tpu.memory_space<hbm>>
        %dma_wait3A_124 = arith.constant 0 : i32
        %dma_wait3A_125 = arith.constant 0 : i32
        %dma_wait3A_126 = tpu.memref_slice %arg10[%run_scoped3A_102, %dma_wait3A_124, %dma_wait3A_125] : memref<2x80x128xf32, #tpu.memory_space<vmem>> -> memref<1x80x128xf32, #tpu.memory_space<vmem>>
        %dma_wait3A_127 = tpu.memref_squeeze %dma_wait3A_126 : memref<1x80x128xf32, #tpu.memory_space<vmem>> -> memref<80x128xf32, #tpu.memory_space<vmem>>
        tpu.wait_dma2 semaphore(%run_scoped3A_103 : memref<!tpu.dma_semaphore, #tpu.memory_space<semaphore_mem>>) src(%dma_wait3A_127 : memref<80x128xf32, #tpu.memory_space<vmem>>) dst(%dma_wait3A_123 : memref<80x128xf32, #tpu.memory_space<hbm>>)
        tpu.yield
      }) : () -> ()
    } else {
    }
    %eq3A_66 = arith.constant 1 : i32
    %eq3A_67 = arith.cmpi eq, %arg0, %eq3A_66 : i32
    %convert_element_type3A_68 = arith.extui %eq3A_67 : i1 to i32
    %cond3A_69 = arith.constant 0 : i32
    %cond3A_70 = arith.cmpi ne, %convert_element_type3A_68, %cond3A_69 : i32
    scf.if %cond3A_70 {
      %add3A_71 = arith.constant 0 : i32
      %add3A_72 = arith.addi %mul3A_2, %add3A_71 : i32
      %run_scoped3A_73 = arith.constant 0 : i32
      "tpu.region"() ({
        %run_scoped3A_103 = tpu.sem_alloc : memref<!tpu.dma_semaphore, #tpu.memory_space<semaphore_mem>>
        %dma_start3A_104 = arith.constant 0 : i32
        %dma_start3A_105 = arith.constant 0 : i32
        %dma_start3A_106 = tpu.memref_slice %arg10[%run_scoped3A_73, %dma_start3A_104, %dma_start3A_105] : memref<2x80x128xf32, #tpu.memory_space<vmem>> -> memref<1x80x128xf32, #tpu.memory_space<vmem>>
        %dma_start3A_107 = tpu.memref_squeeze %dma_start3A_106 : memref<1x80x128xf32, #tpu.memory_space<vmem>> -> memref<80x128xf32, #tpu.memory_space<vmem>>
        %dma_start3A_108 = arith.constant 0 : i32
        %dma_start3A_109 = tpu.memref_slice %arg11[%add3A_72, %dma_start3A_108] : memref<10240x128xf32, #tpu.memory_space<vmem_shared>> -> memref<80x128xf32, #tpu.memory_space<vmem_shared>>
        %dma_start3A_110 = arith.constant 0 : i32
        %dma_start3A_111 = arith.constant 0 : i32
        %dma_start3A_112 = tpu.memref_slice %arg10[%run_scoped3A_73, %dma_start3A_110, %dma_start3A_111] : memref<2x80x128xf32, #tpu.memory_space<vmem>> -> memref<1x80x128xf32, #tpu.memory_space<vmem>>
        %dma_start3A_113 = tpu.memref_squeeze %dma_start3A_112 : memref<1x80x128xf32, #tpu.memory_space<vmem>> -> memref<80x128xf32, #tpu.memory_space<vmem>>
        %dma_start3A_114 = arith.constant 0 : i32
        %dma_start3A_115 = tpu.memref_slice %arg11[%add3A_72, %dma_start3A_114] : memref<10240x128xf32, #tpu.memory_space<vmem_shared>> -> memref<80x128xf32, #tpu.memory_space<vmem_shared>>
        tpu.enqueue_dma source(%dma_start3A_115 : memref<80x128xf32, #tpu.memory_space<vmem_shared>>) target(%dma_start3A_113 : memref<80x128xf32, #tpu.memory_space<vmem>>) target_semaphore(%run_scoped3A_103 : memref<!tpu.dma_semaphore, #tpu.memory_space<semaphore_mem>>)
        %dma_wait3A_116 = arith.constant 0 : i32
        %dma_wait3A_117 = arith.constant 0 : i32
        %dma_wait3A_118 = tpu.memref_slice %arg10[%run_scoped3A_73, %dma_wait3A_116, %dma_wait3A_117] : memref<2x80x128xf32, #tpu.memory_space<vmem>> -> memref<1x80x128xf32, #tpu.memory_space<vmem>>
        %dma_wait3A_119 = tpu.memref_squeeze %dma_wait3A_118 : memref<1x80x128xf32, #tpu.memory_space<vmem>> -> memref<80x128xf32, #tpu.memory_space<vmem>>
        %dma_wait3A_120 = arith.constant 0 : i32
        %dma_wait3A_121 = tpu.memref_slice %arg11[%add3A_72, %dma_wait3A_120] : memref<10240x128xf32, #tpu.memory_space<vmem_shared>> -> memref<80x128xf32, #tpu.memory_space<vmem_shared>>
        %dma_wait3A_122 = arith.constant 0 : i32
        %dma_wait3A_123 = arith.constant 0 : i32
        %dma_wait3A_124 = tpu.memref_slice %arg10[%run_scoped3A_73, %dma_wait3A_122, %dma_wait3A_123] : memref<2x80x128xf32, #tpu.memory_space<vmem>> -> memref<1x80x128xf32, #tpu.memory_space<vmem>>
        %dma_wait3A_125 = tpu.memref_squeeze %dma_wait3A_124 : memref<1x80x128xf32, #tpu.memory_space<vmem>> -> memref<80x128xf32, #tpu.memory_space<vmem>>
        %dma_wait3A_126 = arith.constant 0 : i32
        %dma_wait3A_127 = tpu.memref_slice %arg11[%add3A_72, %dma_wait3A_126] : memref<10240x128xf32, #tpu.memory_space<vmem_shared>> -> memref<80x128xf32, #tpu.memory_space<vmem_shared>>
        tpu.wait_dma2 semaphore(%run_scoped3A_103 : memref<!tpu.dma_semaphore, #tpu.memory_space<semaphore_mem>>) src(%dma_wait3A_127 : memref<80x128xf32, #tpu.memory_space<vmem_shared>>) dst(%dma_wait3A_125 : memref<80x128xf32, #tpu.memory_space<vmem>>)
        tpu.yield
      }) : () -> ()
      %run_scoped3A_74 = arith.constant 0 : i32
      "tpu.region"() ({
        %run_scoped3A_103 = tpu.sem_alloc : memref<!tpu.dma_semaphore, #tpu.memory_space<semaphore_mem>>
        %dma_start3A_104 = arith.constant 0 : i32
        %dma_start3A_105 = arith.constant 0 : i32
        %dma_start3A_106 = tpu.memref_slice %arg10[%run_scoped3A_74, %dma_start3A_104, %dma_start3A_105] : memref<2x80x128xf32, #tpu.memory_space<vmem>> -> memref<1x80x128xf32, #tpu.memory_space<vmem>>
        %dma_start3A_107 = tpu.memref_squeeze %dma_start3A_106 : memref<1x80x128xf32, #tpu.memory_space<vmem>> -> memref<80x128xf32, #tpu.memory_space<vmem>>
        %dma_start3A_108 = arith.constant 0 : i32
        %dma_start3A_109 = tpu.memref_slice %arg7[%add3A_72, %dma_start3A_108] : memref<10240x128xf32, #tpu.memory_space<hbm>> -> memref<80x128xf32, #tpu.memory_space<hbm>>
        %dma_start3A_110 = arith.constant 0 : i32
        %dma_start3A_111 = tpu.memref_slice %arg7[%add3A_72, %dma_start3A_110] : memref<10240x128xf32, #tpu.memory_space<hbm>> -> memref<80x128xf32, #tpu.memory_space<hbm>>
        %dma_start3A_112 = arith.constant 0 : i32
        %dma_start3A_113 = arith.constant 0 : i32
        %dma_start3A_114 = tpu.memref_slice %arg10[%run_scoped3A_74, %dma_start3A_112, %dma_start3A_113] : memref<2x80x128xf32, #tpu.memory_space<vmem>> -> memref<1x80x128xf32, #tpu.memory_space<vmem>>
        %dma_start3A_115 = tpu.memref_squeeze %dma_start3A_114 : memref<1x80x128xf32, #tpu.memory_space<vmem>> -> memref<80x128xf32, #tpu.memory_space<vmem>>
        tpu.enqueue_dma source(%dma_start3A_115 : memref<80x128xf32, #tpu.memory_space<vmem>>) target(%dma_start3A_111 : memref<80x128xf32, #tpu.memory_space<hbm>>) target_semaphore(%run_scoped3A_103 : memref<!tpu.dma_semaphore, #tpu.memory_space<semaphore_mem>>)
        %dma_wait3A_116 = arith.constant 0 : i32
        %dma_wait3A_117 = arith.constant 0 : i32
        %dma_wait3A_118 = tpu.memref_slice %arg10[%run_scoped3A_74, %dma_wait3A_116, %dma_wait3A_117] : memref<2x80x128xf32, #tpu.memory_space<vmem>> -> memref<1x80x128xf32, #tpu.memory_space<vmem>>
        %dma_wait3A_119 = tpu.memref_squeeze %dma_wait3A_118 : memref<1x80x128xf32, #tpu.memory_space<vmem>> -> memref<80x128xf32, #tpu.memory_space<vmem>>
        %dma_wait3A_120 = arith.constant 0 : i32
        %dma_wait3A_121 = tpu.memref_slice %arg7[%add3A_72, %dma_wait3A_120] : memref<10240x128xf32, #tpu.memory_space<hbm>> -> memref<80x128xf32, #tpu.memory_space<hbm>>
        %dma_wait3A_122 = arith.constant 0 : i32
        %dma_wait3A_123 = tpu.memref_slice %arg7[%add3A_72, %dma_wait3A_122] : memref<10240x128xf32, #tpu.memory_space<hbm>> -> memref<80x128xf32, #tpu.memory_space<hbm>>
        %dma_wait3A_124 = arith.constant 0 : i32
        %dma_wait3A_125 = arith.constant 0 : i32
        %dma_wait3A_126 = tpu.memref_slice %arg10[%run_scoped3A_74, %dma_wait3A_124, %dma_wait3A_125] : memref<2x80x128xf32, #tpu.memory_space<vmem>> -> memref<1x80x128xf32, #tpu.memory_space<vmem>>
        %dma_wait3A_127 = tpu.memref_squeeze %dma_wait3A_126 : memref<1x80x128xf32, #tpu.memory_space<vmem>> -> memref<80x128xf32, #tpu.memory_space<vmem>>
        tpu.wait_dma2 semaphore(%run_scoped3A_103 : memref<!tpu.dma_semaphore, #tpu.memory_space<semaphore_mem>>) src(%dma_wait3A_127 : memref<80x128xf32, #tpu.memory_space<vmem>>) dst(%dma_wait3A_123 : memref<80x128xf32, #tpu.memory_space<hbm>>)
        tpu.yield
      }) : () -> ()
      %add3A_75 = arith.constant 80 : i32
      %add3A_76 = arith.addi %mul3A_2, %add3A_75 : i32
      %run_scoped3A_77 = arith.constant 0 : i32
      "tpu.region"() ({
        %run_scoped3A_103 = tpu.sem_alloc : memref<!tpu.dma_semaphore, #tpu.memory_space<semaphore_mem>>
        %dma_start3A_104 = arith.constant 0 : i32
        %dma_start3A_105 = arith.constant 0 : i32
        %dma_start3A_106 = tpu.memref_slice %arg10[%run_scoped3A_77, %dma_start3A_104, %dma_start3A_105] : memref<2x80x128xf32, #tpu.memory_space<vmem>> -> memref<1x80x128xf32, #tpu.memory_space<vmem>>
        %dma_start3A_107 = tpu.memref_squeeze %dma_start3A_106 : memref<1x80x128xf32, #tpu.memory_space<vmem>> -> memref<80x128xf32, #tpu.memory_space<vmem>>
        %dma_start3A_108 = arith.constant 0 : i32
        %dma_start3A_109 = tpu.memref_slice %arg11[%add3A_76, %dma_start3A_108] : memref<10240x128xf32, #tpu.memory_space<vmem_shared>> -> memref<80x128xf32, #tpu.memory_space<vmem_shared>>
        %dma_start3A_110 = arith.constant 0 : i32
        %dma_start3A_111 = arith.constant 0 : i32
        %dma_start3A_112 = tpu.memref_slice %arg10[%run_scoped3A_77, %dma_start3A_110, %dma_start3A_111] : memref<2x80x128xf32, #tpu.memory_space<vmem>> -> memref<1x80x128xf32, #tpu.memory_space<vmem>>
        %dma_start3A_113 = tpu.memref_squeeze %dma_start3A_112 : memref<1x80x128xf32, #tpu.memory_space<vmem>> -> memref<80x128xf32, #tpu.memory_space<vmem>>
        %dma_start3A_114 = arith.constant 0 : i32
        %dma_start3A_115 = tpu.memref_slice %arg11[%add3A_76, %dma_start3A_114] : memref<10240x128xf32, #tpu.memory_space<vmem_shared>> -> memref<80x128xf32, #tpu.memory_space<vmem_shared>>
        tpu.enqueue_dma source(%dma_start3A_115 : memref<80x128xf32, #tpu.memory_space<vmem_shared>>) target(%dma_start3A_113 : memref<80x128xf32, #tpu.memory_space<vmem>>) target_semaphore(%run_scoped3A_103 : memref<!tpu.dma_semaphore, #tpu.memory_space<semaphore_mem>>)
        %dma_wait3A_116 = arith.constant 0 : i32
        %dma_wait3A_117 = arith.constant 0 : i32
        %dma_wait3A_118 = tpu.memref_slice %arg10[%run_scoped3A_77, %dma_wait3A_116, %dma_wait3A_117] : memref<2x80x128xf32, #tpu.memory_space<vmem>> -> memref<1x80x128xf32, #tpu.memory_space<vmem>>
        %dma_wait3A_119 = tpu.memref_squeeze %dma_wait3A_118 : memref<1x80x128xf32, #tpu.memory_space<vmem>> -> memref<80x128xf32, #tpu.memory_space<vmem>>
        %dma_wait3A_120 = arith.constant 0 : i32
        %dma_wait3A_121 = tpu.memref_slice %arg11[%add3A_76, %dma_wait3A_120] : memref<10240x128xf32, #tpu.memory_space<vmem_shared>> -> memref<80x128xf32, #tpu.memory_space<vmem_shared>>
        %dma_wait3A_122 = arith.constant 0 : i32
        %dma_wait3A_123 = arith.constant 0 : i32
        %dma_wait3A_124 = tpu.memref_slice %arg10[%run_scoped3A_77, %dma_wait3A_122, %dma_wait3A_123] : memref<2x80x128xf32, #tpu.memory_space<vmem>> -> memref<1x80x128xf32, #tpu.memory_space<vmem>>
        %dma_wait3A_125 = tpu.memref_squeeze %dma_wait3A_124 : memref<1x80x128xf32, #tpu.memory_space<vmem>> -> memref<80x128xf32, #tpu.memory_space<vmem>>
        %dma_wait3A_126 = arith.constant 0 : i32
        %dma_wait3A_127 = tpu.memref_slice %arg11[%add3A_76, %dma_wait3A_126] : memref<10240x128xf32, #tpu.memory_space<vmem_shared>> -> memref<80x128xf32, #tpu.memory_space<vmem_shared>>
        tpu.wait_dma2 semaphore(%run_scoped3A_103 : memref<!tpu.dma_semaphore, #tpu.memory_space<semaphore_mem>>) src(%dma_wait3A_127 : memref<80x128xf32, #tpu.memory_space<vmem_shared>>) dst(%dma_wait3A_125 : memref<80x128xf32, #tpu.memory_space<vmem>>)
        tpu.yield
      }) : () -> ()
      %run_scoped3A_78 = arith.constant 0 : i32
      "tpu.region"() ({
        %run_scoped3A_103 = tpu.sem_alloc : memref<!tpu.dma_semaphore, #tpu.memory_space<semaphore_mem>>
        %dma_start3A_104 = arith.constant 0 : i32
        %dma_start3A_105 = arith.constant 0 : i32
        %dma_start3A_106 = tpu.memref_slice %arg10[%run_scoped3A_78, %dma_start3A_104, %dma_start3A_105] : memref<2x80x128xf32, #tpu.memory_space<vmem>> -> memref<1x80x128xf32, #tpu.memory_space<vmem>>
        %dma_start3A_107 = tpu.memref_squeeze %dma_start3A_106 : memref<1x80x128xf32, #tpu.memory_space<vmem>> -> memref<80x128xf32, #tpu.memory_space<vmem>>
        %dma_start3A_108 = arith.constant 0 : i32
        %dma_start3A_109 = tpu.memref_slice %arg7[%add3A_76, %dma_start3A_108] : memref<10240x128xf32, #tpu.memory_space<hbm>> -> memref<80x128xf32, #tpu.memory_space<hbm>>
        %dma_start3A_110 = arith.constant 0 : i32
        %dma_start3A_111 = tpu.memref_slice %arg7[%add3A_76, %dma_start3A_110] : memref<10240x128xf32, #tpu.memory_space<hbm>> -> memref<80x128xf32, #tpu.memory_space<hbm>>
        %dma_start3A_112 = arith.constant 0 : i32
        %dma_start3A_113 = arith.constant 0 : i32
        %dma_start3A_114 = tpu.memref_slice %arg10[%run_scoped3A_78, %dma_start3A_112, %dma_start3A_113] : memref<2x80x128xf32, #tpu.memory_space<vmem>> -> memref<1x80x128xf32, #tpu.memory_space<vmem>>
        %dma_start3A_115 = tpu.memref_squeeze %dma_start3A_114 : memref<1x80x128xf32, #tpu.memory_space<vmem>> -> memref<80x128xf32, #tpu.memory_space<vmem>>
        tpu.enqueue_dma source(%dma_start3A_115 : memref<80x128xf32, #tpu.memory_space<vmem>>) target(%dma_start3A_111 : memref<80x128xf32, #tpu.memory_space<hbm>>) target_semaphore(%run_scoped3A_103 : memref<!tpu.dma_semaphore, #tpu.memory_space<semaphore_mem>>)
        %dma_wait3A_116 = arith.constant 0 : i32
        %dma_wait3A_117 = arith.constant 0 : i32
        %dma_wait3A_118 = tpu.memref_slice %arg10[%run_scoped3A_78, %dma_wait3A_116, %dma_wait3A_117] : memref<2x80x128xf32, #tpu.memory_space<vmem>> -> memref<1x80x128xf32, #tpu.memory_space<vmem>>
        %dma_wait3A_119 = tpu.memref_squeeze %dma_wait3A_118 : memref<1x80x128xf32, #tpu.memory_space<vmem>> -> memref<80x128xf32, #tpu.memory_space<vmem>>
        %dma_wait3A_120 = arith.constant 0 : i32
        %dma_wait3A_121 = tpu.memref_slice %arg7[%add3A_76, %dma_wait3A_120] : memref<10240x128xf32, #tpu.memory_space<hbm>> -> memref<80x128xf32, #tpu.memory_space<hbm>>
        %dma_wait3A_122 = arith.constant 0 : i32
        %dma_wait3A_123 = tpu.memref_slice %arg7[%add3A_76, %dma_wait3A_122] : memref<10240x128xf32, #tpu.memory_space<hbm>> -> memref<80x128xf32, #tpu.memory_space<hbm>>
        %dma_wait3A_124 = arith.constant 0 : i32
        %dma_wait3A_125 = arith.constant 0 : i32
        %dma_wait3A_126 = tpu.memref_slice %arg10[%run_scoped3A_78, %dma_wait3A_124, %dma_wait3A_125] : memref<2x80x128xf32, #tpu.memory_space<vmem>> -> memref<1x80x128xf32, #tpu.memory_space<vmem>>
        %dma_wait3A_127 = tpu.memref_squeeze %dma_wait3A_126 : memref<1x80x128xf32, #tpu.memory_space<vmem>> -> memref<80x128xf32, #tpu.memory_space<vmem>>
        tpu.wait_dma2 semaphore(%run_scoped3A_103 : memref<!tpu.dma_semaphore, #tpu.memory_space<semaphore_mem>>) src(%dma_wait3A_127 : memref<80x128xf32, #tpu.memory_space<vmem>>) dst(%dma_wait3A_123 : memref<80x128xf32, #tpu.memory_space<hbm>>)
        tpu.yield
      }) : () -> ()
      %add3A_79 = arith.constant 160 : i32
      %add3A_80 = arith.addi %mul3A_2, %add3A_79 : i32
      %run_scoped3A_81 = arith.constant 0 : i32
      "tpu.region"() ({
        %run_scoped3A_103 = tpu.sem_alloc : memref<!tpu.dma_semaphore, #tpu.memory_space<semaphore_mem>>
        %dma_start3A_104 = arith.constant 0 : i32
        %dma_start3A_105 = arith.constant 0 : i32
        %dma_start3A_106 = tpu.memref_slice %arg10[%run_scoped3A_81, %dma_start3A_104, %dma_start3A_105] : memref<2x80x128xf32, #tpu.memory_space<vmem>> -> memref<1x80x128xf32, #tpu.memory_space<vmem>>
        %dma_start3A_107 = tpu.memref_squeeze %dma_start3A_106 : memref<1x80x128xf32, #tpu.memory_space<vmem>> -> memref<80x128xf32, #tpu.memory_space<vmem>>
        %dma_start3A_108 = arith.constant 0 : i32
        %dma_start3A_109 = tpu.memref_slice %arg11[%add3A_80, %dma_start3A_108] : memref<10240x128xf32, #tpu.memory_space<vmem_shared>> -> memref<80x128xf32, #tpu.memory_space<vmem_shared>>
        %dma_start3A_110 = arith.constant 0 : i32
        %dma_start3A_111 = arith.constant 0 : i32
        %dma_start3A_112 = tpu.memref_slice %arg10[%run_scoped3A_81, %dma_start3A_110, %dma_start3A_111] : memref<2x80x128xf32, #tpu.memory_space<vmem>> -> memref<1x80x128xf32, #tpu.memory_space<vmem>>
        %dma_start3A_113 = tpu.memref_squeeze %dma_start3A_112 : memref<1x80x128xf32, #tpu.memory_space<vmem>> -> memref<80x128xf32, #tpu.memory_space<vmem>>
        %dma_start3A_114 = arith.constant 0 : i32
        %dma_start3A_115 = tpu.memref_slice %arg11[%add3A_80, %dma_start3A_114] : memref<10240x128xf32, #tpu.memory_space<vmem_shared>> -> memref<80x128xf32, #tpu.memory_space<vmem_shared>>
        tpu.enqueue_dma source(%dma_start3A_115 : memref<80x128xf32, #tpu.memory_space<vmem_shared>>) target(%dma_start3A_113 : memref<80x128xf32, #tpu.memory_space<vmem>>) target_semaphore(%run_scoped3A_103 : memref<!tpu.dma_semaphore, #tpu.memory_space<semaphore_mem>>)
        %dma_wait3A_116 = arith.constant 0 : i32
        %dma_wait3A_117 = arith.constant 0 : i32
        %dma_wait3A_118 = tpu.memref_slice %arg10[%run_scoped3A_81, %dma_wait3A_116, %dma_wait3A_117] : memref<2x80x128xf32, #tpu.memory_space<vmem>> -> memref<1x80x128xf32, #tpu.memory_space<vmem>>
        %dma_wait3A_119 = tpu.memref_squeeze %dma_wait3A_118 : memref<1x80x128xf32, #tpu.memory_space<vmem>> -> memref<80x128xf32, #tpu.memory_space<vmem>>
        %dma_wait3A_120 = arith.constant 0 : i32
        %dma_wait3A_121 = tpu.memref_slice %arg11[%add3A_80, %dma_wait3A_120] : memref<10240x128xf32, #tpu.memory_space<vmem_shared>> -> memref<80x128xf32, #tpu.memory_space<vmem_shared>>
        %dma_wait3A_122 = arith.constant 0 : i32
        %dma_wait3A_123 = arith.constant 0 : i32
        %dma_wait3A_124 = tpu.memref_slice %arg10[%run_scoped3A_81, %dma_wait3A_122, %dma_wait3A_123] : memref<2x80x128xf32, #tpu.memory_space<vmem>> -> memref<1x80x128xf32, #tpu.memory_space<vmem>>
        %dma_wait3A_125 = tpu.memref_squeeze %dma_wait3A_124 : memref<1x80x128xf32, #tpu.memory_space<vmem>> -> memref<80x128xf32, #tpu.memory_space<vmem>>
        %dma_wait3A_126 = arith.constant 0 : i32
        %dma_wait3A_127 = tpu.memref_slice %arg11[%add3A_80, %dma_wait3A_126] : memref<10240x128xf32, #tpu.memory_space<vmem_shared>> -> memref<80x128xf32, #tpu.memory_space<vmem_shared>>
        tpu.wait_dma2 semaphore(%run_scoped3A_103 : memref<!tpu.dma_semaphore, #tpu.memory_space<semaphore_mem>>) src(%dma_wait3A_127 : memref<80x128xf32, #tpu.memory_space<vmem_shared>>) dst(%dma_wait3A_125 : memref<80x128xf32, #tpu.memory_space<vmem>>)
        tpu.yield
      }) : () -> ()
      %run_scoped3A_82 = arith.constant 0 : i32
      "tpu.region"() ({
        %run_scoped3A_103 = tpu.sem_alloc : memref<!tpu.dma_semaphore, #tpu.memory_space<semaphore_mem>>
        %dma_start3A_104 = arith.constant 0 : i32
        %dma_start3A_105 = arith.constant 0 : i32
        %dma_start3A_106 = tpu.memref_slice %arg10[%run_scoped3A_82, %dma_start3A_104, %dma_start3A_105] : memref<2x80x128xf32, #tpu.memory_space<vmem>> -> memref<1x80x128xf32, #tpu.memory_space<vmem>>
        %dma_start3A_107 = tpu.memref_squeeze %dma_start3A_106 : memref<1x80x128xf32, #tpu.memory_space<vmem>> -> memref<80x128xf32, #tpu.memory_space<vmem>>
        %dma_start3A_108 = arith.constant 0 : i32
        %dma_start3A_109 = tpu.memref_slice %arg7[%add3A_80, %dma_start3A_108] : memref<10240x128xf32, #tpu.memory_space<hbm>> -> memref<80x128xf32, #tpu.memory_space<hbm>>
        %dma_start3A_110 = arith.constant 0 : i32
        %dma_start3A_111 = tpu.memref_slice %arg7[%add3A_80, %dma_start3A_110] : memref<10240x128xf32, #tpu.memory_space<hbm>> -> memref<80x128xf32, #tpu.memory_space<hbm>>
        %dma_start3A_112 = arith.constant 0 : i32
        %dma_start3A_113 = arith.constant 0 : i32
        %dma_start3A_114 = tpu.memref_slice %arg10[%run_scoped3A_82, %dma_start3A_112, %dma_start3A_113] : memref<2x80x128xf32, #tpu.memory_space<vmem>> -> memref<1x80x128xf32, #tpu.memory_space<vmem>>
        %dma_start3A_115 = tpu.memref_squeeze %dma_start3A_114 : memref<1x80x128xf32, #tpu.memory_space<vmem>> -> memref<80x128xf32, #tpu.memory_space<vmem>>
        tpu.enqueue_dma source(%dma_start3A_115 : memref<80x128xf32, #tpu.memory_space<vmem>>) target(%dma_start3A_111 : memref<80x128xf32, #tpu.memory_space<hbm>>) target_semaphore(%run_scoped3A_103 : memref<!tpu.dma_semaphore, #tpu.memory_space<semaphore_mem>>)
        %dma_wait3A_116 = arith.constant 0 : i32
        %dma_wait3A_117 = arith.constant 0 : i32
        %dma_wait3A_118 = tpu.memref_slice %arg10[%run_scoped3A_82, %dma_wait3A_116, %dma_wait3A_117] : memref<2x80x128xf32, #tpu.memory_space<vmem>> -> memref<1x80x128xf32, #tpu.memory_space<vmem>>
        %dma_wait3A_119 = tpu.memref_squeeze %dma_wait3A_118 : memref<1x80x128xf32, #tpu.memory_space<vmem>> -> memref<80x128xf32, #tpu.memory_space<vmem>>
        %dma_wait3A_120 = arith.constant 0 : i32
        %dma_wait3A_121 = tpu.memref_slice %arg7[%add3A_80, %dma_wait3A_120] : memref<10240x128xf32, #tpu.memory_space<hbm>> -> memref<80x128xf32, #tpu.memory_space<hbm>>
        %dma_wait3A_122 = arith.constant 0 : i32
        %dma_wait3A_123 = tpu.memref_slice %arg7[%add3A_80, %dma_wait3A_122] : memref<10240x128xf32, #tpu.memory_space<hbm>> -> memref<80x128xf32, #tpu.memory_space<hbm>>
        %dma_wait3A_124 = arith.constant 0 : i32
        %dma_wait3A_125 = arith.constant 0 : i32
        %dma_wait3A_126 = tpu.memref_slice %arg10[%run_scoped3A_82, %dma_wait3A_124, %dma_wait3A_125] : memref<2x80x128xf32, #tpu.memory_space<vmem>> -> memref<1x80x128xf32, #tpu.memory_space<vmem>>
        %dma_wait3A_127 = tpu.memref_squeeze %dma_wait3A_126 : memref<1x80x128xf32, #tpu.memory_space<vmem>> -> memref<80x128xf32, #tpu.memory_space<vmem>>
        tpu.wait_dma2 semaphore(%run_scoped3A_103 : memref<!tpu.dma_semaphore, #tpu.memory_space<semaphore_mem>>) src(%dma_wait3A_127 : memref<80x128xf32, #tpu.memory_space<vmem>>) dst(%dma_wait3A_123 : memref<80x128xf32, #tpu.memory_space<hbm>>)
        tpu.yield
      }) : () -> ()
      %add3A_83 = arith.constant 240 : i32
      %add3A_84 = arith.addi %mul3A_2, %add3A_83 : i32
      %run_scoped3A_85 = arith.constant 0 : i32
      "tpu.region"() ({
        %run_scoped3A_103 = tpu.sem_alloc : memref<!tpu.dma_semaphore, #tpu.memory_space<semaphore_mem>>
        %dma_start3A_104 = arith.constant 0 : i32
        %dma_start3A_105 = arith.constant 0 : i32
        %dma_start3A_106 = tpu.memref_slice %arg10[%run_scoped3A_85, %dma_start3A_104, %dma_start3A_105] : memref<2x80x128xf32, #tpu.memory_space<vmem>> -> memref<1x80x128xf32, #tpu.memory_space<vmem>>
        %dma_start3A_107 = tpu.memref_squeeze %dma_start3A_106 : memref<1x80x128xf32, #tpu.memory_space<vmem>> -> memref<80x128xf32, #tpu.memory_space<vmem>>
        %dma_start3A_108 = arith.constant 0 : i32
        %dma_start3A_109 = tpu.memref_slice %arg11[%add3A_84, %dma_start3A_108] : memref<10240x128xf32, #tpu.memory_space<vmem_shared>> -> memref<80x128xf32, #tpu.memory_space<vmem_shared>>
        %dma_start3A_110 = arith.constant 0 : i32
        %dma_start3A_111 = arith.constant 0 : i32
        %dma_start3A_112 = tpu.memref_slice %arg10[%run_scoped3A_85, %dma_start3A_110, %dma_start3A_111] : memref<2x80x128xf32, #tpu.memory_space<vmem>> -> memref<1x80x128xf32, #tpu.memory_space<vmem>>
        %dma_start3A_113 = tpu.memref_squeeze %dma_start3A_112 : memref<1x80x128xf32, #tpu.memory_space<vmem>> -> memref<80x128xf32, #tpu.memory_space<vmem>>
        %dma_start3A_114 = arith.constant 0 : i32
        %dma_start3A_115 = tpu.memref_slice %arg11[%add3A_84, %dma_start3A_114] : memref<10240x128xf32, #tpu.memory_space<vmem_shared>> -> memref<80x128xf32, #tpu.memory_space<vmem_shared>>
        tpu.enqueue_dma source(%dma_start3A_115 : memref<80x128xf32, #tpu.memory_space<vmem_shared>>) target(%dma_start3A_113 : memref<80x128xf32, #tpu.memory_space<vmem>>) target_semaphore(%run_scoped3A_103 : memref<!tpu.dma_semaphore, #tpu.memory_space<semaphore_mem>>)
        %dma_wait3A_116 = arith.constant 0 : i32
        %dma_wait3A_117 = arith.constant 0 : i32
        %dma_wait3A_118 = tpu.memref_slice %arg10[%run_scoped3A_85, %dma_wait3A_116, %dma_wait3A_117] : memref<2x80x128xf32, #tpu.memory_space<vmem>> -> memref<1x80x128xf32, #tpu.memory_space<vmem>>
        %dma_wait3A_119 = tpu.memref_squeeze %dma_wait3A_118 : memref<1x80x128xf32, #tpu.memory_space<vmem>> -> memref<80x128xf32, #tpu.memory_space<vmem>>
        %dma_wait3A_120 = arith.constant 0 : i32
        %dma_wait3A_121 = tpu.memref_slice %arg11[%add3A_84, %dma_wait3A_120] : memref<10240x128xf32, #tpu.memory_space<vmem_shared>> -> memref<80x128xf32, #tpu.memory_space<vmem_shared>>
        %dma_wait3A_122 = arith.constant 0 : i32
        %dma_wait3A_123 = arith.constant 0 : i32
        %dma_wait3A_124 = tpu.memref_slice %arg10[%run_scoped3A_85, %dma_wait3A_122, %dma_wait3A_123] : memref<2x80x128xf32, #tpu.memory_space<vmem>> -> memref<1x80x128xf32, #tpu.memory_space<vmem>>
        %dma_wait3A_125 = tpu.memref_squeeze %dma_wait3A_124 : memref<1x80x128xf32, #tpu.memory_space<vmem>> -> memref<80x128xf32, #tpu.memory_space<vmem>>
        %dma_wait3A_126 = arith.constant 0 : i32
        %dma_wait3A_127 = tpu.memref_slice %arg11[%add3A_84, %dma_wait3A_126] : memref<10240x128xf32, #tpu.memory_space<vmem_shared>> -> memref<80x128xf32, #tpu.memory_space<vmem_shared>>
        tpu.wait_dma2 semaphore(%run_scoped3A_103 : memref<!tpu.dma_semaphore, #tpu.memory_space<semaphore_mem>>) src(%dma_wait3A_127 : memref<80x128xf32, #tpu.memory_space<vmem_shared>>) dst(%dma_wait3A_125 : memref<80x128xf32, #tpu.memory_space<vmem>>)
        tpu.yield
      }) : () -> ()
      %run_scoped3A_86 = arith.constant 0 : i32
      "tpu.region"() ({
        %run_scoped3A_103 = tpu.sem_alloc : memref<!tpu.dma_semaphore, #tpu.memory_space<semaphore_mem>>
        %dma_start3A_104 = arith.constant 0 : i32
        %dma_start3A_105 = arith.constant 0 : i32
        %dma_start3A_106 = tpu.memref_slice %arg10[%run_scoped3A_86, %dma_start3A_104, %dma_start3A_105] : memref<2x80x128xf32, #tpu.memory_space<vmem>> -> memref<1x80x128xf32, #tpu.memory_space<vmem>>
        %dma_start3A_107 = tpu.memref_squeeze %dma_start3A_106 : memref<1x80x128xf32, #tpu.memory_space<vmem>> -> memref<80x128xf32, #tpu.memory_space<vmem>>
        %dma_start3A_108 = arith.constant 0 : i32
        %dma_start3A_109 = tpu.memref_slice %arg7[%add3A_84, %dma_start3A_108] : memref<10240x128xf32, #tpu.memory_space<hbm>> -> memref<80x128xf32, #tpu.memory_space<hbm>>
        %dma_start3A_110 = arith.constant 0 : i32
        %dma_start3A_111 = tpu.memref_slice %arg7[%add3A_84, %dma_start3A_110] : memref<10240x128xf32, #tpu.memory_space<hbm>> -> memref<80x128xf32, #tpu.memory_space<hbm>>
        %dma_start3A_112 = arith.constant 0 : i32
        %dma_start3A_113 = arith.constant 0 : i32
        %dma_start3A_114 = tpu.memref_slice %arg10[%run_scoped3A_86, %dma_start3A_112, %dma_start3A_113] : memref<2x80x128xf32, #tpu.memory_space<vmem>> -> memref<1x80x128xf32, #tpu.memory_space<vmem>>
        %dma_start3A_115 = tpu.memref_squeeze %dma_start3A_114 : memref<1x80x128xf32, #tpu.memory_space<vmem>> -> memref<80x128xf32, #tpu.memory_space<vmem>>
        tpu.enqueue_dma source(%dma_start3A_115 : memref<80x128xf32, #tpu.memory_space<vmem>>) target(%dma_start3A_111 : memref<80x128xf32, #tpu.memory_space<hbm>>) target_semaphore(%run_scoped3A_103 : memref<!tpu.dma_semaphore, #tpu.memory_space<semaphore_mem>>)
        %dma_wait3A_116 = arith.constant 0 : i32
        %dma_wait3A_117 = arith.constant 0 : i32
        %dma_wait3A_118 = tpu.memref_slice %arg10[%run_scoped3A_86, %dma_wait3A_116, %dma_wait3A_117] : memref<2x80x128xf32, #tpu.memory_space<vmem>> -> memref<1x80x128xf32, #tpu.memory_space<vmem>>
        %dma_wait3A_119 = tpu.memref_squeeze %dma_wait3A_118 : memref<1x80x128xf32, #tpu.memory_space<vmem>> -> memref<80x128xf32, #tpu.memory_space<vmem>>
        %dma_wait3A_120 = arith.constant 0 : i32
        %dma_wait3A_121 = tpu.memref_slice %arg7[%add3A_84, %dma_wait3A_120] : memref<10240x128xf32, #tpu.memory_space<hbm>> -> memref<80x128xf32, #tpu.memory_space<hbm>>
        %dma_wait3A_122 = arith.constant 0 : i32
        %dma_wait3A_123 = tpu.memref_slice %arg7[%add3A_84, %dma_wait3A_122] : memref<10240x128xf32, #tpu.memory_space<hbm>> -> memref<80x128xf32, #tpu.memory_space<hbm>>
        %dma_wait3A_124 = arith.constant 0 : i32
        %dma_wait3A_125 = arith.constant 0 : i32
        %dma_wait3A_126 = tpu.memref_slice %arg10[%run_scoped3A_86, %dma_wait3A_124, %dma_wait3A_125] : memref<2x80x128xf32, #tpu.memory_space<vmem>> -> memref<1x80x128xf32, #tpu.memory_space<vmem>>
        %dma_wait3A_127 = tpu.memref_squeeze %dma_wait3A_126 : memref<1x80x128xf32, #tpu.memory_space<vmem>> -> memref<80x128xf32, #tpu.memory_space<vmem>>
        tpu.wait_dma2 semaphore(%run_scoped3A_103 : memref<!tpu.dma_semaphore, #tpu.memory_space<semaphore_mem>>) src(%dma_wait3A_127 : memref<80x128xf32, #tpu.memory_space<vmem>>) dst(%dma_wait3A_123 : memref<80x128xf32, #tpu.memory_space<hbm>>)
        tpu.yield
      }) : () -> ()
      %add3A_87 = arith.constant 320 : i32
      %add3A_88 = arith.addi %mul3A_2, %add3A_87 : i32
      %run_scoped3A_89 = arith.constant 0 : i32
      "tpu.region"() ({
        %run_scoped3A_103 = tpu.sem_alloc : memref<!tpu.dma_semaphore, #tpu.memory_space<semaphore_mem>>
        %dma_start3A_104 = arith.constant 0 : i32
        %dma_start3A_105 = arith.constant 0 : i32
        %dma_start3A_106 = tpu.memref_slice %arg10[%run_scoped3A_89, %dma_start3A_104, %dma_start3A_105] : memref<2x80x128xf32, #tpu.memory_space<vmem>> -> memref<1x80x128xf32, #tpu.memory_space<vmem>>
        %dma_start3A_107 = tpu.memref_squeeze %dma_start3A_106 : memref<1x80x128xf32, #tpu.memory_space<vmem>> -> memref<80x128xf32, #tpu.memory_space<vmem>>
        %dma_start3A_108 = arith.constant 0 : i32
        %dma_start3A_109 = tpu.memref_slice %arg11[%add3A_88, %dma_start3A_108] : memref<10240x128xf32, #tpu.memory_space<vmem_shared>> -> memref<80x128xf32, #tpu.memory_space<vmem_shared>>
        %dma_start3A_110 = arith.constant 0 : i32
        %dma_start3A_111 = arith.constant 0 : i32
        %dma_start3A_112 = tpu.memref_slice %arg10[%run_scoped3A_89, %dma_start3A_110, %dma_start3A_111] : memref<2x80x128xf32, #tpu.memory_space<vmem>> -> memref<1x80x128xf32, #tpu.memory_space<vmem>>
        %dma_start3A_113 = tpu.memref_squeeze %dma_start3A_112 : memref<1x80x128xf32, #tpu.memory_space<vmem>> -> memref<80x128xf32, #tpu.memory_space<vmem>>
        %dma_start3A_114 = arith.constant 0 : i32
        %dma_start3A_115 = tpu.memref_slice %arg11[%add3A_88, %dma_start3A_114] : memref<10240x128xf32, #tpu.memory_space<vmem_shared>> -> memref<80x128xf32, #tpu.memory_space<vmem_shared>>
        tpu.enqueue_dma source(%dma_start3A_115 : memref<80x128xf32, #tpu.memory_space<vmem_shared>>) target(%dma_start3A_113 : memref<80x128xf32, #tpu.memory_space<vmem>>) target_semaphore(%run_scoped3A_103 : memref<!tpu.dma_semaphore, #tpu.memory_space<semaphore_mem>>)
        %dma_wait3A_116 = arith.constant 0 : i32
        %dma_wait3A_117 = arith.constant 0 : i32
        %dma_wait3A_118 = tpu.memref_slice %arg10[%run_scoped3A_89, %dma_wait3A_116, %dma_wait3A_117] : memref<2x80x128xf32, #tpu.memory_space<vmem>> -> memref<1x80x128xf32, #tpu.memory_space<vmem>>
        %dma_wait3A_119 = tpu.memref_squeeze %dma_wait3A_118 : memref<1x80x128xf32, #tpu.memory_space<vmem>> -> memref<80x128xf32, #tpu.memory_space<vmem>>
        %dma_wait3A_120 = arith.constant 0 : i32
        %dma_wait3A_121 = tpu.memref_slice %arg11[%add3A_88, %dma_wait3A_120] : memref<10240x128xf32, #tpu.memory_space<vmem_shared>> -> memref<80x128xf32, #tpu.memory_space<vmem_shared>>
        %dma_wait3A_122 = arith.constant 0 : i32
        %dma_wait3A_123 = arith.constant 0 : i32
        %dma_wait3A_124 = tpu.memref_slice %arg10[%run_scoped3A_89, %dma_wait3A_122, %dma_wait3A_123] : memref<2x80x128xf32, #tpu.memory_space<vmem>> -> memref<1x80x128xf32, #tpu.memory_space<vmem>>
        %dma_wait3A_125 = tpu.memref_squeeze %dma_wait3A_124 : memref<1x80x128xf32, #tpu.memory_space<vmem>> -> memref<80x128xf32, #tpu.memory_space<vmem>>
        %dma_wait3A_126 = arith.constant 0 : i32
        %dma_wait3A_127 = tpu.memref_slice %arg11[%add3A_88, %dma_wait3A_126] : memref<10240x128xf32, #tpu.memory_space<vmem_shared>> -> memref<80x128xf32, #tpu.memory_space<vmem_shared>>
        tpu.wait_dma2 semaphore(%run_scoped3A_103 : memref<!tpu.dma_semaphore, #tpu.memory_space<semaphore_mem>>) src(%dma_wait3A_127 : memref<80x128xf32, #tpu.memory_space<vmem_shared>>) dst(%dma_wait3A_125 : memref<80x128xf32, #tpu.memory_space<vmem>>)
        tpu.yield
      }) : () -> ()
      %run_scoped3A_90 = arith.constant 0 : i32
      "tpu.region"() ({
        %run_scoped3A_103 = tpu.sem_alloc : memref<!tpu.dma_semaphore, #tpu.memory_space<semaphore_mem>>
        %dma_start3A_104 = arith.constant 0 : i32
        %dma_start3A_105 = arith.constant 0 : i32
        %dma_start3A_106 = tpu.memref_slice %arg10[%run_scoped3A_90, %dma_start3A_104, %dma_start3A_105] : memref<2x80x128xf32, #tpu.memory_space<vmem>> -> memref<1x80x128xf32, #tpu.memory_space<vmem>>
        %dma_start3A_107 = tpu.memref_squeeze %dma_start3A_106 : memref<1x80x128xf32, #tpu.memory_space<vmem>> -> memref<80x128xf32, #tpu.memory_space<vmem>>
        %dma_start3A_108 = arith.constant 0 : i32
        %dma_start3A_109 = tpu.memref_slice %arg7[%add3A_88, %dma_start3A_108] : memref<10240x128xf32, #tpu.memory_space<hbm>> -> memref<80x128xf32, #tpu.memory_space<hbm>>
        %dma_start3A_110 = arith.constant 0 : i32
        %dma_start3A_111 = tpu.memref_slice %arg7[%add3A_88, %dma_start3A_110] : memref<10240x128xf32, #tpu.memory_space<hbm>> -> memref<80x128xf32, #tpu.memory_space<hbm>>
        %dma_start3A_112 = arith.constant 0 : i32
        %dma_start3A_113 = arith.constant 0 : i32
        %dma_start3A_114 = tpu.memref_slice %arg10[%run_scoped3A_90, %dma_start3A_112, %dma_start3A_113] : memref<2x80x128xf32, #tpu.memory_space<vmem>> -> memref<1x80x128xf32, #tpu.memory_space<vmem>>
        %dma_start3A_115 = tpu.memref_squeeze %dma_start3A_114 : memref<1x80x128xf32, #tpu.memory_space<vmem>> -> memref<80x128xf32, #tpu.memory_space<vmem>>
        tpu.enqueue_dma source(%dma_start3A_115 : memref<80x128xf32, #tpu.memory_space<vmem>>) target(%dma_start3A_111 : memref<80x128xf32, #tpu.memory_space<hbm>>) target_semaphore(%run_scoped3A_103 : memref<!tpu.dma_semaphore, #tpu.memory_space<semaphore_mem>>)
        %dma_wait3A_116 = arith.constant 0 : i32
        %dma_wait3A_117 = arith.constant 0 : i32
        %dma_wait3A_118 = tpu.memref_slice %arg10[%run_scoped3A_90, %dma_wait3A_116, %dma_wait3A_117] : memref<2x80x128xf32, #tpu.memory_space<vmem>> -> memref<1x80x128xf32, #tpu.memory_space<vmem>>
        %dma_wait3A_119 = tpu.memref_squeeze %dma_wait3A_118 : memref<1x80x128xf32, #tpu.memory_space<vmem>> -> memref<80x128xf32, #tpu.memory_space<vmem>>
        %dma_wait3A_120 = arith.constant 0 : i32
        %dma_wait3A_121 = tpu.memref_slice %arg7[%add3A_88, %dma_wait3A_120] : memref<10240x128xf32, #tpu.memory_space<hbm>> -> memref<80x128xf32, #tpu.memory_space<hbm>>
        %dma_wait3A_122 = arith.constant 0 : i32
        %dma_wait3A_123 = tpu.memref_slice %arg7[%add3A_88, %dma_wait3A_122] : memref<10240x128xf32, #tpu.memory_space<hbm>> -> memref<80x128xf32, #tpu.memory_space<hbm>>
        %dma_wait3A_124 = arith.constant 0 : i32
        %dma_wait3A_125 = arith.constant 0 : i32
        %dma_wait3A_126 = tpu.memref_slice %arg10[%run_scoped3A_90, %dma_wait3A_124, %dma_wait3A_125] : memref<2x80x128xf32, #tpu.memory_space<vmem>> -> memref<1x80x128xf32, #tpu.memory_space<vmem>>
        %dma_wait3A_127 = tpu.memref_squeeze %dma_wait3A_126 : memref<1x80x128xf32, #tpu.memory_space<vmem>> -> memref<80x128xf32, #tpu.memory_space<vmem>>
        tpu.wait_dma2 semaphore(%run_scoped3A_103 : memref<!tpu.dma_semaphore, #tpu.memory_space<semaphore_mem>>) src(%dma_wait3A_127 : memref<80x128xf32, #tpu.memory_space<vmem>>) dst(%dma_wait3A_123 : memref<80x128xf32, #tpu.memory_space<hbm>>)
        tpu.yield
      }) : () -> ()
      %add3A_91 = arith.constant 400 : i32
      %add3A_92 = arith.addi %mul3A_2, %add3A_91 : i32
      %run_scoped3A_93 = arith.constant 0 : i32
      "tpu.region"() ({
        %run_scoped3A_103 = tpu.sem_alloc : memref<!tpu.dma_semaphore, #tpu.memory_space<semaphore_mem>>
        %dma_start3A_104 = arith.constant 0 : i32
        %dma_start3A_105 = arith.constant 0 : i32
        %dma_start3A_106 = tpu.memref_slice %arg10[%run_scoped3A_93, %dma_start3A_104, %dma_start3A_105] : memref<2x80x128xf32, #tpu.memory_space<vmem>> -> memref<1x80x128xf32, #tpu.memory_space<vmem>>
        %dma_start3A_107 = tpu.memref_squeeze %dma_start3A_106 : memref<1x80x128xf32, #tpu.memory_space<vmem>> -> memref<80x128xf32, #tpu.memory_space<vmem>>
        %dma_start3A_108 = arith.constant 0 : i32
        %dma_start3A_109 = tpu.memref_slice %arg11[%add3A_92, %dma_start3A_108] : memref<10240x128xf32, #tpu.memory_space<vmem_shared>> -> memref<80x128xf32, #tpu.memory_space<vmem_shared>>
        %dma_start3A_110 = arith.constant 0 : i32
        %dma_start3A_111 = arith.constant 0 : i32
        %dma_start3A_112 = tpu.memref_slice %arg10[%run_scoped3A_93, %dma_start3A_110, %dma_start3A_111] : memref<2x80x128xf32, #tpu.memory_space<vmem>> -> memref<1x80x128xf32, #tpu.memory_space<vmem>>
        %dma_start3A_113 = tpu.memref_squeeze %dma_start3A_112 : memref<1x80x128xf32, #tpu.memory_space<vmem>> -> memref<80x128xf32, #tpu.memory_space<vmem>>
        %dma_start3A_114 = arith.constant 0 : i32
        %dma_start3A_115 = tpu.memref_slice %arg11[%add3A_92, %dma_start3A_114] : memref<10240x128xf32, #tpu.memory_space<vmem_shared>> -> memref<80x128xf32, #tpu.memory_space<vmem_shared>>
        tpu.enqueue_dma source(%dma_start3A_115 : memref<80x128xf32, #tpu.memory_space<vmem_shared>>) target(%dma_start3A_113 : memref<80x128xf32, #tpu.memory_space<vmem>>) target_semaphore(%run_scoped3A_103 : memref<!tpu.dma_semaphore, #tpu.memory_space<semaphore_mem>>)
        %dma_wait3A_116 = arith.constant 0 : i32
        %dma_wait3A_117 = arith.constant 0 : i32
        %dma_wait3A_118 = tpu.memref_slice %arg10[%run_scoped3A_93, %dma_wait3A_116, %dma_wait3A_117] : memref<2x80x128xf32, #tpu.memory_space<vmem>> -> memref<1x80x128xf32, #tpu.memory_space<vmem>>
        %dma_wait3A_119 = tpu.memref_squeeze %dma_wait3A_118 : memref<1x80x128xf32, #tpu.memory_space<vmem>> -> memref<80x128xf32, #tpu.memory_space<vmem>>
        %dma_wait3A_120 = arith.constant 0 : i32
        %dma_wait3A_121 = tpu.memref_slice %arg11[%add3A_92, %dma_wait3A_120] : memref<10240x128xf32, #tpu.memory_space<vmem_shared>> -> memref<80x128xf32, #tpu.memory_space<vmem_shared>>
        %dma_wait3A_122 = arith.constant 0 : i32
        %dma_wait3A_123 = arith.constant 0 : i32
        %dma_wait3A_124 = tpu.memref_slice %arg10[%run_scoped3A_93, %dma_wait3A_122, %dma_wait3A_123] : memref<2x80x128xf32, #tpu.memory_space<vmem>> -> memref<1x80x128xf32, #tpu.memory_space<vmem>>
        %dma_wait3A_125 = tpu.memref_squeeze %dma_wait3A_124 : memref<1x80x128xf32, #tpu.memory_space<vmem>> -> memref<80x128xf32, #tpu.memory_space<vmem>>
        %dma_wait3A_126 = arith.constant 0 : i32
        %dma_wait3A_127 = tpu.memref_slice %arg11[%add3A_92, %dma_wait3A_126] : memref<10240x128xf32, #tpu.memory_space<vmem_shared>> -> memref<80x128xf32, #tpu.memory_space<vmem_shared>>
        tpu.wait_dma2 semaphore(%run_scoped3A_103 : memref<!tpu.dma_semaphore, #tpu.memory_space<semaphore_mem>>) src(%dma_wait3A_127 : memref<80x128xf32, #tpu.memory_space<vmem_shared>>) dst(%dma_wait3A_125 : memref<80x128xf32, #tpu.memory_space<vmem>>)
        tpu.yield
      }) : () -> ()
      %run_scoped3A_94 = arith.constant 0 : i32
      "tpu.region"() ({
        %run_scoped3A_103 = tpu.sem_alloc : memref<!tpu.dma_semaphore, #tpu.memory_space<semaphore_mem>>
        %dma_start3A_104 = arith.constant 0 : i32
        %dma_start3A_105 = arith.constant 0 : i32
        %dma_start3A_106 = tpu.memref_slice %arg10[%run_scoped3A_94, %dma_start3A_104, %dma_start3A_105] : memref<2x80x128xf32, #tpu.memory_space<vmem>> -> memref<1x80x128xf32, #tpu.memory_space<vmem>>
        %dma_start3A_107 = tpu.memref_squeeze %dma_start3A_106 : memref<1x80x128xf32, #tpu.memory_space<vmem>> -> memref<80x128xf32, #tpu.memory_space<vmem>>
        %dma_start3A_108 = arith.constant 0 : i32
        %dma_start3A_109 = tpu.memref_slice %arg7[%add3A_92, %dma_start3A_108] : memref<10240x128xf32, #tpu.memory_space<hbm>> -> memref<80x128xf32, #tpu.memory_space<hbm>>
        %dma_start3A_110 = arith.constant 0 : i32
        %dma_start3A_111 = tpu.memref_slice %arg7[%add3A_92, %dma_start3A_110] : memref<10240x128xf32, #tpu.memory_space<hbm>> -> memref<80x128xf32, #tpu.memory_space<hbm>>
        %dma_start3A_112 = arith.constant 0 : i32
        %dma_start3A_113 = arith.constant 0 : i32
        %dma_start3A_114 = tpu.memref_slice %arg10[%run_scoped3A_94, %dma_start3A_112, %dma_start3A_113] : memref<2x80x128xf32, #tpu.memory_space<vmem>> -> memref<1x80x128xf32, #tpu.memory_space<vmem>>
        %dma_start3A_115 = tpu.memref_squeeze %dma_start3A_114 : memref<1x80x128xf32, #tpu.memory_space<vmem>> -> memref<80x128xf32, #tpu.memory_space<vmem>>
        tpu.enqueue_dma source(%dma_start3A_115 : memref<80x128xf32, #tpu.memory_space<vmem>>) target(%dma_start3A_111 : memref<80x128xf32, #tpu.memory_space<hbm>>) target_semaphore(%run_scoped3A_103 : memref<!tpu.dma_semaphore, #tpu.memory_space<semaphore_mem>>)
        %dma_wait3A_116 = arith.constant 0 : i32
        %dma_wait3A_117 = arith.constant 0 : i32
        %dma_wait3A_118 = tpu.memref_slice %arg10[%run_scoped3A_94, %dma_wait3A_116, %dma_wait3A_117] : memref<2x80x128xf32, #tpu.memory_space<vmem>> -> memref<1x80x128xf32, #tpu.memory_space<vmem>>
        %dma_wait3A_119 = tpu.memref_squeeze %dma_wait3A_118 : memref<1x80x128xf32, #tpu.memory_space<vmem>> -> memref<80x128xf32, #tpu.memory_space<vmem>>
        %dma_wait3A_120 = arith.constant 0 : i32
        %dma_wait3A_121 = tpu.memref_slice %arg7[%add3A_92, %dma_wait3A_120] : memref<10240x128xf32, #tpu.memory_space<hbm>> -> memref<80x128xf32, #tpu.memory_space<hbm>>
        %dma_wait3A_122 = arith.constant 0 : i32
        %dma_wait3A_123 = tpu.memref_slice %arg7[%add3A_92, %dma_wait3A_122] : memref<10240x128xf32, #tpu.memory_space<hbm>> -> memref<80x128xf32, #tpu.memory_space<hbm>>
        %dma_wait3A_124 = arith.constant 0 : i32
        %dma_wait3A_125 = arith.constant 0 : i32
        %dma_wait3A_126 = tpu.memref_slice %arg10[%run_scoped3A_94, %dma_wait3A_124, %dma_wait3A_125] : memref<2x80x128xf32, #tpu.memory_space<vmem>> -> memref<1x80x128xf32, #tpu.memory_space<vmem>>
        %dma_wait3A_127 = tpu.memref_squeeze %dma_wait3A_126 : memref<1x80x128xf32, #tpu.memory_space<vmem>> -> memref<80x128xf32, #tpu.memory_space<vmem>>
        tpu.wait_dma2 semaphore(%run_scoped3A_103 : memref<!tpu.dma_semaphore, #tpu.memory_space<semaphore_mem>>) src(%dma_wait3A_127 : memref<80x128xf32, #tpu.memory_space<vmem>>) dst(%dma_wait3A_123 : memref<80x128xf32, #tpu.memory_space<hbm>>)
        tpu.yield
      }) : () -> ()
      %add3A_95 = arith.constant 480 : i32
      %add3A_96 = arith.addi %mul3A_2, %add3A_95 : i32
      %run_scoped3A_97 = arith.constant 0 : i32
      "tpu.region"() ({
        %run_scoped3A_103 = tpu.sem_alloc : memref<!tpu.dma_semaphore, #tpu.memory_space<semaphore_mem>>
        %dma_start3A_104 = arith.constant 0 : i32
        %dma_start3A_105 = arith.constant 0 : i32
        %dma_start3A_106 = tpu.memref_slice %arg10[%run_scoped3A_97, %dma_start3A_104, %dma_start3A_105] : memref<2x80x128xf32, #tpu.memory_space<vmem>> -> memref<1x80x128xf32, #tpu.memory_space<vmem>>
        %dma_start3A_107 = tpu.memref_squeeze %dma_start3A_106 : memref<1x80x128xf32, #tpu.memory_space<vmem>> -> memref<80x128xf32, #tpu.memory_space<vmem>>
        %dma_start3A_108 = arith.constant 0 : i32
        %dma_start3A_109 = tpu.memref_slice %arg11[%add3A_96, %dma_start3A_108] : memref<10240x128xf32, #tpu.memory_space<vmem_shared>> -> memref<80x128xf32, #tpu.memory_space<vmem_shared>>
        %dma_start3A_110 = arith.constant 0 : i32
        %dma_start3A_111 = arith.constant 0 : i32
        %dma_start3A_112 = tpu.memref_slice %arg10[%run_scoped3A_97, %dma_start3A_110, %dma_start3A_111] : memref<2x80x128xf32, #tpu.memory_space<vmem>> -> memref<1x80x128xf32, #tpu.memory_space<vmem>>
        %dma_start3A_113 = tpu.memref_squeeze %dma_start3A_112 : memref<1x80x128xf32, #tpu.memory_space<vmem>> -> memref<80x128xf32, #tpu.memory_space<vmem>>
        %dma_start3A_114 = arith.constant 0 : i32
        %dma_start3A_115 = tpu.memref_slice %arg11[%add3A_96, %dma_start3A_114] : memref<10240x128xf32, #tpu.memory_space<vmem_shared>> -> memref<80x128xf32, #tpu.memory_space<vmem_shared>>
        tpu.enqueue_dma source(%dma_start3A_115 : memref<80x128xf32, #tpu.memory_space<vmem_shared>>) target(%dma_start3A_113 : memref<80x128xf32, #tpu.memory_space<vmem>>) target_semaphore(%run_scoped3A_103 : memref<!tpu.dma_semaphore, #tpu.memory_space<semaphore_mem>>)
        %dma_wait3A_116 = arith.constant 0 : i32
        %dma_wait3A_117 = arith.constant 0 : i32
        %dma_wait3A_118 = tpu.memref_slice %arg10[%run_scoped3A_97, %dma_wait3A_116, %dma_wait3A_117] : memref<2x80x128xf32, #tpu.memory_space<vmem>> -> memref<1x80x128xf32, #tpu.memory_space<vmem>>
        %dma_wait3A_119 = tpu.memref_squeeze %dma_wait3A_118 : memref<1x80x128xf32, #tpu.memory_space<vmem>> -> memref<80x128xf32, #tpu.memory_space<vmem>>
        %dma_wait3A_120 = arith.constant 0 : i32
        %dma_wait3A_121 = tpu.memref_slice %arg11[%add3A_96, %dma_wait3A_120] : memref<10240x128xf32, #tpu.memory_space<vmem_shared>> -> memref<80x128xf32, #tpu.memory_space<vmem_shared>>
        %dma_wait3A_122 = arith.constant 0 : i32
        %dma_wait3A_123 = arith.constant 0 : i32
        %dma_wait3A_124 = tpu.memref_slice %arg10[%run_scoped3A_97, %dma_wait3A_122, %dma_wait3A_123] : memref<2x80x128xf32, #tpu.memory_space<vmem>> -> memref<1x80x128xf32, #tpu.memory_space<vmem>>
        %dma_wait3A_125 = tpu.memref_squeeze %dma_wait3A_124 : memref<1x80x128xf32, #tpu.memory_space<vmem>> -> memref<80x128xf32, #tpu.memory_space<vmem>>
        %dma_wait3A_126 = arith.constant 0 : i32
        %dma_wait3A_127 = tpu.memref_slice %arg11[%add3A_96, %dma_wait3A_126] : memref<10240x128xf32, #tpu.memory_space<vmem_shared>> -> memref<80x128xf32, #tpu.memory_space<vmem_shared>>
        tpu.wait_dma2 semaphore(%run_scoped3A_103 : memref<!tpu.dma_semaphore, #tpu.memory_space<semaphore_mem>>) src(%dma_wait3A_127 : memref<80x128xf32, #tpu.memory_space<vmem_shared>>) dst(%dma_wait3A_125 : memref<80x128xf32, #tpu.memory_space<vmem>>)
        tpu.yield
      }) : () -> ()
      %run_scoped3A_98 = arith.constant 0 : i32
      "tpu.region"() ({
        %run_scoped3A_103 = tpu.sem_alloc : memref<!tpu.dma_semaphore, #tpu.memory_space<semaphore_mem>>
        %dma_start3A_104 = arith.constant 0 : i32
        %dma_start3A_105 = arith.constant 0 : i32
        %dma_start3A_106 = tpu.memref_slice %arg10[%run_scoped3A_98, %dma_start3A_104, %dma_start3A_105] : memref<2x80x128xf32, #tpu.memory_space<vmem>> -> memref<1x80x128xf32, #tpu.memory_space<vmem>>
        %dma_start3A_107 = tpu.memref_squeeze %dma_start3A_106 : memref<1x80x128xf32, #tpu.memory_space<vmem>> -> memref<80x128xf32, #tpu.memory_space<vmem>>
        %dma_start3A_108 = arith.constant 0 : i32
        %dma_start3A_109 = tpu.memref_slice %arg7[%add3A_96, %dma_start3A_108] : memref<10240x128xf32, #tpu.memory_space<hbm>> -> memref<80x128xf32, #tpu.memory_space<hbm>>
        %dma_start3A_110 = arith.constant 0 : i32
        %dma_start3A_111 = tpu.memref_slice %arg7[%add3A_96, %dma_start3A_110] : memref<10240x128xf32, #tpu.memory_space<hbm>> -> memref<80x128xf32, #tpu.memory_space<hbm>>
        %dma_start3A_112 = arith.constant 0 : i32
        %dma_start3A_113 = arith.constant 0 : i32
        %dma_start3A_114 = tpu.memref_slice %arg10[%run_scoped3A_98, %dma_start3A_112, %dma_start3A_113] : memref<2x80x128xf32, #tpu.memory_space<vmem>> -> memref<1x80x128xf32, #tpu.memory_space<vmem>>
        %dma_start3A_115 = tpu.memref_squeeze %dma_start3A_114 : memref<1x80x128xf32, #tpu.memory_space<vmem>> -> memref<80x128xf32, #tpu.memory_space<vmem>>
        tpu.enqueue_dma source(%dma_start3A_115 : memref<80x128xf32, #tpu.memory_space<vmem>>) target(%dma_start3A_111 : memref<80x128xf32, #tpu.memory_space<hbm>>) target_semaphore(%run_scoped3A_103 : memref<!tpu.dma_semaphore, #tpu.memory_space<semaphore_mem>>)
        %dma_wait3A_116 = arith.constant 0 : i32
        %dma_wait3A_117 = arith.constant 0 : i32
        %dma_wait3A_118 = tpu.memref_slice %arg10[%run_scoped3A_98, %dma_wait3A_116, %dma_wait3A_117] : memref<2x80x128xf32, #tpu.memory_space<vmem>> -> memref<1x80x128xf32, #tpu.memory_space<vmem>>
        %dma_wait3A_119 = tpu.memref_squeeze %dma_wait3A_118 : memref<1x80x128xf32, #tpu.memory_space<vmem>> -> memref<80x128xf32, #tpu.memory_space<vmem>>
        %dma_wait3A_120 = arith.constant 0 : i32
        %dma_wait3A_121 = tpu.memref_slice %arg7[%add3A_96, %dma_wait3A_120] : memref<10240x128xf32, #tpu.memory_space<hbm>> -> memref<80x128xf32, #tpu.memory_space<hbm>>
        %dma_wait3A_122 = arith.constant 0 : i32
        %dma_wait3A_123 = tpu.memref_slice %arg7[%add3A_96, %dma_wait3A_122] : memref<10240x128xf32, #tpu.memory_space<hbm>> -> memref<80x128xf32, #tpu.memory_space<hbm>>
        %dma_wait3A_124 = arith.constant 0 : i32
        %dma_wait3A_125 = arith.constant 0 : i32
        %dma_wait3A_126 = tpu.memref_slice %arg10[%run_scoped3A_98, %dma_wait3A_124, %dma_wait3A_125] : memref<2x80x128xf32, #tpu.memory_space<vmem>> -> memref<1x80x128xf32, #tpu.memory_space<vmem>>
        %dma_wait3A_127 = tpu.memref_squeeze %dma_wait3A_126 : memref<1x80x128xf32, #tpu.memory_space<vmem>> -> memref<80x128xf32, #tpu.memory_space<vmem>>
        tpu.wait_dma2 semaphore(%run_scoped3A_103 : memref<!tpu.dma_semaphore, #tpu.memory_space<semaphore_mem>>) src(%dma_wait3A_127 : memref<80x128xf32, #tpu.memory_space<vmem>>) dst(%dma_wait3A_123 : memref<80x128xf32, #tpu.memory_space<hbm>>)
        tpu.yield
      }) : () -> ()
      %add3A_99 = arith.constant 560 : i32
      %add3A_100 = arith.addi %mul3A_2, %add3A_99 : i32
      %run_scoped3A_101 = arith.constant 0 : i32
      "tpu.region"() ({
        %run_scoped3A_103 = tpu.sem_alloc : memref<!tpu.dma_semaphore, #tpu.memory_space<semaphore_mem>>
        %dma_start3A_104 = arith.constant 0 : i32
        %dma_start3A_105 = arith.constant 0 : i32
        %dma_start3A_106 = tpu.memref_slice %arg10[%run_scoped3A_101, %dma_start3A_104, %dma_start3A_105] : memref<2x80x128xf32, #tpu.memory_space<vmem>> -> memref<1x80x128xf32, #tpu.memory_space<vmem>>
        %dma_start3A_107 = tpu.memref_squeeze %dma_start3A_106 : memref<1x80x128xf32, #tpu.memory_space<vmem>> -> memref<80x128xf32, #tpu.memory_space<vmem>>
        %dma_start3A_108 = arith.constant 0 : i32
        %dma_start3A_109 = tpu.memref_slice %arg11[%add3A_100, %dma_start3A_108] : memref<10240x128xf32, #tpu.memory_space<vmem_shared>> -> memref<80x128xf32, #tpu.memory_space<vmem_shared>>
        %dma_start3A_110 = arith.constant 0 : i32
        %dma_start3A_111 = arith.constant 0 : i32
        %dma_start3A_112 = tpu.memref_slice %arg10[%run_scoped3A_101, %dma_start3A_110, %dma_start3A_111] : memref<2x80x128xf32, #tpu.memory_space<vmem>> -> memref<1x80x128xf32, #tpu.memory_space<vmem>>
        %dma_start3A_113 = tpu.memref_squeeze %dma_start3A_112 : memref<1x80x128xf32, #tpu.memory_space<vmem>> -> memref<80x128xf32, #tpu.memory_space<vmem>>
        %dma_start3A_114 = arith.constant 0 : i32
        %dma_start3A_115 = tpu.memref_slice %arg11[%add3A_100, %dma_start3A_114] : memref<10240x128xf32, #tpu.memory_space<vmem_shared>> -> memref<80x128xf32, #tpu.memory_space<vmem_shared>>
        tpu.enqueue_dma source(%dma_start3A_115 : memref<80x128xf32, #tpu.memory_space<vmem_shared>>) target(%dma_start3A_113 : memref<80x128xf32, #tpu.memory_space<vmem>>) target_semaphore(%run_scoped3A_103 : memref<!tpu.dma_semaphore, #tpu.memory_space<semaphore_mem>>)
        %dma_wait3A_116 = arith.constant 0 : i32
        %dma_wait3A_117 = arith.constant 0 : i32
        %dma_wait3A_118 = tpu.memref_slice %arg10[%run_scoped3A_101, %dma_wait3A_116, %dma_wait3A_117] : memref<2x80x128xf32, #tpu.memory_space<vmem>> -> memref<1x80x128xf32, #tpu.memory_space<vmem>>
        %dma_wait3A_119 = tpu.memref_squeeze %dma_wait3A_118 : memref<1x80x128xf32, #tpu.memory_space<vmem>> -> memref<80x128xf32, #tpu.memory_space<vmem>>
        %dma_wait3A_120 = arith.constant 0 : i32
        %dma_wait3A_121 = tpu.memref_slice %arg11[%add3A_100, %dma_wait3A_120] : memref<10240x128xf32, #tpu.memory_space<vmem_shared>> -> memref<80x128xf32, #tpu.memory_space<vmem_shared>>
        %dma_wait3A_122 = arith.constant 0 : i32
        %dma_wait3A_123 = arith.constant 0 : i32
        %dma_wait3A_124 = tpu.memref_slice %arg10[%run_scoped3A_101, %dma_wait3A_122, %dma_wait3A_123] : memref<2x80x128xf32, #tpu.memory_space<vmem>> -> memref<1x80x128xf32, #tpu.memory_space<vmem>>
        %dma_wait3A_125 = tpu.memref_squeeze %dma_wait3A_124 : memref<1x80x128xf32, #tpu.memory_space<vmem>> -> memref<80x128xf32, #tpu.memory_space<vmem>>
        %dma_wait3A_126 = arith.constant 0 : i32
        %dma_wait3A_127 = tpu.memref_slice %arg11[%add3A_100, %dma_wait3A_126] : memref<10240x128xf32, #tpu.memory_space<vmem_shared>> -> memref<80x128xf32, #tpu.memory_space<vmem_shared>>
        tpu.wait_dma2 semaphore(%run_scoped3A_103 : memref<!tpu.dma_semaphore, #tpu.memory_space<semaphore_mem>>) src(%dma_wait3A_127 : memref<80x128xf32, #tpu.memory_space<vmem_shared>>) dst(%dma_wait3A_125 : memref<80x128xf32, #tpu.memory_space<vmem>>)
        tpu.yield
      }) : () -> ()
      %run_scoped3A_102 = arith.constant 0 : i32
      "tpu.region"() ({
        %run_scoped3A_103 = tpu.sem_alloc : memref<!tpu.dma_semaphore, #tpu.memory_space<semaphore_mem>>
        %dma_start3A_104 = arith.constant 0 : i32
        %dma_start3A_105 = arith.constant 0 : i32
        %dma_start3A_106 = tpu.memref_slice %arg10[%run_scoped3A_102, %dma_start3A_104, %dma_start3A_105] : memref<2x80x128xf32, #tpu.memory_space<vmem>> -> memref<1x80x128xf32, #tpu.memory_space<vmem>>
        %dma_start3A_107 = tpu.memref_squeeze %dma_start3A_106 : memref<1x80x128xf32, #tpu.memory_space<vmem>> -> memref<80x128xf32, #tpu.memory_space<vmem>>
        %dma_start3A_108 = arith.constant 0 : i32
        %dma_start3A_109 = tpu.memref_slice %arg7[%add3A_100, %dma_start3A_108] : memref<10240x128xf32, #tpu.memory_space<hbm>> -> memref<80x128xf32, #tpu.memory_space<hbm>>
        %dma_start3A_110 = arith.constant 0 : i32
        %dma_start3A_111 = tpu.memref_slice %arg7[%add3A_100, %dma_start3A_110] : memref<10240x128xf32, #tpu.memory_space<hbm>> -> memref<80x128xf32, #tpu.memory_space<hbm>>
        %dma_start3A_112 = arith.constant 0 : i32
        %dma_start3A_113 = arith.constant 0 : i32
        %dma_start3A_114 = tpu.memref_slice %arg10[%run_scoped3A_102, %dma_start3A_112, %dma_start3A_113] : memref<2x80x128xf32, #tpu.memory_space<vmem>> -> memref<1x80x128xf32, #tpu.memory_space<vmem>>
        %dma_start3A_115 = tpu.memref_squeeze %dma_start3A_114 : memref<1x80x128xf32, #tpu.memory_space<vmem>> -> memref<80x128xf32, #tpu.memory_space<vmem>>
        tpu.enqueue_dma source(%dma_start3A_115 : memref<80x128xf32, #tpu.memory_space<vmem>>) target(%dma_start3A_111 : memref<80x128xf32, #tpu.memory_space<hbm>>) target_semaphore(%run_scoped3A_103 : memref<!tpu.dma_semaphore, #tpu.memory_space<semaphore_mem>>)
        %dma_wait3A_116 = arith.constant 0 : i32
        %dma_wait3A_117 = arith.constant 0 : i32
        %dma_wait3A_118 = tpu.memref_slice %arg10[%run_scoped3A_102, %dma_wait3A_116, %dma_wait3A_117] : memref<2x80x128xf32, #tpu.memory_space<vmem>> -> memref<1x80x128xf32, #tpu.memory_space<vmem>>
        %dma_wait3A_119 = tpu.memref_squeeze %dma_wait3A_118 : memref<1x80x128xf32, #tpu.memory_space<vmem>> -> memref<80x128xf32, #tpu.memory_space<vmem>>
        %dma_wait3A_120 = arith.constant 0 : i32
        %dma_wait3A_121 = tpu.memref_slice %arg7[%add3A_100, %dma_wait3A_120] : memref<10240x128xf32, #tpu.memory_space<hbm>> -> memref<80x128xf32, #tpu.memory_space<hbm>>
        %dma_wait3A_122 = arith.constant 0 : i32
        %dma_wait3A_123 = tpu.memref_slice %arg7[%add3A_100, %dma_wait3A_122] : memref<10240x128xf32, #tpu.memory_space<hbm>> -> memref<80x128xf32, #tpu.memory_space<hbm>>
        %dma_wait3A_124 = arith.constant 0 : i32
        %dma_wait3A_125 = arith.constant 0 : i32
        %dma_wait3A_126 = tpu.memref_slice %arg10[%run_scoped3A_102, %dma_wait3A_124, %dma_wait3A_125] : memref<2x80x128xf32, #tpu.memory_space<vmem>> -> memref<1x80x128xf32, #tpu.memory_space<vmem>>
        %dma_wait3A_127 = tpu.memref_squeeze %dma_wait3A_126 : memref<1x80x128xf32, #tpu.memory_space<vmem>> -> memref<80x128xf32, #tpu.memory_space<vmem>>
        tpu.wait_dma2 semaphore(%run_scoped3A_103 : memref<!tpu.dma_semaphore, #tpu.memory_space<semaphore_mem>>) src(%dma_wait3A_127 : memref<80x128xf32, #tpu.memory_space<vmem>>) dst(%dma_wait3A_123 : memref<80x128xf32, #tpu.memory_space<hbm>>)
        tpu.yield
      }) : () -> ()
    } else {
    }
    return
  }
}

module attributes {stable_mosaic.version = 14 : i64} {
  func.func @_dense_block(%arg0: i32, %arg1: memref<1024x128xf32, #tpu.memory_space<vmem>>, %arg2: memref<1024x128xf32, #tpu.memory_space<vmem>>, %arg3: memref<1024x128xf32, #tpu.memory_space<vmem>>, %arg4: memref<1024x128xf32, #tpu.memory_space<vmem>>, %arg5: memref<1024x128xf32, #tpu.memory_space<vmem>>, %arg6: memref<128x128xf32, #tpu.memory_space<vmem>>, %arg7: memref<1x128xf32, #tpu.memory_space<vmem>>, %arg8: memref<128x128xf32, #tpu.memory_space<vmem>>, %arg9: memref<1x128xf32, #tpu.memory_space<vmem>>, %arg10: memref<1x128xf32, #tpu.memory_space<vmem>>, %arg11: memref<1x128xf32, #tpu.memory_space<vmem>>, %arg12: memref<1024x128xf32, #tpu.memory_space<vmem>>) attributes {dimension_semantics = [#tpu.dimension_semantics<arbitrary>], iteration_bounds = array<i64: 10>, scalar_prefetch = 0 : i64, scratch_operands = 0 : i64, tpu.core_type = #tpu.core_type<tc>, window_params = [{transform_indices = @transform_0, window_bounds = array<i64: 1024, 128>}, {transform_indices = @transform_1, window_bounds = array<i64: 1024, 128>}, {transform_indices = @transform_2, window_bounds = array<i64: 1024, 128>}, {transform_indices = @transform_3, window_bounds = array<i64: 1024, 128>}, {transform_indices = @transform_4, window_bounds = array<i64: 1024, 128>}, {pipeline_mode = #tpu.pipeline_mode<synchronous>, transform_indices = @transform_5, window_bounds = array<i64: 128, 128>}, {pipeline_mode = #tpu.pipeline_mode<synchronous>, transform_indices = @transform_6, window_bounds = array<i64: 1, 128>}, {pipeline_mode = #tpu.pipeline_mode<synchronous>, transform_indices = @transform_7, window_bounds = array<i64: 128, 128>}, {pipeline_mode = #tpu.pipeline_mode<synchronous>, transform_indices = @transform_8, window_bounds = array<i64: 1, 128>}, {pipeline_mode = #tpu.pipeline_mode<synchronous>, transform_indices = @transform_9, window_bounds = array<i64: 1, 128>}, {pipeline_mode = #tpu.pipeline_mode<synchronous>, transform_indices = @transform_10, window_bounds = array<i64: 1, 128>}, {transform_indices = @transform_11, window_bounds = array<i64: 1024, 128>}]} {
    %get3A = arith.constant 0 : index
    %get3A_0 = arith.constant 0 : index
    %get3A_1 = vector.load %arg1[%get3A, %get3A_0] : memref<1024x128xf32, #tpu.memory_space<vmem>>, vector<1024x128xf32>
    %get3A_2 = arith.constant 0 : index
    %get3A_3 = arith.constant 0 : index
    %get3A_4 = vector.load %arg2[%get3A_2, %get3A_3] : memref<1024x128xf32, #tpu.memory_space<vmem>>, vector<1024x128xf32>
    %add3A = arith.addf %get3A_1, %get3A_4 : vector<1024x128xf32>
    %get3A_5 = arith.constant 0 : index
    %get3A_6 = arith.constant 0 : index
    %get3A_7 = vector.load %arg3[%get3A_5, %get3A_6] : memref<1024x128xf32, #tpu.memory_space<vmem>>, vector<1024x1xf32>
    %get3A_8 = arith.constant 0 : index
    %get3A_9 = arith.constant 0 : index
    %get3A_10 = vector.load %arg4[%get3A_8, %get3A_9] : memref<1024x128xf32, #tpu.memory_space<vmem>>, vector<1024x1xf32>
    %add3A_11 = arith.addf %get3A_7, %get3A_10 : vector<1024x1xf32>
    %max3A = arith.constant 1.000000e+00 : f32
    %max3A_12 = vector.broadcast %max3A : f32 to vector<1024x1xf32>
    %max3A_13 = arith.maximumf %add3A_11, %max3A_12 : vector<1024x1xf32>
    %div3A = vector.broadcast %max3A_13 : vector<1024x1xf32> to vector<1024x128xf32>
    %div3A_14 = arith.divf %add3A, %div3A : vector<1024x128xf32>
    %get3A_15 = arith.constant 0 : index
    %get3A_16 = arith.constant 0 : index
    %get3A_17 = vector.load %arg6[%get3A_15, %get3A_16] : memref<128x128xf32, #tpu.memory_space<vmem>>, vector<128x128xf32>
    %dot_general3A = arith.constant dense<0.000000e+00> : vector<1024x128xf32>
    %dot_general3A_18 = tpu.matmul %div3A_14, %get3A_17, %dot_general3A {dimension_numbers = #tpu.dot_dimension_numbers<[1], [1], [0], [0], [0, 0, 1, 0], [], []>, transpose_lhs_hint = false} : vector<1024x128xf32>, vector<128x128xf32>, vector<1024x128xf32> -> vector<1024x128xf32>
    %get3A_19 = arith.constant 0 : index
    %get3A_20 = arith.constant 0 : index
    %get3A_21 = vector.load %arg7[%get3A_19, %get3A_20] : memref<1x128xf32, #tpu.memory_space<vmem>>, vector<1x128xf32>
    %gt3A = arith.constant 0.000000e+00 : f32
    %gt3A_22 = vector.broadcast %gt3A : f32 to vector<1024x1xf32>
    %gt3A_23 = arith.cmpf ogt, %add3A_11, %gt3A_22 : vector<1024x1xf32>
    %jit3A = arith.constant 1.000000e+00 : f32
    %jit3A_24 = arith.constant 0.000000e+00 : f32
    %broadcast_in_dim3A = vector.broadcast %jit3A : f32 to vector<1024x1xf32>
    %broadcast_in_dim3A_25 = vector.broadcast %jit3A_24 : f32 to vector<1024x1xf32>
    %select_n3A = arith.select %gt3A_23, %broadcast_in_dim3A, %broadcast_in_dim3A_25 : vector<1024x1xi1>, vector<1024x1xf32>
    %mul3A = vector.broadcast %get3A_21 : vector<1x128xf32> to vector<1024x128xf32>
    %mul3A_26 = vector.broadcast %select_n3A : vector<1024x1xf32> to vector<1024x128xf32>
    %mul3A_27 = arith.mulf %mul3A, %mul3A_26 : vector<1024x128xf32>
    %add3A_28 = arith.addf %dot_general3A_18, %mul3A_27 : vector<1024x128xf32>
    %max3A_29 = arith.constant 0.000000e+00 : f32
    %max3A_30 = vector.broadcast %max3A_29 : f32 to vector<1024x128xf32>
    %max3A_31 = arith.maximumf %add3A_28, %max3A_30 : vector<1024x128xf32>
    %get3A_32 = arith.constant 0 : index
    %get3A_33 = arith.constant 0 : index
    %get3A_34 = vector.load %arg5[%get3A_32, %get3A_33] : memref<1024x128xf32, #tpu.memory_space<vmem>>, vector<1024x128xf32>
    %get3A_35 = arith.constant 0 : index
    %get3A_36 = arith.constant 0 : index
    %get3A_37 = vector.load %arg8[%get3A_35, %get3A_36] : memref<128x128xf32, #tpu.memory_space<vmem>>, vector<128x128xf32>
    %dot_general3A_38 = arith.constant dense<0.000000e+00> : vector<1024x128xf32>
    %dot_general3A_39 = tpu.matmul %get3A_34, %get3A_37, %dot_general3A_38 {dimension_numbers = #tpu.dot_dimension_numbers<[1], [1], [0], [0], [0, 0, 1, 0], [], []>, transpose_lhs_hint = false} : vector<1024x128xf32>, vector<128x128xf32>, vector<1024x128xf32> -> vector<1024x128xf32>
    %add3A_40 = arith.addf %max3A_31, %dot_general3A_39 : vector<1024x128xf32>
    %get3A_41 = arith.constant 0 : index
    %get3A_42 = arith.constant 0 : index
    %get3A_43 = vector.load %arg9[%get3A_41, %get3A_42] : memref<1x128xf32, #tpu.memory_space<vmem>>, vector<1x128xf32>
    %add3A_44 = vector.broadcast %get3A_43 : vector<1x128xf32> to vector<1024x128xf32>
    %add3A_45 = arith.addf %add3A_40, %add3A_44 : vector<1024x128xf32>
    %reduce_sum3A = arith.constant dense<0.000000e+00> : vector<1024xf32>
    %reduce_sum3A_46 = vector.multi_reduction <add>, %add3A_45, %reduce_sum3A [1] : vector<1024x128xf32> to vector<1024xf32>
    %broadcast_in_dim3A_47 = vector.shape_cast %reduce_sum3A_46 : vector<1024xf32> to vector<1024x1xf32>
    %div3A_48 = arith.constant 1.280000e+02 : f32
    %div3A_49 = vector.broadcast %div3A_48 : f32 to vector<1024x1xf32>
    %div3A_50 = arith.divf %broadcast_in_dim3A_47, %div3A_49 : vector<1024x1xf32>
    %sub3A = vector.broadcast %div3A_50 : vector<1024x1xf32> to vector<1024x128xf32>
    %sub3A_51 = arith.subf %add3A_45, %sub3A : vector<1024x128xf32>
    %sub3A_52 = vector.broadcast %div3A_50 : vector<1024x1xf32> to vector<1024x128xf32>
    %sub3A_53 = arith.subf %add3A_45, %sub3A_52 : vector<1024x128xf32>
    %mul3A_54 = arith.mulf %sub3A_51, %sub3A_53 : vector<1024x128xf32>
    %reduce_sum3A_55 = arith.constant dense<0.000000e+00> : vector<1024xf32>
    %reduce_sum3A_56 = vector.multi_reduction <add>, %mul3A_54, %reduce_sum3A_55 [1] : vector<1024x128xf32> to vector<1024xf32>
    %broadcast_in_dim3A_57 = vector.shape_cast %reduce_sum3A_56 : vector<1024xf32> to vector<1024x1xf32>
    %div3A_58 = arith.constant 1.280000e+02 : f32
    %div3A_59 = vector.broadcast %div3A_58 : f32 to vector<1024x1xf32>
    %div3A_60 = arith.divf %broadcast_in_dim3A_57, %div3A_59 : vector<1024x1xf32>
    %sub3A_61 = vector.broadcast %div3A_50 : vector<1024x1xf32> to vector<1024x128xf32>
    %sub3A_62 = arith.subf %add3A_45, %sub3A_61 : vector<1024x128xf32>
    %add3A_63 = arith.constant 9.99999974E-6 : f32
    %add3A_64 = vector.broadcast %add3A_63 : f32 to vector<1024x1xf32>
    %add3A_65 = arith.addf %div3A_60, %add3A_64 : vector<1024x1xf32>
    %rsqrt3A = math.rsqrt %add3A_65 : vector<1024x1xf32>
    %mul3A_66 = vector.broadcast %rsqrt3A : vector<1024x1xf32> to vector<1024x128xf32>
    %mul3A_67 = arith.mulf %sub3A_62, %mul3A_66 : vector<1024x128xf32>
    %get3A_68 = arith.constant 0 : index
    %get3A_69 = arith.constant 0 : index
    %get3A_70 = vector.load %arg10[%get3A_68, %get3A_69] : memref<1x128xf32, #tpu.memory_space<vmem>>, vector<1x128xf32>
    %mul3A_71 = vector.broadcast %get3A_70 : vector<1x128xf32> to vector<1024x128xf32>
    %mul3A_72 = arith.mulf %mul3A_67, %mul3A_71 : vector<1024x128xf32>
    %get3A_73 = arith.constant 0 : index
    %get3A_74 = arith.constant 0 : index
    %get3A_75 = vector.load %arg11[%get3A_73, %get3A_74] : memref<1x128xf32, #tpu.memory_space<vmem>>, vector<1x128xf32>
    %add3A_76 = vector.broadcast %get3A_75 : vector<1x128xf32> to vector<1024x128xf32>
    %add3A_77 = arith.addf %mul3A_72, %add3A_76 : vector<1024x128xf32>
    %swap3A = arith.constant 0 : index
    %swap3A_78 = arith.constant 0 : index
    %swap3A_79 = vector.load %arg12[%swap3A, %swap3A_78] : memref<1024x128xf32, #tpu.memory_space<vmem>>, vector<1024x128xf32>
    tpu.vector_store %arg12[%swap3A, %swap3A_78], %add3A_77 {strides = array<i32>} : memref<1024x128xf32, #tpu.memory_space<vmem>>, vector<1024x128xf32>,
    return
  }
  func.func @transform_0(%arg0: i32) -> (i32, i32) {
    %c0_i32 = arith.constant 0 : i32
    %c0_i32_0 = arith.constant 0 : i32
    return %arg0, %c0_i32 : i32, i32
  }
  func.func @transform_1(%arg0: i32) -> (i32, i32) {
    %c0_i32 = arith.constant 0 : i32
    %c0_i32_0 = arith.constant 0 : i32
    return %arg0, %c0_i32 : i32, i32
  }
  func.func @transform_2(%arg0: i32) -> (i32, i32) {
    %c0_i32 = arith.constant 0 : i32
    %c0_i32_0 = arith.constant 0 : i32
    return %arg0, %c0_i32 : i32, i32
  }
  func.func @transform_3(%arg0: i32) -> (i32, i32) {
    %c0_i32 = arith.constant 0 : i32
    %c0_i32_0 = arith.constant 0 : i32
    return %arg0, %c0_i32 : i32, i32
  }
  func.func @transform_4(%arg0: i32) -> (i32, i32) {
    %c0_i32 = arith.constant 0 : i32
    %c0_i32_0 = arith.constant 0 : i32
    return %arg0, %c0_i32 : i32, i32
  }
  func.func @transform_5(%arg0: i32) -> (i32, i32) {
    %c0_i32 = arith.constant 0 : i32
    %c0_i32_0 = arith.constant 0 : i32
    %c0_i32_1 = arith.constant 0 : i32
    return %c0_i32, %c0_i32_0 : i32, i32
  }
  func.func @transform_6(%arg0: i32) -> (i32, i32) {
    %c0_i32 = arith.constant 0 : i32
    %c0_i32_0 = arith.constant 0 : i32
    %c0_i32_1 = arith.constant 0 : i32
    return %c0_i32, %c0_i32_0 : i32, i32
  }
  func.func @transform_7(%arg0: i32) -> (i32, i32) {
    %c0_i32 = arith.constant 0 : i32
    %c0_i32_0 = arith.constant 0 : i32
    %c0_i32_1 = arith.constant 0 : i32
    return %c0_i32, %c0_i32_0 : i32, i32
  }
  func.func @transform_8(%arg0: i32) -> (i32, i32) {
    %c0_i32 = arith.constant 0 : i32
    %c0_i32_0 = arith.constant 0 : i32
    %c0_i32_1 = arith.constant 0 : i32
    return %c0_i32, %c0_i32_0 : i32, i32
  }
  func.func @transform_9(%arg0: i32) -> (i32, i32) {
    %c0_i32 = arith.constant 0 : i32
    %c0_i32_0 = arith.constant 0 : i32
    %c0_i32_1 = arith.constant 0 : i32
    return %c0_i32, %c0_i32_0 : i32, i32
  }
  func.func @transform_10(%arg0: i32) -> (i32, i32) {
    %c0_i32 = arith.constant 0 : i32
    %c0_i32_0 = arith.constant 0 : i32
    %c0_i32_1 = arith.constant 0 : i32
    return %c0_i32, %c0_i32_0 : i32, i32
  }
  func.func @transform_11(%arg0: i32) -> (i32, i32) {
    %c0_i32 = arith.constant 0 : i32
    %c0_i32_0 = arith.constant 0 : i32
    return %arg0, %c0_i32 : i32, i32
  }
}

</mosaic_0001>

<sc_bundles>
// kernel: kernel.10.cloned.1.call-start
scs
__scs_entry_jumppad:
0x0: {  	(pc) =	sbr.rel $0x88, $3  }
0x1: {  	(tag) =	ssettag $0x0;
	lr =	simm.s32 $0x1  }
0x2: {  	[smem:$0x3F93] =	sst lr;
	_ =	strace $0xD0000000  }
0x3: {  	_ = 	snop  }
0x4: {  	_ = 	snop  }
0x5: {  	_ = 	snop  }
0x6: {  	_ = 	snop  }
0x7: {  	_ = 	snop  }
__scs_overlays_trampoline_lowered:
0x8: {  	[smem:$0x3FA2] =	sst s0  }
0x9: {  	[smem:$0x3FA3] =	sst s1  }
0xa: {  	[smem:$0x3FA4] =	sst s2  }
0xb: {  	[smem:$0x3FA5] =	sst s3  }
0xc: {  	[smem:$0x3FA6] =	sst s4  }
0xd: {  	[smem:$0x3FA7] =	sst s5  }
0xe: {  	[smem:$0x3FA8] =	sst s6  }
0xf: {  	[smem:$0x3FA9] =	sst s7  }
0x10: {  	[smem:$0x3FAA] =	sst s8  }
0x11: {  	[smem:$0x3FAB] =	sst s9;
	s0 =	simm.s32 @!p0 $0x0  }
0x12: {  	s1 =	sld [smem:$0x3F91];
	s0 =	simm.s32 @p0 $0x1  }
0x13: {  	[smem:$0x3FAC] =	sst s0;
	s0 =	simm.s32 @!p1 $0x0  }
0x14: {  	s2 =	sld [smem:$0x3F90];
	s0 =	simm.s32 @p1 $0x1  }
0x15: {  	[smem:$0x3FAD] =	sst s0;
	s0 =	simm.s32 @!p2 $0x0  }
0x16: {  	s3 =	sld [smem:$0x3FDB];
	s0 =	simm.s32 @p2 $0x1  }
0x17: {  	s4 =	simm.s32 $0x1BF5;
	[smem:$0x3FAF] =	sst s0  }
0x18: {  	s0 =	sld [smem:$0x3F92];
	_ =	swait.ge [sflag:s4], $0x0  }
0x19: {  	s7 =	sld [smem:$0x3F93]  }
0x1a: {  	s8 =	sadd.s32 $0xFFFFE003, lr  }
0x1b: {  	s9 =	sadd.s32 $0xFFFFFEF7, lr;
	s5 =	simm.s32 $0xFFFFFFFF;
	p2 =	slt.u32 s8, $0xFFFFF086  }
0x1c: {  	p1 =	slt.u32 s9, $0xF7A;
	s5 =	simm.s32 @!p2 $0x0  }
0x1d: {  	s5 =	simm.s32 @p1 $0x1;
	p0 =	seq.s32 s7, s2  }
0x1e: {  	s7 =	smul.u32 @!p0 $0xF7A, s2;
	p2 =	seq.s32 @!p0 s5, $0x0  }
0x1f: {  	s9 =	smul.u32 $0xF7A, s1;
	s8 =	simm.s32 @!p0 $0x1BF5;
	p2 =	por !p2, p0  }
0x20: {  	[sflag:s8] =	ssyncset.s32 @!p0 $0xFFFFF086;
	s6 =	sadd.s32 @!p0 s3, s7;
	s7 =	simm.s32 @!p0 $0x108  }
0x21: {  	s3 =	sadd.s32 s3, s9;
	s6 =	sadd.s32 @!p0 $0x88, s6;
	s7 =	simm.s32 @p2 $0x1082  }
0x22: {  	[simem:s7], [sflag:s8] =	dma.local @!p0 [hbm:s6], $0xF7A  }
0x23: {  	s9 =	sor.u32 $0xD0000000, s2;
	s6 =	simm.s32 $0x108;
	_ =	swait.ge @!p0 [sflag:s8], $0x0  }
0x24: {  	s3 =	sadd.s32 $0x88, s3;
	s6 =	simm.s32 @!p1 $0x1082;
	[sflag:s4] =	ssyncset.s32 $0xFFFFF086  }
0x25: {  	[simem:s6], [sflag:s4] =	dma.local [hbm:s3], $0xF7A  }
0x26: {  	[smem:$0x3F93] =	sst s1;
	(tag) =	ssettag s2;
	_ =	strace s9  }
0x27: {  	s1 =	sld [smem:$0x3FA3]  }
0x28: {  	s2 =	sld [smem:$0x3FA4]  }
0x29: {  	s4 =	sld [smem:$0x3FA6]  }
0x2a: {  	p0 =	seq.s32 s5, $0x0;
	s5 =	sld [smem:$0x3FA7]  }
0x2b: {  	s6 =	sld [smem:$0x3FA8]  }
0x2c: {  	s7 =	sld [smem:$0x3FA9]  }
0x2d: {  	s3 =	simm.s32 $0x108;
	s8 =	sld [smem:$0x3FAA]  }
0x2e: {  	s3 =	simm.s32 @!p0 $0x1082;
	s9 =	sld [smem:$0x3FAB]  }
0x2f: {  	lr =	sadd.s32 s0, s3;
	s0 =	sld [smem:$0x3FA2]  }
0x30: {  	s3 =	sld [smem:$0x3FA5]  }
0x31: {  	[smem:$0x3FAE] =	sst s10  }
0x32: {  	s10 =	sld [smem:$0x3FAC];
	_ =	sdelay $0x3  }
0x33: {  	p0 =	seq.s32 s10, $0x1;
	s10 =	sld [smem:$0x3FAE];
	_ =	sdelay $0x3  }
0x34: {  	[smem:$0x3FAE] =	sst s10  }
0x35: {  	s10 =	sld [smem:$0x3FAD];
	_ =	sdelay $0x3  }
0x36: {  	p1 =	seq.s32 s10, $0x1;
	s10 =	sld [smem:$0x3FAE];
	_ =	sdelay $0x3  }
0x37: {  	[smem:$0x3FAE] =	sst s10  }
0x38: {  	s10 =	sld [smem:$0x3FAF]  }
0x39: {  	_ = 	snop;
	(pc) =	sbr.ind lr, $3  }
0x3a: {  	_ = 	snop  }
0x3b: {  	_ = 	snop  }
0x3c: {  	p2 =	seq.s32 s10, $0x1;
	s10 =	sld [smem:$0x3FAE]  }
0x3d: {  	_ =	shalt  }
0x3e: {  	_ =	shalt  }
0x3f: {  	_ =	shalt  }
0x40: {  	_ =	shalt  }
0x41: {  	_ =	shalt  }
0x42: {  	_ =	shalt  }
0x43: {  	_ =	shalt  }
0x44: {  	_ =	shalt  }
0x45: {  	_ =	shalt  }
0x46: {  	_ =	shalt  }
0x47: {  	_ =	shalt  }
0x48: {  	_ =	shalt  }
0x49: {  	_ =	shalt  }
0x4a: {  	_ =	shalt  }
0x4b: {  	_ =	shalt  }
0x4c: {  	_ =	shalt  }
0x4d: {  	_ =	shalt  }
0x4e: {  	_ =	shalt  }
0x4f: {  	_ =	shalt  }
0x50: {  	_ =	shalt  }
0x51: {  	_ =	shalt  }
0x52: {  	_ =	shalt  }
0x53: {  	_ =	shalt  }
0x54: {  	_ =	shalt  }
0x55: {  	_ =	shalt  }
0x56: {  	_ =	shalt  }
0x57: {  	_ =	shalt  }
0x58: {  	_ =	shalt  }
0x59: {  	_ =	shalt  }
0x5a: {  	_ =	shalt  }
0x5b: {  	_ =	shalt  }
0x5c: {  	_ =	shalt  }
0x5d: {  	_ =	shalt  }
0x5e: {  	_ =	shalt  }
0x5f: {  	_ =	shalt  }
0x60: {  	_ =	shalt  }
0x61: {  	_ =	shalt  }
0x62: {  	_ =	shalt  }
0x63: {  	_ =	shalt  }
0x64: {  	_ =	shalt  }
0x65: {  	_ =	shalt  }
0x66: {  	_ =	shalt  }
0x67: {  	_ =	shalt  }
0x68: {  	_ =	shalt  }
0x69: {  	_ =	shalt  }
0x6a: {  	_ =	shalt  }
0x6b: {  	_ =	shalt  }
0x6c: {  	_ =	shalt  }
0x6d: {  	_ =	shalt  }
0x6e: {  	_ =	shalt  }
0x6f: {  	_ =	shalt  }
0x70: {  	_ =	shalt  }
0x71: {  	_ =	shalt  }
0x72: {  	_ =	shalt  }
0x73: {  	_ =	shalt  }
0x74: {  	_ =	shalt  }
0x75: {  	_ =	shalt  }
0x76: {  	_ =	shalt  }
0x77: {  	_ =	shalt  }
0x78: {  	_ =	shalt  }
0x79: {  	_ =	shalt  }
0x7a: {  	_ =	shalt  }
0x7b: {  	_ =	shalt  }
0x7c: {  	_ =	shalt  }
0x7d: {  	_ =	shalt  }
0x7e: {  	_ =	shalt  }
0x7f: {  	_ =	shalt  }
0x80: {  	_ =	shalt  }
0x81: {  	_ =	shalt  }
0x82: {  	_ =	shalt  }
0x83: {  	_ =	shalt  }
0x84: {  	_ =	shalt  }
0x85: {  	_ =	shalt  }
0x86: {  	_ =	shalt  }
0x87: {  	_ =	shalt  }
.Lfunc_end0:
.L_simem_size_0:
called_computation.1_lowered:
.L_overlay_start_0:
0x88: {  	s2 =	sld [smem:$0x3FD9]  }
0x89: {  	s3 =	sld [smem:$0x3FFE];
	_ =	sdelay $0x1  }
0x8a: {  	s1 =	srdreg.scid  }
0x8b: {  	s0 =	sand.u32 $0x1, s1  }
0x8c: {  	s17 =	sshll.u32 s0, $0xA;
	s2 =	sadd.s32 s3, s2  }
0x8d: {  	s2 =	sadd.s32 s2, s17  }
0x8e: {  	[smem:$0x3FBA] =	sst s2  }
0x8f: {  	_ = 	snop  }
0x90: {  	s2 =	sld [smem:$0x3FD0];
	(tm) =	ssettm $0x1  }
0x91: {  	s18 =	sld [smem:$0x3FFB];
	_ =	sdelay $0x3  }
0x92: {  	_ =	strace s18  }
0x93: {  	s3 =	sld [smem:$0x3FFC];
	_ =	sdelay $0x3  }
0x94: {  	_ =	strace s3  }
0x95: {  	s3 =	sld [smem:$0x3FFD];
	_ =	sdelay $0x3  }
0x96: {  	_ =	strace s3  }
0x97: {  	_ =	strace $0x8FFFFFFF  }
0x98: {  	s19 =	sld [smem:$0x3FDB];
	_ =	sdelay $0x1  }
0x99: {  	s4 =	simm.s32 $_scs_section_size  }
0x9a: {  	s5 =	simm.s32 $_size__tile_overlayer_lowered;
	s6 =	simm.s32 $_tile_overlayer_lowered  }
0x9b: {  	s22 =	simm.s32 $0x1BFF;
	s21 =	sshll.u32 s6, $0x1;
	s3 =	sadd.s32 s4, s19  }
0x9c: {  	s7 =	simm.s32 $0x0;
	s20 =	sshll.u32 s5, $0x1;
	s5 =	sadd.s32 s21, s3  }
0x9d: {  	[timem:s7], [sflag:s22] =	dma.local [hbm:s5], s20  }
0x9e: {  	_ =	swait.ge [sflag:s22], s20  }
0x9f: {  	s4 =	ssub.s32 $0x0, s20;
	[sflag:s22] =	ssyncset.done $0x0  }
0xa0: {  	[sflag:s22] =	ssyncadd.s32 s4;
	_ =	sdelay $0x1  }
0xa1: {  	s23 =	simm.s32 $0x1B8B  }
0xa2: {  	_ =	swait.ge [sflag:s23], $0x1  }
0xa3: {  	[sflag:s23] =	ssyncset.done $0x0  }
0xa4: {  	s25 =	simm.s32 $0x1B8E;
	s24 =	sld [smem:$0x3FFE];
	[sflag:s23] =	ssyncadd.s32 $0xFFFFFFFF  }
0xa5: {  	s26 =	simm.s32 $execute0_lowered;
	[smem:$0x3FD2] =	sst s25  }
0xa6: {  	s5 =	sshll.u32 s26, $0x1;
	_ =	strace $0x80000046;
	[dreg:$0x1] =	wrdreg $0xFFFFFFFF  }
0xa7: {  	s28 =	simm.s32 $_size_execute0_lowered;
	s3 =	sadd.s32 s3, s5;
	[dreg:$0x0] =	wrdreg $0x0  }
0xa8: {  	s5 =	sshll.u32 s28, $0x1;
	[dreg:$0x2] =	wrdreg s3  }
0xa9: {  	[dreg:$0x3] =	wrdreg s5  }
0xaa: {  	[dreg:$0x4] =	wrdreg $0xC0  }
0xab: {  	_ =	task [dreg:s7], $0x5FFFF  }
0xac: {  	[dreg:$0x1] =	wrdreg $0xFFFFFFFF  }
0xad: {  	[dreg:$0x0] =	wrdreg $0x60  }
0xae: {  	[dreg:$0x2] =	wrdreg s24  }
0xaf: {  	[dreg:$0x3] =	wrdreg s2  }
0xb0: {  	[dreg:$0x4] =	wrdreg $0xB7800  }
0xb1: {  	[dreg:$0x5] =	wrdreg $0xA  }
0xb2: {  	_ =	task.clear_ibuf [dreg:s7], $0x6FFFF;
	_ =	strace $0x90000046  }
0xb3: {  	s29 =	simm.s32 $0xA;
	_ =	strace $0x80000048  }
0xb4: {  	_ =	swait.ge [sflag:s29], $0x1  }
0xb5: {  	[sflag:s29] =	ssyncadd.s32 $0xFFFFFFFF  }
0xb6: {  	_ =	strace $0x90000048  }
0xb7: {  	_ =	sfence  }
0xb8: {  	s30 =	sld [smem:$0x0];
	_ =	sdelay $0x2  }
0xb9: {  	s31 =	sshll.u32 s1, $0xD;
	s1 =	sshrl.u32 s1, $0x2  }
0xba: {  	s3 =	sand.u32 $0x4000, s31;
	s1 =	sadd.s32 s1, s30  }
0xbb: {  	s0 =	sor.u32 s3, s0;
	s1 =	sshll.u32 s1, $0x11  }
0xbc: {  	s0 =	sor.u32 s1, s0  }
0xbd: {  	s0 =	sadd.s32 $0x8F2B, s0  }
0xbe: {  	[sflag:s0] =	ssyncadd.remote.s32 $0x1  }
0xbf: {  	_ =	sfence.sel $0xFFFF  }
0xc0: {  	[dreg:$0x0] =	wrdreg $0xFFFFFFFF;
	(pc) =	sbr.abs _section_cstart, $3  }
0xc1: {  	[dreg:$0x1] =	wrdreg $0xFFFFFFFF  }
0xc2: {  	_ =	task.clear_ibuf [dreg:s7], $0x2FFFF;
	_ =	strace $0x9FFFFFFF  }
0xc3: {  	(tm) =	ssettm $0x7FFFFFFF  }
tec
execute0_lowered:
.L_overlay_start_1:
0x0: {  	(tag) =	ssettag $0x1  }
0x1: {  	s0 =	srdreg.scid;
	s1 =	rddreg [dreg:$0x0]  }
0x2: {  	s23 =	stileid.u32;
	s5 =	rddreg [dreg:$0x1]  }
0x3: {  	s30 =	simm.s32 $0x1;
	s31 =	simm.s32 $0x6780;
	s0 =	sand.u32 $0x1, s0  }
0x4: {  	s2 =	sshll.u32 s23, $0x1;
	s3 =	sshrl.u32 s23, $0x2;
	s10 =	smul.u32 $0x50000, s23  }
0x5: {  	s9 =	sadd.s32 $0x35400, s1;
	s14 =	smul.u32 $0x280, s23;
	s6 =	sor.u32 s0, s2  }
0x6: {  	s2 =	rddreg [dreg:$0x2];
	s4 =	smul.u32 $0x13C00, s3;
	s3 =	simm.s32 $0x0  }
0x7: {  	s8 =	ssub.s32 $0x2, s0;
	p0 =	seq.s32 s0, $0x1;
	s0 =	simm.s32 $0x5DA00  }
0x8: {  	s7 =	sshll.u32 s6, $0x7;
	[smem:$0x7FF] =	sst s3;
	s24 =	sshrl.u32 s8, $0x1  }
0x9: {  	s25 =	sshll.u32 s6, $0xB;
	s6 =	sshrl.u32 s10, $0x2;
	s17 =	sadd.s32 $0xA0, s14  }
0xa: {  	s18 =	sadd.s32 $0xF0, s14;
	s19 =	sadd.s32 $0x140, s14;
	s20 =	sadd.s32 $0x190, s14  }
0xb: {  	s21 =	sadd.s32 $0x1E0, s14;
	s22 =	sadd.s32 $0x230, s14;
	s0 =	simm.s32 @!p0 $0x35A00  }
0xc: {  	s7 =	sand.u32 $0x380, s7;
	_ =	strace $0x80000047;
	[dreg:$0x4] =	wrdreg s9  }
0xd: {  	s16 =	ssub.s32 s8, s24;
	s5 =	sadd.s32 s5, s25;
	s8 =	sadd.s32 s6, s2  }
0xe: {  	s25 =	sshll.u32 s17, $0x7;
	s11 =	sshll.u32 s18, $0x7;
	s12 =	sshll.u32 s19, $0x7  }
0xf: {  	s13 =	sshll.u32 s20, $0x7;
	s15 =	sshll.u32 s21, $0x7;
	s0 =	sadd.s32 s0, s1  }
0x10: {  	s6 =	smul.u32 $0x2800, s23;
	s28 =	sshll.u32 s21, $0x4;
	s29 =	sshll.u32 s22, $0x4  }
0x11: {  	s4 =	sor.u32 s4, s7;
	[dreg:$0x6] =	wrdreg s5;
	s10 =	sadd.s32 s25, s2  }
0x12: {  	s11 =	sadd.s32 s11, s2;
	s12 =	sadd.s32 s12, s2;
	s13 =	sadd.s32 s13, s2  }
0x13: {  	s25 =	sshll.u32 s19, $0x4;
	s16 =	smax.u32 s16, $0x1;
	s23 =	sadd.s32 s0, s28  }
0x14: {  	s28 =	simm.s32 $0x0;
	s7 =	sshrl.u32 s4, $0x3;
	s4 =	sadd.s32 $0xD400, s1  }
0x15: {  	s21 =	sadd.s32 s0, s25;
	s25 =	simm.s32 $0x2;
	s7 =	sadd.s32 s7, s1  }
0x16: {  	s1 =	simm.s32 $0x50;
	s26 =	sadd.s32 $0x3600, s7;
	s7 =	sor.u32 $0x50, s14  }
0x17: {  	s14 =	sadd.s32 s15, s2;
	[dreg:$0x5] =	wrdreg s26;
	s24 =	sshll.u32 s7, $0x7  }
0x18: {  	s26 =	sshll.u32 s22, $0x7;
	s5 =	sshll.u32 s7, $0x4;
	s7 =	sshll.u32 s17, $0x4  }
0x19: {  	s17 =	sadd.s32 s0, s6;
	s9 =	sadd.s32 s24, s2;
	s15 =	sadd.s32 s26, s2  }
0x1a: {  	s24 =	sshll.u32 s18, $0x4;
	s26 =	sshll.u32 s20, $0x4;
	s18 =	sadd.s32 s0, s5  }
0x1b: {  	s19 =	sadd.s32 s0, s7;
	s20 =	sadd.s32 s0, s24;
	s22 =	sadd.s32 s0, s26  }
0x1c: {  	s24 =	sadd.s32 s0, s29;
	s29 =	simm.s32 $0x3;
	s0 =	simm.s32 $0x8F80  }
.LBB2_1:
0x1d: {  	s5 =	rddreg [dreg:$0x5];
	s6 =	simm.s32 $0x80;
	s7 =	simm.s32 $0x400  }
0x1e: {  	[tilespmem:s3], [sflag:$0x1] =	stream.strided.gather [hbm4b:s5+s6], $0x2780, s7, s6, $0x38;
	[tilespmem:$0x1F780] =	vst v63  }
0x1f: {  	s26 =	simm.s32 $0x2780;
	s7 =	rddreg [dreg:$0x6]  }
0x20: {  	[tilespmem:s26], [sflag:$0x3] =	stream.linear.gather [hbm4b:s7+s3], $0x3E80, $0x38;
	[tilespmem:$0x1F780] =	vst v63  }
0x21: {  	_ =	swait.ge [sflag:s29], $0x3E80  }
0x22: {  	[sflag:s29] =	ssyncset.done $0x0  }
0x23: {  	[sflag:s29] =	ssyncadd.s32 $0xFFFFC180  }
0x24: {  	_ =	swait.ge [sflag:s30], $0x2780  }
0x25: {  	[sflag:s30] =	ssyncset.done $0x0  }
0x26: {  	s7 =	rddreg [dreg:$0x4];
	[sflag:s30] =	ssyncadd.s32 $0xFFFFD880  }
0x27: {  	[tilespmem:s31], [sflag:$0x3] =	stream.linear.gather [hbm4b:s7+s3], $0x2800, $0x38;
	[tilespmem:$0x1F780] =	vst v63  }
0x28: {  	_ =	swait.ge [sflag:s29], $0x2800  }
0x29: {  	[sflag:s29] =	ssyncset.done $0x0  }
0x2a: {  	[sflag:s29] =	ssyncadd.s32 $0xFFFFD800  }
0x2b: {  	[spmem:s8] =	stream.linear.scatter [tilespmem:s31], [sflag:$0x3], $0x2800, $0x38;
	[tilespmem:$0x1F780] =	vst v63  }
0x2c: {  	_ =	swait.ge [sflag:s29], $0x2800  }
0x2d: {  	[sflag:s29] =	ssyncset.done $0x0  }
0x2e: {  	[sflag:s29] =	ssyncadd.s32 $0xFFFFD800  }
0x2f: {  	[spmem:s9] =	stream.linear.scatter [tilespmem:s31], [sflag:$0x3], $0x2800, $0x38;
	[tilespmem:$0x1F780] =	vst v63  }
0x30: {  	_ =	swait.ge [sflag:s29], $0x2800  }
0x31: {  	[sflag:s29] =	ssyncset.done $0x0  }
0x32: {  	[sflag:s29] =	ssyncadd.s32 $0xFFFFD800  }
0x33: {  	[spmem:s10] =	stream.linear.scatter [tilespmem:s31], [sflag:$0x3], $0x2800, $0x38;
	[tilespmem:$0x1F780] =	vst v63  }
0x34: {  	_ =	swait.ge [sflag:s29], $0x2800  }
0x35: {  	[sflag:s29] =	ssyncset.done $0x0  }
0x36: {  	[sflag:s29] =	ssyncadd.s32 $0xFFFFD800  }
0x37: {  	[spmem:s11] =	stream.linear.scatter [tilespmem:s31], [sflag:$0x3], $0x2800, $0x38;
	[tilespmem:$0x1F780] =	vst v63  }
0x38: {  	_ =	swait.ge [sflag:s29], $0x2800  }
0x39: {  	[sflag:s29] =	ssyncset.done $0x0  }
0x3a: {  	[sflag:s29] =	ssyncadd.s32 $0xFFFFD800  }
0x3b: {  	[spmem:s12] =	stream.linear.scatter [tilespmem:s31], [sflag:$0x3], $0x2800, $0x38;
	[tilespmem:$0x1F780] =	vst v63  }
0x3c: {  	_ =	swait.ge [sflag:s29], $0x2800  }
0x3d: {  	[sflag:s29] =	ssyncset.done $0x0  }
0x3e: {  	[sflag:s29] =	ssyncadd.s32 $0xFFFFD800  }
0x3f: {  	[spmem:s13] =	stream.linear.scatter [tilespmem:s31], [sflag:$0x3], $0x2800, $0x38;
	[tilespmem:$0x1F780] =	vst v63  }
0x40: {  	_ =	swait.ge [sflag:s29], $0x2800  }
0x41: {  	[sflag:s29] =	ssyncset.done $0x0  }
0x42: {  	[sflag:s29] =	ssyncadd.s32 $0xFFFFD800  }
0x43: {  	[spmem:s14] =	stream.linear.scatter [tilespmem:s31], [sflag:$0x3], $0x2800, $0x38;
	[tilespmem:$0x1F780] =	vst v63  }
0x44: {  	_ =	swait.ge [sflag:s29], $0x2800  }
0x45: {  	[sflag:s29] =	ssyncset.done $0x0  }
0x46: {  	[sflag:s29] =	ssyncadd.s32 $0xFFFFD800  }
0x47: {  	[spmem:s15] =	stream.linear.scatter [tilespmem:s31], [sflag:$0x3], $0x2800, $0x38;
	[tilespmem:$0x1F780] =	vst v63  }
0x48: {  	_ =	swait.ge [sflag:s29], $0x2800  }
0x49: {  	[sflag:s29] =	ssyncset.done $0x0  }
0x4a: {  	[sflag:s29] =	ssyncadd.s32 $0xFFFFD800  }
0x4b: {  	[bflag:$0x0] =	sbarrier.arrive $0xFFFF  }
0x4c: {  	[tilespmem:s31], [sflag:$0x1] =	stream.indirect.gather [hbm4b:s4+s1], $0x80, s3, s1, $0xb8;
	[tilespmem:$0x1F780] =	vst v63  }
0x4d: {  	_ =	swait.ge [sflag:s30], $0x2800  }
0x4e: {  	[sflag:s30] =	ssyncset.done $0x0  }
0x4f: {  	s26 =	simm.s32 $0x50;
	[sflag:s30] =	ssyncadd.s32 $0xFFFFD800  }
0x50: {  	[tilespmem:s0], [sflag:$0x2] =	stream.indirect.gather [hbm4b:s4+s1], $0x80, s26, s1, $0xb8;
	[tilespmem:$0x1F780] =	vst v63  }
0x51: {  	s6 =	simm.s32 $0x2780  }
0x52: {  	[spmem:s2] =	stream.indirect.scatter.add.f32 [tilespmem:s31], [sflag:$0x3], $0x80, s6, s1, $0xb8;
	[tilespmem:$0x1F780] =	vst v63  }
0x53: {  	_ =	swait.ge [sflag:s29], $0x2800  }
0x54: {  	[sflag:s29] =	ssyncset.done $0x0  }
0x55: {  	[sflag:s29] =	ssyncadd.s32 $0xFFFFD800  }
0x56: {  	_ =	swait.ge [sflag:s25], $0x2800  }
0x57: {  	[sflag:s25] =	ssyncset.done $0x0  }
0x58: {  	s26 =	simm.s32 $0xA0;
	[sflag:s25] =	ssyncadd.s32 $0xFFFFD800  }
0x59: {  	[tilespmem:s31], [sflag:$0x1] =	stream.indirect.gather [hbm4b:s4+s1], $0x80, s26, s1, $0xb8;
	[tilespmem:$0x1F780] =	vst v63  }
0x5a: {  	s7 =	simm.s32 $0x2800  }
0x5b: {  	[spmem:s2] =	stream.indirect.scatter.add.f32 [tilespmem:s0], [sflag:$0x3], $0x80, s7, s1, $0xb8;
	[tilespmem:$0x1F780] =	vst v63  }
0x5c: {  	_ =	swait.ge [sflag:s29], $0x2800  }
0x5d: {  	s5 =	simm.s32 $0x400;
	[sflag:s29] =	ssyncset.done $0x0  }
.LBB2_2:
0x5e: {  	p0 =	sne.s32 s5, $0xF400;
	[sflag:s29] =	ssyncadd.s32 $0xFFFFD800;
	s26 =	sadd.s32 $0xA0, s26  }
0x5f: {  	s6 =	smov.u32 s5;
	s5 =	sadd.s32 $0x400, s5  }
0x60: {  	_ =	swait.ge [sflag:s30], $0x2800  }
0x61: {  	[sflag:s30] =	ssyncset.done $0x0  }
0x62: {  	s7 =	sadd.s32 $0xFFFFFFB0, s26;
	s6 =	sshra.s32 s6, $0x2;
	[sflag:s30] =	ssyncadd.s32 $0xFFFFD800  }
0x63: {  	[tilespmem:s0], [sflag:$0x2] =	stream.indirect.gather [hbm4b:s4+s1], $0x80, s7, s1, $0xb8;
	[tilespmem:$0x1F780] =	vst v63  }
0x64: {  	s7 =	sadd.s32 $0x2780, s6  }
0x65: {  	[spmem:s2] =	stream.indirect.scatter.add.f32 [tilespmem:s31], [sflag:$0x3], $0x80, s7, s1, $0xb8;
	[tilespmem:$0x1F780] =	vst v63  }
0x66: {  	_ =	swait.ge [sflag:s29], $0x2800  }
0x67: {  	[sflag:s29] =	ssyncset.done $0x0  }
0x68: {  	[sflag:s29] =	ssyncadd.s32 $0xFFFFD800  }
0x69: {  	_ =	swait.ge [sflag:s25], $0x2800  }
0x6a: {  	[sflag:s25] =	ssyncset.done $0x0  }
0x6b: {  	[sflag:s25] =	ssyncadd.s32 $0xFFFFD800  }
0x6c: {  	[tilespmem:s31], [sflag:$0x1] =	stream.indirect.gather [hbm4b:s4+s1], $0x80, s26, s1, $0xb8;
	[tilespmem:$0x1F780] =	vst v63  }
.Ltmp0:
0x6d: {  	_ = 	snop;
	(pc) =	sbr.rel @p0 .LBB2_2-.Ltmp0, $4  }
0x6e: {  	s6 =	sadd.s32 $0x2800, s6  }
0x6f: {  	[spmem:s2] =	stream.indirect.scatter.add.f32 [tilespmem:s0], [sflag:$0x3], $0x80, s6, s1, $0xb8;
	[tilespmem:$0x1F780] =	vst v63  }
0x70: {  	_ =	swait.ge [sflag:s29], $0x2800  }
0x71: {  	[sflag:s29] =	ssyncset.done $0x0  }
0x72: {  	[sflag:s29] =	ssyncadd.s32 $0xFFFFD800  }
0x73: {  	_ =	swait.ge [sflag:s30], $0x2800  }
0x74: {  	[sflag:s30] =	ssyncset.done $0x0  }
0x75: {  	s5 =	simm.s32 $0x6580;
	[sflag:s30] =	ssyncadd.s32 $0xFFFFD800  }
0x76: {  	[spmem:s2] =	stream.indirect.scatter.add.f32 [tilespmem:s31], [sflag:$0x3], $0x80, s5, s1, $0xb8;
	[tilespmem:$0x1F780] =	vst v63  }
0x77: {  	_ =	swait.ge [sflag:s29], $0x2800  }
0x78: {  	[sflag:s29] =	ssyncset.done $0x0  }
0x79: {  	[sflag:s29] =	ssyncadd.s32 $0xFFFFD800  }
0x7a: {  	[bflag:$0x0] =	sbarrier.arrive $0xFFFF  }
0x7b: {  	[tilespmem:s31], [sflag:$0x3] =	stream.linear.gather [spmem:s8], $0x2800, $0x38;
	[tilespmem:$0x1F780] =	vst v63  }
0x7c: {  	_ =	swait.ge [sflag:s29], $0x2800  }
0x7d: {  	[sflag:s29] =	ssyncset.done $0x0  }
0x7e: {  	[sflag:s29] =	ssyncadd.s32 $0xFFFFD800  }
0x7f: {  	[hbm4b:s17+s3] =	stream.linear.scatter [tilespmem:s31], [sflag:$0x3], $0x2800, $0x38;
	[tilespmem:$0x1F780] =	vst v63  }
0x80: {  	_ =	swait.ge [sflag:s29], $0x2800  }
0x81: {  	[sflag:s29] =	ssyncset.done $0x0  }
0x82: {  	[sflag:s29] =	ssyncadd.s32 $0xFFFFD800  }
0x83: {  	[tilespmem:s31], [sflag:$0x3] =	stream.linear.gather [spmem:s9], $0x2800, $0x38;
	[tilespmem:$0x1F780] =	vst v63  }
0x84: {  	_ =	swait.ge [sflag:s29], $0x2800  }
0x85: {  	[sflag:s29] =	ssyncset.done $0x0  }
0x86: {  	[sflag:s29] =	ssyncadd.s32 $0xFFFFD800  }
0x87: {  	[hbm4b:s18+s3] =	stream.linear.scatter [tilespmem:s31], [sflag:$0x3], $0x2800, $0x38;
	[tilespmem:$0x1F780] =	vst v63  }
0x88: {  	_ =	swait.ge [sflag:s29], $0x2800  }
0x89: {  	[sflag:s29] =	ssyncset.done $0x0  }
0x8a: {  	[sflag:s29] =	ssyncadd.s32 $0xFFFFD800  }
0x8b: {  	[tilespmem:s31], [sflag:$0x3] =	stream.linear.gather [spmem:s10], $0x2800, $0x38;
	[tilespmem:$0x1F780] =	vst v63  }
0x8c: {  	_ =	swait.ge [sflag:s29], $0x2800  }
0x8d: {  	[sflag:s29] =	ssyncset.done $0x0  }
0x8e: {  	[sflag:s29] =	ssyncadd.s32 $0xFFFFD800  }
0x8f: {  	[hbm4b:s19+s3] =	stream.linear.scatter [tilespmem:s31], [sflag:$0x3], $0x2800, $0x38;
	[tilespmem:$0x1F780] =	vst v63  }
0x90: {  	_ =	swait.ge [sflag:s29], $0x2800  }
0x91: {  	[sflag:s29] =	ssyncset.done $0x0  }
0x92: {  	[sflag:s29] =	ssyncadd.s32 $0xFFFFD800  }
0x93: {  	[tilespmem:s31], [sflag:$0x3] =	stream.linear.gather [spmem:s11], $0x2800, $0x38;
	[tilespmem:$0x1F780] =	vst v63  }
0x94: {  	_ =	swait.ge [sflag:s29], $0x2800  }
0x95: {  	[sflag:s29] =	ssyncset.done $0x0  }
0x96: {  	[sflag:s29] =	ssyncadd.s32 $0xFFFFD800  }
0x97: {  	[hbm4b:s20+s3] =	stream.linear.scatter [tilespmem:s31], [sflag:$0x3], $0x2800, $0x38;
	[tilespmem:$0x1F780] =	vst v63  }
0x98: {  	_ =	swait.ge [sflag:s29], $0x2800  }
0x99: {  	[sflag:s29] =	ssyncset.done $0x0  }
0x9a: {  	[sflag:s29] =	ssyncadd.s32 $0xFFFFD800  }
0x9b: {  	[tilespmem:s31], [sflag:$0x3] =	stream.linear.gather [spmem:s12], $0x2800, $0x38;
	[tilespmem:$0x1F780] =	vst v63  }
0x9c: {  	_ =	swait.ge [sflag:s29], $0x2800  }
0x9d: {  	[sflag:s29] =	ssyncset.done $0x0  }
0x9e: {  	[sflag:s29] =	ssyncadd.s32 $0xFFFFD800  }
0x9f: {  	[hbm4b:s21+s3] =	stream.linear.scatter [tilespmem:s31], [sflag:$0x3], $0x2800, $0x38;
	[tilespmem:$0x1F780] =	vst v63  }
0xa0: {  	_ =	swait.ge [sflag:s29], $0x2800  }
0xa1: {  	[sflag:s29] =	ssyncset.done $0x0  }
0xa2: {  	[sflag:s29] =	ssyncadd.s32 $0xFFFFD800  }
0xa3: {  	[tilespmem:s31], [sflag:$0x3] =	stream.linear.gather [spmem:s13], $0x2800, $0x38;
	[tilespmem:$0x1F780] =	vst v63  }
0xa4: {  	_ =	swait.ge [sflag:s29], $0x2800  }
0xa5: {  	[sflag:s29] =	ssyncset.done $0x0  }
0xa6: {  	[sflag:s29] =	ssyncadd.s32 $0xFFFFD800  }
0xa7: {  	[hbm4b:s22+s3] =	stream.linear.scatter [tilespmem:s31], [sflag:$0x3], $0x2800, $0x38;
	[tilespmem:$0x1F780] =	vst v63  }
0xa8: {  	_ =	swait.ge [sflag:s29], $0x2800  }
0xa9: {  	[sflag:s29] =	ssyncset.done $0x0  }
0xaa: {  	[sflag:s29] =	ssyncadd.s32 $0xFFFFD800  }
0xab: {  	[tilespmem:s31], [sflag:$0x3] =	stream.linear.gather [spmem:s14], $0x2800, $0x38;
	[tilespmem:$0x1F780] =	vst v63  }
0xac: {  	_ =	swait.ge [sflag:s29], $0x2800  }
0xad: {  	[sflag:s29] =	ssyncset.done $0x0  }
0xae: {  	[sflag:s29] =	ssyncadd.s32 $0xFFFFD800  }
0xaf: {  	[hbm4b:s23+s3] =	stream.linear.scatter [tilespmem:s31], [sflag:$0x3], $0x2800, $0x38;
	[tilespmem:$0x1F780] =	vst v63  }
0xb0: {  	_ =	swait.ge [sflag:s29], $0x2800  }
0xb1: {  	[sflag:s29] =	ssyncset.done $0x0  }
0xb2: {  	[sflag:s29] =	ssyncadd.s32 $0xFFFFD800  }
0xb3: {  	[tilespmem:s31], [sflag:$0x3] =	stream.linear.gather [spmem:s15], $0x2800, $0x38;
	[tilespmem:$0x1F780] =	vst v63  }
0xb4: {  	s28 =	sadd.s32 $0x1, s28;
	_ =	swait.ge [sflag:s29], $0x2800  }
0xb5: {  	p0 =	sne.s32 s28, s16;
	[sflag:s29] =	ssyncset.done $0x0  }
.Ltmp1:
0xb6: {  	[sflag:s29] =	ssyncadd.s32 $0xFFFFD800;
	(pc) =	sbr.rel @p0 .LBB2_1-.Ltmp1, $4  }
0xb7: {  	[hbm4b:s24+s3] =	stream.linear.scatter [tilespmem:s31], [sflag:$0x3], $0x2800, $0x38;
	[tilespmem:$0x1F780] =	vst v63  }
0xb8: {  	_ =	swait.ge [sflag:s29], $0x2800  }
0xb9: {  	[sflag:s29] =	ssyncset.done $0x0  }
0xba: {  	[sflag:s29] =	ssyncadd.s32 $0xFFFFD800  }
0xbb: {  	_ =	sfence.sel $0x180000  }
0xbc: {  	[bflag:$0x0] =	sbarrier.arrive $0xFFFF  }
0xbd: {  	_ =	strace $0x90000047  }
0xbe: {  	s0 =	stileid.u32;
	[bflag:$0x2] =	sbarrier.arrive $0xFFFF  }
0xbf: {  	p0 =	sne.s32 s0, $0x0;
	s0 =	rddreg [dreg:$0x3]  }
0xc0: {  	s0 =	sadd.s32 @!p0 $0x100000, s0  }
0xc1: {  	[sflag:s0] =	ssyncadd.tile.s32 @!p0 $0x1;
	_ =	shalt  }
.Lfunc_end2:
_tile_overlayer_lowered:
.L_overlay_start_2:
0xc2: {  	(tag) =	ssettag $0x2  }
0xc3: {  	s0 =	rddreg [dreg:$0x0];
	s2 =	stileid.u32  }
0xc4: {  	s1 =	rddreg [dreg:$0x1];
	p0 =	sne.s32 s2, $0x0  }
0xc5: {  	s3 =	rddreg [dreg:$0x2];
	[bflag:$0x3] =	sbarrier.arrive $0xFFFF;
	s2 =	simm.s32 @!p0 $0x1C03  }
0xc6: {  	[timem:s3], [sflag:s2] =	dma.local @!p0 [hbm:s0], s1  }
0xc7: {  	s0 =	simm.s32 @!p0 $0x3  }
0xc8: {  	_ =	swait.ge @!p0 [sflag:s0], s1  }
0xc9: {  	s1 =	ssub.s32 @!p0 $0x0, s1;
	[sflag:s0] =	ssyncset.done @!p0 $0x0  }
0xca: {  	[sflag:s0] =	ssyncadd.s32 @!p0 s1  }
0xcb: {  	[bflag:$0x3] =	sbarrier.arrive $0xFFFF  }
0xcc: {  	_ =	shalt  }

// kernel: kernel.13.cloned.1.call-start
scs
__scs_entry_jumppad:
0x0: {  	(pc) =	sbr.rel $0x88, $3  }
0x1: {  	(tag) =	ssettag $0x0;
	lr =	simm.s32 $0x1  }
0x2: {  	[smem:$0x3F93] =	sst lr;
	_ =	strace $0xD0000000  }
0x3: {  	_ = 	snop  }
0x4: {  	_ = 	snop  }
0x5: {  	_ = 	snop  }
0x6: {  	_ = 	snop  }
0x7: {  	_ = 	snop  }
__scs_overlays_trampoline_lowered:
0x8: {  	[smem:$0x3FA2] =	sst s0  }
0x9: {  	[smem:$0x3FA3] =	sst s1  }
0xa: {  	[smem:$0x3FA4] =	sst s2  }
0xb: {  	[smem:$0x3FA5] =	sst s3  }
0xc: {  	[smem:$0x3FA6] =	sst s4  }
0xd: {  	[smem:$0x3FA7] =	sst s5  }
0xe: {  	[smem:$0x3FA8] =	sst s6  }
0xf: {  	[smem:$0x3FA9] =	sst s7  }
0x10: {  	[smem:$0x3FAA] =	sst s8  }
0x11: {  	[smem:$0x3FAB] =	sst s9;
	s0 =	simm.s32 @!p0 $0x0  }
0x12: {  	s1 =	sld [smem:$0x3F91];
	s0 =	simm.s32 @p0 $0x1  }
0x13: {  	[smem:$0x3FAC] =	sst s0;
	s0 =	simm.s32 @!p1 $0x0  }
0x14: {  	s2 =	sld [smem:$0x3F90];
	s0 =	simm.s32 @p1 $0x1  }
0x15: {  	[smem:$0x3FAD] =	sst s0;
	s0 =	simm.s32 @!p2 $0x0  }
0x16: {  	s3 =	sld [smem:$0x3FDB];
	s0 =	simm.s32 @p2 $0x1  }
0x17: {  	s4 =	simm.s32 $0x1BF5;
	[smem:$0x3FAF] =	sst s0  }
0x18: {  	s0 =	sld [smem:$0x3F92];
	_ =	swait.ge [sflag:s4], $0x0  }
0x19: {  	s7 =	sld [smem:$0x3F93]  }
0x1a: {  	s8 =	sadd.s32 $0xFFFFE003, lr  }
0x1b: {  	s9 =	sadd.s32 $0xFFFFFEF7, lr;
	s5 =	simm.s32 $0xFFFFFFFF;
	p2 =	slt.u32 s8, $0xFFFFF086  }
0x1c: {  	p1 =	slt.u32 s9, $0xF7A;
	s5 =	simm.s32 @!p2 $0x0  }
0x1d: {  	s5 =	simm.s32 @p1 $0x1;
	p0 =	seq.s32 s7, s2  }
0x1e: {  	s7 =	smul.u32 @!p0 $0xF7A, s2;
	p2 =	seq.s32 @!p0 s5, $0x0  }
0x1f: {  	s9 =	smul.u32 $0xF7A, s1;
	s8 =	simm.s32 @!p0 $0x1BF5;
	p2 =	por !p2, p0  }
0x20: {  	[sflag:s8] =	ssyncset.s32 @!p0 $0xFFFFF086;
	s6 =	sadd.s32 @!p0 s3, s7;
	s7 =	simm.s32 @!p0 $0x108  }
0x21: {  	s3 =	sadd.s32 s3, s9;
	s6 =	sadd.s32 @!p0 $0x88, s6;
	s7 =	simm.s32 @p2 $0x1082  }
0x22: {  	[simem:s7], [sflag:s8] =	dma.local @!p0 [hbm:s6], $0xF7A  }
0x23: {  	s9 =	sor.u32 $0xD0000000, s2;
	s6 =	simm.s32 $0x108;
	_ =	swait.ge @!p0 [sflag:s8], $0x0  }
0x24: {  	s3 =	sadd.s32 $0x88, s3;
	s6 =	simm.s32 @!p1 $0x1082;
	[sflag:s4] =	ssyncset.s32 $0xFFFFF086  }
0x25: {  	[simem:s6], [sflag:s4] =	dma.local [hbm:s3], $0xF7A  }
0x26: {  	[smem:$0x3F93] =	sst s1;
	(tag) =	ssettag s2;
	_ =	strace s9  }
0x27: {  	s1 =	sld [smem:$0x3FA3]  }
0x28: {  	s2 =	sld [smem:$0x3FA4]  }
0x29: {  	s4 =	sld [smem:$0x3FA6]  }
0x2a: {  	p0 =	seq.s32 s5, $0x0;
	s5 =	sld [smem:$0x3FA7]  }
0x2b: {  	s6 =	sld [smem:$0x3FA8]  }
0x2c: {  	s7 =	sld [smem:$0x3FA9]  }
0x2d: {  	s3 =	simm.s32 $0x108;
	s8 =	sld [smem:$0x3FAA]  }
0x2e: {  	s3 =	simm.s32 @!p0 $0x1082;
	s9 =	sld [smem:$0x3FAB]  }
0x2f: {  	lr =	sadd.s32 s0, s3;
	s0 =	sld [smem:$0x3FA2]  }
0x30: {  	s3 =	sld [smem:$0x3FA5]  }
0x31: {  	[smem:$0x3FAE] =	sst s10  }
0x32: {  	s10 =	sld [smem:$0x3FAC];
	_ =	sdelay $0x3  }
0x33: {  	p0 =	seq.s32 s10, $0x1;
	s10 =	sld [smem:$0x3FAE];
	_ =	sdelay $0x3  }
0x34: {  	[smem:$0x3FAE] =	sst s10  }
0x35: {  	s10 =	sld [smem:$0x3FAD];
	_ =	sdelay $0x3  }
0x36: {  	p1 =	seq.s32 s10, $0x1;
	s10 =	sld [smem:$0x3FAE];
	_ =	sdelay $0x3  }
0x37: {  	[smem:$0x3FAE] =	sst s10  }
0x38: {  	s10 =	sld [smem:$0x3FAF]  }
0x39: {  	_ = 	snop;
	(pc) =	sbr.ind lr, $3  }
0x3a: {  	_ = 	snop  }
0x3b: {  	_ = 	snop  }
0x3c: {  	p2 =	seq.s32 s10, $0x1;
	s10 =	sld [smem:$0x3FAE]  }
0x3d: {  	_ =	shalt  }
0x3e: {  	_ =	shalt  }
0x3f: {  	_ =	shalt  }
0x40: {  	_ =	shalt  }
0x41: {  	_ =	shalt  }
0x42: {  	_ =	shalt  }
0x43: {  	_ =	shalt  }
0x44: {  	_ =	shalt  }
0x45: {  	_ =	shalt  }
0x46: {  	_ =	shalt  }
0x47: {  	_ =	shalt  }
0x48: {  	_ =	shalt  }
0x49: {  	_ =	shalt  }
0x4a: {  	_ =	shalt  }
0x4b: {  	_ =	shalt  }
0x4c: {  	_ =	shalt  }
0x4d: {  	_ =	shalt  }
0x4e: {  	_ =	shalt  }
0x4f: {  	_ =	shalt  }
0x50: {  	_ =	shalt  }
0x51: {  	_ =	shalt  }
0x52: {  	_ =	shalt  }
0x53: {  	_ =	shalt  }
0x54: {  	_ =	shalt  }
0x55: {  	_ =	shalt  }
0x56: {  	_ =	shalt  }
0x57: {  	_ =	shalt  }
0x58: {  	_ =	shalt  }
0x59: {  	_ =	shalt  }
0x5a: {  	_ =	shalt  }
0x5b: {  	_ =	shalt  }
0x5c: {  	_ =	shalt  }
0x5d: {  	_ =	shalt  }
0x5e: {  	_ =	shalt  }
0x5f: {  	_ =	shalt  }
0x60: {  	_ =	shalt  }
0x61: {  	_ =	shalt  }
0x62: {  	_ =	shalt  }
0x63: {  	_ =	shalt  }
0x64: {  	_ =	shalt  }
0x65: {  	_ =	shalt  }
0x66: {  	_ =	shalt  }
0x67: {  	_ =	shalt  }
0x68: {  	_ =	shalt  }
0x69: {  	_ =	shalt  }
0x6a: {  	_ =	shalt  }
0x6b: {  	_ =	shalt  }
0x6c: {  	_ =	shalt  }
0x6d: {  	_ =	shalt  }
0x6e: {  	_ =	shalt  }
0x6f: {  	_ =	shalt  }
0x70: {  	_ =	shalt  }
0x71: {  	_ =	shalt  }
0x72: {  	_ =	shalt  }
0x73: {  	_ =	shalt  }
0x74: {  	_ =	shalt  }
0x75: {  	_ =	shalt  }
0x76: {  	_ =	shalt  }
0x77: {  	_ =	shalt  }
0x78: {  	_ =	shalt  }
0x79: {  	_ =	shalt  }
0x7a: {  	_ =	shalt  }
0x7b: {  	_ =	shalt  }
0x7c: {  	_ =	shalt  }
0x7d: {  	_ =	shalt  }
0x7e: {  	_ =	shalt  }
0x7f: {  	_ =	shalt  }
0x80: {  	_ =	shalt  }
0x81: {  	_ =	shalt  }
0x82: {  	_ =	shalt  }
0x83: {  	_ =	shalt  }
0x84: {  	_ =	shalt  }
0x85: {  	_ =	shalt  }
0x86: {  	_ =	shalt  }
0x87: {  	_ =	shalt  }
.Lfunc_end0:
.L_simem_size_0:
called_computation.2_lowered:
.L_overlay_start_0:
0x88: {  	s2 =	sld [smem:$0x3FD9]  }
0x89: {  	s3 =	sld [smem:$0x3FFE];
	_ =	sdelay $0x1  }
0x8a: {  	s1 =	srdreg.scid  }
0x8b: {  	s0 =	sand.u32 $0x1, s1  }
0x8c: {  	s17 =	sshll.u32 s0, $0xA;
	s2 =	sadd.s32 s3, s2  }
0x8d: {  	s2 =	sadd.s32 s2, s17  }
0x8e: {  	[smem:$0x3FBA] =	sst s2  }
0x8f: {  	_ = 	snop  }
0x90: {  	s2 =	sld [smem:$0x3FD0];
	(tm) =	ssettm $0x1  }
0x91: {  	s18 =	sld [smem:$0x3FFB];
	_ =	sdelay $0x3  }
0x92: {  	_ =	strace s18  }
0x93: {  	s3 =	sld [smem:$0x3FFC];
	_ =	sdelay $0x3  }
0x94: {  	_ =	strace s3  }
0x95: {  	s3 =	sld [smem:$0x3FFD];
	_ =	sdelay $0x3  }
0x96: {  	_ =	strace s3  }
0x97: {  	_ =	strace $0x8FFFFFFF  }
0x98: {  	s19 =	sld [smem:$0x3FDB];
	_ =	sdelay $0x1  }
0x99: {  	s4 =	simm.s32 $_scs_section_size  }
0x9a: {  	s5 =	simm.s32 $_size__tile_overlayer_lowered;
	s6 =	simm.s32 $_tile_overlayer_lowered  }
0x9b: {  	s22 =	simm.s32 $0x1BFF;
	s21 =	sshll.u32 s6, $0x1;
	s3 =	sadd.s32 s4, s19  }
0x9c: {  	s7 =	simm.s32 $0x0;
	s20 =	sshll.u32 s5, $0x1;
	s5 =	sadd.s32 s21, s3  }
0x9d: {  	[timem:s7], [sflag:s22] =	dma.local [hbm:s5], s20  }
0x9e: {  	_ =	swait.ge [sflag:s22], s20  }
0x9f: {  	s4 =	ssub.s32 $0x0, s20;
	[sflag:s22] =	ssyncset.done $0x0  }
0xa0: {  	[sflag:s22] =	ssyncadd.s32 s4;
	_ =	sdelay $0x1  }
0xa1: {  	s23 =	simm.s32 $0x1B8B  }
0xa2: {  	_ =	swait.ge [sflag:s23], $0x1  }
0xa3: {  	[sflag:s23] =	ssyncset.done $0x0  }
0xa4: {  	s25 =	simm.s32 $0x1B8E;
	s24 =	sld [smem:$0x3FFE];
	[sflag:s23] =	ssyncadd.s32 $0xFFFFFFFF  }
0xa5: {  	s26 =	simm.s32 $execute0_lowered;
	[smem:$0x3FD2] =	sst s25  }
0xa6: {  	s5 =	sshll.u32 s26, $0x1;
	_ =	strace $0x8000004C;
	[dreg:$0x1] =	wrdreg $0xFFFFFFFF  }
0xa7: {  	s28 =	simm.s32 $_size_execute0_lowered;
	s3 =	sadd.s32 s3, s5;
	[dreg:$0x0] =	wrdreg $0x0  }
0xa8: {  	s5 =	sshll.u32 s28, $0x1;
	[dreg:$0x2] =	wrdreg s3  }
0xa9: {  	[dreg:$0x3] =	wrdreg s5  }
0xaa: {  	[dreg:$0x4] =	wrdreg $0xC0  }
0xab: {  	_ =	task [dreg:s7], $0x5FFFF  }
0xac: {  	[dreg:$0x1] =	wrdreg $0xFFFFFFFF  }
0xad: {  	[dreg:$0x0] =	wrdreg $0x60  }
0xae: {  	[dreg:$0x2] =	wrdreg s24  }
0xaf: {  	[dreg:$0x3] =	wrdreg s2  }
0xb0: {  	[dreg:$0x4] =	wrdreg $0xB7800  }
0xb1: {  	[dreg:$0x5] =	wrdreg $0x9  }
0xb2: {  	_ =	task.clear_ibuf [dreg:s7], $0x6FFFF;
	_ =	strace $0x9000004C  }
0xb3: {  	s29 =	simm.s32 $0x9;
	_ =	strace $0x8000004E  }
0xb4: {  	_ =	swait.ge [sflag:s29], $0x1  }
0xb5: {  	[sflag:s29] =	ssyncadd.s32 $0xFFFFFFFF  }
0xb6: {  	_ =	strace $0x9000004E  }
0xb7: {  	_ =	sfence  }
0xb8: {  	s30 =	sld [smem:$0x0];
	_ =	sdelay $0x2  }
0xb9: {  	s31 =	sshll.u32 s1, $0xD;
	s1 =	sshrl.u32 s1, $0x2  }
0xba: {  	s3 =	sand.u32 $0x4000, s31;
	s1 =	sadd.s32 s1, s30  }
0xbb: {  	s0 =	sor.u32 s3, s0;
	s1 =	sshll.u32 s1, $0x11  }
0xbc: {  	s0 =	sor.u32 s1, s0  }
0xbd: {  	s0 =	sadd.s32 $0x8F2B, s0  }
0xbe: {  	[sflag:s0] =	ssyncadd.remote.s32 $0x1  }
0xbf: {  	_ =	sfence.sel $0xFFFF  }
0xc0: {  	[dreg:$0x0] =	wrdreg $0xFFFFFFFF;
	(pc) =	sbr.abs _section_cstart, $3  }
0xc1: {  	[dreg:$0x1] =	wrdreg $0xFFFFFFFF  }
0xc2: {  	_ =	task.clear_ibuf [dreg:s7], $0x2FFFF;
	_ =	strace $0x9FFFFFFF  }
0xc3: {  	(tm) =	ssettm $0x7FFFFFFF  }
tec
execute0_lowered:
.L_overlay_start_1:
0x0: {  	(tag) =	ssettag $0x1  }
0x1: {  	s0 =	srdreg.scid;
	s1 =	rddreg [dreg:$0x0]  }
0x2: {  	s23 =	stileid.u32;
	s5 =	rddreg [dreg:$0x1]  }
0x3: {  	s30 =	simm.s32 $0x1;
	s31 =	simm.s32 $0x6780;
	s0 =	sand.u32 $0x1, s0  }
0x4: {  	s2 =	sshll.u32 s23, $0x1;
	s3 =	sshrl.u32 s23, $0x2;
	s10 =	smul.u32 $0x50000, s23  }
0x5: {  	s9 =	sadd.s32 $0x35400, s1;
	s14 =	smul.u32 $0x280, s23;
	s6 =	sor.u32 s0, s2  }
0x6: {  	s2 =	rddreg [dreg:$0x2];
	s4 =	smul.u32 $0x13C00, s3;
	s3 =	simm.s32 $0x0  }
0x7: {  	s8 =	ssub.s32 $0x2, s0;
	p0 =	seq.s32 s0, $0x1;
	s0 =	simm.s32 $0x5DA00  }
0x8: {  	s7 =	sshll.u32 s6, $0x7;
	[smem:$0x7FF] =	sst s3;
	s24 =	sshrl.u32 s8, $0x1  }
0x9: {  	s25 =	sshll.u32 s6, $0xB;
	s6 =	sshrl.u32 s10, $0x2;
	s17 =	sadd.s32 $0xA0, s14  }
0xa: {  	s18 =	sadd.s32 $0xF0, s14;
	s19 =	sadd.s32 $0x140, s14;
	s20 =	sadd.s32 $0x190, s14  }
0xb: {  	s21 =	sadd.s32 $0x1E0, s14;
	s22 =	sadd.s32 $0x230, s14;
	s0 =	simm.s32 @!p0 $0x35A00  }
0xc: {  	s7 =	sand.u32 $0x380, s7;
	_ =	strace $0x8000004D;
	[dreg:$0x4] =	wrdreg s9  }
0xd: {  	s16 =	ssub.s32 s8, s24;
	s5 =	sadd.s32 s5, s25;
	s8 =	sadd.s32 s6, s2  }
0xe: {  	s25 =	sshll.u32 s17, $0x7;
	s11 =	sshll.u32 s18, $0x7;
	s12 =	sshll.u32 s19, $0x7  }
0xf: {  	s13 =	sshll.u32 s20, $0x7;
	s15 =	sshll.u32 s21, $0x7;
	s0 =	sadd.s32 s0, s1  }
0x10: {  	s6 =	smul.u32 $0x2800, s23;
	s28 =	sshll.u32 s21, $0x4;
	s29 =	sshll.u32 s22, $0x4  }
0x11: {  	s4 =	sor.u32 s4, s7;
	[dreg:$0x6] =	wrdreg s5;
	s10 =	sadd.s32 s25, s2  }
0x12: {  	s11 =	sadd.s32 s11, s2;
	s12 =	sadd.s32 s12, s2;
	s13 =	sadd.s32 s13, s2  }
0x13: {  	s25 =	sshll.u32 s19, $0x4;
	s16 =	smax.u32 s16, $0x1;
	s23 =	sadd.s32 s0, s28  }
0x14: {  	s28 =	simm.s32 $0x0;
	s7 =	sshrl.u32 s4, $0x3;
	s4 =	sadd.s32 $0xD400, s1  }
0x15: {  	s21 =	sadd.s32 s0, s25;
	s25 =	simm.s32 $0x2;
	s7 =	sadd.s32 s7, s1  }
0x16: {  	s1 =	simm.s32 $0x50;
	s26 =	sadd.s32 $0x3600, s7;
	s7 =	sor.u32 $0x50, s14  }
0x17: {  	s14 =	sadd.s32 s15, s2;
	[dreg:$0x5] =	wrdreg s26;
	s24 =	sshll.u32 s7, $0x7  }
0x18: {  	s26 =	sshll.u32 s22, $0x7;
	s5 =	sshll.u32 s7, $0x4;
	s7 =	sshll.u32 s17, $0x4  }
0x19: {  	s17 =	sadd.s32 s0, s6;
	s9 =	sadd.s32 s24, s2;
	s15 =	sadd.s32 s26, s2  }
0x1a: {  	s24 =	sshll.u32 s18, $0x4;
	s26 =	sshll.u32 s20, $0x4;
	s18 =	sadd.s32 s0, s5  }
0x1b: {  	s19 =	sadd.s32 s0, s7;
	s20 =	sadd.s32 s0, s24;
	s22 =	sadd.s32 s0, s26  }
0x1c: {  	s24 =	sadd.s32 s0, s29;
	s29 =	simm.s32 $0x3;
	s0 =	simm.s32 $0x8F80  }
.LBB2_1:
0x1d: {  	s5 =	rddreg [dreg:$0x5];
	s6 =	simm.s32 $0x80;
	s7 =	simm.s32 $0x400  }
0x1e: {  	[tilespmem:s3], [sflag:$0x1] =	stream.strided.gather [hbm4b:s5+s6], $0x2780, s7, s6, $0x38;
	[tilespmem:$0x1F780] =	vst v63  }
0x1f: {  	s26 =	simm.s32 $0x2780;
	s7 =	rddreg [dreg:$0x6]  }
0x20: {  	[tilespmem:s26], [sflag:$0x3] =	stream.linear.gather [hbm4b:s7+s3], $0x3E80, $0x38;
	[tilespmem:$0x1F780] =	vst v63  }
0x21: {  	_ =	swait.ge [sflag:s29], $0x3E80  }
0x22: {  	[sflag:s29] =	ssyncset.done $0x0  }
0x23: {  	[sflag:s29] =	ssyncadd.s32 $0xFFFFC180  }
0x24: {  	_ =	swait.ge [sflag:s30], $0x2780  }
0x25: {  	[sflag:s30] =	ssyncset.done $0x0  }
0x26: {  	s7 =	rddreg [dreg:$0x4];
	[sflag:s30] =	ssyncadd.s32 $0xFFFFD880  }
0x27: {  	[tilespmem:s31], [sflag:$0x3] =	stream.linear.gather [hbm4b:s7+s3], $0x2800, $0x38;
	[tilespmem:$0x1F780] =	vst v63  }
0x28: {  	_ =	swait.ge [sflag:s29], $0x2800  }
0x29: {  	[sflag:s29] =	ssyncset.done $0x0  }
0x2a: {  	[sflag:s29] =	ssyncadd.s32 $0xFFFFD800  }
0x2b: {  	[spmem:s8] =	stream.linear.scatter [tilespmem:s31], [sflag:$0x3], $0x2800, $0x38;
	[tilespmem:$0x1F780] =	vst v63  }
0x2c: {  	_ =	swait.ge [sflag:s29], $0x2800  }
0x2d: {  	[sflag:s29] =	ssyncset.done $0x0  }
0x2e: {  	[sflag:s29] =	ssyncadd.s32 $0xFFFFD800  }
0x2f: {  	[spmem:s9] =	stream.linear.scatter [tilespmem:s31], [sflag:$0x3], $0x2800, $0x38;
	[tilespmem:$0x1F780] =	vst v63  }
0x30: {  	_ =	swait.ge [sflag:s29], $0x2800  }
0x31: {  	[sflag:s29] =	ssyncset.done $0x0  }
0x32: {  	[sflag:s29] =	ssyncadd.s32 $0xFFFFD800  }
0x33: {  	[spmem:s10] =	stream.linear.scatter [tilespmem:s31], [sflag:$0x3], $0x2800, $0x38;
	[tilespmem:$0x1F780] =	vst v63  }
0x34: {  	_ =	swait.ge [sflag:s29], $0x2800  }
0x35: {  	[sflag:s29] =	ssyncset.done $0x0  }
0x36: {  	[sflag:s29] =	ssyncadd.s32 $0xFFFFD800  }
0x37: {  	[spmem:s11] =	stream.linear.scatter [tilespmem:s31], [sflag:$0x3], $0x2800, $0x38;
	[tilespmem:$0x1F780] =	vst v63  }
0x38: {  	_ =	swait.ge [sflag:s29], $0x2800  }
0x39: {  	[sflag:s29] =	ssyncset.done $0x0  }
0x3a: {  	[sflag:s29] =	ssyncadd.s32 $0xFFFFD800  }
0x3b: {  	[spmem:s12] =	stream.linear.scatter [tilespmem:s31], [sflag:$0x3], $0x2800, $0x38;
	[tilespmem:$0x1F780] =	vst v63  }
0x3c: {  	_ =	swait.ge [sflag:s29], $0x2800  }
0x3d: {  	[sflag:s29] =	ssyncset.done $0x0  }
0x3e: {  	[sflag:s29] =	ssyncadd.s32 $0xFFFFD800  }
0x3f: {  	[spmem:s13] =	stream.linear.scatter [tilespmem:s31], [sflag:$0x3], $0x2800, $0x38;
	[tilespmem:$0x1F780] =	vst v63  }
0x40: {  	_ =	swait.ge [sflag:s29], $0x2800  }
0x41: {  	[sflag:s29] =	ssyncset.done $0x0  }
0x42: {  	[sflag:s29] =	ssyncadd.s32 $0xFFFFD800  }
0x43: {  	[spmem:s14] =	stream.linear.scatter [tilespmem:s31], [sflag:$0x3], $0x2800, $0x38;
	[tilespmem:$0x1F780] =	vst v63  }
0x44: {  	_ =	swait.ge [sflag:s29], $0x2800  }
0x45: {  	[sflag:s29] =	ssyncset.done $0x0  }
0x46: {  	[sflag:s29] =	ssyncadd.s32 $0xFFFFD800  }
0x47: {  	[spmem:s15] =	stream.linear.scatter [tilespmem:s31], [sflag:$0x3], $0x2800, $0x38;
	[tilespmem:$0x1F780] =	vst v63  }
0x48: {  	_ =	swait.ge [sflag:s29], $0x2800  }
0x49: {  	[sflag:s29] =	ssyncset.done $0x0  }
0x4a: {  	[sflag:s29] =	ssyncadd.s32 $0xFFFFD800  }
0x4b: {  	[bflag:$0x0] =	sbarrier.arrive $0xFFFF  }
0x4c: {  	[tilespmem:s31], [sflag:$0x1] =	stream.indirect.gather [hbm4b:s4+s1], $0x80, s3, s1, $0xb8;
	[tilespmem:$0x1F780] =	vst v63  }
0x4d: {  	_ =	swait.ge [sflag:s30], $0x2800  }
0x4e: {  	[sflag:s30] =	ssyncset.done $0x0  }
0x4f: {  	s26 =	simm.s32 $0x50;
	[sflag:s30] =	ssyncadd.s32 $0xFFFFD800  }
0x50: {  	[tilespmem:s0], [sflag:$0x2] =	stream.indirect.gather [hbm4b:s4+s1], $0x80, s26, s1, $0xb8;
	[tilespmem:$0x1F780] =	vst v63  }
0x51: {  	s6 =	simm.s32 $0x2780  }
0x52: {  	[spmem:s2] =	stream.indirect.scatter.add.f32 [tilespmem:s31], [sflag:$0x3], $0x80, s6, s1, $0xb8;
	[tilespmem:$0x1F780] =	vst v63  }
0x53: {  	_ =	swait.ge [sflag:s29], $0x2800  }
0x54: {  	[sflag:s29] =	ssyncset.done $0x0  }
0x55: {  	[sflag:s29] =	ssyncadd.s32 $0xFFFFD800  }
0x56: {  	_ =	swait.ge [sflag:s25], $0x2800  }
0x57: {  	[sflag:s25] =	ssyncset.done $0x0  }
0x58: {  	s26 =	simm.s32 $0xA0;
	[sflag:s25] =	ssyncadd.s32 $0xFFFFD800  }
0x59: {  	[tilespmem:s31], [sflag:$0x1] =	stream.indirect.gather [hbm4b:s4+s1], $0x80, s26, s1, $0xb8;
	[tilespmem:$0x1F780] =	vst v63  }
0x5a: {  	s7 =	simm.s32 $0x2800  }
0x5b: {  	[spmem:s2] =	stream.indirect.scatter.add.f32 [tilespmem:s0], [sflag:$0x3], $0x80, s7, s1, $0xb8;
	[tilespmem:$0x1F780] =	vst v63  }
0x5c: {  	_ =	swait.ge [sflag:s29], $0x2800  }
0x5d: {  	s5 =	simm.s32 $0x400;
	[sflag:s29] =	ssyncset.done $0x0  }
.LBB2_2:
0x5e: {  	p0 =	sne.s32 s5, $0xF400;
	[sflag:s29] =	ssyncadd.s32 $0xFFFFD800;
	s26 =	sadd.s32 $0xA0, s26  }
0x5f: {  	s6 =	smov.u32 s5;
	s5 =	sadd.s32 $0x400, s5  }
0x60: {  	_ =	swait.ge [sflag:s30], $0x2800  }
0x61: {  	[sflag:s30] =	ssyncset.done $0x0  }
0x62: {  	s7 =	sadd.s32 $0xFFFFFFB0, s26;
	s6 =	sshra.s32 s6, $0x2;
	[sflag:s30] =	ssyncadd.s32 $0xFFFFD800  }
0x63: {  	[tilespmem:s0], [sflag:$0x2] =	stream.indirect.gather [hbm4b:s4+s1], $0x80, s7, s1, $0xb8;
	[tilespmem:$0x1F780] =	vst v63  }
0x64: {  	s7 =	sadd.s32 $0x2780, s6  }
0x65: {  	[spmem:s2] =	stream.indirect.scatter.add.f32 [tilespmem:s31], [sflag:$0x3], $0x80, s7, s1, $0xb8;
	[tilespmem:$0x1F780] =	vst v63  }
0x66: {  	_ =	swait.ge [sflag:s29], $0x2800  }
0x67: {  	[sflag:s29] =	ssyncset.done $0x0  }
0x68: {  	[sflag:s29] =	ssyncadd.s32 $0xFFFFD800  }
0x69: {  	_ =	swait.ge [sflag:s25], $0x2800  }
0x6a: {  	[sflag:s25] =	ssyncset.done $0x0  }
0x6b: {  	[sflag:s25] =	ssyncadd.s32 $0xFFFFD800  }
0x6c: {  	[tilespmem:s31], [sflag:$0x1] =	stream.indirect.gather [hbm4b:s4+s1], $0x80, s26, s1, $0xb8;
	[tilespmem:$0x1F780] =	vst v63  }
.Ltmp0:
0x6d: {  	_ = 	snop;
	(pc) =	sbr.rel @p0 .LBB2_2-.Ltmp0, $4  }
0x6e: {  	s6 =	sadd.s32 $0x2800, s6  }
0x6f: {  	[spmem:s2] =	stream.indirect.scatter.add.f32 [tilespmem:s0], [sflag:$0x3], $0x80, s6, s1, $0xb8;
	[tilespmem:$0x1F780] =	vst v63  }
0x70: {  	_ =	swait.ge [sflag:s29], $0x2800  }
0x71: {  	[sflag:s29] =	ssyncset.done $0x0  }
0x72: {  	[sflag:s29] =	ssyncadd.s32 $0xFFFFD800  }
0x73: {  	_ =	swait.ge [sflag:s30], $0x2800  }
0x74: {  	[sflag:s30] =	ssyncset.done $0x0  }
0x75: {  	s5 =	simm.s32 $0x6580;
	[sflag:s30] =	ssyncadd.s32 $0xFFFFD800  }
0x76: {  	[spmem:s2] =	stream.indirect.scatter.add.f32 [tilespmem:s31], [sflag:$0x3], $0x80, s5, s1, $0xb8;
	[tilespmem:$0x1F780] =	vst v63  }
0x77: {  	_ =	swait.ge [sflag:s29], $0x2800  }
0x78: {  	[sflag:s29] =	ssyncset.done $0x0  }
0x79: {  	[sflag:s29] =	ssyncadd.s32 $0xFFFFD800  }
0x7a: {  	[bflag:$0x0] =	sbarrier.arrive $0xFFFF  }
0x7b: {  	[tilespmem:s31], [sflag:$0x3] =	stream.linear.gather [spmem:s8], $0x2800, $0x38;
	[tilespmem:$0x1F780] =	vst v63  }
0x7c: {  	_ =	swait.ge [sflag:s29], $0x2800  }
0x7d: {  	[sflag:s29] =	ssyncset.done $0x0  }
0x7e: {  	[sflag:s29] =	ssyncadd.s32 $0xFFFFD800  }
0x7f: {  	[hbm4b:s17+s3] =	stream.linear.scatter [tilespmem:s31], [sflag:$0x3], $0x2800, $0x38;
	[tilespmem:$0x1F780] =	vst v63  }
0x80: {  	_ =	swait.ge [sflag:s29], $0x2800  }
0x81: {  	[sflag:s29] =	ssyncset.done $0x0  }
0x82: {  	[sflag:s29] =	ssyncadd.s32 $0xFFFFD800  }
0x83: {  	[tilespmem:s31], [sflag:$0x3] =	stream.linear.gather [spmem:s9], $0x2800, $0x38;
	[tilespmem:$0x1F780] =	vst v63  }
0x84: {  	_ =	swait.ge [sflag:s29], $0x2800  }
0x85: {  	[sflag:s29] =	ssyncset.done $0x0  }
0x86: {  	[sflag:s29] =	ssyncadd.s32 $0xFFFFD800  }
0x87: {  	[hbm4b:s18+s3] =	stream.linear.scatter [tilespmem:s31], [sflag:$0x3], $0x2800, $0x38;
	[tilespmem:$0x1F780] =	vst v63  }
0x88: {  	_ =	swait.ge [sflag:s29], $0x2800  }
0x89: {  	[sflag:s29] =	ssyncset.done $0x0  }
0x8a: {  	[sflag:s29] =	ssyncadd.s32 $0xFFFFD800  }
0x8b: {  	[tilespmem:s31], [sflag:$0x3] =	stream.linear.gather [spmem:s10], $0x2800, $0x38;
	[tilespmem:$0x1F780] =	vst v63  }
0x8c: {  	_ =	swait.ge [sflag:s29], $0x2800  }
0x8d: {  	[sflag:s29] =	ssyncset.done $0x0  }
0x8e: {  	[sflag:s29] =	ssyncadd.s32 $0xFFFFD800  }
0x8f: {  	[hbm4b:s19+s3] =	stream.linear.scatter [tilespmem:s31], [sflag:$0x3], $0x2800, $0x38;
	[tilespmem:$0x1F780] =	vst v63  }
0x90: {  	_ =	swait.ge [sflag:s29], $0x2800  }
0x91: {  	[sflag:s29] =	ssyncset.done $0x0  }
0x92: {  	[sflag:s29] =	ssyncadd.s32 $0xFFFFD800  }
0x93: {  	[tilespmem:s31], [sflag:$0x3] =	stream.linear.gather [spmem:s11], $0x2800, $0x38;
	[tilespmem:$0x1F780] =	vst v63  }
0x94: {  	_ =	swait.ge [sflag:s29], $0x2800  }
0x95: {  	[sflag:s29] =	ssyncset.done $0x0  }
0x96: {  	[sflag:s29] =	ssyncadd.s32 $0xFFFFD800  }
0x97: {  	[hbm4b:s20+s3] =	stream.linear.scatter [tilespmem:s31], [sflag:$0x3], $0x2800, $0x38;
	[tilespmem:$0x1F780] =	vst v63  }
0x98: {  	_ =	swait.ge [sflag:s29], $0x2800  }
0x99: {  	[sflag:s29] =	ssyncset.done $0x0  }
0x9a: {  	[sflag:s29] =	ssyncadd.s32 $0xFFFFD800  }
0x9b: {  	[tilespmem:s31], [sflag:$0x3] =	stream.linear.gather [spmem:s12], $0x2800, $0x38;
	[tilespmem:$0x1F780] =	vst v63  }
0x9c: {  	_ =	swait.ge [sflag:s29], $0x2800  }
0x9d: {  	[sflag:s29] =	ssyncset.done $0x0  }
0x9e: {  	[sflag:s29] =	ssyncadd.s32 $0xFFFFD800  }
0x9f: {  	[hbm4b:s21+s3] =	stream.linear.scatter [tilespmem:s31], [sflag:$0x3], $0x2800, $0x38;
	[tilespmem:$0x1F780] =	vst v63  }
0xa0: {  	_ =	swait.ge [sflag:s29], $0x2800  }
0xa1: {  	[sflag:s29] =	ssyncset.done $0x0  }
0xa2: {  	[sflag:s29] =	ssyncadd.s32 $0xFFFFD800  }
0xa3: {  	[tilespmem:s31], [sflag:$0x3] =	stream.linear.gather [spmem:s13], $0x2800, $0x38;
	[tilespmem:$0x1F780] =	vst v63  }
0xa4: {  	_ =	swait.ge [sflag:s29], $0x2800  }
0xa5: {  	[sflag:s29] =	ssyncset.done $0x0  }
0xa6: {  	[sflag:s29] =	ssyncadd.s32 $0xFFFFD800  }
0xa7: {  	[hbm4b:s22+s3] =	stream.linear.scatter [tilespmem:s31], [sflag:$0x3], $0x2800, $0x38;
	[tilespmem:$0x1F780] =	vst v63  }
0xa8: {  	_ =	swait.ge [sflag:s29], $0x2800  }
0xa9: {  	[sflag:s29] =	ssyncset.done $0x0  }
0xaa: {  	[sflag:s29] =	ssyncadd.s32 $0xFFFFD800  }
0xab: {  	[tilespmem:s31], [sflag:$0x3] =	stream.linear.gather [spmem:s14], $0x2800, $0x38;
	[tilespmem:$0x1F780] =	vst v63  }
0xac: {  	_ =	swait.ge [sflag:s29], $0x2800  }
0xad: {  	[sflag:s29] =	ssyncset.done $0x0  }
0xae: {  	[sflag:s29] =	ssyncadd.s32 $0xFFFFD800  }
0xaf: {  	[hbm4b:s23+s3] =	stream.linear.scatter [tilespmem:s31], [sflag:$0x3], $0x2800, $0x38;
	[tilespmem:$0x1F780] =	vst v63  }
0xb0: {  	_ =	swait.ge [sflag:s29], $0x2800  }
0xb1: {  	[sflag:s29] =	ssyncset.done $0x0  }
0xb2: {  	[sflag:s29] =	ssyncadd.s32 $0xFFFFD800  }
0xb3: {  	[tilespmem:s31], [sflag:$0x3] =	stream.linear.gather [spmem:s15], $0x2800, $0x38;
	[tilespmem:$0x1F780] =	vst v63  }
0xb4: {  	s28 =	sadd.s32 $0x1, s28;
	_ =	swait.ge [sflag:s29], $0x2800  }
0xb5: {  	p0 =	sne.s32 s28, s16;
	[sflag:s29] =	ssyncset.done $0x0  }
.Ltmp1:
0xb6: {  	[sflag:s29] =	ssyncadd.s32 $0xFFFFD800;
	(pc) =	sbr.rel @p0 .LBB2_1-.Ltmp1, $4  }
0xb7: {  	[hbm4b:s24+s3] =	stream.linear.scatter [tilespmem:s31], [sflag:$0x3], $0x2800, $0x38;
	[tilespmem:$0x1F780] =	vst v63  }
0xb8: {  	_ =	swait.ge [sflag:s29], $0x2800  }
0xb9: {  	[sflag:s29] =	ssyncset.done $0x0  }
0xba: {  	[sflag:s29] =	ssyncadd.s32 $0xFFFFD800  }
0xbb: {  	_ =	sfence.sel $0x180000  }
0xbc: {  	[bflag:$0x0] =	sbarrier.arrive $0xFFFF  }
0xbd: {  	_ =	strace $0x9000004D  }
0xbe: {  	s0 =	stileid.u32;
	[bflag:$0x2] =	sbarrier.arrive $0xFFFF  }
0xbf: {  	p0 =	sne.s32 s0, $0x0;
	s0 =	rddreg [dreg:$0x3]  }
0xc0: {  	s0 =	sadd.s32 @!p0 $0x100000, s0  }
0xc1: {  	[sflag:s0] =	ssyncadd.tile.s32 @!p0 $0x1;
	_ =	shalt  }
.Lfunc_end2:
_tile_overlayer_lowered:
.L_overlay_start_2:
0xc2: {  	(tag) =	ssettag $0x2  }
0xc3: {  	s0 =	rddreg [dreg:$0x0];
	s2 =	stileid.u32  }
0xc4: {  	s1 =	rddreg [dreg:$0x1];
	p0 =	sne.s32 s2, $0x0  }
0xc5: {  	s3 =	rddreg [dreg:$0x2];
	[bflag:$0x3] =	sbarrier.arrive $0xFFFF;
	s2 =	simm.s32 @!p0 $0x1C03  }
0xc6: {  	[timem:s3], [sflag:s2] =	dma.local @!p0 [hbm:s0], s1  }
0xc7: {  	s0 =	simm.s32 @!p0 $0x3  }
0xc8: {  	_ =	swait.ge @!p0 [sflag:s0], s1  }
0xc9: {  	s1 =	ssub.s32 @!p0 $0x0, s1;
	[sflag:s0] =	ssyncset.done @!p0 $0x0  }
0xca: {  	[sflag:s0] =	ssyncadd.s32 @!p0 s1  }
0xcb: {  	[bflag:$0x3] =	sbarrier.arrive $0xFFFF  }
0xcc: {  	_ =	shalt  }

// kernel: kernel.7.cloned.1.call-start
scs
__scs_entry_jumppad:
0x0: {  	(pc) =	sbr.rel $0x88, $3  }
0x1: {  	(tag) =	ssettag $0x0;
	lr =	simm.s32 $0x1  }
0x2: {  	[smem:$0x3F93] =	sst lr;
	_ =	strace $0xD0000000  }
0x3: {  	_ = 	snop  }
0x4: {  	_ = 	snop  }
0x5: {  	_ = 	snop  }
0x6: {  	_ = 	snop  }
0x7: {  	_ = 	snop  }
__scs_overlays_trampoline_lowered:
0x8: {  	[smem:$0x3FA2] =	sst s0  }
0x9: {  	[smem:$0x3FA3] =	sst s1  }
0xa: {  	[smem:$0x3FA4] =	sst s2  }
0xb: {  	[smem:$0x3FA5] =	sst s3  }
0xc: {  	[smem:$0x3FA6] =	sst s4  }
0xd: {  	[smem:$0x3FA7] =	sst s5  }
0xe: {  	[smem:$0x3FA8] =	sst s6  }
0xf: {  	[smem:$0x3FA9] =	sst s7  }
0x10: {  	[smem:$0x3FAA] =	sst s8  }
0x11: {  	[smem:$0x3FAB] =	sst s9;
	s0 =	simm.s32 @!p0 $0x0  }
0x12: {  	s1 =	sld [smem:$0x3F91];
	s0 =	simm.s32 @p0 $0x1  }
0x13: {  	[smem:$0x3FAC] =	sst s0;
	s0 =	simm.s32 @!p1 $0x0  }
0x14: {  	s2 =	sld [smem:$0x3F90];
	s0 =	simm.s32 @p1 $0x1  }
0x15: {  	[smem:$0x3FAD] =	sst s0;
	s0 =	simm.s32 @!p2 $0x0  }
0x16: {  	s3 =	sld [smem:$0x3FDB];
	s0 =	simm.s32 @p2 $0x1  }
0x17: {  	s4 =	simm.s32 $0x1BF5;
	[smem:$0x3FAF] =	sst s0  }
0x18: {  	s0 =	sld [smem:$0x3F92];
	_ =	swait.ge [sflag:s4], $0x0  }
0x19: {  	s7 =	sld [smem:$0x3F93]  }
0x1a: {  	s8 =	sadd.s32 $0xFFFFE003, lr  }
0x1b: {  	s9 =	sadd.s32 $0xFFFFFEF7, lr;
	s5 =	simm.s32 $0xFFFFFFFF;
	p2 =	slt.u32 s8, $0xFFFFF086  }
0x1c: {  	p1 =	slt.u32 s9, $0xF7A;
	s5 =	simm.s32 @!p2 $0x0  }
0x1d: {  	s5 =	simm.s32 @p1 $0x1;
	p0 =	seq.s32 s7, s2  }
0x1e: {  	s7 =	smul.u32 @!p0 $0xF7A, s2;
	p2 =	seq.s32 @!p0 s5, $0x0  }
0x1f: {  	s9 =	smul.u32 $0xF7A, s1;
	s8 =	simm.s32 @!p0 $0x1BF5;
	p2 =	por !p2, p0  }
0x20: {  	[sflag:s8] =	ssyncset.s32 @!p0 $0xFFFFF086;
	s6 =	sadd.s32 @!p0 s3, s7;
	s7 =	simm.s32 @!p0 $0x108  }
0x21: {  	s3 =	sadd.s32 s3, s9;
	s6 =	sadd.s32 @!p0 $0x88, s6;
	s7 =	simm.s32 @p2 $0x1082  }
0x22: {  	[simem:s7], [sflag:s8] =	dma.local @!p0 [hbm:s6], $0xF7A  }
0x23: {  	s9 =	sor.u32 $0xD0000000, s2;
	s6 =	simm.s32 $0x108;
	_ =	swait.ge @!p0 [sflag:s8], $0x0  }
0x24: {  	s3 =	sadd.s32 $0x88, s3;
	s6 =	simm.s32 @!p1 $0x1082;
	[sflag:s4] =	ssyncset.s32 $0xFFFFF086  }
0x25: {  	[simem:s6], [sflag:s4] =	dma.local [hbm:s3], $0xF7A  }
0x26: {  	[smem:$0x3F93] =	sst s1;
	(tag) =	ssettag s2;
	_ =	strace s9  }
0x27: {  	s1 =	sld [smem:$0x3FA3]  }
0x28: {  	s2 =	sld [smem:$0x3FA4]  }
0x29: {  	s4 =	sld [smem:$0x3FA6]  }
0x2a: {  	p0 =	seq.s32 s5, $0x0;
	s5 =	sld [smem:$0x3FA7]  }
0x2b: {  	s6 =	sld [smem:$0x3FA8]  }
0x2c: {  	s7 =	sld [smem:$0x3FA9]  }
0x2d: {  	s3 =	simm.s32 $0x108;
	s8 =	sld [smem:$0x3FAA]  }
0x2e: {  	s3 =	simm.s32 @!p0 $0x1082;
	s9 =	sld [smem:$0x3FAB]  }
0x2f: {  	lr =	sadd.s32 s0, s3;
	s0 =	sld [smem:$0x3FA2]  }
0x30: {  	s3 =	sld [smem:$0x3FA5]  }
0x31: {  	[smem:$0x3FAE] =	sst s10  }
0x32: {  	s10 =	sld [smem:$0x3FAC];
	_ =	sdelay $0x3  }
0x33: {  	p0 =	seq.s32 s10, $0x1;
	s10 =	sld [smem:$0x3FAE];
	_ =	sdelay $0x3  }
0x34: {  	[smem:$0x3FAE] =	sst s10  }
0x35: {  	s10 =	sld [smem:$0x3FAD];
	_ =	sdelay $0x3  }
0x36: {  	p1 =	seq.s32 s10, $0x1;
	s10 =	sld [smem:$0x3FAE];
	_ =	sdelay $0x3  }
0x37: {  	[smem:$0x3FAE] =	sst s10  }
0x38: {  	s10 =	sld [smem:$0x3FAF]  }
0x39: {  	_ = 	snop;
	(pc) =	sbr.ind lr, $3  }
0x3a: {  	_ = 	snop  }
0x3b: {  	_ = 	snop  }
0x3c: {  	p2 =	seq.s32 s10, $0x1;
	s10 =	sld [smem:$0x3FAE]  }
0x3d: {  	_ =	shalt  }
0x3e: {  	_ =	shalt  }
0x3f: {  	_ =	shalt  }
0x40: {  	_ =	shalt  }
0x41: {  	_ =	shalt  }
0x42: {  	_ =	shalt  }
0x43: {  	_ =	shalt  }
0x44: {  	_ =	shalt  }
0x45: {  	_ =	shalt  }
0x46: {  	_ =	shalt  }
0x47: {  	_ =	shalt  }
0x48: {  	_ =	shalt  }
0x49: {  	_ =	shalt  }
0x4a: {  	_ =	shalt  }
0x4b: {  	_ =	shalt  }
0x4c: {  	_ =	shalt  }
0x4d: {  	_ =	shalt  }
0x4e: {  	_ =	shalt  }
0x4f: {  	_ =	shalt  }
0x50: {  	_ =	shalt  }
0x51: {  	_ =	shalt  }
0x52: {  	_ =	shalt  }
0x53: {  	_ =	shalt  }
0x54: {  	_ =	shalt  }
0x55: {  	_ =	shalt  }
0x56: {  	_ =	shalt  }
0x57: {  	_ =	shalt  }
0x58: {  	_ =	shalt  }
0x59: {  	_ =	shalt  }
0x5a: {  	_ =	shalt  }
0x5b: {  	_ =	shalt  }
0x5c: {  	_ =	shalt  }
0x5d: {  	_ =	shalt  }
0x5e: {  	_ =	shalt  }
0x5f: {  	_ =	shalt  }
0x60: {  	_ =	shalt  }
0x61: {  	_ =	shalt  }
0x62: {  	_ =	shalt  }
0x63: {  	_ =	shalt  }
0x64: {  	_ =	shalt  }
0x65: {  	_ =	shalt  }
0x66: {  	_ =	shalt  }
0x67: {  	_ =	shalt  }
0x68: {  	_ =	shalt  }
0x69: {  	_ =	shalt  }
0x6a: {  	_ =	shalt  }
0x6b: {  	_ =	shalt  }
0x6c: {  	_ =	shalt  }
0x6d: {  	_ =	shalt  }
0x6e: {  	_ =	shalt  }
0x6f: {  	_ =	shalt  }
0x70: {  	_ =	shalt  }
0x71: {  	_ =	shalt  }
0x72: {  	_ =	shalt  }
0x73: {  	_ =	shalt  }
0x74: {  	_ =	shalt  }
0x75: {  	_ =	shalt  }
0x76: {  	_ =	shalt  }
0x77: {  	_ =	shalt  }
0x78: {  	_ =	shalt  }
0x79: {  	_ =	shalt  }
0x7a: {  	_ =	shalt  }
0x7b: {  	_ =	shalt  }
0x7c: {  	_ =	shalt  }
0x7d: {  	_ =	shalt  }
0x7e: {  	_ =	shalt  }
0x7f: {  	_ =	shalt  }
0x80: {  	_ =	shalt  }
0x81: {  	_ =	shalt  }
0x82: {  	_ =	shalt  }
0x83: {  	_ =	shalt  }
0x84: {  	_ =	shalt  }
0x85: {  	_ =	shalt  }
0x86: {  	_ =	shalt  }
0x87: {  	_ =	shalt  }
.Lfunc_end0:
.L_simem_size_0:
called_computation_lowered:
.L_overlay_start_0:
0x88: {  	s2 =	sld [smem:$0x3FD9]  }
0x89: {  	s3 =	sld [smem:$0x3FFE];
	_ =	sdelay $0x1  }
0x8a: {  	s1 =	srdreg.scid  }
0x8b: {  	s0 =	sand.u32 $0x1, s1  }
0x8c: {  	s17 =	sshll.u32 s0, $0xA;
	s2 =	sadd.s32 s3, s2  }
0x8d: {  	s2 =	sadd.s32 s2, s17  }
0x8e: {  	[smem:$0x3FBA] =	sst s2  }
0x8f: {  	_ = 	snop  }
0x90: {  	s18 =	sld [smem:$0x3FD0];
	(tm) =	ssettm $0x1  }
0x91: {  	s19 =	sld [smem:$0x3FFB];
	_ =	sdelay $0x3  }
0x92: {  	_ =	strace s19  }
0x93: {  	s2 =	sld [smem:$0x3FFC];
	_ =	sdelay $0x3  }
0x94: {  	_ =	strace s2  }
0x95: {  	s2 =	sld [smem:$0x3FFD];
	_ =	sdelay $0x3  }
0x96: {  	_ =	strace s2  }
0x97: {  	_ =	strace $0x8FFFFFFF  }
0x98: {  	s20 =	sld [smem:$0x3FDB];
	_ =	sdelay $0x1  }
0x99: {  	s4 =	simm.s32 $_scs_section_size  }
0x9a: {  	s5 =	simm.s32 $_size__tile_overlayer_lowered;
	s6 =	simm.s32 $_tile_overlayer_lowered  }
0x9b: {  	s7 =	simm.s32 $0x1BFF;
	s21 =	sshll.u32 s6, $0x1;
	s4 =	sadd.s32 s4, s20  }
0x9c: {  	s22 =	simm.s32 $0x0;
	s5 =	sshll.u32 s5, $0x1;
	s6 =	sadd.s32 s21, s4  }
0x9d: {  	[timem:s22], [sflag:s7] =	dma.local [hbm:s6], s5  }
0x9e: {  	_ =	swait.ge [sflag:s7], s5  }
0x9f: {  	s5 =	ssub.s32 $0x0, s5;
	[sflag:s7] =	ssyncset.done $0x0  }
0xa0: {  	[sflag:s7] =	ssyncadd.s32 s5;
	_ =	sdelay $0x1  }
0xa1: {  	s23 =	simm.s32 $0x1B8B  }
0xa2: {  	_ =	swait.ge [sflag:s23], $0x1  }
0xa3: {  	[sflag:s23] =	ssyncset.done $0x0  }
0xa4: {  	[sflag:s23] =	ssyncadd.s32 $0xFFFFFFFF  }
0xa5: {  	s5 =	sld [smem:$0x0]  }
0xa6: {  	s6 =	sand.u32 $0xFFFFFFFE, s1  }
0xa7: {  	p0 =	sne.s32 s1, s6  }
0xa8: {  	s6 =	sshll.u32 @p0 s6, $0xE  }
0xa9: {  	s6 =	sadd.s32 @p0 $0x11B8D, s6;
	s7 =	sshll.u32 @p0 s5, $0x11  }
0xaa: {  	s6 =	sor.u32 @p0 s7, s6  }
0xab: {  	[sflag:s6] =	ssyncadd.remote.s32 @p0 $0x1;
	_ =	sdelay $0x1  }
0xac: {  	s6 =	simm.s32 @p0 $0x1B8D  }
0xad: {  	_ =	swait.eq @p0 [sflag:s6], $0x1  }
0xae: {  	[sflag:s6] =	ssyncadd.s32 @p0 $0xFFFFFFFF  }
0xaf: {  	s7 =	sshll.u32 @!p0 s1, $0xE  }
0xb0: {  	s7 =	sor.u32 @!p0 $0x4000, s7;
	s6 =	simm.s32 @!p0 $0x1B8D  }
0xb1: {  	s5 =	sshll.u32 @!p0 s5, $0x11;
	s7 =	sadd.s32 @!p0 $0x11B8D, s7;
	_ =	swait.eq @!p0 [sflag:s6], $0x1  }
0xb2: {  	s5 =	sor.u32 @!p0 s5, s7;
	[sflag:s6] =	ssyncadd.s32 @!p0 $0xFFFFFFFF  }
0xb3: {  	s25 =	simm.s32 $0x1B8E;
	s24 =	sld [smem:$0x3FFE];
	[sflag:s5] =	ssyncadd.remote.s32 @!p0 $0x1  }
0xb4: {  	s26 =	simm.s32 $execute0_lowered;
	[smem:$0x3FD2] =	sst s25  }
0xb5: {  	s6 =	sshll.u32 s26, $0x1;
	_ =	strace $0x80000049;
	[dreg:$0x1] =	wrdreg $0xFFFFFFFF  }
0xb6: {  	s28 =	simm.s32 $_size_execute0_lowered;
	s4 =	sadd.s32 s4, s6;
	[dreg:$0x0] =	wrdreg $0x0  }
0xb7: {  	s6 =	sshll.u32 s28, $0x1;
	[dreg:$0x2] =	wrdreg s4  }
0xb8: {  	[dreg:$0x3] =	wrdreg s6  }
0xb9: {  	[dreg:$0x4] =	wrdreg $0xC0  }
0xba: {  	_ =	task [dreg:s22], $0x5FFFF  }
0xbb: {  	[dreg:$0x1] =	wrdreg $0xFFFFFFFF  }
0xbc: {  	[dreg:$0x0] =	wrdreg $0x60  }
0xbd: {  	[dreg:$0x2] =	wrdreg s18  }
0xbe: {  	[dreg:$0x3] =	wrdreg s24  }
0xbf: {  	[dreg:$0x4] =	wrdreg $0x90000  }
0xc0: {  	[dreg:$0x5] =	wrdreg $0x9  }
0xc1: {  	_ =	task.clear_ibuf [dreg:s22], $0x6FFFF;
	_ =	strace $0x90000049  }
0xc2: {  	s29 =	simm.s32 $0x9;
	_ =	strace $0x8000004B  }
0xc3: {  	_ =	swait.ge [sflag:s29], $0x1  }
0xc4: {  	[sflag:s29] =	ssyncadd.s32 $0xFFFFFFFF  }
0xc5: {  	_ =	strace $0x9000004B  }
0xc6: {  	_ =	sfence  }
0xc7: {  	s30 =	sld [smem:$0x0];
	_ =	sdelay $0x2  }
0xc8: {  	s31 =	sshll.u32 s1, $0xD;
	s1 =	sshrl.u32 s1, $0x2  }
0xc9: {  	s4 =	sand.u32 $0x4000, s31;
	s1 =	sadd.s32 s1, s30  }
0xca: {  	s0 =	sor.u32 s4, s0;
	s1 =	sshll.u32 s1, $0x11  }
0xcb: {  	s0 =	sor.u32 s1, s0  }
0xcc: {  	s0 =	sadd.s32 $0x8F2B, s0  }
0xcd: {  	[sflag:s0] =	ssyncadd.remote.s32 $0x1  }
0xce: {  	_ =	sfence.sel $0xFFFF  }
0xcf: {  	[dreg:$0x0] =	wrdreg $0xFFFFFFFF;
	(pc) =	sbr.abs _section_cstart, $3  }
0xd0: {  	[dreg:$0x1] =	wrdreg $0xFFFFFFFF  }
0xd1: {  	_ =	task.clear_ibuf [dreg:s22], $0x2FFFF;
	_ =	strace $0x9FFFFFFF  }
0xd2: {  	(tm) =	ssettm $0x7FFFFFFF  }
0xd3: {  	_ =	shalt  }
tec
execute0_lowered:
.L_overlay_start_1:
0x0: {  	(tag) =	ssettag $0x1  }
0x1: {  	s6 =	rddreg [dreg:$0x0]  }
0x2: {  	s15 =	rddreg [dreg:$0x1]  }
0x3: {  	s1 =	rddreg [dreg:$0x2];
	s2 =	simm.s32 $0x0  }
0x4: {  	s3 =	srdreg.scid;
	s28 =	simm.s32 $0x50;
	s29 =	simm.s32 $0x1  }
0x5: {  	s30 =	simm.s32 $0x0;
	[smem:$0x7FF] =	sst s2;
	s16 =	sand.u32 $0x1, s3  }
0x6: {  	s3 =	stileid.u32;
	s4 =	sadd.s32 $0x35400, s15;
	s5 =	sadd.s32 $0x85A00, s15  }
0x7: {  	_ =	strace $0x8000004A;
	s7 =	ssub.s32 $0x2, s16;
	s12 =	smul.u32 $0x280, s3  }
0x8: {  	s22 =	smul.u32 $0x50000, s3;
	s23 =	sshll.u32 s3, $0xC;
	s9 =	sshll.u32 s16, $0xB  }
0x9: {  	p0 =	seq.s32 s16, $0x1;
	s31 =	smul.u32 $0x2800, s3;
	s8 =	sshrl.u32 s7, $0x1  }
0xa: {  	s6 =	sadd.s32 s6, s9;
	s17 =	ssub.s32 s7, s8;
	s18 =	sor.u32 $0x50, s12  }
0xb: {  	s7 =	sshrl.u32 s22, $0x2;
	s6 =	sadd.s32 s23, s6;
	s19 =	sadd.s32 $0xA0, s12  }
0xc: {  	s20 =	sadd.s32 $0xF0, s12;
	s21 =	sadd.s32 $0x140, s12;
	s22 =	sadd.s32 $0x190, s12  }
0xd: {  	s23 =	sadd.s32 $0x1E0, s12;
	s24 =	sshll.u32 s18, $0x7;
	s7 =	sadd.s32 s7, s1  }
0xe: {  	s25 =	sshll.u32 s19, $0x7;
	s10 =	sshll.u32 s20, $0x7;
	s11 =	sshll.u32 s21, $0x7  }
0xf: {  	s26 =	sshll.u32 s22, $0x7;
	s13 =	sshll.u32 s23, $0x7;
	s18 =	sshll.u32 s18, $0x4  }
0x10: {  	s19 =	sshll.u32 s19, $0x4;
	s20 =	sshll.u32 s20, $0x4;
	s21 =	sshll.u32 s21, $0x4  }
0x11: {  	s22 =	sshll.u32 s22, $0x4;
	s23 =	sshll.u32 s23, $0x4;
	s8 =	sadd.s32 s24, s1  }
0x12: {  	s9 =	sadd.s32 s25, s1;
	s10 =	sadd.s32 s10, s1;
	s11 =	sadd.s32 s11, s1  }
0x13: {  	s24 =	sadd.s32 $0x230, s12;
	s12 =	sadd.s32 s26, s1;
	s25 =	simm.s32 $0xAE000  }
0x14: {  	s13 =	sadd.s32 s13, s1;
	s26 =	simm.s32 $0x4000;
	s25 =	simm.s32 @!p0 $0x86000  }
0x15: {  	s14 =	sshll.u32 s24, $0x7;
	s24 =	sshll.u32 s24, $0x4;
	s25 =	sadd.s32 s25, s15  }
0x16: {  	s14 =	sadd.s32 s14, s1;
	s15 =	smax.u32 s17, $0x1;
	s16 =	sadd.s32 s25, s31  }
0x17: {  	s17 =	sadd.s32 s25, s18;
	s18 =	sadd.s32 s25, s19;
	s19 =	sadd.s32 s25, s20  }
0x18: {  	s20 =	sadd.s32 s25, s21;
	s21 =	sadd.s32 s25, s22;
	s22 =	sadd.s32 s25, s23  }
0x19: {  	s23 =	sadd.s32 s25, s24;
	s24 =	simm.s32 $0x2;
	s25 =	simm.s32 $0x6800  }
.LBB2_1:
0x1a: {  	[tilespmem:s2], [sflag:$0x2] =	stream.linear.gather [hbm4b:s6+s2], $0x3E80, $0x38;
	[tilespmem:$0x1D000] =	vst v63  }
0x1b: {  	_ =	swait.ge [sflag:s24], $0x3E80  }
0x1c: {  	[sflag:s24] =	ssyncset.done $0x0  }
0x1d: {  	[sflag:s24] =	ssyncadd.s32 $0xFFFFC180  }
0x1e: {  	[tilespmem:s25], [sflag:$0x2] =	stream.linear.gather [hbm4b:s4+s2], $0x2800, $0x38;
	[tilespmem:$0x1D000] =	vst v63  }
0x1f: {  	_ =	swait.ge [sflag:s24], $0x2800  }
0x20: {  	[sflag:s24] =	ssyncset.done $0x0  }
0x21: {  	[sflag:s24] =	ssyncadd.s32 $0xFFFFD800  }
0x22: {  	[tilespmem:s26], [sflag:$0x2] =	stream.linear.gather [hbm4b:s5+s2], $0x2800, $0x38;
	[tilespmem:$0x1D000] =	vst v63  }
0x23: {  	_ =	swait.ge [sflag:s24], $0x2800  }
0x24: {  	[sflag:s24] =	ssyncset.done $0x0  }
0x25: {  	[sflag:s24] =	ssyncadd.s32 $0xFFFFD800  }
0x26: {  	[spmem:s7] =	stream.linear.scatter [tilespmem:s25], [sflag:$0x2], $0x2800, $0x38;
	[tilespmem:$0x1D000] =	vst v63  }
0x27: {  	_ =	swait.ge [sflag:s24], $0x2800  }
0x28: {  	[sflag:s24] =	ssyncset.done $0x0  }
0x29: {  	[sflag:s24] =	ssyncadd.s32 $0xFFFFD800  }
0x2a: {  	[spmem:s8] =	stream.linear.scatter [tilespmem:s25], [sflag:$0x2], $0x2800, $0x38;
	[tilespmem:$0x1D000] =	vst v63  }
0x2b: {  	_ =	swait.ge [sflag:s24], $0x2800  }
0x2c: {  	[sflag:s24] =	ssyncset.done $0x0  }
0x2d: {  	[sflag:s24] =	ssyncadd.s32 $0xFFFFD800  }
0x2e: {  	[spmem:s9] =	stream.linear.scatter [tilespmem:s25], [sflag:$0x2], $0x2800, $0x38;
	[tilespmem:$0x1D000] =	vst v63  }
0x2f: {  	_ =	swait.ge [sflag:s24], $0x2800  }
0x30: {  	[sflag:s24] =	ssyncset.done $0x0  }
0x31: {  	[sflag:s24] =	ssyncadd.s32 $0xFFFFD800  }
0x32: {  	[spmem:s10] =	stream.linear.scatter [tilespmem:s25], [sflag:$0x2], $0x2800, $0x38;
	[tilespmem:$0x1D000] =	vst v63  }
0x33: {  	_ =	swait.ge [sflag:s24], $0x2800  }
0x34: {  	[sflag:s24] =	ssyncset.done $0x0  }
0x35: {  	[sflag:s24] =	ssyncadd.s32 $0xFFFFD800  }
0x36: {  	[spmem:s11] =	stream.linear.scatter [tilespmem:s25], [sflag:$0x2], $0x2800, $0x38;
	[tilespmem:$0x1D000] =	vst v63  }
0x37: {  	_ =	swait.ge [sflag:s24], $0x2800  }
0x38: {  	[sflag:s24] =	ssyncset.done $0x0  }
0x39: {  	[sflag:s24] =	ssyncadd.s32 $0xFFFFD800  }
0x3a: {  	[spmem:s12] =	stream.linear.scatter [tilespmem:s25], [sflag:$0x2], $0x2800, $0x38;
	[tilespmem:$0x1D000] =	vst v63  }
0x3b: {  	_ =	swait.ge [sflag:s24], $0x2800  }
0x3c: {  	[sflag:s24] =	ssyncset.done $0x0  }
0x3d: {  	[sflag:s24] =	ssyncadd.s32 $0xFFFFD800  }
0x3e: {  	[spmem:s13] =	stream.linear.scatter [tilespmem:s25], [sflag:$0x2], $0x2800, $0x38;
	[tilespmem:$0x1D000] =	vst v63  }
0x3f: {  	_ =	swait.ge [sflag:s24], $0x2800  }
0x40: {  	[sflag:s24] =	ssyncset.done $0x0  }
0x41: {  	[sflag:s24] =	ssyncadd.s32 $0xFFFFD800  }
0x42: {  	[spmem:s14] =	stream.linear.scatter [tilespmem:s25], [sflag:$0x2], $0x2800, $0x38;
	[tilespmem:$0x1D000] =	vst v63  }
0x43: {  	_ =	swait.ge [sflag:s24], $0x2800  }
0x44: {  	[sflag:s24] =	ssyncset.done $0x0  }
0x45: {  	[sflag:s24] =	ssyncadd.s32 $0xFFFFD800  }
0x46: {  	s31 =	simm.s32 $0x0;
	[bflag:$0x0] =	sbarrier.arrive $0xFFFF  }
.LBB2_2:
0x47: {  	p0 =	sne.s32 s31, $0xF800  }
.Ltmp0:
0x48: {  	_ = 	snop;
	(pc) =	sbr.rel @p0 .LBB2_2-.Ltmp0, $3  }
0x49: {  	_ =	sdelay $0x1  }
0x4a: {  	s0 =	sshra.s32 s31, $0x2;
	s31 =	sadd.s32 $0x200, s31  }
0x4b: {  	[spmem:s1] =	stream.indirect.scatter.add.f32 [tilespmem:s26], [sflag:$0x1], $0x80, s0, s28, $0xb8;
	[tilespmem:$0x1D000] =	vst v63  }
0x4c: {  	_ =	swait.ge [sflag:s29], $0x2800  }
0x4d: {  	s31 =	simm.s32 $0x7C;
	[sflag:s29] =	ssyncset.done $0x0  }
.LBB2_4:
0x4e: {  	p0 =	sne.s32 s31, $0x1;
	s31 =	sadd.s32 $0xFFFFFFFF, s31;
	[sflag:s29] =	ssyncadd.s32 $0xFFFFD800  }
.Ltmp1:
0x4f: {  	(pc) =	sbr.rel @p0 .LBB2_4-.Ltmp1, $3  }
0x50: {  	_ =	sdelay $0x1  }
0x51: {  	_ =	swait.ge [sflag:s29], $0x2800  }
0x52: {  	[sflag:s29] =	ssyncset.done $0x0  }
0x53: {  	[sflag:s29] =	ssyncadd.s32 $0xFFFFD800  }
0x54: {  	[bflag:$0x0] =	sbarrier.arrive $0xFFFF  }
0x55: {  	[tilespmem:s25], [sflag:$0x2] =	stream.linear.gather [spmem:s7], $0x2800, $0x38;
	[tilespmem:$0x1D000] =	vst v63  }
0x56: {  	_ =	swait.ge [sflag:s24], $0x2800  }
0x57: {  	[sflag:s24] =	ssyncset.done $0x0  }
0x58: {  	[sflag:s24] =	ssyncadd.s32 $0xFFFFD800  }
0x59: {  	[hbm4b:s16+s2] =	stream.linear.scatter [tilespmem:s25], [sflag:$0x2], $0x2800, $0x38;
	[tilespmem:$0x1D000] =	vst v63  }
0x5a: {  	_ =	swait.ge [sflag:s24], $0x2800  }
0x5b: {  	[sflag:s24] =	ssyncset.done $0x0  }
0x5c: {  	[sflag:s24] =	ssyncadd.s32 $0xFFFFD800  }
0x5d: {  	[tilespmem:s25], [sflag:$0x2] =	stream.linear.gather [spmem:s8], $0x2800, $0x38;
	[tilespmem:$0x1D000] =	vst v63  }
0x5e: {  	_ =	swait.ge [sflag:s24], $0x2800  }
0x5f: {  	[sflag:s24] =	ssyncset.done $0x0  }
0x60: {  	[sflag:s24] =	ssyncadd.s32 $0xFFFFD800  }
0x61: {  	[hbm4b:s17+s2] =	stream.linear.scatter [tilespmem:s25], [sflag:$0x2], $0x2800, $0x38;
	[tilespmem:$0x1D000] =	vst v63  }
0x62: {  	_ =	swait.ge [sflag:s24], $0x2800  }
0x63: {  	[sflag:s24] =	ssyncset.done $0x0  }
0x64: {  	[sflag:s24] =	ssyncadd.s32 $0xFFFFD800  }
0x65: {  	[tilespmem:s25], [sflag:$0x2] =	stream.linear.gather [spmem:s9], $0x2800, $0x38;
	[tilespmem:$0x1D000] =	vst v63  }
0x66: {  	_ =	swait.ge [sflag:s24], $0x2800  }
0x67: {  	[sflag:s24] =	ssyncset.done $0x0  }
0x68: {  	[sflag:s24] =	ssyncadd.s32 $0xFFFFD800  }
0x69: {  	[hbm4b:s18+s2] =	stream.linear.scatter [tilespmem:s25], [sflag:$0x2], $0x2800, $0x38;
	[tilespmem:$0x1D000] =	vst v63  }
0x6a: {  	_ =	swait.ge [sflag:s24], $0x2800  }
0x6b: {  	[sflag:s24] =	ssyncset.done $0x0  }
0x6c: {  	[sflag:s24] =	ssyncadd.s32 $0xFFFFD800  }
0x6d: {  	[tilespmem:s25], [sflag:$0x2] =	stream.linear.gather [spmem:s10], $0x2800, $0x38;
	[tilespmem:$0x1D000] =	vst v63  }
0x6e: {  	_ =	swait.ge [sflag:s24], $0x2800  }
0x6f: {  	[sflag:s24] =	ssyncset.done $0x0  }
0x70: {  	[sflag:s24] =	ssyncadd.s32 $0xFFFFD800  }
0x71: {  	[hbm4b:s19+s2] =	stream.linear.scatter [tilespmem:s25], [sflag:$0x2], $0x2800, $0x38;
	[tilespmem:$0x1D000] =	vst v63  }
0x72: {  	_ =	swait.ge [sflag:s24], $0x2800  }
0x73: {  	[sflag:s24] =	ssyncset.done $0x0  }
0x74: {  	[sflag:s24] =	ssyncadd.s32 $0xFFFFD800  }
0x75: {  	[tilespmem:s25], [sflag:$0x2] =	stream.linear.gather [spmem:s11], $0x2800, $0x38;
	[tilespmem:$0x1D000] =	vst v63  }
0x76: {  	_ =	swait.ge [sflag:s24], $0x2800  }
0x77: {  	[sflag:s24] =	ssyncset.done $0x0  }
0x78: {  	[sflag:s24] =	ssyncadd.s32 $0xFFFFD800  }
0x79: {  	[hbm4b:s20+s2] =	stream.linear.scatter [tilespmem:s25], [sflag:$0x2], $0x2800, $0x38;
	[tilespmem:$0x1D000] =	vst v63  }
0x7a: {  	_ =	swait.ge [sflag:s24], $0x2800  }
0x7b: {  	[sflag:s24] =	ssyncset.done $0x0  }
0x7c: {  	[sflag:s24] =	ssyncadd.s32 $0xFFFFD800  }
0x7d: {  	[tilespmem:s25], [sflag:$0x2] =	stream.linear.gather [spmem:s12], $0x2800, $0x38;
	[tilespmem:$0x1D000] =	vst v63  }
0x7e: {  	_ =	swait.ge [sflag:s24], $0x2800  }
0x7f: {  	[sflag:s24] =	ssyncset.done $0x0  }
0x80: {  	[sflag:s24] =	ssyncadd.s32 $0xFFFFD800  }
0x81: {  	[hbm4b:s21+s2] =	stream.linear.scatter [tilespmem:s25], [sflag:$0x2], $0x2800, $0x38;
	[tilespmem:$0x1D000] =	vst v63  }
0x82: {  	_ =	swait.ge [sflag:s24], $0x2800  }
0x83: {  	[sflag:s24] =	ssyncset.done $0x0  }
0x84: {  	[sflag:s24] =	ssyncadd.s32 $0xFFFFD800  }
0x85: {  	[tilespmem:s25], [sflag:$0x2] =	stream.linear.gather [spmem:s13], $0x2800, $0x38;
	[tilespmem:$0x1D000] =	vst v63  }
0x86: {  	_ =	swait.ge [sflag:s24], $0x2800  }
0x87: {  	[sflag:s24] =	ssyncset.done $0x0  }
0x88: {  	[sflag:s24] =	ssyncadd.s32 $0xFFFFD800  }
0x89: {  	[hbm4b:s22+s2] =	stream.linear.scatter [tilespmem:s25], [sflag:$0x2], $0x2800, $0x38;
	[tilespmem:$0x1D000] =	vst v63  }
0x8a: {  	_ =	swait.ge [sflag:s24], $0x2800  }
0x8b: {  	[sflag:s24] =	ssyncset.done $0x0  }
0x8c: {  	[sflag:s24] =	ssyncadd.s32 $0xFFFFD800  }
0x8d: {  	[tilespmem:s25], [sflag:$0x2] =	stream.linear.gather [spmem:s14], $0x2800, $0x38;
	[tilespmem:$0x1D000] =	vst v63  }
0x8e: {  	s30 =	sadd.s32 $0x1, s30;
	_ =	swait.ge [sflag:s24], $0x2800  }
0x8f: {  	p0 =	sne.s32 s30, s15;
	[sflag:s24] =	ssyncset.done $0x0  }
.Ltmp2:
0x90: {  	[sflag:s24] =	ssyncadd.s32 $0xFFFFD800;
	(pc) =	sbr.rel @p0 .LBB2_1-.Ltmp2, $4  }
0x91: {  	[hbm4b:s23+s2] =	stream.linear.scatter [tilespmem:s25], [sflag:$0x2], $0x2800, $0x38;
	[tilespmem:$0x1D000] =	vst v63  }
0x92: {  	_ =	swait.ge [sflag:s24], $0x2800  }
0x93: {  	[sflag:s24] =	ssyncset.done $0x0  }
0x94: {  	[sflag:s24] =	ssyncadd.s32 $0xFFFFD800  }
0x95: {  	_ =	sfence.sel $0x180000  }
0x96: {  	[bflag:$0x0] =	sbarrier.arrive $0xFFFF  }
0x97: {  	_ =	strace $0x9000004A  }
0x98: {  	[bflag:$0x2] =	sbarrier.arrive $0xFFFF  }
0x99: {  	p0 =	sne.s32 s3, $0x0;
	s0 =	rddreg [dreg:$0x3]  }
0x9a: {  	s0 =	sadd.s32 @!p0 $0x100000, s0  }
0x9b: {  	[sflag:s0] =	ssyncadd.tile.s32 @!p0 $0x1;
	_ =	shalt  }
.Lfunc_end2:
_tile_overlayer_lowered:
.L_overlay_start_2:
0x9c: {  	(tag) =	ssettag $0x2  }
0x9d: {  	s0 =	rddreg [dreg:$0x0];
	s2 =	stileid.u32  }
0x9e: {  	s1 =	rddreg [dreg:$0x1];
	p0 =	sne.s32 s2, $0x0  }
0x9f: {  	s3 =	rddreg [dreg:$0x2];
	[bflag:$0x3] =	sbarrier.arrive $0xFFFF;
	s2 =	simm.s32 @!p0 $0x1C02  }
0xa0: {  	[timem:s3], [sflag:s2] =	dma.local @!p0 [hbm:s0], s1  }
0xa1: {  	s0 =	simm.s32 @!p0 $0x2  }
0xa2: {  	_ =	swait.ge @!p0 [sflag:s0], s1  }
0xa3: {  	s1 =	ssub.s32 @!p0 $0x0, s1;
	[sflag:s0] =	ssyncset.done @!p0 $0x0  }
0xa4: {  	[sflag:s0] =	ssyncadd.s32 @!p0 s1  }
0xa5: {  	[bflag:$0x3] =	sbarrier.arrive $0xFFFF  }
0xa6: {  	_ =	shalt  }

</sc_bundles>
